<compile_context>
chip_gen: v7x
topology: tpu7x:2x2x1
jax: 0.10.2.dev20260603
libtpu: 0.0.44.dev20260713+nightly
codegen_flags: <defaults>
</compile_context>

<pallas_src>
import jax
import jax.numpy as jnp
from jax import lax
from jax.experimental import pallas as pl
from jax.experimental.pallas import tpu as pltpu
from jax.experimental.pallas import tpu_sc as plsc

N = 10000
D = 128
NCORE = 2
NSUB = 16
NW = NCORE * NSUB
K = 128
SB = 8
NB0 = 19
NB1 = 1
CH0 = SB * NB0
CH1 = SB * NB1
E0 = NSUB * CH0 * K
E1 = NSUB * CH1 * K
EP = E0 + E1
CH = CH0
NB = NB0
NP = 10112
NZB = NP // K
RPT = NP // NSUB


def _sc_agg_body(tab, srcs, dsts, out_acc,
                 src_l, dst_l, rows0, rows1, acc_sh,
                 sem_st, sem_g0, sem_g1, sem_s0, sem_s1):
    c = lax.axis_index("c")
    s = lax.axis_index("s")
    wid = c * NSUB + s
    base = s * RPT

    def fill(i, _):
        zero16 = jnp.zeros((16,), jnp.float32)
        for jj in range(D // 16):
            rows0[i, pl.ds(jj * 16, 16)] = zero16
        return 0
    lax.fori_loop(0, K, fill, 0)

    for r in range(5):
        b = r * NSUB + s

        @pl.when(b < NZB)
        def _():
            pltpu.sync_copy(rows0, acc_sh.at[pl.ds(b * K, K)])

    pltpu.sync_copy(srcs.at[wid, pl.ds(0, SB)], src_l.at[0])
    pltpu.sync_copy(dsts.at[wid, pl.ds(0, SB)], dst_l.at[0])
    pltpu.async_copy(tab.at[src_l.at[0, 0]], rows0, sem_g0)

    plsc.subcore_barrier()

    nb = jnp.where(c == 0, NB0, NB1)

    def outer(bi, _):
        p = bi % 2
        np_ = (bi + 1) % 2
        for jj in range(SB):
            j = bi * SB + jj
            if jj % 2 == 0:
                r_cur, g_cur, s_cur = rows0, sem_g0, sem_s0
                r_nxt, g_nxt, s_nxt = rows1, sem_g1, sem_s1
            else:
                r_cur, g_cur, s_cur = rows1, sem_g1, sem_s1
                r_nxt, g_nxt, s_nxt = rows0, sem_g0, sem_s0
            pltpu.make_async_copy(tab.at[src_l.at[p, jj]], r_cur, g_cur).wait()
            pltpu.async_copy(r_cur, acc_sh.at[dst_l.at[p, jj]], s_cur,
                             add=True)

            @pl.when(j >= 1)
            def _():
                pltpu.make_async_copy(
                    r_nxt, acc_sh.at[dst_l.at[p, jj]], s_nxt).wait()

            if jj == 0:
                @pl.when(bi + 1 < nb)
                def _():
                    pltpu.async_copy(
                        srcs.at[wid, pl.ds((bi + 1) * SB, SB)],
                        src_l.at[np_], sem_st)
                    pltpu.async_copy(
                        dsts.at[wid, pl.ds((bi + 1) * SB, SB)],
                        dst_l.at[np_], sem_st)
            if jj < SB - 1:
                pltpu.async_copy(tab.at[src_l.at[p, jj + 1]], r_nxt, g_nxt)
            else:
                @pl.when(bi + 1 < nb)
                def _():
                    pltpu.make_async_copy(
                        srcs.at[wid, pl.ds((bi + 1) * SB, SB)],
                        src_l.at[np_], sem_st).wait()
                    pltpu.make_async_copy(
                        dsts.at[wid, pl.ds((bi + 1) * SB, SB)],
                        dst_l.at[np_], sem_st).wait()
                    pltpu.async_copy(tab.at[src_l.at[np_, 0]], r_nxt, g_nxt)
        return 0
    lax.fori_loop(0, nb, outer, 0)

    pltpu.make_async_copy(rows1, acc_sh.at[dst_l.at[0, SB - 1]],
                          sem_s1).wait()

    plsc.subcore_barrier()

    pltpu.sync_copy(acc_sh.at[pl.ds(base, RPT)],
                    out_acc.at[c, pl.ds(base, RPT)])


def _sc_aggregate(tab, srcs, dsts):
    mesh = plsc.VectorSubcoreMesh(core_axis_name="c", subcore_axis_name="s")
    return pl.kernel(
        _sc_agg_body,
        out_type=jax.ShapeDtypeStruct((NCORE, NP, D), jnp.float32),
        mesh=mesh,
        scratch_types=[
            pltpu.VMEM((2, SB, K), jnp.int32),
            pltpu.VMEM((2, SB, K), jnp.int32),
            pltpu.VMEM((K, D), jnp.float32),
            pltpu.VMEM((K, D), jnp.float32),
            pltpu.VMEM_SHARED((NP, D), jnp.float32),
            pltpu.SemaphoreType.DMA,
            pltpu.SemaphoreType.DMA,
            pltpu.SemaphoreType.DMA,
            pltpu.SemaphoreType.DMA,
            pltpu.SemaphoreType.DMA,
        ],
    )(tab, srcs, dsts)


NP2 = 2 * NP
CR = 256


def _sc_count_body(cdsts, out_cnt, dst_l, hist, idx_io, cnt_sh):
    c = lax.axis_index("c")
    s = lax.axis_index("s")
    wid = c * NSUB + s

    def fillz(i, _):
        zero16 = jnp.zeros((16,), jnp.float32)
        for jj in range(D // 16):
            hist[i, pl.ds(jj * 16, 16)] = zero16
        return 0
    lax.fori_loop(0, CR, fillz, 0)
    for g in range(2):
        for ks in range(8):
            idx_io[g, pl.ds(ks * 16, 16)] = (
                lax.iota(jnp.int32, 16) + (g * 128 + ks * 16))

    @pl.when(s == 0)
    def _():
        pltpu.sync_copy(hist, cnt_sh)

    plsc.subcore_barrier()

    ones16 = jnp.ones((16,), jnp.float32)

    ncb = jnp.where(c == 0, 2 * NB0, 2 * NB1)

    def batch(bi, _):
        pltpu.sync_copy(cdsts.at[wid, pl.ds(bi * SB, SB)], dst_l)
        for j in range(SB):
            for g in range(K // 16):
                d16 = dst_l[j, pl.ds(g * 16, 16)]
                row16 = lax.shift_right_logical(d16, 7)
                col16 = lax.bitwise_and(d16, 127)
                plsc.addupdate_scatter(hist, [row16, col16], ones16)
        return 0
    lax.fori_loop(0, ncb, batch, 0)

    for g in range(2):
        pltpu.sync_copy(hist.at[pl.ds(g * 128, 128)],
                        cnt_sh.at[idx_io.at[g]], add=True)

    plsc.subcore_barrier()

    @pl.when(s == 0)
    def _():
        pltpu.sync_copy(cnt_sh.at[pl.ds(0, 160)], out_cnt.at[c])


def _sc_count(cdsts):
    mesh = plsc.VectorSubcoreMesh(core_axis_name="c", subcore_axis_name="s")
    return pl.kernel(
        _sc_count_body,
        out_type=jax.ShapeDtypeStruct((NCORE, 160, D), jnp.float32),
        mesh=mesh,
        compiler_params=pltpu.CompilerParams(needs_layout_passes=False),
        scratch_types=[
            pltpu.VMEM((SB, K), jnp.int32),
            pltpu.VMEM((CR, D), jnp.float32),
            pltpu.VMEM((2, K), jnp.int32),
            pltpu.VMEM_SHARED((CR, D), jnp.float32),
        ],
    )(cdsts)


BR = 1000


def _mean_agg(acc_ref, cnt_ref):
    agg = acc_ref[0] + acc_ref[1]
    cnt = cnt_ref[0] + cnt_ref[1]
    scale = 1.0 / jnp.maximum(cnt, 1.0)
    return agg * scale


def _tc_layer0_body(acc_ref, cnt_ref, x_ref, wl_ref, bl_ref, wr_ref, o_ref):
    agg = _mean_agg(acc_ref, cnt_ref)
    h = (jnp.dot(agg, wl_ref[...], preferred_element_type=jnp.float32)
         + jnp.dot(x_ref[...], wr_ref[...], preferred_element_type=jnp.float32)
         + bl_ref[...])
    o_ref[...] = jnp.maximum(h, 0.0)


def _tc_final_body(acc_ref, cnt_ref, h_ref, wl_ref, bl_ref, wr_ref,
                   wlin_ref, blin_ref, o_ref):
    agg = _mean_agg(acc_ref, cnt_ref)
    h = (jnp.dot(agg, wl_ref[...], preferred_element_type=jnp.float32)
         + jnp.dot(h_ref[...], wr_ref[...], preferred_element_type=jnp.float32)
         + bl_ref[...])
    t = jnp.tanh(h)
    logits = (jnp.dot(t, wlin_ref[...], preferred_element_type=jnp.float32)
              + blin_ref[...])
    m = jnp.max(logits, axis=1, keepdims=True)
    e = jnp.exp(logits - m)
    o_ref[...] = e / jnp.sum(e, axis=1, keepdims=True)


_ACC_SPEC = pl.BlockSpec((NCORE, BR, D), lambda i: (0, i, 0))
_CNT_SPEC = pl.BlockSpec((NCORE, BR, 1), lambda i: (0, i, 0))
_ROW_SPEC = pl.BlockSpec((BR, D), lambda i: (i, 0))
_W_SPEC = pl.BlockSpec((D, D), lambda i: (0, 0))
_B_SPEC = pl.BlockSpec((1, D), lambda i: (0, 0))


def _tc_layer0(acc, cnt, x, wl, bl, wr):
    return pl.pallas_call(
        _tc_layer0_body,
        grid=(N // BR,),
        in_specs=[_ACC_SPEC, _CNT_SPEC, _ROW_SPEC, _W_SPEC, _B_SPEC, _W_SPEC],
        out_specs=_ROW_SPEC,
        out_shape=jax.ShapeDtypeStruct((N, D), jnp.float32),
    )(acc, cnt, x, wl, bl.reshape(1, D), wr)


def _tc_final(acc, cnt, h, wl, bl, wr, wlin, blin):
    return pl.pallas_call(
        _tc_final_body,
        grid=(N // BR,),
        in_specs=[_ACC_SPEC, _CNT_SPEC, _ROW_SPEC, _W_SPEC, _B_SPEC, _W_SPEC,
                  _W_SPEC, _B_SPEC],
        out_specs=_ROW_SPEC,
        out_shape=jax.ShapeDtypeStruct((N, D), jnp.float32),
    )(acc, cnt, h, wl, bl.reshape(1, D), wr, wlin, blin.reshape(1, D))


def _weighted_pack(flat, ch0=CH0, ch1=CH1):
    n0 = NSUB * ch0 * K
    a0 = flat[:n0].reshape(NSUB, ch0, K)
    a1 = flat[n0:].reshape(NSUB, ch1, K)
    a1p = jnp.pad(a1, ((0, 0), (0, ch0 - ch1), (0, 0)))
    return jnp.concatenate([a0, a1p], axis=0)


def _pad_edges(edge_index):
    src = edge_index[0]
    dst = edge_index[1]
    pad = EP - src.shape[0]
    srcp = _weighted_pack(jnp.concatenate([src, jnp.zeros((pad,), jnp.int32)]))
    pad_dst = N + (jnp.arange(pad, dtype=jnp.int32) % (NP - N))
    dstp = _weighted_pack(jnp.concatenate([dst, pad_dst]))
    return srcp, dstp


def _flat_dst(edge_index):
    dst = edge_index[1]
    pad = EP - dst.shape[0]
    pad_dst = N + (jnp.arange(pad, dtype=jnp.int32) % (NP - N))
    return jnp.concatenate([dst, pad_dst])


@jax.jit
def kernel(x, edge_index, edge_index2, W0l, b0l, W0r, W1l, b1l, W1r, Wlin, blin):
    src0, dst0 = _pad_edges(edge_index)
    src1, dst1 = _pad_edges(edge_index2)

    cdsts = _weighted_pack(
        jnp.concatenate([_flat_dst(edge_index), _flat_dst(edge_index2) + NP]),
        ch0=2 * CH0, ch1=2 * CH1)
    cnt_all = _sc_count(cdsts)
    cnt_flat = cnt_all.reshape(NCORE, 160 * D)
    cnt0 = cnt_flat[:, :NP].reshape(NCORE, NP, 1)
    cnt1 = cnt_flat[:, NP:NP2].reshape(NCORE, NP, 1)

    dep = (cnt_all[0, 0, 0] * 0.0).astype(jnp.int32)
    acc0 = _sc_aggregate(x, src0 + dep, dst0)
    h0 = _tc_layer0(acc0, cnt0, x, W0l, b0l, W0r)

    acc1 = _sc_aggregate(h0, src1, dst1)
    return _tc_final(acc1, cnt1, h0, W1l, b1l, W1r, Wlin, blin)

# --- scband reference (transcript-rebuilt; emitter-appended) ---
"""Pipeline reference for scband-encoder-38817914421897 (READ-ONLY COPY).

The authoritative reference and input builder live on the scoring server;
editing this copy changes nothing except your own understanding.
"""

import jax, jax.numpy as jnp
import numpy as np

N = 10000
E = 320000
D = 128
H = 128
O = 128


def setup_inputs(seed: int = 0) -> dict:
    key = jax.random.key(seed)
    ks = jax.random.split(key, 12)
    x = jax.random.normal(ks[0], (N, D), dtype=jnp.float32)
    edge_index = jax.random.randint(ks[1], (2, E), 0, N, dtype=jnp.int32)
    edge_index2 = jax.random.randint(ks[2], (2, E), 0, N, dtype=jnp.int32)
    s_d = 1.0 / np.sqrt(D)
    s_h = 1.0 / np.sqrt(H)
    W0l = jax.random.normal(ks[3], (D, H), dtype=jnp.float32) * s_d
    b0l = jnp.zeros((H,), dtype=jnp.float32)
    W0r = jax.random.normal(ks[4], (D, H), dtype=jnp.float32) * s_d
    W1l = jax.random.normal(ks[5], (H, H), dtype=jnp.float32) * s_h
    b1l = jnp.zeros((H,), dtype=jnp.float32)
    W1r = jax.random.normal(ks[6], (H, H), dtype=jnp.float32) * s_h
    Wlin = jax.random.normal(ks[7], (H, O), dtype=jnp.float32) * s_h
    blin = jnp.zeros((O,), dtype=jnp.float32)
    return {"x": x, "edge_index": edge_index, "edge_index2": edge_index2,
            "W0l": W0l, "b0l": b0l, "W0r": W0r,
            "W1l": W1l, "b1l": b1l, "W1r": W1r,
            "Wlin": Wlin, "blin": blin}


def _sage_conv(x_src, x_dst, edge_index, Wl, bl, Wr):
    # PyG SAGEConv with mean aggregation on bipartite (x_src, x_dst):
    # out = lin_l(mean_{j in N(i)} x_src[j]) + lin_r(x_dst[i])
    src = edge_index[0]
    dst = edge_index[1]
    msgs = jnp.take(x_src, src, axis=0)
    n_dst = x_dst.shape[0]
    agg = jax.ops.segment_sum(msgs, dst, num_segments=n_dst)
    cnt = jax.ops.segment_sum(jnp.ones_like(dst, dtype=x_src.dtype), dst, num_segments=n_dst)
    agg = agg / jnp.maximum(cnt, 1.0)[:, None]
    return agg @ Wl + bl + x_dst @ Wr


def reference(x, edge_index, edge_index2, W0l, b0l, W0r, W1l, b1l, W1r, Wlin, blin):
    # adjs = [(edge_index, None, (N, N)), (edge_index2, None, (N, N))]
    # Layer 0: x_target = x[:N] = x
    h = _sage_conv(x, x, edge_index, W0l, b0l, W0r)
    h = jax.nn.relu(h)
    # dropout: identity (eval mode)
    # Layer 1 (last): tanh
    h = _sage_conv(h, h, edge_index2, W1l, b1l, W1r)
    h = jnp.tanh(h)
    # final linear + softmax over dim 1
    out = h @ Wlin + blin
    out = jax.nn.softmax(out, axis=1)
    return out

if __name__ == "__main__":
    import jax
    _d = setup_inputs()
    print(jax.jit(kernel)(*tuple(_d.values())))

</pallas_src>

<mosaic_0001>
#map = affine_map<(d0, d1) -> (0, 0)>
#map1 = affine_map<(d0, d1) -> (0, 0, 0)>
module attributes {stable_mosaic.version = 14 : i64} {
  func.func @_sc_agg_body(%arg0: i32, %arg1: i32, %arg2: memref<10000x128xf32, #tpu.memory_space<hbm>>, %arg3: memref<32x152x128xi32, #tpu.memory_space<hbm>>, %arg4: memref<32x152x128xi32, #tpu.memory_space<hbm>>, %arg5: memref<2x10112x128xf32, #tpu.memory_space<hbm>>, %arg6: memref<2x8x128xi32, #tpu.memory_space<vmem>>, %arg7: memref<2x8x128xi32, #tpu.memory_space<vmem>>, %arg8: memref<128x128xf32, #tpu.memory_space<vmem>>, %arg9: memref<128x128xf32, #tpu.memory_space<vmem>>, %arg10: memref<10112x128xf32, #tpu.memory_space<vmem_shared>>, %arg11: memref<!tpu.dma_semaphore, #tpu.memory_space<semaphore_mem>>, %arg12: memref<!tpu.dma_semaphore, #tpu.memory_space<semaphore_mem>>, %arg13: memref<!tpu.dma_semaphore, #tpu.memory_space<semaphore_mem>>, %arg14: memref<!tpu.dma_semaphore, #tpu.memory_space<semaphore_mem>>, %arg15: memref<!tpu.dma_semaphore, #tpu.memory_space<semaphore_mem>>) attributes {dimension_semantics = [#tpu.dimension_semantics<core_parallel>, #tpu.dimension_semantics<subcore_parallel>], iteration_bounds = array<i64: 2, 16>, scalar_prefetch = 0 : i64, scratch_operands = 10 : i64, tpu.core_type = #tpu.core_type<sc_vector_subcore>, window_params = [{transform_indices = #map}, {transform_indices = #map1}, {transform_indices = #map1}, {transform_indices = #map1}]} {
    %mul3A = arith.constant 16 : i32
    %mul3A_0 = arith.muli %arg0, %mul3A : i32
    %add3A = arith.addi %mul3A_0, %arg1 : i32
    %mul3A_1 = arith.constant 632 : i32
    %mul3A_2 = arith.muli %arg1, %mul3A_1 : i32
    %scan3A = arith.constant 0 : i32
    %scan3A_3 = arith.constant 0 : i32
    %scan3A_4 = arith.constant 128 : i32
    %scan3A_5 = arith.addi %scan3A_3, %scan3A_4 : i32
    %scan3A_6 = arith.constant 1 : i32
    %scan3A_7 = scf.for %scan3A_70 = %scan3A_3 to %scan3A_5 step %scan3A_6 iter_args(%scan3A_71 = %scan3A) -> (i32)  : i32 {
      %broadcast_in_dim3A = arith.constant 0.000000e+00 : f32
      %broadcast_in_dim3A_72 = vector.broadcast %broadcast_in_dim3A : f32 to vector<16xf32>
      %swap3A = arith.index_cast %scan3A_70 : i32 to index
      %swap3A_73 = arith.constant 0 : index
      %swap3A_74 = tpu.vector_load %arg8[%swap3A, %swap3A_73] {strides = array<i32>} : memref<128x128xf32, #tpu.memory_space<vmem>>, vector<1x16xf32>,
      %swap3A_75 = vector.shape_cast %swap3A_74 : vector<1x16xf32> to vector<16xf32>
      %swap3A_76 = vector.shape_cast %broadcast_in_dim3A_72 : vector<16xf32> to vector<1x16xf32>
      tpu.vector_store %arg8[%swap3A, %swap3A_73], %swap3A_76 {strides = array<i32>} : memref<128x128xf32, #tpu.memory_space<vmem>>, vector<1x16xf32>,
      %swap3A_77 = arith.index_cast %scan3A_70 : i32 to index
      %swap3A_78 = arith.constant 16 : index
      %swap3A_79 = tpu.vector_load %arg8[%swap3A_77, %swap3A_78] {strides = array<i32>} : memref<128x128xf32, #tpu.memory_space<vmem>>, vector<1x16xf32>,
      %swap3A_80 = vector.shape_cast %swap3A_79 : vector<1x16xf32> to vector<16xf32>
      %swap3A_81 = vector.shape_cast %broadcast_in_dim3A_72 : vector<16xf32> to vector<1x16xf32>
      tpu.vector_store %arg8[%swap3A_77, %swap3A_78], %swap3A_81 {strides = array<i32>} : memref<128x128xf32, #tpu.memory_space<vmem>>, vector<1x16xf32>,
      %swap3A_82 = arith.index_cast %scan3A_70 : i32 to index
      %swap3A_83 = arith.constant 32 : index
      %swap3A_84 = tpu.vector_load %arg8[%swap3A_82, %swap3A_83] {strides = array<i32>} : memref<128x128xf32, #tpu.memory_space<vmem>>, vector<1x16xf32>,
      %swap3A_85 = vector.shape_cast %swap3A_84 : vector<1x16xf32> to vector<16xf32>
      %swap3A_86 = vector.shape_cast %broadcast_in_dim3A_72 : vector<16xf32> to vector<1x16xf32>
      tpu.vector_store %arg8[%swap3A_82, %swap3A_83], %swap3A_86 {strides = array<i32>} : memref<128x128xf32, #tpu.memory_space<vmem>>, vector<1x16xf32>,
      %swap3A_87 = arith.index_cast %scan3A_70 : i32 to index
      %swap3A_88 = arith.constant 48 : index
      %swap3A_89 = tpu.vector_load %arg8[%swap3A_87, %swap3A_88] {strides = array<i32>} : memref<128x128xf32, #tpu.memory_space<vmem>>, vector<1x16xf32>,
      %swap3A_90 = vector.shape_cast %swap3A_89 : vector<1x16xf32> to vector<16xf32>
      %swap3A_91 = vector.shape_cast %broadcast_in_dim3A_72 : vector<16xf32> to vector<1x16xf32>
      tpu.vector_store %arg8[%swap3A_87, %swap3A_88], %swap3A_91 {strides = array<i32>} : memref<128x128xf32, #tpu.memory_space<vmem>>, vector<1x16xf32>,
      %swap3A_92 = arith.index_cast %scan3A_70 : i32 to index
      %swap3A_93 = arith.constant 64 : index
      %swap3A_94 = tpu.vector_load %arg8[%swap3A_92, %swap3A_93] {strides = array<i32>} : memref<128x128xf32, #tpu.memory_space<vmem>>, vector<1x16xf32>,
      %swap3A_95 = vector.shape_cast %swap3A_94 : vector<1x16xf32> to vector<16xf32>
      %swap3A_96 = vector.shape_cast %broadcast_in_dim3A_72 : vector<16xf32> to vector<1x16xf32>
      tpu.vector_store %arg8[%swap3A_92, %swap3A_93], %swap3A_96 {strides = array<i32>} : memref<128x128xf32, #tpu.memory_space<vmem>>, vector<1x16xf32>,
      %swap3A_97 = arith.index_cast %scan3A_70 : i32 to index
      %swap3A_98 = arith.constant 80 : index
      %swap3A_99 = tpu.vector_load %arg8[%swap3A_97, %swap3A_98] {strides = array<i32>} : memref<128x128xf32, #tpu.memory_space<vmem>>, vector<1x16xf32>,
      %swap3A_100 = vector.shape_cast %swap3A_99 : vector<1x16xf32> to vector<16xf32>
      %swap3A_101 = vector.shape_cast %broadcast_in_dim3A_72 : vector<16xf32> to vector<1x16xf32>
      tpu.vector_store %arg8[%swap3A_97, %swap3A_98], %swap3A_101 {strides = array<i32>} : memref<128x128xf32, #tpu.memory_space<vmem>>, vector<1x16xf32>,
      %swap3A_102 = arith.index_cast %scan3A_70 : i32 to index
      %swap3A_103 = arith.constant 96 : index
      %swap3A_104 = tpu.vector_load %arg8[%swap3A_102, %swap3A_103] {strides = array<i32>} : memref<128x128xf32, #tpu.memory_space<vmem>>, vector<1x16xf32>,
      %swap3A_105 = vector.shape_cast %swap3A_104 : vector<1x16xf32> to vector<16xf32>
      %swap3A_106 = vector.shape_cast %broadcast_in_dim3A_72 : vector<16xf32> to vector<1x16xf32>
      tpu.vector_store %arg8[%swap3A_102, %swap3A_103], %swap3A_106 {strides = array<i32>} : memref<128x128xf32, #tpu.memory_space<vmem>>, vector<1x16xf32>,
      %swap3A_107 = arith.index_cast %scan3A_70 : i32 to index
      %swap3A_108 = arith.constant 112 : index
      %swap3A_109 = tpu.vector_load %arg8[%swap3A_107, %swap3A_108] {strides = array<i32>} : memref<128x128xf32, #tpu.memory_space<vmem>>, vector<1x16xf32>,
      %swap3A_110 = vector.shape_cast %swap3A_109 : vector<1x16xf32> to vector<16xf32>
      %swap3A_111 = vector.shape_cast %broadcast_in_dim3A_72 : vector<16xf32> to vector<1x16xf32>
      tpu.vector_store %arg8[%swap3A_107, %swap3A_108], %swap3A_111 {strides = array<i32>} : memref<128x128xf32, #tpu.memory_space<vmem>>, vector<1x16xf32>,
      %scan3A_112 = arith.constant 0 : i32
      scf.yield %scan3A_112 : i32
    }
    %scan3A_8 = arith.constant 128 : i32
    %add3A_9 = arith.constant 0 : i32
    %add3A_10 = arith.addi %add3A_9, %arg1 : i32
    %lt3A = arith.constant 79 : i32
    %lt3A_11 = arith.cmpi slt, %add3A_10, %lt3A : i32
    %convert_element_type3A = arith.extui %lt3A_11 : i1 to i32
    %cond3A = arith.constant 0 : i32
    %cond3A_12 = arith.cmpi ne, %convert_element_type3A, %cond3A : i32
    scf.if %cond3A_12 {
      %mul3A_70 = arith.constant 128 : i32
      %mul3A_71 = arith.muli %add3A_10, %mul3A_70 : i32
      "tpu.region"() ({
        %run_scoped3A_72 = tpu.sem_alloc : memref<!tpu.dma_semaphore, #tpu.memory_space<semaphore_mem>>
        %dma_start3A_73 = arith.constant 0 : i32
        %dma_start3A_74 = tpu.memref_slice %arg10[%mul3A_71, %dma_start3A_73] : memref<10112x128xf32, #tpu.memory_space<vmem_shared>> -> memref<128x128xf32, #tpu.memory_space<vmem_shared>>
        %dma_start3A_75 = arith.constant 0 : i32
        %dma_start3A_76 = tpu.memref_slice %arg10[%mul3A_71, %dma_start3A_75] : memref<10112x128xf32, #tpu.memory_space<vmem_shared>> -> memref<128x128xf32, #tpu.memory_space<vmem_shared>>
        tpu.enqueue_dma source(%arg8 : memref<128x128xf32, #tpu.memory_space<vmem>>) target(%dma_start3A_76 : memref<128x128xf32, #tpu.memory_space<vmem_shared>>) target_semaphore(%run_scoped3A_72 : memref<!tpu.dma_semaphore, #tpu.memory_space<semaphore_mem>>)
        %dma_wait3A_77 = arith.constant 0 : i32
        %dma_wait3A_78 = tpu.memref_slice %arg10[%mul3A_71, %dma_wait3A_77] : memref<10112x128xf32, #tpu.memory_space<vmem_shared>> -> memref<128x128xf32, #tpu.memory_space<vmem_shared>>
        %dma_wait3A_79 = arith.constant 0 : i32
        %dma_wait3A_80 = tpu.memref_slice %arg10[%mul3A_71, %dma_wait3A_79] : memref<10112x128xf32, #tpu.memory_space<vmem_shared>> -> memref<128x128xf32, #tpu.memory_space<vmem_shared>>
        tpu.wait_dma2 semaphore(%run_scoped3A_72 : memref<!tpu.dma_semaphore, #tpu.memory_space<semaphore_mem>>) src(%arg8 : memref<128x128xf32, #tpu.memory_space<vmem>>) dst(%dma_wait3A_80 : memref<128x128xf32, #tpu.memory_space<vmem_shared>>)
        tpu.yield
      }) : () -> ()
    } else {
    }
    %add3A_13 = arith.constant 16 : i32
    %add3A_14 = arith.addi %add3A_13, %arg1 : i32
    %lt3A_15 = arith.constant 79 : i32
    %lt3A_16 = arith.cmpi slt, %add3A_14, %lt3A_15 : i32
    %convert_element_type3A_17 = arith.extui %lt3A_16 : i1 to i32
    %cond3A_18 = arith.constant 0 : i32
    %cond3A_19 = arith.cmpi ne, %convert_element_type3A_17, %cond3A_18 : i32
    scf.if %cond3A_19 {
      %mul3A_70 = arith.constant 128 : i32
      %mul3A_71 = arith.muli %add3A_14, %mul3A_70 : i32
      "tpu.region"() ({
        %run_scoped3A_72 = tpu.sem_alloc : memref<!tpu.dma_semaphore, #tpu.memory_space<semaphore_mem>>
        %dma_start3A_73 = arith.constant 0 : i32
        %dma_start3A_74 = tpu.memref_slice %arg10[%mul3A_71, %dma_start3A_73] : memref<10112x128xf32, #tpu.memory_space<vmem_shared>> -> memref<128x128xf32, #tpu.memory_space<vmem_shared>>
        %dma_start3A_75 = arith.constant 0 : i32
        %dma_start3A_76 = tpu.memref_slice %arg10[%mul3A_71, %dma_start3A_75] : memref<10112x128xf32, #tpu.memory_space<vmem_shared>> -> memref<128x128xf32, #tpu.memory_space<vmem_shared>>
        tpu.enqueue_dma source(%arg8 : memref<128x128xf32, #tpu.memory_space<vmem>>) target(%dma_start3A_76 : memref<128x128xf32, #tpu.memory_space<vmem_shared>>) target_semaphore(%run_scoped3A_72 : memref<!tpu.dma_semaphore, #tpu.memory_space<semaphore_mem>>)
        %dma_wait3A_77 = arith.constant 0 : i32
        %dma_wait3A_78 = tpu.memref_slice %arg10[%mul3A_71, %dma_wait3A_77] : memref<10112x128xf32, #tpu.memory_space<vmem_shared>> -> memref<128x128xf32, #tpu.memory_space<vmem_shared>>
        %dma_wait3A_79 = arith.constant 0 : i32
        %dma_wait3A_80 = tpu.memref_slice %arg10[%mul3A_71, %dma_wait3A_79] : memref<10112x128xf32, #tpu.memory_space<vmem_shared>> -> memref<128x128xf32, #tpu.memory_space<vmem_shared>>
        tpu.wait_dma2 semaphore(%run_scoped3A_72 : memref<!tpu.dma_semaphore, #tpu.memory_space<semaphore_mem>>) src(%arg8 : memref<128x128xf32, #tpu.memory_space<vmem>>) dst(%dma_wait3A_80 : memref<128x128xf32, #tpu.memory_space<vmem_shared>>)
        tpu.yield
      }) : () -> ()
    } else {
    }
    %add3A_20 = arith.constant 32 : i32
    %add3A_21 = arith.addi %add3A_20, %arg1 : i32
    %lt3A_22 = arith.constant 79 : i32
    %lt3A_23 = arith.cmpi slt, %add3A_21, %lt3A_22 : i32
    %convert_element_type3A_24 = arith.extui %lt3A_23 : i1 to i32
    %cond3A_25 = arith.constant 0 : i32
    %cond3A_26 = arith.cmpi ne, %convert_element_type3A_24, %cond3A_25 : i32
    scf.if %cond3A_26 {
      %mul3A_70 = arith.constant 128 : i32
      %mul3A_71 = arith.muli %add3A_21, %mul3A_70 : i32
      "tpu.region"() ({
        %run_scoped3A_72 = tpu.sem_alloc : memref<!tpu.dma_semaphore, #tpu.memory_space<semaphore_mem>>
        %dma_start3A_73 = arith.constant 0 : i32
        %dma_start3A_74 = tpu.memref_slice %arg10[%mul3A_71, %dma_start3A_73] : memref<10112x128xf32, #tpu.memory_space<vmem_shared>> -> memref<128x128xf32, #tpu.memory_space<vmem_shared>>
        %dma_start3A_75 = arith.constant 0 : i32
        %dma_start3A_76 = tpu.memref_slice %arg10[%mul3A_71, %dma_start3A_75] : memref<10112x128xf32, #tpu.memory_space<vmem_shared>> -> memref<128x128xf32, #tpu.memory_space<vmem_shared>>
        tpu.enqueue_dma source(%arg8 : memref<128x128xf32, #tpu.memory_space<vmem>>) target(%dma_start3A_76 : memref<128x128xf32, #tpu.memory_space<vmem_shared>>) target_semaphore(%run_scoped3A_72 : memref<!tpu.dma_semaphore, #tpu.memory_space<semaphore_mem>>)
        %dma_wait3A_77 = arith.constant 0 : i32
        %dma_wait3A_78 = tpu.memref_slice %arg10[%mul3A_71, %dma_wait3A_77] : memref<10112x128xf32, #tpu.memory_space<vmem_shared>> -> memref<128x128xf32, #tpu.memory_space<vmem_shared>>
        %dma_wait3A_79 = arith.constant 0 : i32
        %dma_wait3A_80 = tpu.memref_slice %arg10[%mul3A_71, %dma_wait3A_79] : memref<10112x128xf32, #tpu.memory_space<vmem_shared>> -> memref<128x128xf32, #tpu.memory_space<vmem_shared>>
        tpu.wait_dma2 semaphore(%run_scoped3A_72 : memref<!tpu.dma_semaphore, #tpu.memory_space<semaphore_mem>>) src(%arg8 : memref<128x128xf32, #tpu.memory_space<vmem>>) dst(%dma_wait3A_80 : memref<128x128xf32, #tpu.memory_space<vmem_shared>>)
        tpu.yield
      }) : () -> ()
    } else {
    }
    %add3A_27 = arith.constant 48 : i32
    %add3A_28 = arith.addi %add3A_27, %arg1 : i32
    %lt3A_29 = arith.constant 79 : i32
    %lt3A_30 = arith.cmpi slt, %add3A_28, %lt3A_29 : i32
    %convert_element_type3A_31 = arith.extui %lt3A_30 : i1 to i32
    %cond3A_32 = arith.constant 0 : i32
    %cond3A_33 = arith.cmpi ne, %convert_element_type3A_31, %cond3A_32 : i32
    scf.if %cond3A_33 {
      %mul3A_70 = arith.constant 128 : i32
      %mul3A_71 = arith.muli %add3A_28, %mul3A_70 : i32
      "tpu.region"() ({
        %run_scoped3A_72 = tpu.sem_alloc : memref<!tpu.dma_semaphore, #tpu.memory_space<semaphore_mem>>
        %dma_start3A_73 = arith.constant 0 : i32
        %dma_start3A_74 = tpu.memref_slice %arg10[%mul3A_71, %dma_start3A_73] : memref<10112x128xf32, #tpu.memory_space<vmem_shared>> -> memref<128x128xf32, #tpu.memory_space<vmem_shared>>
        %dma_start3A_75 = arith.constant 0 : i32
        %dma_start3A_76 = tpu.memref_slice %arg10[%mul3A_71, %dma_start3A_75] : memref<10112x128xf32, #tpu.memory_space<vmem_shared>> -> memref<128x128xf32, #tpu.memory_space<vmem_shared>>
        tpu.enqueue_dma source(%arg8 : memref<128x128xf32, #tpu.memory_space<vmem>>) target(%dma_start3A_76 : memref<128x128xf32, #tpu.memory_space<vmem_shared>>) target_semaphore(%run_scoped3A_72 : memref<!tpu.dma_semaphore, #tpu.memory_space<semaphore_mem>>)
        %dma_wait3A_77 = arith.constant 0 : i32
        %dma_wait3A_78 = tpu.memref_slice %arg10[%mul3A_71, %dma_wait3A_77] : memref<10112x128xf32, #tpu.memory_space<vmem_shared>> -> memref<128x128xf32, #tpu.memory_space<vmem_shared>>
        %dma_wait3A_79 = arith.constant 0 : i32
        %dma_wait3A_80 = tpu.memref_slice %arg10[%mul3A_71, %dma_wait3A_79] : memref<10112x128xf32, #tpu.memory_space<vmem_shared>> -> memref<128x128xf32, #tpu.memory_space<vmem_shared>>
        tpu.wait_dma2 semaphore(%run_scoped3A_72 : memref<!tpu.dma_semaphore, #tpu.memory_space<semaphore_mem>>) src(%arg8 : memref<128x128xf32, #tpu.memory_space<vmem>>) dst(%dma_wait3A_80 : memref<128x128xf32, #tpu.memory_space<vmem_shared>>)
        tpu.yield
      }) : () -> ()
    } else {
    }
    %add3A_34 = arith.constant 64 : i32
    %add3A_35 = arith.addi %add3A_34, %arg1 : i32
    %lt3A_36 = arith.constant 79 : i32
    %lt3A_37 = arith.cmpi slt, %add3A_35, %lt3A_36 : i32
    %convert_element_type3A_38 = arith.extui %lt3A_37 : i1 to i32
    %cond3A_39 = arith.constant 0 : i32
    %cond3A_40 = arith.cmpi ne, %convert_element_type3A_38, %cond3A_39 : i32
    scf.if %cond3A_40 {
      %mul3A_70 = arith.constant 128 : i32
      %mul3A_71 = arith.muli %add3A_35, %mul3A_70 : i32
      "tpu.region"() ({
        %run_scoped3A_72 = tpu.sem_alloc : memref<!tpu.dma_semaphore, #tpu.memory_space<semaphore_mem>>
        %dma_start3A_73 = arith.constant 0 : i32
        %dma_start3A_74 = tpu.memref_slice %arg10[%mul3A_71, %dma_start3A_73] : memref<10112x128xf32, #tpu.memory_space<vmem_shared>> -> memref<128x128xf32, #tpu.memory_space<vmem_shared>>
        %dma_start3A_75 = arith.constant 0 : i32
        %dma_start3A_76 = tpu.memref_slice %arg10[%mul3A_71, %dma_start3A_75] : memref<10112x128xf32, #tpu.memory_space<vmem_shared>> -> memref<128x128xf32, #tpu.memory_space<vmem_shared>>
        tpu.enqueue_dma source(%arg8 : memref<128x128xf32, #tpu.memory_space<vmem>>) target(%dma_start3A_76 : memref<128x128xf32, #tpu.memory_space<vmem_shared>>) target_semaphore(%run_scoped3A_72 : memref<!tpu.dma_semaphore, #tpu.memory_space<semaphore_mem>>)
        %dma_wait3A_77 = arith.constant 0 : i32
        %dma_wait3A_78 = tpu.memref_slice %arg10[%mul3A_71, %dma_wait3A_77] : memref<10112x128xf32, #tpu.memory_space<vmem_shared>> -> memref<128x128xf32, #tpu.memory_space<vmem_shared>>
        %dma_wait3A_79 = arith.constant 0 : i32
        %dma_wait3A_80 = tpu.memref_slice %arg10[%mul3A_71, %dma_wait3A_79] : memref<10112x128xf32, #tpu.memory_space<vmem_shared>> -> memref<128x128xf32, #tpu.memory_space<vmem_shared>>
        tpu.wait_dma2 semaphore(%run_scoped3A_72 : memref<!tpu.dma_semaphore, #tpu.memory_space<semaphore_mem>>) src(%arg8 : memref<128x128xf32, #tpu.memory_space<vmem>>) dst(%dma_wait3A_80 : memref<128x128xf32, #tpu.memory_space<vmem_shared>>)
        tpu.yield
      }) : () -> ()
    } else {
    }
    %run_scoped3A = arith.constant 0 : i32
    "tpu.region"() ({
      %run_scoped3A_70 = tpu.sem_alloc : memref<!tpu.dma_semaphore, #tpu.memory_space<semaphore_mem>>
      %dma_start3A_71 = arith.constant 0 : i32
      %dma_start3A_72 = arith.constant 0 : i32
      %dma_start3A_73 = tpu.memref_slice %arg6[%run_scoped3A, %dma_start3A_71, %dma_start3A_72] : memref<2x8x128xi32, #tpu.memory_space<vmem>> -> memref<1x8x128xi32, #tpu.memory_space<vmem>>
      %dma_start3A_74 = tpu.memref_squeeze %dma_start3A_73 : memref<1x8x128xi32, #tpu.memory_space<vmem>> -> memref<8x128xi32, #tpu.memory_space<vmem>>
      %dma_start3A_75 = arith.constant 0 : i32
      %dma_start3A_76 = arith.constant 0 : i32
      %dma_start3A_77 = tpu.memref_slice %arg3[%add3A, %dma_start3A_75, %dma_start3A_76] : memref<32x152x128xi32, #tpu.memory_space<hbm>> -> memref<1x8x128xi32, #tpu.memory_space<hbm>>
      %dma_start3A_78 = tpu.memref_squeeze %dma_start3A_77 : memref<1x8x128xi32, #tpu.memory_space<hbm>> -> memref<8x128xi32, #tpu.memory_space<hbm>>
      %dma_start3A_79 = arith.constant 0 : i32
      %dma_start3A_80 = arith.constant 0 : i32
      %dma_start3A_81 = tpu.memref_slice %arg6[%run_scoped3A, %dma_start3A_79, %dma_start3A_80] : memref<2x8x128xi32, #tpu.memory_space<vmem>> -> memref<1x8x128xi32, #tpu.memory_space<vmem>>
      %dma_start3A_82 = tpu.memref_squeeze %dma_start3A_81 : memref<1x8x128xi32, #tpu.memory_space<vmem>> -> memref<8x128xi32, #tpu.memory_space<vmem>>
      %dma_start3A_83 = arith.constant 0 : i32
      %dma_start3A_84 = arith.constant 0 : i32
      %dma_start3A_85 = tpu.memref_slice %arg3[%add3A, %dma_start3A_83, %dma_start3A_84] : memref<32x152x128xi32, #tpu.memory_space<hbm>> -> memref<1x8x128xi32, #tpu.memory_space<hbm>>
      %dma_start3A_86 = tpu.memref_squeeze %dma_start3A_85 : memref<1x8x128xi32, #tpu.memory_space<hbm>> -> memref<8x128xi32, #tpu.memory_space<hbm>>
      tpu.enqueue_dma source(%dma_start3A_86 : memref<8x128xi32, #tpu.memory_space<hbm>>) target(%dma_start3A_82 : memref<8x128xi32, #tpu.memory_space<vmem>>) target_semaphore(%run_scoped3A_70 : memref<!tpu.dma_semaphore, #tpu.memory_space<semaphore_mem>>)
      %dma_wait3A_87 = arith.constant 0 : i32
      %dma_wait3A_88 = arith.constant 0 : i32
      %dma_wait3A_89 = tpu.memref_slice %arg6[%run_scoped3A, %dma_wait3A_87, %dma_wait3A_88] : memref<2x8x128xi32, #tpu.memory_space<vmem>> -> memref<1x8x128xi32, #tpu.memory_space<vmem>>
      %dma_wait3A_90 = tpu.memref_squeeze %dma_wait3A_89 : memref<1x8x128xi32, #tpu.memory_space<vmem>> -> memref<8x128xi32, #tpu.memory_space<vmem>>
      %dma_wait3A_91 = arith.constant 0 : i32
      %dma_wait3A_92 = arith.constant 0 : i32
      %dma_wait3A_93 = tpu.memref_slice %arg3[%add3A, %dma_wait3A_91, %dma_wait3A_92] : memref<32x152x128xi32, #tpu.memory_space<hbm>> -> memref<1x8x128xi32, #tpu.memory_space<hbm>>
      %dma_wait3A_94 = tpu.memref_squeeze %dma_wait3A_93 : memref<1x8x128xi32, #tpu.memory_space<hbm>> -> memref<8x128xi32, #tpu.memory_space<hbm>>
      %dma_wait3A_95 = arith.constant 0 : i32
      %dma_wait3A_96 = arith.constant 0 : i32
      %dma_wait3A_97 = tpu.memref_slice %arg6[%run_scoped3A, %dma_wait3A_95, %dma_wait3A_96] : memref<2x8x128xi32, #tpu.memory_space<vmem>> -> memref<1x8x128xi32, #tpu.memory_space<vmem>>
      %dma_wait3A_98 = tpu.memref_squeeze %dma_wait3A_97 : memref<1x8x128xi32, #tpu.memory_space<vmem>> -> memref<8x128xi32, #tpu.memory_space<vmem>>
      %dma_wait3A_99 = arith.constant 0 : i32
      %dma_wait3A_100 = arith.constant 0 : i32
      %dma_wait3A_101 = tpu.memref_slice %arg3[%add3A, %dma_wait3A_99, %dma_wait3A_100] : memref<32x152x128xi32, #tpu.memory_space<hbm>> -> memref<1x8x128xi32, #tpu.memory_space<hbm>>
      %dma_wait3A_102 = tpu.memref_squeeze %dma_wait3A_101 : memref<1x8x128xi32, #tpu.memory_space<hbm>> -> memref<8x128xi32, #tpu.memory_space<hbm>>
      tpu.wait_dma2 semaphore(%run_scoped3A_70 : memref<!tpu.dma_semaphore, #tpu.memory_space<semaphore_mem>>) src(%dma_wait3A_102 : memref<8x128xi32, #tpu.memory_space<hbm>>) dst(%dma_wait3A_98 : memref<8x128xi32, #tpu.memory_space<vmem>>)
      tpu.yield
    }) : () -> ()
    %run_scoped3A_41 = arith.constant 0 : i32
    "tpu.region"() ({
      %run_scoped3A_70 = tpu.sem_alloc : memref<!tpu.dma_semaphore, #tpu.memory_space<semaphore_mem>>
      %dma_start3A_71 = arith.constant 0 : i32
      %dma_start3A_72 = arith.constant 0 : i32
      %dma_start3A_73 = tpu.memref_slice %arg7[%run_scoped3A_41, %dma_start3A_71, %dma_start3A_72] : memref<2x8x128xi32, #tpu.memory_space<vmem>> -> memref<1x8x128xi32, #tpu.memory_space<vmem>>
      %dma_start3A_74 = tpu.memref_squeeze %dma_start3A_73 : memref<1x8x128xi32, #tpu.memory_space<vmem>> -> memref<8x128xi32, #tpu.memory_space<vmem>>
      %dma_start3A_75 = arith.constant 0 : i32
      %dma_start3A_76 = arith.constant 0 : i32
      %dma_start3A_77 = tpu.memref_slice %arg4[%add3A, %dma_start3A_75, %dma_start3A_76] : memref<32x152x128xi32, #tpu.memory_space<hbm>> -> memref<1x8x128xi32, #tpu.memory_space<hbm>>
      %dma_start3A_78 = tpu.memref_squeeze %dma_start3A_77 : memref<1x8x128xi32, #tpu.memory_space<hbm>> -> memref<8x128xi32, #tpu.memory_space<hbm>>
      %dma_start3A_79 = arith.constant 0 : i32
      %dma_start3A_80 = arith.constant 0 : i32
      %dma_start3A_81 = tpu.memref_slice %arg7[%run_scoped3A_41, %dma_start3A_79, %dma_start3A_80] : memref<2x8x128xi32, #tpu.memory_space<vmem>> -> memref<1x8x128xi32, #tpu.memory_space<vmem>>
      %dma_start3A_82 = tpu.memref_squeeze %dma_start3A_81 : memref<1x8x128xi32, #tpu.memory_space<vmem>> -> memref<8x128xi32, #tpu.memory_space<vmem>>
      %dma_start3A_83 = arith.constant 0 : i32
      %dma_start3A_84 = arith.constant 0 : i32
      %dma_start3A_85 = tpu.memref_slice %arg4[%add3A, %dma_start3A_83, %dma_start3A_84] : memref<32x152x128xi32, #tpu.memory_space<hbm>> -> memref<1x8x128xi32, #tpu.memory_space<hbm>>
      %dma_start3A_86 = tpu.memref_squeeze %dma_start3A_85 : memref<1x8x128xi32, #tpu.memory_space<hbm>> -> memref<8x128xi32, #tpu.memory_space<hbm>>
      tpu.enqueue_dma source(%dma_start3A_86 : memref<8x128xi32, #tpu.memory_space<hbm>>) target(%dma_start3A_82 : memref<8x128xi32, #tpu.memory_space<vmem>>) target_semaphore(%run_scoped3A_70 : memref<!tpu.dma_semaphore, #tpu.memory_space<semaphore_mem>>)
      %dma_wait3A_87 = arith.constant 0 : i32
      %dma_wait3A_88 = arith.constant 0 : i32
      %dma_wait3A_89 = tpu.memref_slice %arg7[%run_scoped3A_41, %dma_wait3A_87, %dma_wait3A_88] : memref<2x8x128xi32, #tpu.memory_space<vmem>> -> memref<1x8x128xi32, #tpu.memory_space<vmem>>
      %dma_wait3A_90 = tpu.memref_squeeze %dma_wait3A_89 : memref<1x8x128xi32, #tpu.memory_space<vmem>> -> memref<8x128xi32, #tpu.memory_space<vmem>>
      %dma_wait3A_91 = arith.constant 0 : i32
      %dma_wait3A_92 = arith.constant 0 : i32
      %dma_wait3A_93 = tpu.memref_slice %arg4[%add3A, %dma_wait3A_91, %dma_wait3A_92] : memref<32x152x128xi32, #tpu.memory_space<hbm>> -> memref<1x8x128xi32, #tpu.memory_space<hbm>>
      %dma_wait3A_94 = tpu.memref_squeeze %dma_wait3A_93 : memref<1x8x128xi32, #tpu.memory_space<hbm>> -> memref<8x128xi32, #tpu.memory_space<hbm>>
      %dma_wait3A_95 = arith.constant 0 : i32
      %dma_wait3A_96 = arith.constant 0 : i32
      %dma_wait3A_97 = tpu.memref_slice %arg7[%run_scoped3A_41, %dma_wait3A_95, %dma_wait3A_96] : memref<2x8x128xi32, #tpu.memory_space<vmem>> -> memref<1x8x128xi32, #tpu.memory_space<vmem>>
      %dma_wait3A_98 = tpu.memref_squeeze %dma_wait3A_97 : memref<1x8x128xi32, #tpu.memory_space<vmem>> -> memref<8x128xi32, #tpu.memory_space<vmem>>
      %dma_wait3A_99 = arith.constant 0 : i32
      %dma_wait3A_100 = arith.constant 0 : i32
      %dma_wait3A_101 = tpu.memref_slice %arg4[%add3A, %dma_wait3A_99, %dma_wait3A_100] : memref<32x152x128xi32, #tpu.memory_space<hbm>> -> memref<1x8x128xi32, #tpu.memory_space<hbm>>
      %dma_wait3A_102 = tpu.memref_squeeze %dma_wait3A_101 : memref<1x8x128xi32, #tpu.memory_space<hbm>> -> memref<8x128xi32, #tpu.memory_space<hbm>>
      tpu.wait_dma2 semaphore(%run_scoped3A_70 : memref<!tpu.dma_semaphore, #tpu.memory_space<semaphore_mem>>) src(%dma_wait3A_102 : memref<8x128xi32, #tpu.memory_space<hbm>>) dst(%dma_wait3A_98 : memref<8x128xi32, #tpu.memory_space<vmem>>)
      tpu.yield
    }) : () -> ()
    %dma_start3A = arith.constant 0 : i32
    %dma_start3A_42 = arith.constant 0 : i32
    %dma_start3A_43 = arith.constant 0 : i32
    %dma_start3A_44 = tpu.memref_slice %arg6[%dma_start3A, %dma_start3A_42, %dma_start3A_43] : memref<2x8x128xi32, #tpu.memory_space<vmem>> -> memref<1x1x128xi32, #tpu.memory_space<vmem>>
    %dma_start3A_45 = tpu.memref_squeeze %dma_start3A_44 : memref<1x1x128xi32, #tpu.memory_space<vmem>> -> memref<128xi32, #tpu.memory_space<vmem>>
    %dma_start3A_46 = arith.constant 0 : i32
    %dma_start3A_47 = arith.constant 0 : i32
    %dma_start3A_48 = tpu.memref_slice %arg2[%dma_start3A_46, %dma_start3A_47] : memref<10000x128xf32, #tpu.memory_space<hbm>> -> memref<10000x128xf32, #tpu.memory_space<hbm>>
    tpu.enqueue_indirect_dma source(%dma_start3A_48 : memref<10000x128xf32, #tpu.memory_space<hbm>>) target(%arg8 : memref<128x128xf32, #tpu.memory_space<vmem>>) offsets(%dma_start3A_45 : memref<128xi32, #tpu.memory_space<vmem>>) semaphore(%arg12 : memref<!tpu.dma_semaphore, #tpu.memory_space<semaphore_mem>>)
    %barrier3A = arith.constant 0 : index
    tpu.barrier barrier_id(%barrier3A)
    %eq3A = arith.constant 0 : i32
    %eq3A_49 = arith.cmpi eq, %arg0, %eq3A : i32
    %jit3A = arith.constant 19 : i32
    %jit3A_50 = arith.constant 1 : i32
    %select_n3A = arith.select %eq3A_49, %jit3A, %jit3A_50 : i32
    %while3A = arith.constant 0 : i32
    %while3A_51 = arith.constant 0 : i32
    %while3A_52 = arith.subi %select_n3A, %while3A : i32
    %while3A_53 = arith.addi %while3A, %while3A_52 : i32
    %while3A_54 = arith.constant 1 : i32
    %while3A_55 = arith.divsi %while3A_52, %while3A_54 : i32
    %while3A_56 = arith.muli %while3A_55, %while3A_54 : i32
    %while3A_57 = arith.addi %while3A, %while3A_56 : i32
    %while3A_58 = arith.constant 1 : i32
    %while3A_59 = scf.for %while3A_70 = %while3A to %while3A_57 step %while3A_58 iter_args(%while3A_71 = %while3A_51) -> (i32)  : i32 {
      %jit3A_72 = arith.constant 2 : i32
      %eq3A_73 = arith.constant 0 : i32
      %eq3A_74 = arith.cmpi eq, %jit3A_72, %eq3A_73 : i32
      %jit3A_75 = arith.constant 1 : i32
      %select_n3A_76 = arith.select %eq3A_74, %jit3A_75, %jit3A_72 : i32
      %rem3A = arith.remsi %while3A_70, %select_n3A_76 : i32
      %ne3A = arith.constant 0 : i32
      %ne3A_77 = arith.cmpi ne, %rem3A, %ne3A : i32
      %lt3A_78 = arith.constant 0 : i32
      %lt3A_79 = arith.cmpi slt, %rem3A, %lt3A_78 : i32
      %lt3A_80 = arith.constant 0 : i32
      %lt3A_81 = arith.cmpi slt, %select_n3A_76, %lt3A_80 : i32
      %ne3A_82 = arith.xori %lt3A_79, %lt3A_81 : i1
      %and3A = arith.andi %ne3A_82, %ne3A_77 : i1
      %add3A_83 = arith.addi %rem3A, %select_n3A_76 : i32
      %select_n3A_84 = arith.select %and3A, %add3A_83, %rem3A : i32
      %add3A_85 = arith.constant 1 : i32
      %add3A_86 = arith.addi %while3A_70, %add3A_85 : i32
      %jit3A_87 = arith.constant 2 : i32
      %eq3A_88 = arith.constant 0 : i32
      %eq3A_89 = arith.cmpi eq, %jit3A_87, %eq3A_88 : i32
      %jit3A_90 = arith.constant 1 : i32
      %select_n3A_91 = arith.select %eq3A_89, %jit3A_90, %jit3A_87 : i32
      %rem3A_92 = arith.remsi %add3A_86, %select_n3A_91 : i32
      %ne3A_93 = arith.constant 0 : i32
      %ne3A_94 = arith.cmpi ne, %rem3A_92, %ne3A_93 : i32
      %lt3A_95 = arith.constant 0 : i32
      %lt3A_96 = arith.cmpi slt, %rem3A_92, %lt3A_95 : i32
      %lt3A_97 = arith.constant 0 : i32
      %lt3A_98 = arith.cmpi slt, %select_n3A_91, %lt3A_97 : i32
      %ne3A_99 = arith.xori %lt3A_96, %lt3A_98 : i1
      %and3A_100 = arith.andi %ne3A_99, %ne3A_94 : i1
      %add3A_101 = arith.addi %rem3A_92, %select_n3A_91 : i32
      %select_n3A_102 = arith.select %and3A_100, %add3A_101, %rem3A_92 : i32
      %mul3A_103 = arith.constant 8 : i32
      %mul3A_104 = arith.muli %while3A_70, %mul3A_103 : i32
      %add3A_105 = arith.constant 0 : i32
      %add3A_106 = arith.addi %mul3A_104, %add3A_105 : i32
      %dma_wait3A_107 = arith.constant 0 : i32
      %dma_wait3A_108 = arith.constant 0 : i32
      %dma_wait3A_109 = tpu.memref_slice %arg6[%select_n3A_84, %dma_wait3A_107, %dma_wait3A_108] : memref<2x8x128xi32, #tpu.memory_space<vmem>> -> memref<1x1x128xi32, #tpu.memory_space<vmem>>
      %dma_wait3A_110 = tpu.memref_squeeze %dma_wait3A_109 : memref<1x1x128xi32, #tpu.memory_space<vmem>> -> memref<128xi32, #tpu.memory_space<vmem>>
      %dma_wait3A_111 = arith.constant 0 : i32
      %dma_wait3A_112 = arith.constant 0 : i32
      %dma_wait3A_113 = tpu.memref_slice %arg2[%dma_wait3A_111, %dma_wait3A_112] : memref<10000x128xf32, #tpu.memory_space<hbm>> -> memref<10000x128xf32, #tpu.memory_space<hbm>>
      tpu.wait_indirect_dma semaphore(%arg12 : memref<!tpu.dma_semaphore, #tpu.memory_space<semaphore_mem>>) src(%dma_wait3A_113 : memref<10000x128xf32, #tpu.memory_space<hbm>>) dst(%arg8 : memref<128x128xf32, #tpu.memory_space<vmem>>)
      %dma_start3A_114 = arith.constant 0 : i32
      %dma_start3A_115 = arith.constant 0 : i32
      %dma_start3A_116 = tpu.memref_slice %arg7[%select_n3A_84, %dma_start3A_114, %dma_start3A_115] : memref<2x8x128xi32, #tpu.memory_space<vmem>> -> memref<1x1x128xi32, #tpu.memory_space<vmem>>
      %dma_start3A_117 = tpu.memref_squeeze %dma_start3A_116 : memref<1x1x128xi32, #tpu.memory_space<vmem>> -> memref<128xi32, #tpu.memory_space<vmem>>
      %dma_start3A_118 = arith.constant 0 : i32
      %dma_start3A_119 = arith.constant 0 : i32
      %dma_start3A_120 = tpu.memref_slice %arg10[%dma_start3A_118, %dma_start3A_119] : memref<10112x128xf32, #tpu.memory_space<vmem_shared>> -> memref<10112x128xf32, #tpu.memory_space<vmem_shared>>
      tpu.enqueue_indirect_dma source(%arg8 : memref<128x128xf32, #tpu.memory_space<vmem>>) target(%dma_start3A_120 : memref<10112x128xf32, #tpu.memory_space<vmem_shared>>) offsets(%dma_start3A_117 : memref<128xi32, #tpu.memory_space<vmem>>) semaphore(%arg14 : memref<!tpu.dma_semaphore, #tpu.memory_space<semaphore_mem>>) {add = true}
      %ge3A = arith.constant 1 : i32
      %ge3A_121 = arith.cmpi sge, %add3A_106, %ge3A : i32
      %convert_element_type3A_122 = arith.extui %ge3A_121 : i1 to i32
      %cond3A_123 = arith.constant 0 : i32
      %cond3A_124 = arith.cmpi ne, %convert_element_type3A_122, %cond3A_123 : i32
      scf.if %cond3A_124 {
        %dma_wait3A_348 = arith.constant 0 : i32
        %dma_wait3A_349 = arith.constant 0 : i32
        %dma_wait3A_350 = tpu.memref_slice %arg7[%select_n3A_84, %dma_wait3A_348, %dma_wait3A_349] : memref<2x8x128xi32, #tpu.memory_space<vmem>> -> memref<1x1x128xi32, #tpu.memory_space<vmem>>
        %dma_wait3A_351 = tpu.memref_squeeze %dma_wait3A_350 : memref<1x1x128xi32, #tpu.memory_space<vmem>> -> memref<128xi32, #tpu.memory_space<vmem>>
        %dma_wait3A_352 = arith.constant 0 : i32
        %dma_wait3A_353 = arith.constant 0 : i32
        %dma_wait3A_354 = tpu.memref_slice %arg10[%dma_wait3A_352, %dma_wait3A_353] : memref<10112x128xf32, #tpu.memory_space<vmem_shared>> -> memref<10112x128xf32, #tpu.memory_space<vmem_shared>>
        tpu.wait_indirect_dma semaphore(%arg15 : memref<!tpu.dma_semaphore, #tpu.memory_space<semaphore_mem>>) src(%arg9 : memref<128x128xf32, #tpu.memory_space<vmem>>) dst(%dma_wait3A_354 : memref<10112x128xf32, #tpu.memory_space<vmem_shared>>)
      } else {
      }
      %add3A_125 = arith.constant 1 : i32
      %add3A_126 = arith.addi %while3A_70, %add3A_125 : i32
      %lt3A_127 = arith.cmpi slt, %add3A_126, %select_n3A : i32
      %convert_element_type3A_128 = arith.extui %lt3A_127 : i1 to i32
      %cond3A_129 = arith.constant 0 : i32
      %cond3A_130 = arith.cmpi ne, %convert_element_type3A_128, %cond3A_129 : i32
      scf.if %cond3A_130 {
        %add3A_348 = arith.constant 1 : i32
        %add3A_349 = arith.addi %while3A_70, %add3A_348 : i32
        %mul3A_350 = arith.constant 8 : i32
        %mul3A_351 = arith.muli %add3A_349, %mul3A_350 : i32
        %dma_start3A_352 = arith.constant 0 : i32
        %dma_start3A_353 = arith.constant 0 : i32
        %dma_start3A_354 = tpu.memref_slice %arg6[%select_n3A_102, %dma_start3A_352, %dma_start3A_353] : memref<2x8x128xi32, #tpu.memory_space<vmem>> -> memref<1x8x128xi32, #tpu.memory_space<vmem>>
        %dma_start3A_355 = tpu.memref_squeeze %dma_start3A_354 : memref<1x8x128xi32, #tpu.memory_space<vmem>> -> memref<8x128xi32, #tpu.memory_space<vmem>>
        %dma_start3A_356 = arith.constant 0 : i32
        %dma_start3A_357 = tpu.memref_slice %arg3[%add3A, %mul3A_351, %dma_start3A_356] : memref<32x152x128xi32, #tpu.memory_space<hbm>> -> memref<1x8x128xi32, #tpu.memory_space<hbm>>
        %dma_start3A_358 = tpu.memref_squeeze %dma_start3A_357 : memref<1x8x128xi32, #tpu.memory_space<hbm>> -> memref<8x128xi32, #tpu.memory_space<hbm>>
        %dma_start3A_359 = arith.constant 0 : i32
        %dma_start3A_360 = arith.constant 0 : i32
        %dma_start3A_361 = tpu.memref_slice %arg6[%select_n3A_102, %dma_start3A_359, %dma_start3A_360] : memref<2x8x128xi32, #tpu.memory_space<vmem>> -> memref<1x8x128xi32, #tpu.memory_space<vmem>>
        %dma_start3A_362 = tpu.memref_squeeze %dma_start3A_361 : memref<1x8x128xi32, #tpu.memory_space<vmem>> -> memref<8x128xi32, #tpu.memory_space<vmem>>
        %dma_start3A_363 = arith.constant 0 : i32
        %dma_start3A_364 = tpu.memref_slice %arg3[%add3A, %mul3A_351, %dma_start3A_363] : memref<32x152x128xi32, #tpu.memory_space<hbm>> -> memref<1x8x128xi32, #tpu.memory_space<hbm>>
        %dma_start3A_365 = tpu.memref_squeeze %dma_start3A_364 : memref<1x8x128xi32, #tpu.memory_space<hbm>> -> memref<8x128xi32, #tpu.memory_space<hbm>>
        tpu.enqueue_dma source(%dma_start3A_365 : memref<8x128xi32, #tpu.memory_space<hbm>>) target(%dma_start3A_362 : memref<8x128xi32, #tpu.memory_space<vmem>>) target_semaphore(%arg11 : memref<!tpu.dma_semaphore, #tpu.memory_space<semaphore_mem>>)
        %add3A_366 = arith.constant 1 : i32
        %add3A_367 = arith.addi %while3A_70, %add3A_366 : i32
        %mul3A_368 = arith.constant 8 : i32
        %mul3A_369 = arith.muli %add3A_367, %mul3A_368 : i32
        %dma_start3A_370 = arith.constant 0 : i32
        %dma_start3A_371 = arith.constant 0 : i32
        %dma_start3A_372 = tpu.memref_slice %arg7[%select_n3A_102, %dma_start3A_370, %dma_start3A_371] : memref<2x8x128xi32, #tpu.memory_space<vmem>> -> memref<1x8x128xi32, #tpu.memory_space<vmem>>
        %dma_start3A_373 = tpu.memref_squeeze %dma_start3A_372 : memref<1x8x128xi32, #tpu.memory_space<vmem>> -> memref<8x128xi32, #tpu.memory_space<vmem>>
        %dma_start3A_374 = arith.constant 0 : i32
        %dma_start3A_375 = tpu.memref_slice %arg4[%add3A, %mul3A_369, %dma_start3A_374] : memref<32x152x128xi32, #tpu.memory_space<hbm>> -> memref<1x8x128xi32, #tpu.memory_space<hbm>>
        %dma_start3A_376 = tpu.memref_squeeze %dma_start3A_375 : memref<1x8x128xi32, #tpu.memory_space<hbm>> -> memref<8x128xi32, #tpu.memory_space<hbm>>
        %dma_start3A_377 = arith.constant 0 : i32
        %dma_start3A_378 = arith.constant 0 : i32
        %dma_start3A_379 = tpu.memref_slice %arg7[%select_n3A_102, %dma_start3A_377, %dma_start3A_378] : memref<2x8x128xi32, #tpu.memory_space<vmem>> -> memref<1x8x128xi32, #tpu.memory_space<vmem>>
        %dma_start3A_380 = tpu.memref_squeeze %dma_start3A_379 : memref<1x8x128xi32, #tpu.memory_space<vmem>> -> memref<8x128xi32, #tpu.memory_space<vmem>>
        %dma_start3A_381 = arith.constant 0 : i32
        %dma_start3A_382 = tpu.memref_slice %arg4[%add3A, %mul3A_369, %dma_start3A_381] : memref<32x152x128xi32, #tpu.memory_space<hbm>> -> memref<1x8x128xi32, #tpu.memory_space<hbm>>
        %dma_start3A_383 = tpu.memref_squeeze %dma_start3A_382 : memref<1x8x128xi32, #tpu.memory_space<hbm>> -> memref<8x128xi32, #tpu.memory_space<hbm>>
        tpu.enqueue_dma source(%dma_start3A_383 : memref<8x128xi32, #tpu.memory_space<hbm>>) target(%dma_start3A_380 : memref<8x128xi32, #tpu.memory_space<vmem>>) target_semaphore(%arg11 : memref<!tpu.dma_semaphore, #tpu.memory_space<semaphore_mem>>)
      } else {
      }
      %dma_start3A_131 = arith.constant 1 : i32
      %dma_start3A_132 = arith.constant 0 : i32
      %dma_start3A_133 = tpu.memref_slice %arg6[%select_n3A_84, %dma_start3A_131, %dma_start3A_132] : memref<2x8x128xi32, #tpu.memory_space<vmem>> -> memref<1x1x128xi32, #tpu.memory_space<vmem>>
      %dma_start3A_134 = tpu.memref_squeeze %dma_start3A_133 : memref<1x1x128xi32, #tpu.memory_space<vmem>> -> memref<128xi32, #tpu.memory_space<vmem>>
      %dma_start3A_135 = arith.constant 0 : i32
      %dma_start3A_136 = arith.constant 0 : i32
      %dma_start3A_137 = tpu.memref_slice %arg2[%dma_start3A_135, %dma_start3A_136] : memref<10000x128xf32, #tpu.memory_space<hbm>> -> memref<10000x128xf32, #tpu.memory_space<hbm>>
      tpu.enqueue_indirect_dma source(%dma_start3A_137 : memref<10000x128xf32, #tpu.memory_space<hbm>>) target(%arg9 : memref<128x128xf32, #tpu.memory_space<vmem>>) offsets(%dma_start3A_134 : memref<128xi32, #tpu.memory_space<vmem>>) semaphore(%arg13 : memref<!tpu.dma_semaphore, #tpu.memory_space<semaphore_mem>>)
      %mul3A_138 = arith.constant 8 : i32
      %mul3A_139 = arith.muli %while3A_70, %mul3A_138 : i32
      %add3A_140 = arith.constant 1 : i32
      %add3A_141 = arith.addi %mul3A_139, %add3A_140 : i32
      %dma_wait3A_142 = arith.constant 1 : i32
      %dma_wait3A_143 = arith.constant 0 : i32
      %dma_wait3A_144 = tpu.memref_slice %arg6[%select_n3A_84, %dma_wait3A_142, %dma_wait3A_143] : memref<2x8x128xi32, #tpu.memory_space<vmem>> -> memref<1x1x128xi32, #tpu.memory_space<vmem>>
      %dma_wait3A_145 = tpu.memref_squeeze %dma_wait3A_144 : memref<1x1x128xi32, #tpu.memory_space<vmem>> -> memref<128xi32, #tpu.memory_space<vmem>>
      %dma_wait3A_146 = arith.constant 0 : i32
      %dma_wait3A_147 = arith.constant 0 : i32
      %dma_wait3A_148 = tpu.memref_slice %arg2[%dma_wait3A_146, %dma_wait3A_147] : memref<10000x128xf32, #tpu.memory_space<hbm>> -> memref<10000x128xf32, #tpu.memory_space<hbm>>
      tpu.wait_indirect_dma semaphore(%arg13 : memref<!tpu.dma_semaphore, #tpu.memory_space<semaphore_mem>>) src(%dma_wait3A_148 : memref<10000x128xf32, #tpu.memory_space<hbm>>) dst(%arg9 : memref<128x128xf32, #tpu.memory_space<vmem>>)
      %dma_start3A_149 = arith.constant 1 : i32
      %dma_start3A_150 = arith.constant 0 : i32
      %dma_start3A_151 = tpu.memref_slice %arg7[%select_n3A_84, %dma_start3A_149, %dma_start3A_150] : memref<2x8x128xi32, #tpu.memory_space<vmem>> -> memref<1x1x128xi32, #tpu.memory_space<vmem>>
      %dma_start3A_152 = tpu.memref_squeeze %dma_start3A_151 : memref<1x1x128xi32, #tpu.memory_space<vmem>> -> memref<128xi32, #tpu.memory_space<vmem>>
      %dma_start3A_153 = arith.constant 0 : i32
      %dma_start3A_154 = arith.constant 0 : i32
      %dma_start3A_155 = tpu.memref_slice %arg10[%dma_start3A_153, %dma_start3A_154] : memref<10112x128xf32, #tpu.memory_space<vmem_shared>> -> memref<10112x128xf32, #tpu.memory_space<vmem_shared>>
      tpu.enqueue_indirect_dma source(%arg9 : memref<128x128xf32, #tpu.memory_space<vmem>>) target(%dma_start3A_155 : memref<10112x128xf32, #tpu.memory_space<vmem_shared>>) offsets(%dma_start3A_152 : memref<128xi32, #tpu.memory_space<vmem>>) semaphore(%arg15 : memref<!tpu.dma_semaphore, #tpu.memory_space<semaphore_mem>>) {add = true}
      %ge3A_156 = arith.constant 1 : i32
      %ge3A_157 = arith.cmpi sge, %add3A_141, %ge3A_156 : i32
      %convert_element_type3A_158 = arith.extui %ge3A_157 : i1 to i32
      %cond3A_159 = arith.constant 0 : i32
      %cond3A_160 = arith.cmpi ne, %convert_element_type3A_158, %cond3A_159 : i32
      scf.if %cond3A_160 {
        %dma_wait3A_348 = arith.constant 1 : i32
        %dma_wait3A_349 = arith.constant 0 : i32
        %dma_wait3A_350 = tpu.memref_slice %arg7[%select_n3A_84, %dma_wait3A_348, %dma_wait3A_349] : memref<2x8x128xi32, #tpu.memory_space<vmem>> -> memref<1x1x128xi32, #tpu.memory_space<vmem>>
        %dma_wait3A_351 = tpu.memref_squeeze %dma_wait3A_350 : memref<1x1x128xi32, #tpu.memory_space<vmem>> -> memref<128xi32, #tpu.memory_space<vmem>>
        %dma_wait3A_352 = arith.constant 0 : i32
        %dma_wait3A_353 = arith.constant 0 : i32
        %dma_wait3A_354 = tpu.memref_slice %arg10[%dma_wait3A_352, %dma_wait3A_353] : memref<10112x128xf32, #tpu.memory_space<vmem_shared>> -> memref<10112x128xf32, #tpu.memory_space<vmem_shared>>
        tpu.wait_indirect_dma semaphore(%arg14 : memref<!tpu.dma_semaphore, #tpu.memory_space<semaphore_mem>>) src(%arg8 : memref<128x128xf32, #tpu.memory_space<vmem>>) dst(%dma_wait3A_354 : memref<10112x128xf32, #tpu.memory_space<vmem_shared>>)
      } else {
      }
      %dma_start3A_161 = arith.constant 2 : i32
      %dma_start3A_162 = arith.constant 0 : i32
      %dma_start3A_163 = tpu.memref_slice %arg6[%select_n3A_84, %dma_start3A_161, %dma_start3A_162] : memref<2x8x128xi32, #tpu.memory_space<vmem>> -> memref<1x1x128xi32, #tpu.memory_space<vmem>>
      %dma_start3A_164 = tpu.memref_squeeze %dma_start3A_163 : memref<1x1x128xi32, #tpu.memory_space<vmem>> -> memref<128xi32, #tpu.memory_space<vmem>>
      %dma_start3A_165 = arith.constant 0 : i32
      %dma_start3A_166 = arith.constant 0 : i32
      %dma_start3A_167 = tpu.memref_slice %arg2[%dma_start3A_165, %dma_start3A_166] : memref<10000x128xf32, #tpu.memory_space<hbm>> -> memref<10000x128xf32, #tpu.memory_space<hbm>>
      tpu.enqueue_indirect_dma source(%dma_start3A_167 : memref<10000x128xf32, #tpu.memory_space<hbm>>) target(%arg8 : memref<128x128xf32, #tpu.memory_space<vmem>>) offsets(%dma_start3A_164 : memref<128xi32, #tpu.memory_space<vmem>>) semaphore(%arg12 : memref<!tpu.dma_semaphore, #tpu.memory_space<semaphore_mem>>)
      %mul3A_168 = arith.constant 8 : i32
      %mul3A_169 = arith.muli %while3A_70, %mul3A_168 : i32
      %add3A_170 = arith.constant 2 : i32
      %add3A_171 = arith.addi %mul3A_169, %add3A_170 : i32
      %dma_wait3A_172 = arith.constant 2 : i32
      %dma_wait3A_173 = arith.constant 0 : i32
      %dma_wait3A_174 = tpu.memref_slice %arg6[%select_n3A_84, %dma_wait3A_172, %dma_wait3A_173] : memref<2x8x128xi32, #tpu.memory_space<vmem>> -> memref<1x1x128xi32, #tpu.memory_space<vmem>>
      %dma_wait3A_175 = tpu.memref_squeeze %dma_wait3A_174 : memref<1x1x128xi32, #tpu.memory_space<vmem>> -> memref<128xi32, #tpu.memory_space<vmem>>
      %dma_wait3A_176 = arith.constant 0 : i32
      %dma_wait3A_177 = arith.constant 0 : i32
      %dma_wait3A_178 = tpu.memref_slice %arg2[%dma_wait3A_176, %dma_wait3A_177] : memref<10000x128xf32, #tpu.memory_space<hbm>> -> memref<10000x128xf32, #tpu.memory_space<hbm>>
      tpu.wait_indirect_dma semaphore(%arg12 : memref<!tpu.dma_semaphore, #tpu.memory_space<semaphore_mem>>) src(%dma_wait3A_178 : memref<10000x128xf32, #tpu.memory_space<hbm>>) dst(%arg8 : memref<128x128xf32, #tpu.memory_space<vmem>>)
      %dma_start3A_179 = arith.constant 2 : i32
      %dma_start3A_180 = arith.constant 0 : i32
      %dma_start3A_181 = tpu.memref_slice %arg7[%select_n3A_84, %dma_start3A_179, %dma_start3A_180] : memref<2x8x128xi32, #tpu.memory_space<vmem>> -> memref<1x1x128xi32, #tpu.memory_space<vmem>>
      %dma_start3A_182 = tpu.memref_squeeze %dma_start3A_181 : memref<1x1x128xi32, #tpu.memory_space<vmem>> -> memref<128xi32, #tpu.memory_space<vmem>>
      %dma_start3A_183 = arith.constant 0 : i32
      %dma_start3A_184 = arith.constant 0 : i32
      %dma_start3A_185 = tpu.memref_slice %arg10[%dma_start3A_183, %dma_start3A_184] : memref<10112x128xf32, #tpu.memory_space<vmem_shared>> -> memref<10112x128xf32, #tpu.memory_space<vmem_shared>>
      tpu.enqueue_indirect_dma source(%arg8 : memref<128x128xf32, #tpu.memory_space<vmem>>) target(%dma_start3A_185 : memref<10112x128xf32, #tpu.memory_space<vmem_shared>>) offsets(%dma_start3A_182 : memref<128xi32, #tpu.memory_space<vmem>>) semaphore(%arg14 : memref<!tpu.dma_semaphore, #tpu.memory_space<semaphore_mem>>) {add = true}
      %ge3A_186 = arith.constant 1 : i32
      %ge3A_187 = arith.cmpi sge, %add3A_171, %ge3A_186 : i32
      %convert_element_type3A_188 = arith.extui %ge3A_187 : i1 to i32
      %cond3A_189 = arith.constant 0 : i32
      %cond3A_190 = arith.cmpi ne, %convert_element_type3A_188, %cond3A_189 : i32
      scf.if %cond3A_190 {
        %dma_wait3A_348 = arith.constant 2 : i32
        %dma_wait3A_349 = arith.constant 0 : i32
        %dma_wait3A_350 = tpu.memref_slice %arg7[%select_n3A_84, %dma_wait3A_348, %dma_wait3A_349] : memref<2x8x128xi32, #tpu.memory_space<vmem>> -> memref<1x1x128xi32, #tpu.memory_space<vmem>>
        %dma_wait3A_351 = tpu.memref_squeeze %dma_wait3A_350 : memref<1x1x128xi32, #tpu.memory_space<vmem>> -> memref<128xi32, #tpu.memory_space<vmem>>
        %dma_wait3A_352 = arith.constant 0 : i32
        %dma_wait3A_353 = arith.constant 0 : i32
        %dma_wait3A_354 = tpu.memref_slice %arg10[%dma_wait3A_352, %dma_wait3A_353] : memref<10112x128xf32, #tpu.memory_space<vmem_shared>> -> memref<10112x128xf32, #tpu.memory_space<vmem_shared>>
        tpu.wait_indirect_dma semaphore(%arg15 : memref<!tpu.dma_semaphore, #tpu.memory_space<semaphore_mem>>) src(%arg9 : memref<128x128xf32, #tpu.memory_space<vmem>>) dst(%dma_wait3A_354 : memref<10112x128xf32, #tpu.memory_space<vmem_shared>>)
      } else {
      }
      %dma_start3A_191 = arith.constant 3 : i32
      %dma_start3A_192 = arith.constant 0 : i32
      %dma_start3A_193 = tpu.memref_slice %arg6[%select_n3A_84, %dma_start3A_191, %dma_start3A_192] : memref<2x8x128xi32, #tpu.memory_space<vmem>> -> memref<1x1x128xi32, #tpu.memory_space<vmem>>
      %dma_start3A_194 = tpu.memref_squeeze %dma_start3A_193 : memref<1x1x128xi32, #tpu.memory_space<vmem>> -> memref<128xi32, #tpu.memory_space<vmem>>
      %dma_start3A_195 = arith.constant 0 : i32
      %dma_start3A_196 = arith.constant 0 : i32
      %dma_start3A_197 = tpu.memref_slice %arg2[%dma_start3A_195, %dma_start3A_196] : memref<10000x128xf32, #tpu.memory_space<hbm>> -> memref<10000x128xf32, #tpu.memory_space<hbm>>
      tpu.enqueue_indirect_dma source(%dma_start3A_197 : memref<10000x128xf32, #tpu.memory_space<hbm>>) target(%arg9 : memref<128x128xf32, #tpu.memory_space<vmem>>) offsets(%dma_start3A_194 : memref<128xi32, #tpu.memory_space<vmem>>) semaphore(%arg13 : memref<!tpu.dma_semaphore, #tpu.memory_space<semaphore_mem>>)
      %mul3A_198 = arith.constant 8 : i32
      %mul3A_199 = arith.muli %while3A_70, %mul3A_198 : i32
      %add3A_200 = arith.constant 3 : i32
      %add3A_201 = arith.addi %mul3A_199, %add3A_200 : i32
      %dma_wait3A_202 = arith.constant 3 : i32
      %dma_wait3A_203 = arith.constant 0 : i32
      %dma_wait3A_204 = tpu.memref_slice %arg6[%select_n3A_84, %dma_wait3A_202, %dma_wait3A_203] : memref<2x8x128xi32, #tpu.memory_space<vmem>> -> memref<1x1x128xi32, #tpu.memory_space<vmem>>
      %dma_wait3A_205 = tpu.memref_squeeze %dma_wait3A_204 : memref<1x1x128xi32, #tpu.memory_space<vmem>> -> memref<128xi32, #tpu.memory_space<vmem>>
      %dma_wait3A_206 = arith.constant 0 : i32
      %dma_wait3A_207 = arith.constant 0 : i32
      %dma_wait3A_208 = tpu.memref_slice %arg2[%dma_wait3A_206, %dma_wait3A_207] : memref<10000x128xf32, #tpu.memory_space<hbm>> -> memref<10000x128xf32, #tpu.memory_space<hbm>>
      tpu.wait_indirect_dma semaphore(%arg13 : memref<!tpu.dma_semaphore, #tpu.memory_space<semaphore_mem>>) src(%dma_wait3A_208 : memref<10000x128xf32, #tpu.memory_space<hbm>>) dst(%arg9 : memref<128x128xf32, #tpu.memory_space<vmem>>)
      %dma_start3A_209 = arith.constant 3 : i32
      %dma_start3A_210 = arith.constant 0 : i32
      %dma_start3A_211 = tpu.memref_slice %arg7[%select_n3A_84, %dma_start3A_209, %dma_start3A_210] : memref<2x8x128xi32, #tpu.memory_space<vmem>> -> memref<1x1x128xi32, #tpu.memory_space<vmem>>
      %dma_start3A_212 = tpu.memref_squeeze %dma_start3A_211 : memref<1x1x128xi32, #tpu.memory_space<vmem>> -> memref<128xi32, #tpu.memory_space<vmem>>
      %dma_start3A_213 = arith.constant 0 : i32
      %dma_start3A_214 = arith.constant 0 : i32
      %dma_start3A_215 = tpu.memref_slice %arg10[%dma_start3A_213, %dma_start3A_214] : memref<10112x128xf32, #tpu.memory_space<vmem_shared>> -> memref<10112x128xf32, #tpu.memory_space<vmem_shared>>
      tpu.enqueue_indirect_dma source(%arg9 : memref<128x128xf32, #tpu.memory_space<vmem>>) target(%dma_start3A_215 : memref<10112x128xf32, #tpu.memory_space<vmem_shared>>) offsets(%dma_start3A_212 : memref<128xi32, #tpu.memory_space<vmem>>) semaphore(%arg15 : memref<!tpu.dma_semaphore, #tpu.memory_space<semaphore_mem>>) {add = true}
      %ge3A_216 = arith.constant 1 : i32
      %ge3A_217 = arith.cmpi sge, %add3A_201, %ge3A_216 : i32
      %convert_element_type3A_218 = arith.extui %ge3A_217 : i1 to i32
      %cond3A_219 = arith.constant 0 : i32
      %cond3A_220 = arith.cmpi ne, %convert_element_type3A_218, %cond3A_219 : i32
      scf.if %cond3A_220 {
        %dma_wait3A_348 = arith.constant 3 : i32
        %dma_wait3A_349 = arith.constant 0 : i32
        %dma_wait3A_350 = tpu.memref_slice %arg7[%select_n3A_84, %dma_wait3A_348, %dma_wait3A_349] : memref<2x8x128xi32, #tpu.memory_space<vmem>> -> memref<1x1x128xi32, #tpu.memory_space<vmem>>
        %dma_wait3A_351 = tpu.memref_squeeze %dma_wait3A_350 : memref<1x1x128xi32, #tpu.memory_space<vmem>> -> memref<128xi32, #tpu.memory_space<vmem>>
        %dma_wait3A_352 = arith.constant 0 : i32
        %dma_wait3A_353 = arith.constant 0 : i32
        %dma_wait3A_354 = tpu.memref_slice %arg10[%dma_wait3A_352, %dma_wait3A_353] : memref<10112x128xf32, #tpu.memory_space<vmem_shared>> -> memref<10112x128xf32, #tpu.memory_space<vmem_shared>>
        tpu.wait_indirect_dma semaphore(%arg14 : memref<!tpu.dma_semaphore, #tpu.memory_space<semaphore_mem>>) src(%arg8 : memref<128x128xf32, #tpu.memory_space<vmem>>) dst(%dma_wait3A_354 : memref<10112x128xf32, #tpu.memory_space<vmem_shared>>)
      } else {
      }
      %dma_start3A_221 = arith.constant 4 : i32
      %dma_start3A_222 = arith.constant 0 : i32
      %dma_start3A_223 = tpu.memref_slice %arg6[%select_n3A_84, %dma_start3A_221, %dma_start3A_222] : memref<2x8x128xi32, #tpu.memory_space<vmem>> -> memref<1x1x128xi32, #tpu.memory_space<vmem>>
      %dma_start3A_224 = tpu.memref_squeeze %dma_start3A_223 : memref<1x1x128xi32, #tpu.memory_space<vmem>> -> memref<128xi32, #tpu.memory_space<vmem>>
      %dma_start3A_225 = arith.constant 0 : i32
      %dma_start3A_226 = arith.constant 0 : i32
      %dma_start3A_227 = tpu.memref_slice %arg2[%dma_start3A_225, %dma_start3A_226] : memref<10000x128xf32, #tpu.memory_space<hbm>> -> memref<10000x128xf32, #tpu.memory_space<hbm>>
      tpu.enqueue_indirect_dma source(%dma_start3A_227 : memref<10000x128xf32, #tpu.memory_space<hbm>>) target(%arg8 : memref<128x128xf32, #tpu.memory_space<vmem>>) offsets(%dma_start3A_224 : memref<128xi32, #tpu.memory_space<vmem>>) semaphore(%arg12 : memref<!tpu.dma_semaphore, #tpu.memory_space<semaphore_mem>>)
      %mul3A_228 = arith.constant 8 : i32
      %mul3A_229 = arith.muli %while3A_70, %mul3A_228 : i32
      %add3A_230 = arith.constant 4 : i32
      %add3A_231 = arith.addi %mul3A_229, %add3A_230 : i32
      %dma_wait3A_232 = arith.constant 4 : i32
      %dma_wait3A_233 = arith.constant 0 : i32
      %dma_wait3A_234 = tpu.memref_slice %arg6[%select_n3A_84, %dma_wait3A_232, %dma_wait3A_233] : memref<2x8x128xi32, #tpu.memory_space<vmem>> -> memref<1x1x128xi32, #tpu.memory_space<vmem>>
      %dma_wait3A_235 = tpu.memref_squeeze %dma_wait3A_234 : memref<1x1x128xi32, #tpu.memory_space<vmem>> -> memref<128xi32, #tpu.memory_space<vmem>>
      %dma_wait3A_236 = arith.constant 0 : i32
      %dma_wait3A_237 = arith.constant 0 : i32
      %dma_wait3A_238 = tpu.memref_slice %arg2[%dma_wait3A_236, %dma_wait3A_237] : memref<10000x128xf32, #tpu.memory_space<hbm>> -> memref<10000x128xf32, #tpu.memory_space<hbm>>
      tpu.wait_indirect_dma semaphore(%arg12 : memref<!tpu.dma_semaphore, #tpu.memory_space<semaphore_mem>>) src(%dma_wait3A_238 : memref<10000x128xf32, #tpu.memory_space<hbm>>) dst(%arg8 : memref<128x128xf32, #tpu.memory_space<vmem>>)
      %dma_start3A_239 = arith.constant 4 : i32
      %dma_start3A_240 = arith.constant 0 : i32
      %dma_start3A_241 = tpu.memref_slice %arg7[%select_n3A_84, %dma_start3A_239, %dma_start3A_240] : memref<2x8x128xi32, #tpu.memory_space<vmem>> -> memref<1x1x128xi32, #tpu.memory_space<vmem>>
      %dma_start3A_242 = tpu.memref_squeeze %dma_start3A_241 : memref<1x1x128xi32, #tpu.memory_space<vmem>> -> memref<128xi32, #tpu.memory_space<vmem>>
      %dma_start3A_243 = arith.constant 0 : i32
      %dma_start3A_244 = arith.constant 0 : i32
      %dma_start3A_245 = tpu.memref_slice %arg10[%dma_start3A_243, %dma_start3A_244] : memref<10112x128xf32, #tpu.memory_space<vmem_shared>> -> memref<10112x128xf32, #tpu.memory_space<vmem_shared>>
      tpu.enqueue_indirect_dma source(%arg8 : memref<128x128xf32, #tpu.memory_space<vmem>>) target(%dma_start3A_245 : memref<10112x128xf32, #tpu.memory_space<vmem_shared>>) offsets(%dma_start3A_242 : memref<128xi32, #tpu.memory_space<vmem>>) semaphore(%arg14 : memref<!tpu.dma_semaphore, #tpu.memory_space<semaphore_mem>>) {add = true}
      %ge3A_246 = arith.constant 1 : i32
      %ge3A_247 = arith.cmpi sge, %add3A_231, %ge3A_246 : i32
      %convert_element_type3A_248 = arith.extui %ge3A_247 : i1 to i32
      %cond3A_249 = arith.constant 0 : i32
      %cond3A_250 = arith.cmpi ne, %convert_element_type3A_248, %cond3A_249 : i32
      scf.if %cond3A_250 {
        %dma_wait3A_348 = arith.constant 4 : i32
        %dma_wait3A_349 = arith.constant 0 : i32
        %dma_wait3A_350 = tpu.memref_slice %arg7[%select_n3A_84, %dma_wait3A_348, %dma_wait3A_349] : memref<2x8x128xi32, #tpu.memory_space<vmem>> -> memref<1x1x128xi32, #tpu.memory_space<vmem>>
        %dma_wait3A_351 = tpu.memref_squeeze %dma_wait3A_350 : memref<1x1x128xi32, #tpu.memory_space<vmem>> -> memref<128xi32, #tpu.memory_space<vmem>>
        %dma_wait3A_352 = arith.constant 0 : i32
        %dma_wait3A_353 = arith.constant 0 : i32
        %dma_wait3A_354 = tpu.memref_slice %arg10[%dma_wait3A_352, %dma_wait3A_353] : memref<10112x128xf32, #tpu.memory_space<vmem_shared>> -> memref<10112x128xf32, #tpu.memory_space<vmem_shared>>
        tpu.wait_indirect_dma semaphore(%arg15 : memref<!tpu.dma_semaphore, #tpu.memory_space<semaphore_mem>>) src(%arg9 : memref<128x128xf32, #tpu.memory_space<vmem>>) dst(%dma_wait3A_354 : memref<10112x128xf32, #tpu.memory_space<vmem_shared>>)
      } else {
      }
      %dma_start3A_251 = arith.constant 5 : i32
      %dma_start3A_252 = arith.constant 0 : i32
      %dma_start3A_253 = tpu.memref_slice %arg6[%select_n3A_84, %dma_start3A_251, %dma_start3A_252] : memref<2x8x128xi32, #tpu.memory_space<vmem>> -> memref<1x1x128xi32, #tpu.memory_space<vmem>>
      %dma_start3A_254 = tpu.memref_squeeze %dma_start3A_253 : memref<1x1x128xi32, #tpu.memory_space<vmem>> -> memref<128xi32, #tpu.memory_space<vmem>>
      %dma_start3A_255 = arith.constant 0 : i32
      %dma_start3A_256 = arith.constant 0 : i32
      %dma_start3A_257 = tpu.memref_slice %arg2[%dma_start3A_255, %dma_start3A_256] : memref<10000x128xf32, #tpu.memory_space<hbm>> -> memref<10000x128xf32, #tpu.memory_space<hbm>>
      tpu.enqueue_indirect_dma source(%dma_start3A_257 : memref<10000x128xf32, #tpu.memory_space<hbm>>) target(%arg9 : memref<128x128xf32, #tpu.memory_space<vmem>>) offsets(%dma_start3A_254 : memref<128xi32, #tpu.memory_space<vmem>>) semaphore(%arg13 : memref<!tpu.dma_semaphore, #tpu.memory_space<semaphore_mem>>)
      %mul3A_258 = arith.constant 8 : i32
      %mul3A_259 = arith.muli %while3A_70, %mul3A_258 : i32
      %add3A_260 = arith.constant 5 : i32
      %add3A_261 = arith.addi %mul3A_259, %add3A_260 : i32
      %dma_wait3A_262 = arith.constant 5 : i32
      %dma_wait3A_263 = arith.constant 0 : i32
      %dma_wait3A_264 = tpu.memref_slice %arg6[%select_n3A_84, %dma_wait3A_262, %dma_wait3A_263] : memref<2x8x128xi32, #tpu.memory_space<vmem>> -> memref<1x1x128xi32, #tpu.memory_space<vmem>>
      %dma_wait3A_265 = tpu.memref_squeeze %dma_wait3A_264 : memref<1x1x128xi32, #tpu.memory_space<vmem>> -> memref<128xi32, #tpu.memory_space<vmem>>
      %dma_wait3A_266 = arith.constant 0 : i32
      %dma_wait3A_267 = arith.constant 0 : i32
      %dma_wait3A_268 = tpu.memref_slice %arg2[%dma_wait3A_266, %dma_wait3A_267] : memref<10000x128xf32, #tpu.memory_space<hbm>> -> memref<10000x128xf32, #tpu.memory_space<hbm>>
      tpu.wait_indirect_dma semaphore(%arg13 : memref<!tpu.dma_semaphore, #tpu.memory_space<semaphore_mem>>) src(%dma_wait3A_268 : memref<10000x128xf32, #tpu.memory_space<hbm>>) dst(%arg9 : memref<128x128xf32, #tpu.memory_space<vmem>>)
      %dma_start3A_269 = arith.constant 5 : i32
      %dma_start3A_270 = arith.constant 0 : i32
      %dma_start3A_271 = tpu.memref_slice %arg7[%select_n3A_84, %dma_start3A_269, %dma_start3A_270] : memref<2x8x128xi32, #tpu.memory_space<vmem>> -> memref<1x1x128xi32, #tpu.memory_space<vmem>>
      %dma_start3A_272 = tpu.memref_squeeze %dma_start3A_271 : memref<1x1x128xi32, #tpu.memory_space<vmem>> -> memref<128xi32, #tpu.memory_space<vmem>>
      %dma_start3A_273 = arith.constant 0 : i32
      %dma_start3A_274 = arith.constant 0 : i32
      %dma_start3A_275 = tpu.memref_slice %arg10[%dma_start3A_273, %dma_start3A_274] : memref<10112x128xf32, #tpu.memory_space<vmem_shared>> -> memref<10112x128xf32, #tpu.memory_space<vmem_shared>>
      tpu.enqueue_indirect_dma source(%arg9 : memref<128x128xf32, #tpu.memory_space<vmem>>) target(%dma_start3A_275 : memref<10112x128xf32, #tpu.memory_space<vmem_shared>>) offsets(%dma_start3A_272 : memref<128xi32, #tpu.memory_space<vmem>>) semaphore(%arg15 : memref<!tpu.dma_semaphore, #tpu.memory_space<semaphore_mem>>) {add = true}
      %ge3A_276 = arith.constant 1 : i32
      %ge3A_277 = arith.cmpi sge, %add3A_261, %ge3A_276 : i32
      %convert_element_type3A_278 = arith.extui %ge3A_277 : i1 to i32
      %cond3A_279 = arith.constant 0 : i32
      %cond3A_280 = arith.cmpi ne, %convert_element_type3A_278, %cond3A_279 : i32
      scf.if %cond3A_280 {
        %dma_wait3A_348 = arith.constant 5 : i32
        %dma_wait3A_349 = arith.constant 0 : i32
        %dma_wait3A_350 = tpu.memref_slice %arg7[%select_n3A_84, %dma_wait3A_348, %dma_wait3A_349] : memref<2x8x128xi32, #tpu.memory_space<vmem>> -> memref<1x1x128xi32, #tpu.memory_space<vmem>>
        %dma_wait3A_351 = tpu.memref_squeeze %dma_wait3A_350 : memref<1x1x128xi32, #tpu.memory_space<vmem>> -> memref<128xi32, #tpu.memory_space<vmem>>
        %dma_wait3A_352 = arith.constant 0 : i32
        %dma_wait3A_353 = arith.constant 0 : i32
        %dma_wait3A_354 = tpu.memref_slice %arg10[%dma_wait3A_352, %dma_wait3A_353] : memref<10112x128xf32, #tpu.memory_space<vmem_shared>> -> memref<10112x128xf32, #tpu.memory_space<vmem_shared>>
        tpu.wait_indirect_dma semaphore(%arg14 : memref<!tpu.dma_semaphore, #tpu.memory_space<semaphore_mem>>) src(%arg8 : memref<128x128xf32, #tpu.memory_space<vmem>>) dst(%dma_wait3A_354 : memref<10112x128xf32, #tpu.memory_space<vmem_shared>>)
      } else {
      }
      %dma_start3A_281 = arith.constant 6 : i32
      %dma_start3A_282 = arith.constant 0 : i32
      %dma_start3A_283 = tpu.memref_slice %arg6[%select_n3A_84, %dma_start3A_281, %dma_start3A_282] : memref<2x8x128xi32, #tpu.memory_space<vmem>> -> memref<1x1x128xi32, #tpu.memory_space<vmem>>
      %dma_start3A_284 = tpu.memref_squeeze %dma_start3A_283 : memref<1x1x128xi32, #tpu.memory_space<vmem>> -> memref<128xi32, #tpu.memory_space<vmem>>
      %dma_start3A_285 = arith.constant 0 : i32
      %dma_start3A_286 = arith.constant 0 : i32
      %dma_start3A_287 = tpu.memref_slice %arg2[%dma_start3A_285, %dma_start3A_286] : memref<10000x128xf32, #tpu.memory_space<hbm>> -> memref<10000x128xf32, #tpu.memory_space<hbm>>
      tpu.enqueue_indirect_dma source(%dma_start3A_287 : memref<10000x128xf32, #tpu.memory_space<hbm>>) target(%arg8 : memref<128x128xf32, #tpu.memory_space<vmem>>) offsets(%dma_start3A_284 : memref<128xi32, #tpu.memory_space<vmem>>) semaphore(%arg12 : memref<!tpu.dma_semaphore, #tpu.memory_space<semaphore_mem>>)
      %mul3A_288 = arith.constant 8 : i32
      %mul3A_289 = arith.muli %while3A_70, %mul3A_288 : i32
      %add3A_290 = arith.constant 6 : i32
      %add3A_291 = arith.addi %mul3A_289, %add3A_290 : i32
      %dma_wait3A_292 = arith.constant 6 : i32
      %dma_wait3A_293 = arith.constant 0 : i32
      %dma_wait3A_294 = tpu.memref_slice %arg6[%select_n3A_84, %dma_wait3A_292, %dma_wait3A_293] : memref<2x8x128xi32, #tpu.memory_space<vmem>> -> memref<1x1x128xi32, #tpu.memory_space<vmem>>
      %dma_wait3A_295 = tpu.memref_squeeze %dma_wait3A_294 : memref<1x1x128xi32, #tpu.memory_space<vmem>> -> memref<128xi32, #tpu.memory_space<vmem>>
      %dma_wait3A_296 = arith.constant 0 : i32
      %dma_wait3A_297 = arith.constant 0 : i32
      %dma_wait3A_298 = tpu.memref_slice %arg2[%dma_wait3A_296, %dma_wait3A_297] : memref<10000x128xf32, #tpu.memory_space<hbm>> -> memref<10000x128xf32, #tpu.memory_space<hbm>>
      tpu.wait_indirect_dma semaphore(%arg12 : memref<!tpu.dma_semaphore, #tpu.memory_space<semaphore_mem>>) src(%dma_wait3A_298 : memref<10000x128xf32, #tpu.memory_space<hbm>>) dst(%arg8 : memref<128x128xf32, #tpu.memory_space<vmem>>)
      %dma_start3A_299 = arith.constant 6 : i32
      %dma_start3A_300 = arith.constant 0 : i32
      %dma_start3A_301 = tpu.memref_slice %arg7[%select_n3A_84, %dma_start3A_299, %dma_start3A_300] : memref<2x8x128xi32, #tpu.memory_space<vmem>> -> memref<1x1x128xi32, #tpu.memory_space<vmem>>
      %dma_start3A_302 = tpu.memref_squeeze %dma_start3A_301 : memref<1x1x128xi32, #tpu.memory_space<vmem>> -> memref<128xi32, #tpu.memory_space<vmem>>
      %dma_start3A_303 = arith.constant 0 : i32
      %dma_start3A_304 = arith.constant 0 : i32
      %dma_start3A_305 = tpu.memref_slice %arg10[%dma_start3A_303, %dma_start3A_304] : memref<10112x128xf32, #tpu.memory_space<vmem_shared>> -> memref<10112x128xf32, #tpu.memory_space<vmem_shared>>
      tpu.enqueue_indirect_dma source(%arg8 : memref<128x128xf32, #tpu.memory_space<vmem>>) target(%dma_start3A_305 : memref<10112x128xf32, #tpu.memory_space<vmem_shared>>) offsets(%dma_start3A_302 : memref<128xi32, #tpu.memory_space<vmem>>) semaphore(%arg14 : memref<!tpu.dma_semaphore, #tpu.memory_space<semaphore_mem>>) {add = true}
      %ge3A_306 = arith.constant 1 : i32
      %ge3A_307 = arith.cmpi sge, %add3A_291, %ge3A_306 : i32
      %convert_element_type3A_308 = arith.extui %ge3A_307 : i1 to i32
      %cond3A_309 = arith.constant 0 : i32
      %cond3A_310 = arith.cmpi ne, %convert_element_type3A_308, %cond3A_309 : i32
      scf.if %cond3A_310 {
        %dma_wait3A_348 = arith.constant 6 : i32
        %dma_wait3A_349 = arith.constant 0 : i32
        %dma_wait3A_350 = tpu.memref_slice %arg7[%select_n3A_84, %dma_wait3A_348, %dma_wait3A_349] : memref<2x8x128xi32, #tpu.memory_space<vmem>> -> memref<1x1x128xi32, #tpu.memory_space<vmem>>
        %dma_wait3A_351 = tpu.memref_squeeze %dma_wait3A_350 : memref<1x1x128xi32, #tpu.memory_space<vmem>> -> memref<128xi32, #tpu.memory_space<vmem>>
        %dma_wait3A_352 = arith.constant 0 : i32
        %dma_wait3A_353 = arith.constant 0 : i32
        %dma_wait3A_354 = tpu.memref_slice %arg10[%dma_wait3A_352, %dma_wait3A_353] : memref<10112x128xf32, #tpu.memory_space<vmem_shared>> -> memref<10112x128xf32, #tpu.memory_space<vmem_shared>>
        tpu.wait_indirect_dma semaphore(%arg15 : memref<!tpu.dma_semaphore, #tpu.memory_space<semaphore_mem>>) src(%arg9 : memref<128x128xf32, #tpu.memory_space<vmem>>) dst(%dma_wait3A_354 : memref<10112x128xf32, #tpu.memory_space<vmem_shared>>)
      } else {
      }
      %dma_start3A_311 = arith.constant 7 : i32
      %dma_start3A_312 = arith.constant 0 : i32
      %dma_start3A_313 = tpu.memref_slice %arg6[%select_n3A_84, %dma_start3A_311, %dma_start3A_312] : memref<2x8x128xi32, #tpu.memory_space<vmem>> -> memref<1x1x128xi32, #tpu.memory_space<vmem>>
      %dma_start3A_314 = tpu.memref_squeeze %dma_start3A_313 : memref<1x1x128xi32, #tpu.memory_space<vmem>> -> memref<128xi32, #tpu.memory_space<vmem>>
      %dma_start3A_315 = arith.constant 0 : i32
      %dma_start3A_316 = arith.constant 0 : i32
      %dma_start3A_317 = tpu.memref_slice %arg2[%dma_start3A_315, %dma_start3A_316] : memref<10000x128xf32, #tpu.memory_space<hbm>> -> memref<10000x128xf32, #tpu.memory_space<hbm>>
      tpu.enqueue_indirect_dma source(%dma_start3A_317 : memref<10000x128xf32, #tpu.memory_space<hbm>>) target(%arg9 : memref<128x128xf32, #tpu.memory_space<vmem>>) offsets(%dma_start3A_314 : memref<128xi32, #tpu.memory_space<vmem>>) semaphore(%arg13 : memref<!tpu.dma_semaphore, #tpu.memory_space<semaphore_mem>>)
      %mul3A_318 = arith.constant 8 : i32
      %mul3A_319 = arith.muli %while3A_70, %mul3A_318 : i32
      %add3A_320 = arith.constant 7 : i32
      %add3A_321 = arith.addi %mul3A_319, %add3A_320 : i32
      %dma_wait3A_322 = arith.constant 7 : i32
      %dma_wait3A_323 = arith.constant 0 : i32
      %dma_wait3A_324 = tpu.memref_slice %arg6[%select_n3A_84, %dma_wait3A_322, %dma_wait3A_323] : memref<2x8x128xi32, #tpu.memory_space<vmem>> -> memref<1x1x128xi32, #tpu.memory_space<vmem>>
      %dma_wait3A_325 = tpu.memref_squeeze %dma_wait3A_324 : memref<1x1x128xi32, #tpu.memory_space<vmem>> -> memref<128xi32, #tpu.memory_space<vmem>>
      %dma_wait3A_326 = arith.constant 0 : i32
      %dma_wait3A_327 = arith.constant 0 : i32
      %dma_wait3A_328 = tpu.memref_slice %arg2[%dma_wait3A_326, %dma_wait3A_327] : memref<10000x128xf32, #tpu.memory_space<hbm>> -> memref<10000x128xf32, #tpu.memory_space<hbm>>
      tpu.wait_indirect_dma semaphore(%arg13 : memref<!tpu.dma_semaphore, #tpu.memory_space<semaphore_mem>>) src(%dma_wait3A_328 : memref<10000x128xf32, #tpu.memory_space<hbm>>) dst(%arg9 : memref<128x128xf32, #tpu.memory_space<vmem>>)
      %dma_start3A_329 = arith.constant 7 : i32
      %dma_start3A_330 = arith.constant 0 : i32
      %dma_start3A_331 = tpu.memref_slice %arg7[%select_n3A_84, %dma_start3A_329, %dma_start3A_330] : memref<2x8x128xi32, #tpu.memory_space<vmem>> -> memref<1x1x128xi32, #tpu.memory_space<vmem>>
      %dma_start3A_332 = tpu.memref_squeeze %dma_start3A_331 : memref<1x1x128xi32, #tpu.memory_space<vmem>> -> memref<128xi32, #tpu.memory_space<vmem>>
      %dma_start3A_333 = arith.constant 0 : i32
      %dma_start3A_334 = arith.constant 0 : i32
      %dma_start3A_335 = tpu.memref_slice %arg10[%dma_start3A_333, %dma_start3A_334] : memref<10112x128xf32, #tpu.memory_space<vmem_shared>> -> memref<10112x128xf32, #tpu.memory_space<vmem_shared>>
      tpu.enqueue_indirect_dma source(%arg9 : memref<128x128xf32, #tpu.memory_space<vmem>>) target(%dma_start3A_335 : memref<10112x128xf32, #tpu.memory_space<vmem_shared>>) offsets(%dma_start3A_332 : memref<128xi32, #tpu.memory_space<vmem>>) semaphore(%arg15 : memref<!tpu.dma_semaphore, #tpu.memory_space<semaphore_mem>>) {add = true}
      %ge3A_336 = arith.constant 1 : i32
      %ge3A_337 = arith.cmpi sge, %add3A_321, %ge3A_336 : i32
      %convert_element_type3A_338 = arith.extui %ge3A_337 : i1 to i32
      %cond3A_339 = arith.constant 0 : i32
      %cond3A_340 = arith.cmpi ne, %convert_element_type3A_338, %cond3A_339 : i32
      scf.if %cond3A_340 {
        %dma_wait3A_348 = arith.constant 7 : i32
        %dma_wait3A_349 = arith.constant 0 : i32
        %dma_wait3A_350 = tpu.memref_slice %arg7[%select_n3A_84, %dma_wait3A_348, %dma_wait3A_349] : memref<2x8x128xi32, #tpu.memory_space<vmem>> -> memref<1x1x128xi32, #tpu.memory_space<vmem>>
        %dma_wait3A_351 = tpu.memref_squeeze %dma_wait3A_350 : memref<1x1x128xi32, #tpu.memory_space<vmem>> -> memref<128xi32, #tpu.memory_space<vmem>>
        %dma_wait3A_352 = arith.constant 0 : i32
        %dma_wait3A_353 = arith.constant 0 : i32
        %dma_wait3A_354 = tpu.memref_slice %arg10[%dma_wait3A_352, %dma_wait3A_353] : memref<10112x128xf32, #tpu.memory_space<vmem_shared>> -> memref<10112x128xf32, #tpu.memory_space<vmem_shared>>
        tpu.wait_indirect_dma semaphore(%arg14 : memref<!tpu.dma_semaphore, #tpu.memory_space<semaphore_mem>>) src(%arg8 : memref<128x128xf32, #tpu.memory_space<vmem>>) dst(%dma_wait3A_354 : memref<10112x128xf32, #tpu.memory_space<vmem_shared>>)
      } else {
      }
      %add3A_341 = arith.constant 1 : i32
      %add3A_342 = arith.addi %while3A_70, %add3A_341 : i32
      %lt3A_343 = arith.cmpi slt, %add3A_342, %select_n3A : i32
      %convert_element_type3A_344 = arith.extui %lt3A_343 : i1 to i32
      %cond3A_345 = arith.constant 0 : i32
      %cond3A_346 = arith.cmpi ne, %convert_element_type3A_344, %cond3A_345 : i32
      scf.if %cond3A_346 {
        %add3A_348 = arith.constant 1 : i32
        %add3A_349 = arith.addi %while3A_70, %add3A_348 : i32
        %mul3A_350 = arith.constant 8 : i32
        %mul3A_351 = arith.muli %add3A_349, %mul3A_350 : i32
        %dma_wait3A_352 = arith.constant 0 : i32
        %dma_wait3A_353 = arith.constant 0 : i32
        %dma_wait3A_354 = tpu.memref_slice %arg6[%select_n3A_102, %dma_wait3A_352, %dma_wait3A_353] : memref<2x8x128xi32, #tpu.memory_space<vmem>> -> memref<1x8x128xi32, #tpu.memory_space<vmem>>
        %dma_wait3A_355 = tpu.memref_squeeze %dma_wait3A_354 : memref<1x8x128xi32, #tpu.memory_space<vmem>> -> memref<8x128xi32, #tpu.memory_space<vmem>>
        %dma_wait3A_356 = arith.constant 0 : i32
        %dma_wait3A_357 = tpu.memref_slice %arg3[%add3A, %mul3A_351, %dma_wait3A_356] : memref<32x152x128xi32, #tpu.memory_space<hbm>> -> memref<1x8x128xi32, #tpu.memory_space<hbm>>
        %dma_wait3A_358 = tpu.memref_squeeze %dma_wait3A_357 : memref<1x8x128xi32, #tpu.memory_space<hbm>> -> memref<8x128xi32, #tpu.memory_space<hbm>>
        %dma_wait3A_359 = arith.constant 0 : i32
        %dma_wait3A_360 = arith.constant 0 : i32
        %dma_wait3A_361 = tpu.memref_slice %arg6[%select_n3A_102, %dma_wait3A_359, %dma_wait3A_360] : memref<2x8x128xi32, #tpu.memory_space<vmem>> -> memref<1x8x128xi32, #tpu.memory_space<vmem>>
        %dma_wait3A_362 = tpu.memref_squeeze %dma_wait3A_361 : memref<1x8x128xi32, #tpu.memory_space<vmem>> -> memref<8x128xi32, #tpu.memory_space<vmem>>
        %dma_wait3A_363 = arith.constant 0 : i32
        %dma_wait3A_364 = tpu.memref_slice %arg3[%add3A, %mul3A_351, %dma_wait3A_363] : memref<32x152x128xi32, #tpu.memory_space<hbm>> -> memref<1x8x128xi32, #tpu.memory_space<hbm>>
        %dma_wait3A_365 = tpu.memref_squeeze %dma_wait3A_364 : memref<1x8x128xi32, #tpu.memory_space<hbm>> -> memref<8x128xi32, #tpu.memory_space<hbm>>
        tpu.wait_dma2 semaphore(%arg11 : memref<!tpu.dma_semaphore, #tpu.memory_space<semaphore_mem>>) src(%dma_wait3A_365 : memref<8x128xi32, #tpu.memory_space<hbm>>) dst(%dma_wait3A_362 : memref<8x128xi32, #tpu.memory_space<vmem>>)
        %add3A_366 = arith.constant 1 : i32
        %add3A_367 = arith.addi %while3A_70, %add3A_366 : i32
        %mul3A_368 = arith.constant 8 : i32
        %mul3A_369 = arith.muli %add3A_367, %mul3A_368 : i32
        %dma_wait3A_370 = arith.constant 0 : i32
        %dma_wait3A_371 = arith.constant 0 : i32
        %dma_wait3A_372 = tpu.memref_slice %arg7[%select_n3A_102, %dma_wait3A_370, %dma_wait3A_371] : memref<2x8x128xi32, #tpu.memory_space<vmem>> -> memref<1x8x128xi32, #tpu.memory_space<vmem>>
        %dma_wait3A_373 = tpu.memref_squeeze %dma_wait3A_372 : memref<1x8x128xi32, #tpu.memory_space<vmem>> -> memref<8x128xi32, #tpu.memory_space<vmem>>
        %dma_wait3A_374 = arith.constant 0 : i32
        %dma_wait3A_375 = tpu.memref_slice %arg4[%add3A, %mul3A_369, %dma_wait3A_374] : memref<32x152x128xi32, #tpu.memory_space<hbm>> -> memref<1x8x128xi32, #tpu.memory_space<hbm>>
        %dma_wait3A_376 = tpu.memref_squeeze %dma_wait3A_375 : memref<1x8x128xi32, #tpu.memory_space<hbm>> -> memref<8x128xi32, #tpu.memory_space<hbm>>
        %dma_wait3A_377 = arith.constant 0 : i32
        %dma_wait3A_378 = arith.constant 0 : i32
        %dma_wait3A_379 = tpu.memref_slice %arg7[%select_n3A_102, %dma_wait3A_377, %dma_wait3A_378] : memref<2x8x128xi32, #tpu.memory_space<vmem>> -> memref<1x8x128xi32, #tpu.memory_space<vmem>>
        %dma_wait3A_380 = tpu.memref_squeeze %dma_wait3A_379 : memref<1x8x128xi32, #tpu.memory_space<vmem>> -> memref<8x128xi32, #tpu.memory_space<vmem>>
        %dma_wait3A_381 = arith.constant 0 : i32
        %dma_wait3A_382 = tpu.memref_slice %arg4[%add3A, %mul3A_369, %dma_wait3A_381] : memref<32x152x128xi32, #tpu.memory_space<hbm>> -> memref<1x8x128xi32, #tpu.memory_space<hbm>>
        %dma_wait3A_383 = tpu.memref_squeeze %dma_wait3A_382 : memref<1x8x128xi32, #tpu.memory_space<hbm>> -> memref<8x128xi32, #tpu.memory_space<hbm>>
        tpu.wait_dma2 semaphore(%arg11 : memref<!tpu.dma_semaphore, #tpu.memory_space<semaphore_mem>>) src(%dma_wait3A_383 : memref<8x128xi32, #tpu.memory_space<hbm>>) dst(%dma_wait3A_380 : memref<8x128xi32, #tpu.memory_space<vmem>>)
        %dma_start3A_384 = arith.constant 0 : i32
        %dma_start3A_385 = arith.constant 0 : i32
        %dma_start3A_386 = tpu.memref_slice %arg6[%select_n3A_102, %dma_start3A_384, %dma_start3A_385] : memref<2x8x128xi32, #tpu.memory_space<vmem>> -> memref<1x1x128xi32, #tpu.memory_space<vmem>>
        %dma_start3A_387 = tpu.memref_squeeze %dma_start3A_386 : memref<1x1x128xi32, #tpu.memory_space<vmem>> -> memref<128xi32, #tpu.memory_space<vmem>>
        %dma_start3A_388 = arith.constant 0 : i32
        %dma_start3A_389 = arith.constant 0 : i32
        %dma_start3A_390 = tpu.memref_slice %arg2[%dma_start3A_388, %dma_start3A_389] : memref<10000x128xf32, #tpu.memory_space<hbm>> -> memref<10000x128xf32, #tpu.memory_space<hbm>>
        tpu.enqueue_indirect_dma source(%dma_start3A_390 : memref<10000x128xf32, #tpu.memory_space<hbm>>) target(%arg8 : memref<128x128xf32, #tpu.memory_space<vmem>>) offsets(%dma_start3A_387 : memref<128xi32, #tpu.memory_space<vmem>>) semaphore(%arg12 : memref<!tpu.dma_semaphore, #tpu.memory_space<semaphore_mem>>)
      } else {
      }
      %while3A_347 = arith.constant 0 : i32
      scf.yield %while3A_347 : i32
    }
    %while3A_60 = arith.constant 1 : i32
    %while3A_61 = scf.for %while3A_70 = %while3A_57 to %while3A_53 step %while3A_60 iter_args(%while3A_71 = %while3A_59) -> (i32)  : i32 {
      %jit3A_72 = arith.constant 2 : i32
      %eq3A_73 = arith.constant 0 : i32
      %eq3A_74 = arith.cmpi eq, %jit3A_72, %eq3A_73 : i32
      %jit3A_75 = arith.constant 1 : i32
      %select_n3A_76 = arith.select %eq3A_74, %jit3A_75, %jit3A_72 : i32
      %rem3A = arith.remsi %while3A_70, %select_n3A_76 : i32
      %ne3A = arith.constant 0 : i32
      %ne3A_77 = arith.cmpi ne, %rem3A, %ne3A : i32
      %lt3A_78 = arith.constant 0 : i32
      %lt3A_79 = arith.cmpi slt, %rem3A, %lt3A_78 : i32
      %lt3A_80 = arith.constant 0 : i32
      %lt3A_81 = arith.cmpi slt, %select_n3A_76, %lt3A_80 : i32
      %ne3A_82 = arith.xori %lt3A_79, %lt3A_81 : i1
      %and3A = arith.andi %ne3A_82, %ne3A_77 : i1
      %add3A_83 = arith.addi %rem3A, %select_n3A_76 : i32
      %select_n3A_84 = arith.select %and3A, %add3A_83, %rem3A : i32
      %add3A_85 = arith.constant 1 : i32
      %add3A_86 = arith.addi %while3A_70, %add3A_85 : i32
      %jit3A_87 = arith.constant 2 : i32
      %eq3A_88 = arith.constant 0 : i32
      %eq3A_89 = arith.cmpi eq, %jit3A_87, %eq3A_88 : i32
      %jit3A_90 = arith.constant 1 : i32
      %select_n3A_91 = arith.select %eq3A_89, %jit3A_90, %jit3A_87 : i32
      %rem3A_92 = arith.remsi %add3A_86, %select_n3A_91 : i32
      %ne3A_93 = arith.constant 0 : i32
      %ne3A_94 = arith.cmpi ne, %rem3A_92, %ne3A_93 : i32
      %lt3A_95 = arith.constant 0 : i32
      %lt3A_96 = arith.cmpi slt, %rem3A_92, %lt3A_95 : i32
      %lt3A_97 = arith.constant 0 : i32
      %lt3A_98 = arith.cmpi slt, %select_n3A_91, %lt3A_97 : i32
      %ne3A_99 = arith.xori %lt3A_96, %lt3A_98 : i1
      %and3A_100 = arith.andi %ne3A_99, %ne3A_94 : i1
      %add3A_101 = arith.addi %rem3A_92, %select_n3A_91 : i32
      %select_n3A_102 = arith.select %and3A_100, %add3A_101, %rem3A_92 : i32
      %mul3A_103 = arith.constant 8 : i32
      %mul3A_104 = arith.muli %while3A_70, %mul3A_103 : i32
      %add3A_105 = arith.constant 0 : i32
      %add3A_106 = arith.addi %mul3A_104, %add3A_105 : i32
      %dma_wait3A_107 = arith.constant 0 : i32
      %dma_wait3A_108 = arith.constant 0 : i32
      %dma_wait3A_109 = tpu.memref_slice %arg6[%select_n3A_84, %dma_wait3A_107, %dma_wait3A_108] : memref<2x8x128xi32, #tpu.memory_space<vmem>> -> memref<1x1x128xi32, #tpu.memory_space<vmem>>
      %dma_wait3A_110 = tpu.memref_squeeze %dma_wait3A_109 : memref<1x1x128xi32, #tpu.memory_space<vmem>> -> memref<128xi32, #tpu.memory_space<vmem>>
      %dma_wait3A_111 = arith.constant 0 : i32
      %dma_wait3A_112 = arith.constant 0 : i32
      %dma_wait3A_113 = tpu.memref_slice %arg2[%dma_wait3A_111, %dma_wait3A_112] : memref<10000x128xf32, #tpu.memory_space<hbm>> -> memref<10000x128xf32, #tpu.memory_space<hbm>>
      tpu.wait_indirect_dma semaphore(%arg12 : memref<!tpu.dma_semaphore, #tpu.memory_space<semaphore_mem>>) src(%dma_wait3A_113 : memref<10000x128xf32, #tpu.memory_space<hbm>>) dst(%arg8 : memref<128x128xf32, #tpu.memory_space<vmem>>)
      %dma_start3A_114 = arith.constant 0 : i32
      %dma_start3A_115 = arith.constant 0 : i32
      %dma_start3A_116 = tpu.memref_slice %arg7[%select_n3A_84, %dma_start3A_114, %dma_start3A_115] : memref<2x8x128xi32, #tpu.memory_space<vmem>> -> memref<1x1x128xi32, #tpu.memory_space<vmem>>
      %dma_start3A_117 = tpu.memref_squeeze %dma_start3A_116 : memref<1x1x128xi32, #tpu.memory_space<vmem>> -> memref<128xi32, #tpu.memory_space<vmem>>
      %dma_start3A_118 = arith.constant 0 : i32
      %dma_start3A_119 = arith.constant 0 : i32
      %dma_start3A_120 = tpu.memref_slice %arg10[%dma_start3A_118, %dma_start3A_119] : memref<10112x128xf32, #tpu.memory_space<vmem_shared>> -> memref<10112x128xf32, #tpu.memory_space<vmem_shared>>
      tpu.enqueue_indirect_dma source(%arg8 : memref<128x128xf32, #tpu.memory_space<vmem>>) target(%dma_start3A_120 : memref<10112x128xf32, #tpu.memory_space<vmem_shared>>) offsets(%dma_start3A_117 : memref<128xi32, #tpu.memory_space<vmem>>) semaphore(%arg14 : memref<!tpu.dma_semaphore, #tpu.memory_space<semaphore_mem>>) {add = true}
      %ge3A = arith.constant 1 : i32
      %ge3A_121 = arith.cmpi sge, %add3A_106, %ge3A : i32
      %convert_element_type3A_122 = arith.extui %ge3A_121 : i1 to i32
      %cond3A_123 = arith.constant 0 : i32
      %cond3A_124 = arith.cmpi ne, %convert_element_type3A_122, %cond3A_123 : i32
      scf.if %cond3A_124 {
        %dma_wait3A_348 = arith.constant 0 : i32
        %dma_wait3A_349 = arith.constant 0 : i32
        %dma_wait3A_350 = tpu.memref_slice %arg7[%select_n3A_84, %dma_wait3A_348, %dma_wait3A_349] : memref<2x8x128xi32, #tpu.memory_space<vmem>> -> memref<1x1x128xi32, #tpu.memory_space<vmem>>
        %dma_wait3A_351 = tpu.memref_squeeze %dma_wait3A_350 : memref<1x1x128xi32, #tpu.memory_space<vmem>> -> memref<128xi32, #tpu.memory_space<vmem>>
        %dma_wait3A_352 = arith.constant 0 : i32
        %dma_wait3A_353 = arith.constant 0 : i32
        %dma_wait3A_354 = tpu.memref_slice %arg10[%dma_wait3A_352, %dma_wait3A_353] : memref<10112x128xf32, #tpu.memory_space<vmem_shared>> -> memref<10112x128xf32, #tpu.memory_space<vmem_shared>>
        tpu.wait_indirect_dma semaphore(%arg15 : memref<!tpu.dma_semaphore, #tpu.memory_space<semaphore_mem>>) src(%arg9 : memref<128x128xf32, #tpu.memory_space<vmem>>) dst(%dma_wait3A_354 : memref<10112x128xf32, #tpu.memory_space<vmem_shared>>)
      } else {
      }
      %add3A_125 = arith.constant 1 : i32
      %add3A_126 = arith.addi %while3A_70, %add3A_125 : i32
      %lt3A_127 = arith.cmpi slt, %add3A_126, %select_n3A : i32
      %convert_element_type3A_128 = arith.extui %lt3A_127 : i1 to i32
      %cond3A_129 = arith.constant 0 : i32
      %cond3A_130 = arith.cmpi ne, %convert_element_type3A_128, %cond3A_129 : i32
      scf.if %cond3A_130 {
        %add3A_348 = arith.constant 1 : i32
        %add3A_349 = arith.addi %while3A_70, %add3A_348 : i32
        %mul3A_350 = arith.constant 8 : i32
        %mul3A_351 = arith.muli %add3A_349, %mul3A_350 : i32
        %dma_start3A_352 = arith.constant 0 : i32
        %dma_start3A_353 = arith.constant 0 : i32
        %dma_start3A_354 = tpu.memref_slice %arg6[%select_n3A_102, %dma_start3A_352, %dma_start3A_353] : memref<2x8x128xi32, #tpu.memory_space<vmem>> -> memref<1x8x128xi32, #tpu.memory_space<vmem>>
        %dma_start3A_355 = tpu.memref_squeeze %dma_start3A_354 : memref<1x8x128xi32, #tpu.memory_space<vmem>> -> memref<8x128xi32, #tpu.memory_space<vmem>>
        %dma_start3A_356 = arith.constant 0 : i32
        %dma_start3A_357 = tpu.memref_slice %arg3[%add3A, %mul3A_351, %dma_start3A_356] : memref<32x152x128xi32, #tpu.memory_space<hbm>> -> memref<1x8x128xi32, #tpu.memory_space<hbm>>
        %dma_start3A_358 = tpu.memref_squeeze %dma_start3A_357 : memref<1x8x128xi32, #tpu.memory_space<hbm>> -> memref<8x128xi32, #tpu.memory_space<hbm>>
        %dma_start3A_359 = arith.constant 0 : i32
        %dma_start3A_360 = arith.constant 0 : i32
        %dma_start3A_361 = tpu.memref_slice %arg6[%select_n3A_102, %dma_start3A_359, %dma_start3A_360] : memref<2x8x128xi32, #tpu.memory_space<vmem>> -> memref<1x8x128xi32, #tpu.memory_space<vmem>>
        %dma_start3A_362 = tpu.memref_squeeze %dma_start3A_361 : memref<1x8x128xi32, #tpu.memory_space<vmem>> -> memref<8x128xi32, #tpu.memory_space<vmem>>
        %dma_start3A_363 = arith.constant 0 : i32
        %dma_start3A_364 = tpu.memref_slice %arg3[%add3A, %mul3A_351, %dma_start3A_363] : memref<32x152x128xi32, #tpu.memory_space<hbm>> -> memref<1x8x128xi32, #tpu.memory_space<hbm>>
        %dma_start3A_365 = tpu.memref_squeeze %dma_start3A_364 : memref<1x8x128xi32, #tpu.memory_space<hbm>> -> memref<8x128xi32, #tpu.memory_space<hbm>>
        tpu.enqueue_dma source(%dma_start3A_365 : memref<8x128xi32, #tpu.memory_space<hbm>>) target(%dma_start3A_362 : memref<8x128xi32, #tpu.memory_space<vmem>>) target_semaphore(%arg11 : memref<!tpu.dma_semaphore, #tpu.memory_space<semaphore_mem>>)
        %add3A_366 = arith.constant 1 : i32
        %add3A_367 = arith.addi %while3A_70, %add3A_366 : i32
        %mul3A_368 = arith.constant 8 : i32
        %mul3A_369 = arith.muli %add3A_367, %mul3A_368 : i32
        %dma_start3A_370 = arith.constant 0 : i32
        %dma_start3A_371 = arith.constant 0 : i32
        %dma_start3A_372 = tpu.memref_slice %arg7[%select_n3A_102, %dma_start3A_370, %dma_start3A_371] : memref<2x8x128xi32, #tpu.memory_space<vmem>> -> memref<1x8x128xi32, #tpu.memory_space<vmem>>
        %dma_start3A_373 = tpu.memref_squeeze %dma_start3A_372 : memref<1x8x128xi32, #tpu.memory_space<vmem>> -> memref<8x128xi32, #tpu.memory_space<vmem>>
        %dma_start3A_374 = arith.constant 0 : i32
        %dma_start3A_375 = tpu.memref_slice %arg4[%add3A, %mul3A_369, %dma_start3A_374] : memref<32x152x128xi32, #tpu.memory_space<hbm>> -> memref<1x8x128xi32, #tpu.memory_space<hbm>>
        %dma_start3A_376 = tpu.memref_squeeze %dma_start3A_375 : memref<1x8x128xi32, #tpu.memory_space<hbm>> -> memref<8x128xi32, #tpu.memory_space<hbm>>
        %dma_start3A_377 = arith.constant 0 : i32
        %dma_start3A_378 = arith.constant 0 : i32
        %dma_start3A_379 = tpu.memref_slice %arg7[%select_n3A_102, %dma_start3A_377, %dma_start3A_378] : memref<2x8x128xi32, #tpu.memory_space<vmem>> -> memref<1x8x128xi32, #tpu.memory_space<vmem>>
        %dma_start3A_380 = tpu.memref_squeeze %dma_start3A_379 : memref<1x8x128xi32, #tpu.memory_space<vmem>> -> memref<8x128xi32, #tpu.memory_space<vmem>>
        %dma_start3A_381 = arith.constant 0 : i32
        %dma_start3A_382 = tpu.memref_slice %arg4[%add3A, %mul3A_369, %dma_start3A_381] : memref<32x152x128xi32, #tpu.memory_space<hbm>> -> memref<1x8x128xi32, #tpu.memory_space<hbm>>
        %dma_start3A_383 = tpu.memref_squeeze %dma_start3A_382 : memref<1x8x128xi32, #tpu.memory_space<hbm>> -> memref<8x128xi32, #tpu.memory_space<hbm>>
        tpu.enqueue_dma source(%dma_start3A_383 : memref<8x128xi32, #tpu.memory_space<hbm>>) target(%dma_start3A_380 : memref<8x128xi32, #tpu.memory_space<vmem>>) target_semaphore(%arg11 : memref<!tpu.dma_semaphore, #tpu.memory_space<semaphore_mem>>)
      } else {
      }
      %dma_start3A_131 = arith.constant 1 : i32
      %dma_start3A_132 = arith.constant 0 : i32
      %dma_start3A_133 = tpu.memref_slice %arg6[%select_n3A_84, %dma_start3A_131, %dma_start3A_132] : memref<2x8x128xi32, #tpu.memory_space<vmem>> -> memref<1x1x128xi32, #tpu.memory_space<vmem>>
      %dma_start3A_134 = tpu.memref_squeeze %dma_start3A_133 : memref<1x1x128xi32, #tpu.memory_space<vmem>> -> memref<128xi32, #tpu.memory_space<vmem>>
      %dma_start3A_135 = arith.constant 0 : i32
      %dma_start3A_136 = arith.constant 0 : i32
      %dma_start3A_137 = tpu.memref_slice %arg2[%dma_start3A_135, %dma_start3A_136] : memref<10000x128xf32, #tpu.memory_space<hbm>> -> memref<10000x128xf32, #tpu.memory_space<hbm>>
      tpu.enqueue_indirect_dma source(%dma_start3A_137 : memref<10000x128xf32, #tpu.memory_space<hbm>>) target(%arg9 : memref<128x128xf32, #tpu.memory_space<vmem>>) offsets(%dma_start3A_134 : memref<128xi32, #tpu.memory_space<vmem>>) semaphore(%arg13 : memref<!tpu.dma_semaphore, #tpu.memory_space<semaphore_mem>>)
      %mul3A_138 = arith.constant 8 : i32
      %mul3A_139 = arith.muli %while3A_70, %mul3A_138 : i32
      %add3A_140 = arith.constant 1 : i32
      %add3A_141 = arith.addi %mul3A_139, %add3A_140 : i32
      %dma_wait3A_142 = arith.constant 1 : i32
      %dma_wait3A_143 = arith.constant 0 : i32
      %dma_wait3A_144 = tpu.memref_slice %arg6[%select_n3A_84, %dma_wait3A_142, %dma_wait3A_143] : memref<2x8x128xi32, #tpu.memory_space<vmem>> -> memref<1x1x128xi32, #tpu.memory_space<vmem>>
      %dma_wait3A_145 = tpu.memref_squeeze %dma_wait3A_144 : memref<1x1x128xi32, #tpu.memory_space<vmem>> -> memref<128xi32, #tpu.memory_space<vmem>>
      %dma_wait3A_146 = arith.constant 0 : i32
      %dma_wait3A_147 = arith.constant 0 : i32
      %dma_wait3A_148 = tpu.memref_slice %arg2[%dma_wait3A_146, %dma_wait3A_147] : memref<10000x128xf32, #tpu.memory_space<hbm>> -> memref<10000x128xf32, #tpu.memory_space<hbm>>
      tpu.wait_indirect_dma semaphore(%arg13 : memref<!tpu.dma_semaphore, #tpu.memory_space<semaphore_mem>>) src(%dma_wait3A_148 : memref<10000x128xf32, #tpu.memory_space<hbm>>) dst(%arg9 : memref<128x128xf32, #tpu.memory_space<vmem>>)
      %dma_start3A_149 = arith.constant 1 : i32
      %dma_start3A_150 = arith.constant 0 : i32
      %dma_start3A_151 = tpu.memref_slice %arg7[%select_n3A_84, %dma_start3A_149, %dma_start3A_150] : memref<2x8x128xi32, #tpu.memory_space<vmem>> -> memref<1x1x128xi32, #tpu.memory_space<vmem>>
      %dma_start3A_152 = tpu.memref_squeeze %dma_start3A_151 : memref<1x1x128xi32, #tpu.memory_space<vmem>> -> memref<128xi32, #tpu.memory_space<vmem>>
      %dma_start3A_153 = arith.constant 0 : i32
      %dma_start3A_154 = arith.constant 0 : i32
      %dma_start3A_155 = tpu.memref_slice %arg10[%dma_start3A_153, %dma_start3A_154] : memref<10112x128xf32, #tpu.memory_space<vmem_shared>> -> memref<10112x128xf32, #tpu.memory_space<vmem_shared>>
      tpu.enqueue_indirect_dma source(%arg9 : memref<128x128xf32, #tpu.memory_space<vmem>>) target(%dma_start3A_155 : memref<10112x128xf32, #tpu.memory_space<vmem_shared>>) offsets(%dma_start3A_152 : memref<128xi32, #tpu.memory_space<vmem>>) semaphore(%arg15 : memref<!tpu.dma_semaphore, #tpu.memory_space<semaphore_mem>>) {add = true}
      %ge3A_156 = arith.constant 1 : i32
      %ge3A_157 = arith.cmpi sge, %add3A_141, %ge3A_156 : i32
      %convert_element_type3A_158 = arith.extui %ge3A_157 : i1 to i32
      %cond3A_159 = arith.constant 0 : i32
      %cond3A_160 = arith.cmpi ne, %convert_element_type3A_158, %cond3A_159 : i32
      scf.if %cond3A_160 {
        %dma_wait3A_348 = arith.constant 1 : i32
        %dma_wait3A_349 = arith.constant 0 : i32
        %dma_wait3A_350 = tpu.memref_slice %arg7[%select_n3A_84, %dma_wait3A_348, %dma_wait3A_349] : memref<2x8x128xi32, #tpu.memory_space<vmem>> -> memref<1x1x128xi32, #tpu.memory_space<vmem>>
        %dma_wait3A_351 = tpu.memref_squeeze %dma_wait3A_350 : memref<1x1x128xi32, #tpu.memory_space<vmem>> -> memref<128xi32, #tpu.memory_space<vmem>>
        %dma_wait3A_352 = arith.constant 0 : i32
        %dma_wait3A_353 = arith.constant 0 : i32
        %dma_wait3A_354 = tpu.memref_slice %arg10[%dma_wait3A_352, %dma_wait3A_353] : memref<10112x128xf32, #tpu.memory_space<vmem_shared>> -> memref<10112x128xf32, #tpu.memory_space<vmem_shared>>
        tpu.wait_indirect_dma semaphore(%arg14 : memref<!tpu.dma_semaphore, #tpu.memory_space<semaphore_mem>>) src(%arg8 : memref<128x128xf32, #tpu.memory_space<vmem>>) dst(%dma_wait3A_354 : memref<10112x128xf32, #tpu.memory_space<vmem_shared>>)
      } else {
      }
      %dma_start3A_161 = arith.constant 2 : i32
      %dma_start3A_162 = arith.constant 0 : i32
      %dma_start3A_163 = tpu.memref_slice %arg6[%select_n3A_84, %dma_start3A_161, %dma_start3A_162] : memref<2x8x128xi32, #tpu.memory_space<vmem>> -> memref<1x1x128xi32, #tpu.memory_space<vmem>>
      %dma_start3A_164 = tpu.memref_squeeze %dma_start3A_163 : memref<1x1x128xi32, #tpu.memory_space<vmem>> -> memref<128xi32, #tpu.memory_space<vmem>>
      %dma_start3A_165 = arith.constant 0 : i32
      %dma_start3A_166 = arith.constant 0 : i32
      %dma_start3A_167 = tpu.memref_slice %arg2[%dma_start3A_165, %dma_start3A_166] : memref<10000x128xf32, #tpu.memory_space<hbm>> -> memref<10000x128xf32, #tpu.memory_space<hbm>>
      tpu.enqueue_indirect_dma source(%dma_start3A_167 : memref<10000x128xf32, #tpu.memory_space<hbm>>) target(%arg8 : memref<128x128xf32, #tpu.memory_space<vmem>>) offsets(%dma_start3A_164 : memref<128xi32, #tpu.memory_space<vmem>>) semaphore(%arg12 : memref<!tpu.dma_semaphore, #tpu.memory_space<semaphore_mem>>)
      %mul3A_168 = arith.constant 8 : i32
      %mul3A_169 = arith.muli %while3A_70, %mul3A_168 : i32
      %add3A_170 = arith.constant 2 : i32
      %add3A_171 = arith.addi %mul3A_169, %add3A_170 : i32
      %dma_wait3A_172 = arith.constant 2 : i32
      %dma_wait3A_173 = arith.constant 0 : i32
      %dma_wait3A_174 = tpu.memref_slice %arg6[%select_n3A_84, %dma_wait3A_172, %dma_wait3A_173] : memref<2x8x128xi32, #tpu.memory_space<vmem>> -> memref<1x1x128xi32, #tpu.memory_space<vmem>>
      %dma_wait3A_175 = tpu.memref_squeeze %dma_wait3A_174 : memref<1x1x128xi32, #tpu.memory_space<vmem>> -> memref<128xi32, #tpu.memory_space<vmem>>
      %dma_wait3A_176 = arith.constant 0 : i32
      %dma_wait3A_177 = arith.constant 0 : i32
      %dma_wait3A_178 = tpu.memref_slice %arg2[%dma_wait3A_176, %dma_wait3A_177] : memref<10000x128xf32, #tpu.memory_space<hbm>> -> memref<10000x128xf32, #tpu.memory_space<hbm>>
      tpu.wait_indirect_dma semaphore(%arg12 : memref<!tpu.dma_semaphore, #tpu.memory_space<semaphore_mem>>) src(%dma_wait3A_178 : memref<10000x128xf32, #tpu.memory_space<hbm>>) dst(%arg8 : memref<128x128xf32, #tpu.memory_space<vmem>>)
      %dma_start3A_179 = arith.constant 2 : i32
      %dma_start3A_180 = arith.constant 0 : i32
      %dma_start3A_181 = tpu.memref_slice %arg7[%select_n3A_84, %dma_start3A_179, %dma_start3A_180] : memref<2x8x128xi32, #tpu.memory_space<vmem>> -> memref<1x1x128xi32, #tpu.memory_space<vmem>>
      %dma_start3A_182 = tpu.memref_squeeze %dma_start3A_181 : memref<1x1x128xi32, #tpu.memory_space<vmem>> -> memref<128xi32, #tpu.memory_space<vmem>>
      %dma_start3A_183 = arith.constant 0 : i32
      %dma_start3A_184 = arith.constant 0 : i32
      %dma_start3A_185 = tpu.memref_slice %arg10[%dma_start3A_183, %dma_start3A_184] : memref<10112x128xf32, #tpu.memory_space<vmem_shared>> -> memref<10112x128xf32, #tpu.memory_space<vmem_shared>>
      tpu.enqueue_indirect_dma source(%arg8 : memref<128x128xf32, #tpu.memory_space<vmem>>) target(%dma_start3A_185 : memref<10112x128xf32, #tpu.memory_space<vmem_shared>>) offsets(%dma_start3A_182 : memref<128xi32, #tpu.memory_space<vmem>>) semaphore(%arg14 : memref<!tpu.dma_semaphore, #tpu.memory_space<semaphore_mem>>) {add = true}
      %ge3A_186 = arith.constant 1 : i32
      %ge3A_187 = arith.cmpi sge, %add3A_171, %ge3A_186 : i32
      %convert_element_type3A_188 = arith.extui %ge3A_187 : i1 to i32
      %cond3A_189 = arith.constant 0 : i32
      %cond3A_190 = arith.cmpi ne, %convert_element_type3A_188, %cond3A_189 : i32
      scf.if %cond3A_190 {
        %dma_wait3A_348 = arith.constant 2 : i32
        %dma_wait3A_349 = arith.constant 0 : i32
        %dma_wait3A_350 = tpu.memref_slice %arg7[%select_n3A_84, %dma_wait3A_348, %dma_wait3A_349] : memref<2x8x128xi32, #tpu.memory_space<vmem>> -> memref<1x1x128xi32, #tpu.memory_space<vmem>>
        %dma_wait3A_351 = tpu.memref_squeeze %dma_wait3A_350 : memref<1x1x128xi32, #tpu.memory_space<vmem>> -> memref<128xi32, #tpu.memory_space<vmem>>
        %dma_wait3A_352 = arith.constant 0 : i32
        %dma_wait3A_353 = arith.constant 0 : i32
        %dma_wait3A_354 = tpu.memref_slice %arg10[%dma_wait3A_352, %dma_wait3A_353] : memref<10112x128xf32, #tpu.memory_space<vmem_shared>> -> memref<10112x128xf32, #tpu.memory_space<vmem_shared>>
        tpu.wait_indirect_dma semaphore(%arg15 : memref<!tpu.dma_semaphore, #tpu.memory_space<semaphore_mem>>) src(%arg9 : memref<128x128xf32, #tpu.memory_space<vmem>>) dst(%dma_wait3A_354 : memref<10112x128xf32, #tpu.memory_space<vmem_shared>>)
      } else {
      }
      %dma_start3A_191 = arith.constant 3 : i32
      %dma_start3A_192 = arith.constant 0 : i32
      %dma_start3A_193 = tpu.memref_slice %arg6[%select_n3A_84, %dma_start3A_191, %dma_start3A_192] : memref<2x8x128xi32, #tpu.memory_space<vmem>> -> memref<1x1x128xi32, #tpu.memory_space<vmem>>
      %dma_start3A_194 = tpu.memref_squeeze %dma_start3A_193 : memref<1x1x128xi32, #tpu.memory_space<vmem>> -> memref<128xi32, #tpu.memory_space<vmem>>
      %dma_start3A_195 = arith.constant 0 : i32
      %dma_start3A_196 = arith.constant 0 : i32
      %dma_start3A_197 = tpu.memref_slice %arg2[%dma_start3A_195, %dma_start3A_196] : memref<10000x128xf32, #tpu.memory_space<hbm>> -> memref<10000x128xf32, #tpu.memory_space<hbm>>
      tpu.enqueue_indirect_dma source(%dma_start3A_197 : memref<10000x128xf32, #tpu.memory_space<hbm>>) target(%arg9 : memref<128x128xf32, #tpu.memory_space<vmem>>) offsets(%dma_start3A_194 : memref<128xi32, #tpu.memory_space<vmem>>) semaphore(%arg13 : memref<!tpu.dma_semaphore, #tpu.memory_space<semaphore_mem>>)
      %mul3A_198 = arith.constant 8 : i32
      %mul3A_199 = arith.muli %while3A_70, %mul3A_198 : i32
      %add3A_200 = arith.constant 3 : i32
      %add3A_201 = arith.addi %mul3A_199, %add3A_200 : i32
      %dma_wait3A_202 = arith.constant 3 : i32
      %dma_wait3A_203 = arith.constant 0 : i32
      %dma_wait3A_204 = tpu.memref_slice %arg6[%select_n3A_84, %dma_wait3A_202, %dma_wait3A_203] : memref<2x8x128xi32, #tpu.memory_space<vmem>> -> memref<1x1x128xi32, #tpu.memory_space<vmem>>
      %dma_wait3A_205 = tpu.memref_squeeze %dma_wait3A_204 : memref<1x1x128xi32, #tpu.memory_space<vmem>> -> memref<128xi32, #tpu.memory_space<vmem>>
      %dma_wait3A_206 = arith.constant 0 : i32
      %dma_wait3A_207 = arith.constant 0 : i32
      %dma_wait3A_208 = tpu.memref_slice %arg2[%dma_wait3A_206, %dma_wait3A_207] : memref<10000x128xf32, #tpu.memory_space<hbm>> -> memref<10000x128xf32, #tpu.memory_space<hbm>>
      tpu.wait_indirect_dma semaphore(%arg13 : memref<!tpu.dma_semaphore, #tpu.memory_space<semaphore_mem>>) src(%dma_wait3A_208 : memref<10000x128xf32, #tpu.memory_space<hbm>>) dst(%arg9 : memref<128x128xf32, #tpu.memory_space<vmem>>)
      %dma_start3A_209 = arith.constant 3 : i32
      %dma_start3A_210 = arith.constant 0 : i32
      %dma_start3A_211 = tpu.memref_slice %arg7[%select_n3A_84, %dma_start3A_209, %dma_start3A_210] : memref<2x8x128xi32, #tpu.memory_space<vmem>> -> memref<1x1x128xi32, #tpu.memory_space<vmem>>
      %dma_start3A_212 = tpu.memref_squeeze %dma_start3A_211 : memref<1x1x128xi32, #tpu.memory_space<vmem>> -> memref<128xi32, #tpu.memory_space<vmem>>
      %dma_start3A_213 = arith.constant 0 : i32
      %dma_start3A_214 = arith.constant 0 : i32
      %dma_start3A_215 = tpu.memref_slice %arg10[%dma_start3A_213, %dma_start3A_214] : memref<10112x128xf32, #tpu.memory_space<vmem_shared>> -> memref<10112x128xf32, #tpu.memory_space<vmem_shared>>
      tpu.enqueue_indirect_dma source(%arg9 : memref<128x128xf32, #tpu.memory_space<vmem>>) target(%dma_start3A_215 : memref<10112x128xf32, #tpu.memory_space<vmem_shared>>) offsets(%dma_start3A_212 : memref<128xi32, #tpu.memory_space<vmem>>) semaphore(%arg15 : memref<!tpu.dma_semaphore, #tpu.memory_space<semaphore_mem>>) {add = true}
      %ge3A_216 = arith.constant 1 : i32
      %ge3A_217 = arith.cmpi sge, %add3A_201, %ge3A_216 : i32
      %convert_element_type3A_218 = arith.extui %ge3A_217 : i1 to i32
      %cond3A_219 = arith.constant 0 : i32
      %cond3A_220 = arith.cmpi ne, %convert_element_type3A_218, %cond3A_219 : i32
      scf.if %cond3A_220 {
        %dma_wait3A_348 = arith.constant 3 : i32
        %dma_wait3A_349 = arith.constant 0 : i32
        %dma_wait3A_350 = tpu.memref_slice %arg7[%select_n3A_84, %dma_wait3A_348, %dma_wait3A_349] : memref<2x8x128xi32, #tpu.memory_space<vmem>> -> memref<1x1x128xi32, #tpu.memory_space<vmem>>
        %dma_wait3A_351 = tpu.memref_squeeze %dma_wait3A_350 : memref<1x1x128xi32, #tpu.memory_space<vmem>> -> memref<128xi32, #tpu.memory_space<vmem>>
        %dma_wait3A_352 = arith.constant 0 : i32
        %dma_wait3A_353 = arith.constant 0 : i32
        %dma_wait3A_354 = tpu.memref_slice %arg10[%dma_wait3A_352, %dma_wait3A_353] : memref<10112x128xf32, #tpu.memory_space<vmem_shared>> -> memref<10112x128xf32, #tpu.memory_space<vmem_shared>>
        tpu.wait_indirect_dma semaphore(%arg14 : memref<!tpu.dma_semaphore, #tpu.memory_space<semaphore_mem>>) src(%arg8 : memref<128x128xf32, #tpu.memory_space<vmem>>) dst(%dma_wait3A_354 : memref<10112x128xf32, #tpu.memory_space<vmem_shared>>)
      } else {
      }
      %dma_start3A_221 = arith.constant 4 : i32
      %dma_start3A_222 = arith.constant 0 : i32
      %dma_start3A_223 = tpu.memref_slice %arg6[%select_n3A_84, %dma_start3A_221, %dma_start3A_222] : memref<2x8x128xi32, #tpu.memory_space<vmem>> -> memref<1x1x128xi32, #tpu.memory_space<vmem>>
      %dma_start3A_224 = tpu.memref_squeeze %dma_start3A_223 : memref<1x1x128xi32, #tpu.memory_space<vmem>> -> memref<128xi32, #tpu.memory_space<vmem>>
      %dma_start3A_225 = arith.constant 0 : i32
      %dma_start3A_226 = arith.constant 0 : i32
      %dma_start3A_227 = tpu.memref_slice %arg2[%dma_start3A_225, %dma_start3A_226] : memref<10000x128xf32, #tpu.memory_space<hbm>> -> memref<10000x128xf32, #tpu.memory_space<hbm>>
      tpu.enqueue_indirect_dma source(%dma_start3A_227 : memref<10000x128xf32, #tpu.memory_space<hbm>>) target(%arg8 : memref<128x128xf32, #tpu.memory_space<vmem>>) offsets(%dma_start3A_224 : memref<128xi32, #tpu.memory_space<vmem>>) semaphore(%arg12 : memref<!tpu.dma_semaphore, #tpu.memory_space<semaphore_mem>>)
      %mul3A_228 = arith.constant 8 : i32
      %mul3A_229 = arith.muli %while3A_70, %mul3A_228 : i32
      %add3A_230 = arith.constant 4 : i32
      %add3A_231 = arith.addi %mul3A_229, %add3A_230 : i32
      %dma_wait3A_232 = arith.constant 4 : i32
      %dma_wait3A_233 = arith.constant 0 : i32
      %dma_wait3A_234 = tpu.memref_slice %arg6[%select_n3A_84, %dma_wait3A_232, %dma_wait3A_233] : memref<2x8x128xi32, #tpu.memory_space<vmem>> -> memref<1x1x128xi32, #tpu.memory_space<vmem>>
      %dma_wait3A_235 = tpu.memref_squeeze %dma_wait3A_234 : memref<1x1x128xi32, #tpu.memory_space<vmem>> -> memref<128xi32, #tpu.memory_space<vmem>>
      %dma_wait3A_236 = arith.constant 0 : i32
      %dma_wait3A_237 = arith.constant 0 : i32
      %dma_wait3A_238 = tpu.memref_slice %arg2[%dma_wait3A_236, %dma_wait3A_237] : memref<10000x128xf32, #tpu.memory_space<hbm>> -> memref<10000x128xf32, #tpu.memory_space<hbm>>
      tpu.wait_indirect_dma semaphore(%arg12 : memref<!tpu.dma_semaphore, #tpu.memory_space<semaphore_mem>>) src(%dma_wait3A_238 : memref<10000x128xf32, #tpu.memory_space<hbm>>) dst(%arg8 : memref<128x128xf32, #tpu.memory_space<vmem>>)
      %dma_start3A_239 = arith.constant 4 : i32
      %dma_start3A_240 = arith.constant 0 : i32
      %dma_start3A_241 = tpu.memref_slice %arg7[%select_n3A_84, %dma_start3A_239, %dma_start3A_240] : memref<2x8x128xi32, #tpu.memory_space<vmem>> -> memref<1x1x128xi32, #tpu.memory_space<vmem>>
      %dma_start3A_242 = tpu.memref_squeeze %dma_start3A_241 : memref<1x1x128xi32, #tpu.memory_space<vmem>> -> memref<128xi32, #tpu.memory_space<vmem>>
      %dma_start3A_243 = arith.constant 0 : i32
      %dma_start3A_244 = arith.constant 0 : i32
      %dma_start3A_245 = tpu.memref_slice %arg10[%dma_start3A_243, %dma_start3A_244] : memref<10112x128xf32, #tpu.memory_space<vmem_shared>> -> memref<10112x128xf32, #tpu.memory_space<vmem_shared>>
      tpu.enqueue_indirect_dma source(%arg8 : memref<128x128xf32, #tpu.memory_space<vmem>>) target(%dma_start3A_245 : memref<10112x128xf32, #tpu.memory_space<vmem_shared>>) offsets(%dma_start3A_242 : memref<128xi32, #tpu.memory_space<vmem>>) semaphore(%arg14 : memref<!tpu.dma_semaphore, #tpu.memory_space<semaphore_mem>>) {add = true}
      %ge3A_246 = arith.constant 1 : i32
      %ge3A_247 = arith.cmpi sge, %add3A_231, %ge3A_246 : i32
      %convert_element_type3A_248 = arith.extui %ge3A_247 : i1 to i32
      %cond3A_249 = arith.constant 0 : i32
      %cond3A_250 = arith.cmpi ne, %convert_element_type3A_248, %cond3A_249 : i32
      scf.if %cond3A_250 {
        %dma_wait3A_348 = arith.constant 4 : i32
        %dma_wait3A_349 = arith.constant 0 : i32
        %dma_wait3A_350 = tpu.memref_slice %arg7[%select_n3A_84, %dma_wait3A_348, %dma_wait3A_349] : memref<2x8x128xi32, #tpu.memory_space<vmem>> -> memref<1x1x128xi32, #tpu.memory_space<vmem>>
        %dma_wait3A_351 = tpu.memref_squeeze %dma_wait3A_350 : memref<1x1x128xi32, #tpu.memory_space<vmem>> -> memref<128xi32, #tpu.memory_space<vmem>>
        %dma_wait3A_352 = arith.constant 0 : i32
        %dma_wait3A_353 = arith.constant 0 : i32
        %dma_wait3A_354 = tpu.memref_slice %arg10[%dma_wait3A_352, %dma_wait3A_353] : memref<10112x128xf32, #tpu.memory_space<vmem_shared>> -> memref<10112x128xf32, #tpu.memory_space<vmem_shared>>
        tpu.wait_indirect_dma semaphore(%arg15 : memref<!tpu.dma_semaphore, #tpu.memory_space<semaphore_mem>>) src(%arg9 : memref<128x128xf32, #tpu.memory_space<vmem>>) dst(%dma_wait3A_354 : memref<10112x128xf32, #tpu.memory_space<vmem_shared>>)
      } else {
      }
      %dma_start3A_251 = arith.constant 5 : i32
      %dma_start3A_252 = arith.constant 0 : i32
      %dma_start3A_253 = tpu.memref_slice %arg6[%select_n3A_84, %dma_start3A_251, %dma_start3A_252] : memref<2x8x128xi32, #tpu.memory_space<vmem>> -> memref<1x1x128xi32, #tpu.memory_space<vmem>>
      %dma_start3A_254 = tpu.memref_squeeze %dma_start3A_253 : memref<1x1x128xi32, #tpu.memory_space<vmem>> -> memref<128xi32, #tpu.memory_space<vmem>>
      %dma_start3A_255 = arith.constant 0 : i32
      %dma_start3A_256 = arith.constant 0 : i32
      %dma_start3A_257 = tpu.memref_slice %arg2[%dma_start3A_255, %dma_start3A_256] : memref<10000x128xf32, #tpu.memory_space<hbm>> -> memref<10000x128xf32, #tpu.memory_space<hbm>>
      tpu.enqueue_indirect_dma source(%dma_start3A_257 : memref<10000x128xf32, #tpu.memory_space<hbm>>) target(%arg9 : memref<128x128xf32, #tpu.memory_space<vmem>>) offsets(%dma_start3A_254 : memref<128xi32, #tpu.memory_space<vmem>>) semaphore(%arg13 : memref<!tpu.dma_semaphore, #tpu.memory_space<semaphore_mem>>)
      %mul3A_258 = arith.constant 8 : i32
      %mul3A_259 = arith.muli %while3A_70, %mul3A_258 : i32
      %add3A_260 = arith.constant 5 : i32
      %add3A_261 = arith.addi %mul3A_259, %add3A_260 : i32
      %dma_wait3A_262 = arith.constant 5 : i32
      %dma_wait3A_263 = arith.constant 0 : i32
      %dma_wait3A_264 = tpu.memref_slice %arg6[%select_n3A_84, %dma_wait3A_262, %dma_wait3A_263] : memref<2x8x128xi32, #tpu.memory_space<vmem>> -> memref<1x1x128xi32, #tpu.memory_space<vmem>>
      %dma_wait3A_265 = tpu.memref_squeeze %dma_wait3A_264 : memref<1x1x128xi32, #tpu.memory_space<vmem>> -> memref<128xi32, #tpu.memory_space<vmem>>
      %dma_wait3A_266 = arith.constant 0 : i32
      %dma_wait3A_267 = arith.constant 0 : i32
      %dma_wait3A_268 = tpu.memref_slice %arg2[%dma_wait3A_266, %dma_wait3A_267] : memref<10000x128xf32, #tpu.memory_space<hbm>> -> memref<10000x128xf32, #tpu.memory_space<hbm>>
      tpu.wait_indirect_dma semaphore(%arg13 : memref<!tpu.dma_semaphore, #tpu.memory_space<semaphore_mem>>) src(%dma_wait3A_268 : memref<10000x128xf32, #tpu.memory_space<hbm>>) dst(%arg9 : memref<128x128xf32, #tpu.memory_space<vmem>>)
      %dma_start3A_269 = arith.constant 5 : i32
      %dma_start3A_270 = arith.constant 0 : i32
      %dma_start3A_271 = tpu.memref_slice %arg7[%select_n3A_84, %dma_start3A_269, %dma_start3A_270] : memref<2x8x128xi32, #tpu.memory_space<vmem>> -> memref<1x1x128xi32, #tpu.memory_space<vmem>>
      %dma_start3A_272 = tpu.memref_squeeze %dma_start3A_271 : memref<1x1x128xi32, #tpu.memory_space<vmem>> -> memref<128xi32, #tpu.memory_space<vmem>>
      %dma_start3A_273 = arith.constant 0 : i32
      %dma_start3A_274 = arith.constant 0 : i32
      %dma_start3A_275 = tpu.memref_slice %arg10[%dma_start3A_273, %dma_start3A_274] : memref<10112x128xf32, #tpu.memory_space<vmem_shared>> -> memref<10112x128xf32, #tpu.memory_space<vmem_shared>>
      tpu.enqueue_indirect_dma source(%arg9 : memref<128x128xf32, #tpu.memory_space<vmem>>) target(%dma_start3A_275 : memref<10112x128xf32, #tpu.memory_space<vmem_shared>>) offsets(%dma_start3A_272 : memref<128xi32, #tpu.memory_space<vmem>>) semaphore(%arg15 : memref<!tpu.dma_semaphore, #tpu.memory_space<semaphore_mem>>) {add = true}
      %ge3A_276 = arith.constant 1 : i32
      %ge3A_277 = arith.cmpi sge, %add3A_261, %ge3A_276 : i32
      %convert_element_type3A_278 = arith.extui %ge3A_277 : i1 to i32
      %cond3A_279 = arith.constant 0 : i32
      %cond3A_280 = arith.cmpi ne, %convert_element_type3A_278, %cond3A_279 : i32
      scf.if %cond3A_280 {
        %dma_wait3A_348 = arith.constant 5 : i32
        %dma_wait3A_349 = arith.constant 0 : i32
        %dma_wait3A_350 = tpu.memref_slice %arg7[%select_n3A_84, %dma_wait3A_348, %dma_wait3A_349] : memref<2x8x128xi32, #tpu.memory_space<vmem>> -> memref<1x1x128xi32, #tpu.memory_space<vmem>>
        %dma_wait3A_351 = tpu.memref_squeeze %dma_wait3A_350 : memref<1x1x128xi32, #tpu.memory_space<vmem>> -> memref<128xi32, #tpu.memory_space<vmem>>
        %dma_wait3A_352 = arith.constant 0 : i32
        %dma_wait3A_353 = arith.constant 0 : i32
        %dma_wait3A_354 = tpu.memref_slice %arg10[%dma_wait3A_352, %dma_wait3A_353] : memref<10112x128xf32, #tpu.memory_space<vmem_shared>> -> memref<10112x128xf32, #tpu.memory_space<vmem_shared>>
        tpu.wait_indirect_dma semaphore(%arg14 : memref<!tpu.dma_semaphore, #tpu.memory_space<semaphore_mem>>) src(%arg8 : memref<128x128xf32, #tpu.memory_space<vmem>>) dst(%dma_wait3A_354 : memref<10112x128xf32, #tpu.memory_space<vmem_shared>>)
      } else {
      }
      %dma_start3A_281 = arith.constant 6 : i32
      %dma_start3A_282 = arith.constant 0 : i32
      %dma_start3A_283 = tpu.memref_slice %arg6[%select_n3A_84, %dma_start3A_281, %dma_start3A_282] : memref<2x8x128xi32, #tpu.memory_space<vmem>> -> memref<1x1x128xi32, #tpu.memory_space<vmem>>
      %dma_start3A_284 = tpu.memref_squeeze %dma_start3A_283 : memref<1x1x128xi32, #tpu.memory_space<vmem>> -> memref<128xi32, #tpu.memory_space<vmem>>
      %dma_start3A_285 = arith.constant 0 : i32
      %dma_start3A_286 = arith.constant 0 : i32
      %dma_start3A_287 = tpu.memref_slice %arg2[%dma_start3A_285, %dma_start3A_286] : memref<10000x128xf32, #tpu.memory_space<hbm>> -> memref<10000x128xf32, #tpu.memory_space<hbm>>
      tpu.enqueue_indirect_dma source(%dma_start3A_287 : memref<10000x128xf32, #tpu.memory_space<hbm>>) target(%arg8 : memref<128x128xf32, #tpu.memory_space<vmem>>) offsets(%dma_start3A_284 : memref<128xi32, #tpu.memory_space<vmem>>) semaphore(%arg12 : memref<!tpu.dma_semaphore, #tpu.memory_space<semaphore_mem>>)
      %mul3A_288 = arith.constant 8 : i32
      %mul3A_289 = arith.muli %while3A_70, %mul3A_288 : i32
      %add3A_290 = arith.constant 6 : i32
      %add3A_291 = arith.addi %mul3A_289, %add3A_290 : i32
      %dma_wait3A_292 = arith.constant 6 : i32
      %dma_wait3A_293 = arith.constant 0 : i32
      %dma_wait3A_294 = tpu.memref_slice %arg6[%select_n3A_84, %dma_wait3A_292, %dma_wait3A_293] : memref<2x8x128xi32, #tpu.memory_space<vmem>> -> memref<1x1x128xi32, #tpu.memory_space<vmem>>
      %dma_wait3A_295 = tpu.memref_squeeze %dma_wait3A_294 : memref<1x1x128xi32, #tpu.memory_space<vmem>> -> memref<128xi32, #tpu.memory_space<vmem>>
      %dma_wait3A_296 = arith.constant 0 : i32
      %dma_wait3A_297 = arith.constant 0 : i32
      %dma_wait3A_298 = tpu.memref_slice %arg2[%dma_wait3A_296, %dma_wait3A_297] : memref<10000x128xf32, #tpu.memory_space<hbm>> -> memref<10000x128xf32, #tpu.memory_space<hbm>>
      tpu.wait_indirect_dma semaphore(%arg12 : memref<!tpu.dma_semaphore, #tpu.memory_space<semaphore_mem>>) src(%dma_wait3A_298 : memref<10000x128xf32, #tpu.memory_space<hbm>>) dst(%arg8 : memref<128x128xf32, #tpu.memory_space<vmem>>)
      %dma_start3A_299 = arith.constant 6 : i32
      %dma_start3A_300 = arith.constant 0 : i32
      %dma_start3A_301 = tpu.memref_slice %arg7[%select_n3A_84, %dma_start3A_299, %dma_start3A_300] : memref<2x8x128xi32, #tpu.memory_space<vmem>> -> memref<1x1x128xi32, #tpu.memory_space<vmem>>
      %dma_start3A_302 = tpu.memref_squeeze %dma_start3A_301 : memref<1x1x128xi32, #tpu.memory_space<vmem>> -> memref<128xi32, #tpu.memory_space<vmem>>
      %dma_start3A_303 = arith.constant 0 : i32
      %dma_start3A_304 = arith.constant 0 : i32
      %dma_start3A_305 = tpu.memref_slice %arg10[%dma_start3A_303, %dma_start3A_304] : memref<10112x128xf32, #tpu.memory_space<vmem_shared>> -> memref<10112x128xf32, #tpu.memory_space<vmem_shared>>
      tpu.enqueue_indirect_dma source(%arg8 : memref<128x128xf32, #tpu.memory_space<vmem>>) target(%dma_start3A_305 : memref<10112x128xf32, #tpu.memory_space<vmem_shared>>) offsets(%dma_start3A_302 : memref<128xi32, #tpu.memory_space<vmem>>) semaphore(%arg14 : memref<!tpu.dma_semaphore, #tpu.memory_space<semaphore_mem>>) {add = true}
      %ge3A_306 = arith.constant 1 : i32
      %ge3A_307 = arith.cmpi sge, %add3A_291, %ge3A_306 : i32
      %convert_element_type3A_308 = arith.extui %ge3A_307 : i1 to i32
      %cond3A_309 = arith.constant 0 : i32
      %cond3A_310 = arith.cmpi ne, %convert_element_type3A_308, %cond3A_309 : i32
      scf.if %cond3A_310 {
        %dma_wait3A_348 = arith.constant 6 : i32
        %dma_wait3A_349 = arith.constant 0 : i32
        %dma_wait3A_350 = tpu.memref_slice %arg7[%select_n3A_84, %dma_wait3A_348, %dma_wait3A_349] : memref<2x8x128xi32, #tpu.memory_space<vmem>> -> memref<1x1x128xi32, #tpu.memory_space<vmem>>
        %dma_wait3A_351 = tpu.memref_squeeze %dma_wait3A_350 : memref<1x1x128xi32, #tpu.memory_space<vmem>> -> memref<128xi32, #tpu.memory_space<vmem>>
        %dma_wait3A_352 = arith.constant 0 : i32
        %dma_wait3A_353 = arith.constant 0 : i32
        %dma_wait3A_354 = tpu.memref_slice %arg10[%dma_wait3A_352, %dma_wait3A_353] : memref<10112x128xf32, #tpu.memory_space<vmem_shared>> -> memref<10112x128xf32, #tpu.memory_space<vmem_shared>>
        tpu.wait_indirect_dma semaphore(%arg15 : memref<!tpu.dma_semaphore, #tpu.memory_space<semaphore_mem>>) src(%arg9 : memref<128x128xf32, #tpu.memory_space<vmem>>) dst(%dma_wait3A_354 : memref<10112x128xf32, #tpu.memory_space<vmem_shared>>)
      } else {
      }
      %dma_start3A_311 = arith.constant 7 : i32
      %dma_start3A_312 = arith.constant 0 : i32
      %dma_start3A_313 = tpu.memref_slice %arg6[%select_n3A_84, %dma_start3A_311, %dma_start3A_312] : memref<2x8x128xi32, #tpu.memory_space<vmem>> -> memref<1x1x128xi32, #tpu.memory_space<vmem>>
      %dma_start3A_314 = tpu.memref_squeeze %dma_start3A_313 : memref<1x1x128xi32, #tpu.memory_space<vmem>> -> memref<128xi32, #tpu.memory_space<vmem>>
      %dma_start3A_315 = arith.constant 0 : i32
      %dma_start3A_316 = arith.constant 0 : i32
      %dma_start3A_317 = tpu.memref_slice %arg2[%dma_start3A_315, %dma_start3A_316] : memref<10000x128xf32, #tpu.memory_space<hbm>> -> memref<10000x128xf32, #tpu.memory_space<hbm>>
      tpu.enqueue_indirect_dma source(%dma_start3A_317 : memref<10000x128xf32, #tpu.memory_space<hbm>>) target(%arg9 : memref<128x128xf32, #tpu.memory_space<vmem>>) offsets(%dma_start3A_314 : memref<128xi32, #tpu.memory_space<vmem>>) semaphore(%arg13 : memref<!tpu.dma_semaphore, #tpu.memory_space<semaphore_mem>>)
      %mul3A_318 = arith.constant 8 : i32
      %mul3A_319 = arith.muli %while3A_70, %mul3A_318 : i32
      %add3A_320 = arith.constant 7 : i32
      %add3A_321 = arith.addi %mul3A_319, %add3A_320 : i32
      %dma_wait3A_322 = arith.constant 7 : i32
      %dma_wait3A_323 = arith.constant 0 : i32
      %dma_wait3A_324 = tpu.memref_slice %arg6[%select_n3A_84, %dma_wait3A_322, %dma_wait3A_323] : memref<2x8x128xi32, #tpu.memory_space<vmem>> -> memref<1x1x128xi32, #tpu.memory_space<vmem>>
      %dma_wait3A_325 = tpu.memref_squeeze %dma_wait3A_324 : memref<1x1x128xi32, #tpu.memory_space<vmem>> -> memref<128xi32, #tpu.memory_space<vmem>>
      %dma_wait3A_326 = arith.constant 0 : i32
      %dma_wait3A_327 = arith.constant 0 : i32
      %dma_wait3A_328 = tpu.memref_slice %arg2[%dma_wait3A_326, %dma_wait3A_327] : memref<10000x128xf32, #tpu.memory_space<hbm>> -> memref<10000x128xf32, #tpu.memory_space<hbm>>
      tpu.wait_indirect_dma semaphore(%arg13 : memref<!tpu.dma_semaphore, #tpu.memory_space<semaphore_mem>>) src(%dma_wait3A_328 : memref<10000x128xf32, #tpu.memory_space<hbm>>) dst(%arg9 : memref<128x128xf32, #tpu.memory_space<vmem>>)
      %dma_start3A_329 = arith.constant 7 : i32
      %dma_start3A_330 = arith.constant 0 : i32
      %dma_start3A_331 = tpu.memref_slice %arg7[%select_n3A_84, %dma_start3A_329, %dma_start3A_330] : memref<2x8x128xi32, #tpu.memory_space<vmem>> -> memref<1x1x128xi32, #tpu.memory_space<vmem>>
      %dma_start3A_332 = tpu.memref_squeeze %dma_start3A_331 : memref<1x1x128xi32, #tpu.memory_space<vmem>> -> memref<128xi32, #tpu.memory_space<vmem>>
      %dma_start3A_333 = arith.constant 0 : i32
      %dma_start3A_334 = arith.constant 0 : i32
      %dma_start3A_335 = tpu.memref_slice %arg10[%dma_start3A_333, %dma_start3A_334] : memref<10112x128xf32, #tpu.memory_space<vmem_shared>> -> memref<10112x128xf32, #tpu.memory_space<vmem_shared>>
      tpu.enqueue_indirect_dma source(%arg9 : memref<128x128xf32, #tpu.memory_space<vmem>>) target(%dma_start3A_335 : memref<10112x128xf32, #tpu.memory_space<vmem_shared>>) offsets(%dma_start3A_332 : memref<128xi32, #tpu.memory_space<vmem>>) semaphore(%arg15 : memref<!tpu.dma_semaphore, #tpu.memory_space<semaphore_mem>>) {add = true}
      %ge3A_336 = arith.constant 1 : i32
      %ge3A_337 = arith.cmpi sge, %add3A_321, %ge3A_336 : i32
      %convert_element_type3A_338 = arith.extui %ge3A_337 : i1 to i32
      %cond3A_339 = arith.constant 0 : i32
      %cond3A_340 = arith.cmpi ne, %convert_element_type3A_338, %cond3A_339 : i32
      scf.if %cond3A_340 {
        %dma_wait3A_348 = arith.constant 7 : i32
        %dma_wait3A_349 = arith.constant 0 : i32
        %dma_wait3A_350 = tpu.memref_slice %arg7[%select_n3A_84, %dma_wait3A_348, %dma_wait3A_349] : memref<2x8x128xi32, #tpu.memory_space<vmem>> -> memref<1x1x128xi32, #tpu.memory_space<vmem>>
        %dma_wait3A_351 = tpu.memref_squeeze %dma_wait3A_350 : memref<1x1x128xi32, #tpu.memory_space<vmem>> -> memref<128xi32, #tpu.memory_space<vmem>>
        %dma_wait3A_352 = arith.constant 0 : i32
        %dma_wait3A_353 = arith.constant 0 : i32
        %dma_wait3A_354 = tpu.memref_slice %arg10[%dma_wait3A_352, %dma_wait3A_353] : memref<10112x128xf32, #tpu.memory_space<vmem_shared>> -> memref<10112x128xf32, #tpu.memory_space<vmem_shared>>
        tpu.wait_indirect_dma semaphore(%arg14 : memref<!tpu.dma_semaphore, #tpu.memory_space<semaphore_mem>>) src(%arg8 : memref<128x128xf32, #tpu.memory_space<vmem>>) dst(%dma_wait3A_354 : memref<10112x128xf32, #tpu.memory_space<vmem_shared>>)
      } else {
      }
      %add3A_341 = arith.constant 1 : i32
      %add3A_342 = arith.addi %while3A_70, %add3A_341 : i32
      %lt3A_343 = arith.cmpi slt, %add3A_342, %select_n3A : i32
      %convert_element_type3A_344 = arith.extui %lt3A_343 : i1 to i32
      %cond3A_345 = arith.constant 0 : i32
      %cond3A_346 = arith.cmpi ne, %convert_element_type3A_344, %cond3A_345 : i32
      scf.if %cond3A_346 {
        %add3A_348 = arith.constant 1 : i32
        %add3A_349 = arith.addi %while3A_70, %add3A_348 : i32
        %mul3A_350 = arith.constant 8 : i32
        %mul3A_351 = arith.muli %add3A_349, %mul3A_350 : i32
        %dma_wait3A_352 = arith.constant 0 : i32
        %dma_wait3A_353 = arith.constant 0 : i32
        %dma_wait3A_354 = tpu.memref_slice %arg6[%select_n3A_102, %dma_wait3A_352, %dma_wait3A_353] : memref<2x8x128xi32, #tpu.memory_space<vmem>> -> memref<1x8x128xi32, #tpu.memory_space<vmem>>
        %dma_wait3A_355 = tpu.memref_squeeze %dma_wait3A_354 : memref<1x8x128xi32, #tpu.memory_space<vmem>> -> memref<8x128xi32, #tpu.memory_space<vmem>>
        %dma_wait3A_356 = arith.constant 0 : i32
        %dma_wait3A_357 = tpu.memref_slice %arg3[%add3A, %mul3A_351, %dma_wait3A_356] : memref<32x152x128xi32, #tpu.memory_space<hbm>> -> memref<1x8x128xi32, #tpu.memory_space<hbm>>
        %dma_wait3A_358 = tpu.memref_squeeze %dma_wait3A_357 : memref<1x8x128xi32, #tpu.memory_space<hbm>> -> memref<8x128xi32, #tpu.memory_space<hbm>>
        %dma_wait3A_359 = arith.constant 0 : i32
        %dma_wait3A_360 = arith.constant 0 : i32
        %dma_wait3A_361 = tpu.memref_slice %arg6[%select_n3A_102, %dma_wait3A_359, %dma_wait3A_360] : memref<2x8x128xi32, #tpu.memory_space<vmem>> -> memref<1x8x128xi32, #tpu.memory_space<vmem>>
        %dma_wait3A_362 = tpu.memref_squeeze %dma_wait3A_361 : memref<1x8x128xi32, #tpu.memory_space<vmem>> -> memref<8x128xi32, #tpu.memory_space<vmem>>
        %dma_wait3A_363 = arith.constant 0 : i32
        %dma_wait3A_364 = tpu.memref_slice %arg3[%add3A, %mul3A_351, %dma_wait3A_363] : memref<32x152x128xi32, #tpu.memory_space<hbm>> -> memref<1x8x128xi32, #tpu.memory_space<hbm>>
        %dma_wait3A_365 = tpu.memref_squeeze %dma_wait3A_364 : memref<1x8x128xi32, #tpu.memory_space<hbm>> -> memref<8x128xi32, #tpu.memory_space<hbm>>
        tpu.wait_dma2 semaphore(%arg11 : memref<!tpu.dma_semaphore, #tpu.memory_space<semaphore_mem>>) src(%dma_wait3A_365 : memref<8x128xi32, #tpu.memory_space<hbm>>) dst(%dma_wait3A_362 : memref<8x128xi32, #tpu.memory_space<vmem>>)
        %add3A_366 = arith.constant 1 : i32
        %add3A_367 = arith.addi %while3A_70, %add3A_366 : i32
        %mul3A_368 = arith.constant 8 : i32
        %mul3A_369 = arith.muli %add3A_367, %mul3A_368 : i32
        %dma_wait3A_370 = arith.constant 0 : i32
        %dma_wait3A_371 = arith.constant 0 : i32
        %dma_wait3A_372 = tpu.memref_slice %arg7[%select_n3A_102, %dma_wait3A_370, %dma_wait3A_371] : memref<2x8x128xi32, #tpu.memory_space<vmem>> -> memref<1x8x128xi32, #tpu.memory_space<vmem>>
        %dma_wait3A_373 = tpu.memref_squeeze %dma_wait3A_372 : memref<1x8x128xi32, #tpu.memory_space<vmem>> -> memref<8x128xi32, #tpu.memory_space<vmem>>
        %dma_wait3A_374 = arith.constant 0 : i32
        %dma_wait3A_375 = tpu.memref_slice %arg4[%add3A, %mul3A_369, %dma_wait3A_374] : memref<32x152x128xi32, #tpu.memory_space<hbm>> -> memref<1x8x128xi32, #tpu.memory_space<hbm>>
        %dma_wait3A_376 = tpu.memref_squeeze %dma_wait3A_375 : memref<1x8x128xi32, #tpu.memory_space<hbm>> -> memref<8x128xi32, #tpu.memory_space<hbm>>
        %dma_wait3A_377 = arith.constant 0 : i32
        %dma_wait3A_378 = arith.constant 0 : i32
        %dma_wait3A_379 = tpu.memref_slice %arg7[%select_n3A_102, %dma_wait3A_377, %dma_wait3A_378] : memref<2x8x128xi32, #tpu.memory_space<vmem>> -> memref<1x8x128xi32, #tpu.memory_space<vmem>>
        %dma_wait3A_380 = tpu.memref_squeeze %dma_wait3A_379 : memref<1x8x128xi32, #tpu.memory_space<vmem>> -> memref<8x128xi32, #tpu.memory_space<vmem>>
        %dma_wait3A_381 = arith.constant 0 : i32
        %dma_wait3A_382 = tpu.memref_slice %arg4[%add3A, %mul3A_369, %dma_wait3A_381] : memref<32x152x128xi32, #tpu.memory_space<hbm>> -> memref<1x8x128xi32, #tpu.memory_space<hbm>>
        %dma_wait3A_383 = tpu.memref_squeeze %dma_wait3A_382 : memref<1x8x128xi32, #tpu.memory_space<hbm>> -> memref<8x128xi32, #tpu.memory_space<hbm>>
        tpu.wait_dma2 semaphore(%arg11 : memref<!tpu.dma_semaphore, #tpu.memory_space<semaphore_mem>>) src(%dma_wait3A_383 : memref<8x128xi32, #tpu.memory_space<hbm>>) dst(%dma_wait3A_380 : memref<8x128xi32, #tpu.memory_space<vmem>>)
        %dma_start3A_384 = arith.constant 0 : i32
        %dma_start3A_385 = arith.constant 0 : i32
        %dma_start3A_386 = tpu.memref_slice %arg6[%select_n3A_102, %dma_start3A_384, %dma_start3A_385] : memref<2x8x128xi32, #tpu.memory_space<vmem>> -> memref<1x1x128xi32, #tpu.memory_space<vmem>>
        %dma_start3A_387 = tpu.memref_squeeze %dma_start3A_386 : memref<1x1x128xi32, #tpu.memory_space<vmem>> -> memref<128xi32, #tpu.memory_space<vmem>>
        %dma_start3A_388 = arith.constant 0 : i32
        %dma_start3A_389 = arith.constant 0 : i32
        %dma_start3A_390 = tpu.memref_slice %arg2[%dma_start3A_388, %dma_start3A_389] : memref<10000x128xf32, #tpu.memory_space<hbm>> -> memref<10000x128xf32, #tpu.memory_space<hbm>>
        tpu.enqueue_indirect_dma source(%dma_start3A_390 : memref<10000x128xf32, #tpu.memory_space<hbm>>) target(%arg8 : memref<128x128xf32, #tpu.memory_space<vmem>>) offsets(%dma_start3A_387 : memref<128xi32, #tpu.memory_space<vmem>>) semaphore(%arg12 : memref<!tpu.dma_semaphore, #tpu.memory_space<semaphore_mem>>)
      } else {
      }
      %while3A_347 = arith.constant 0 : i32
      scf.yield %while3A_347 : i32
    }
    %dma_wait3A = arith.constant 0 : i32
    %dma_wait3A_62 = arith.constant 7 : i32
    %dma_wait3A_63 = arith.constant 0 : i32
    %dma_wait3A_64 = tpu.memref_slice %arg7[%dma_wait3A, %dma_wait3A_62, %dma_wait3A_63] : memref<2x8x128xi32, #tpu.memory_space<vmem>> -> memref<1x1x128xi32, #tpu.memory_space<vmem>>
    %dma_wait3A_65 = tpu.memref_squeeze %dma_wait3A_64 : memref<1x1x128xi32, #tpu.memory_space<vmem>> -> memref<128xi32, #tpu.memory_space<vmem>>
    %dma_wait3A_66 = arith.constant 0 : i32
    %dma_wait3A_67 = arith.constant 0 : i32
    %dma_wait3A_68 = tpu.memref_slice %arg10[%dma_wait3A_66, %dma_wait3A_67] : memref<10112x128xf32, #tpu.memory_space<vmem_shared>> -> memref<10112x128xf32, #tpu.memory_space<vmem_shared>>
    tpu.wait_indirect_dma semaphore(%arg15 : memref<!tpu.dma_semaphore, #tpu.memory_space<semaphore_mem>>) src(%arg9 : memref<128x128xf32, #tpu.memory_space<vmem>>) dst(%dma_wait3A_68 : memref<10112x128xf32, #tpu.memory_space<vmem_shared>>)
    %barrier3A_69 = arith.constant 0 : index
    tpu.barrier barrier_id(%barrier3A_69)
    "tpu.region"() ({
      %run_scoped3A_70 = tpu.sem_alloc : memref<!tpu.dma_semaphore, #tpu.memory_space<semaphore_mem>>
      %dma_start3A_71 = arith.constant 0 : i32
      %dma_start3A_72 = tpu.memref_slice %arg5[%arg0, %mul3A_2, %dma_start3A_71] : memref<2x10112x128xf32, #tpu.memory_space<hbm>> -> memref<1x632x128xf32, #tpu.memory_space<hbm>>
      %dma_start3A_73 = tpu.memref_squeeze %dma_start3A_72 : memref<1x632x128xf32, #tpu.memory_space<hbm>> -> memref<632x128xf32, #tpu.memory_space<hbm>>
      %dma_start3A_74 = arith.constant 0 : i32
      %dma_start3A_75 = tpu.memref_slice %arg10[%mul3A_2, %dma_start3A_74] : memref<10112x128xf32, #tpu.memory_space<vmem_shared>> -> memref<632x128xf32, #tpu.memory_space<vmem_shared>>
      tpu.enqueue_dma source(%dma_start3A_75 : memref<632x128xf32, #tpu.memory_space<vmem_shared>>) target(%dma_start3A_73 : memref<632x128xf32, #tpu.memory_space<hbm>>) target_semaphore(%run_scoped3A_70 : memref<!tpu.dma_semaphore, #tpu.memory_space<semaphore_mem>>)
      %dma_wait3A_76 = arith.constant 0 : i32
      %dma_wait3A_77 = tpu.memref_slice %arg5[%arg0, %mul3A_2, %dma_wait3A_76] : memref<2x10112x128xf32, #tpu.memory_space<hbm>> -> memref<1x632x128xf32, #tpu.memory_space<hbm>>
      %dma_wait3A_78 = tpu.memref_squeeze %dma_wait3A_77 : memref<1x632x128xf32, #tpu.memory_space<hbm>> -> memref<632x128xf32, #tpu.memory_space<hbm>>
      %dma_wait3A_79 = arith.constant 0 : i32
      %dma_wait3A_80 = tpu.memref_slice %arg10[%mul3A_2, %dma_wait3A_79] : memref<10112x128xf32, #tpu.memory_space<vmem_shared>> -> memref<632x128xf32, #tpu.memory_space<vmem_shared>>
      tpu.wait_dma2 semaphore(%run_scoped3A_70 : memref<!tpu.dma_semaphore, #tpu.memory_space<semaphore_mem>>) src(%dma_wait3A_80 : memref<632x128xf32, #tpu.memory_space<vmem_shared>>) dst(%dma_wait3A_78 : memref<632x128xf32, #tpu.memory_space<hbm>>)
      tpu.yield
    }) : () -> ()
    return
  }
}

#map = affine_map<(d0, d1) -> (0, 0, 0)>
module attributes {stable_mosaic.version = 14 : i64} {
  func.func @_sc_count_body(%arg0: i32, %arg1: i32, %arg2: memref<32x304x128xi32, #tpu.memory_space<hbm>>, %arg3: memref<2x160x128xf32, #tpu.memory_space<hbm>>, %arg4: memref<8x128xi32, #tpu.memory_space<vmem>>, %arg5: memref<256x128xf32, #tpu.memory_space<vmem>>, %arg6: memref<2x128xi32, #tpu.memory_space<vmem>>, %arg7: memref<256x128xf32, #tpu.memory_space<vmem_shared>>) attributes {dimension_semantics = [#tpu.dimension_semantics<core_parallel>, #tpu.dimension_semantics<subcore_parallel>], iteration_bounds = array<i64: 2, 16>, scalar_prefetch = 0 : i64, scratch_operands = 4 : i64, tpu.core_type = #tpu.core_type<sc_vector_subcore>, window_params = [{transform_indices = #map}, {transform_indices = #map}]} {
    %mul3A = arith.constant 16 : i32
    %mul3A_0 = arith.muli %arg0, %mul3A : i32
    %add3A = arith.addi %mul3A_0, %arg1 : i32
    %scan3A = arith.constant 0 : i32
    %scan3A_1 = arith.constant 0 : i32
    %scan3A_2 = arith.constant 256 : i32
    %scan3A_3 = arith.addi %scan3A_1, %scan3A_2 : i32
    %scan3A_4 = arith.constant 1 : i32
    %scan3A_5 = scf.for %scan3A_157 = %scan3A_1 to %scan3A_3 step %scan3A_4 iter_args(%scan3A_158 = %scan3A) -> (i32)  : i32 {
      %broadcast_in_dim3A_159 = arith.constant 0.000000e+00 : f32
      %broadcast_in_dim3A_160 = vector.broadcast %broadcast_in_dim3A_159 : f32 to vector<16xf32>
      %swap3A_161 = arith.index_cast %scan3A_157 : i32 to index
      %swap3A_162 = arith.constant 0 : index
      %swap3A_163 = tpu.vector_load %arg5[%swap3A_161, %swap3A_162] {strides = array<i32>} : memref<256x128xf32, #tpu.memory_space<vmem>>, vector<16xf32>,
      tpu.vector_store %arg5[%swap3A_161, %swap3A_162], %broadcast_in_dim3A_160 {strides = array<i32>} : memref<256x128xf32, #tpu.memory_space<vmem>>, vector<16xf32>,
      %swap3A_164 = arith.index_cast %scan3A_157 : i32 to index
      %swap3A_165 = arith.constant 16 : index
      %swap3A_166 = tpu.vector_load %arg5[%swap3A_164, %swap3A_165] {strides = array<i32>} : memref<256x128xf32, #tpu.memory_space<vmem>>, vector<16xf32>,
      tpu.vector_store %arg5[%swap3A_164, %swap3A_165], %broadcast_in_dim3A_160 {strides = array<i32>} : memref<256x128xf32, #tpu.memory_space<vmem>>, vector<16xf32>,
      %swap3A_167 = arith.index_cast %scan3A_157 : i32 to index
      %swap3A_168 = arith.constant 32 : index
      %swap3A_169 = tpu.vector_load %arg5[%swap3A_167, %swap3A_168] {strides = array<i32>} : memref<256x128xf32, #tpu.memory_space<vmem>>, vector<16xf32>,
      tpu.vector_store %arg5[%swap3A_167, %swap3A_168], %broadcast_in_dim3A_160 {strides = array<i32>} : memref<256x128xf32, #tpu.memory_space<vmem>>, vector<16xf32>,
      %swap3A_170 = arith.index_cast %scan3A_157 : i32 to index
      %swap3A_171 = arith.constant 48 : index
      %swap3A_172 = tpu.vector_load %arg5[%swap3A_170, %swap3A_171] {strides = array<i32>} : memref<256x128xf32, #tpu.memory_space<vmem>>, vector<16xf32>,
      tpu.vector_store %arg5[%swap3A_170, %swap3A_171], %broadcast_in_dim3A_160 {strides = array<i32>} : memref<256x128xf32, #tpu.memory_space<vmem>>, vector<16xf32>,
      %swap3A_173 = arith.index_cast %scan3A_157 : i32 to index
      %swap3A_174 = arith.constant 64 : index
      %swap3A_175 = tpu.vector_load %arg5[%swap3A_173, %swap3A_174] {strides = array<i32>} : memref<256x128xf32, #tpu.memory_space<vmem>>, vector<16xf32>,
      tpu.vector_store %arg5[%swap3A_173, %swap3A_174], %broadcast_in_dim3A_160 {strides = array<i32>} : memref<256x128xf32, #tpu.memory_space<vmem>>, vector<16xf32>,
      %swap3A_176 = arith.index_cast %scan3A_157 : i32 to index
      %swap3A_177 = arith.constant 80 : index
      %swap3A_178 = tpu.vector_load %arg5[%swap3A_176, %swap3A_177] {strides = array<i32>} : memref<256x128xf32, #tpu.memory_space<vmem>>, vector<16xf32>,
      tpu.vector_store %arg5[%swap3A_176, %swap3A_177], %broadcast_in_dim3A_160 {strides = array<i32>} : memref<256x128xf32, #tpu.memory_space<vmem>>, vector<16xf32>,
      %swap3A_179 = arith.index_cast %scan3A_157 : i32 to index
      %swap3A_180 = arith.constant 96 : index
      %swap3A_181 = tpu.vector_load %arg5[%swap3A_179, %swap3A_180] {strides = array<i32>} : memref<256x128xf32, #tpu.memory_space<vmem>>, vector<16xf32>,
      tpu.vector_store %arg5[%swap3A_179, %swap3A_180], %broadcast_in_dim3A_160 {strides = array<i32>} : memref<256x128xf32, #tpu.memory_space<vmem>>, vector<16xf32>,
      %swap3A_182 = arith.index_cast %scan3A_157 : i32 to index
      %swap3A_183 = arith.constant 112 : index
      %swap3A_184 = tpu.vector_load %arg5[%swap3A_182, %swap3A_183] {strides = array<i32>} : memref<256x128xf32, #tpu.memory_space<vmem>>, vector<16xf32>,
      tpu.vector_store %arg5[%swap3A_182, %swap3A_183], %broadcast_in_dim3A_160 {strides = array<i32>} : memref<256x128xf32, #tpu.memory_space<vmem>>, vector<16xf32>,
      %scan3A_185 = arith.constant 0 : i32
      scf.yield %scan3A_185 : i32
    }
    %scan3A_6 = arith.constant 256 : i32
    %iota3A = tpu.iota {dimensions = array<i32: 0>} : vector<16xi32>
    %add3A_7 = arith.constant 0 : i32
    %add3A_8 = vector.broadcast %add3A_7 : i32 to vector<16xi32>
    %add3A_9 = arith.addi %iota3A, %add3A_8 : vector<16xi32>
    %swap3A = arith.constant 0 : i32
    %swap3A_10 = arith.index_cast %swap3A : i32 to index
    %swap3A_11 = arith.constant 0 : index
    %swap3A_12 = tpu.vector_load %arg6[%swap3A_10, %swap3A_11] {strides = array<i32>} : memref<2x128xi32, #tpu.memory_space<vmem>>, vector<16xi32>,
    tpu.vector_store %arg6[%swap3A_10, %swap3A_11], %add3A_9 {strides = array<i32>} : memref<2x128xi32, #tpu.memory_space<vmem>>, vector<16xi32>,
    %iota3A_13 = tpu.iota {dimensions = array<i32: 0>} : vector<16xi32>
    %add3A_14 = arith.constant 16 : i32
    %add3A_15 = vector.broadcast %add3A_14 : i32 to vector<16xi32>
    %add3A_16 = arith.addi %iota3A_13, %add3A_15 : vector<16xi32>
    %swap3A_17 = arith.constant 0 : i32
    %swap3A_18 = arith.index_cast %swap3A_17 : i32 to index
    %swap3A_19 = arith.constant 16 : index
    %swap3A_20 = tpu.vector_load %arg6[%swap3A_18, %swap3A_19] {strides = array<i32>} : memref<2x128xi32, #tpu.memory_space<vmem>>, vector<16xi32>,
    tpu.vector_store %arg6[%swap3A_18, %swap3A_19], %add3A_16 {strides = array<i32>} : memref<2x128xi32, #tpu.memory_space<vmem>>, vector<16xi32>,
    %iota3A_21 = tpu.iota {dimensions = array<i32: 0>} : vector<16xi32>
    %add3A_22 = arith.constant 32 : i32
    %add3A_23 = vector.broadcast %add3A_22 : i32 to vector<16xi32>
    %add3A_24 = arith.addi %iota3A_21, %add3A_23 : vector<16xi32>
    %swap3A_25 = arith.constant 0 : i32
    %swap3A_26 = arith.index_cast %swap3A_25 : i32 to index
    %swap3A_27 = arith.constant 32 : index
    %swap3A_28 = tpu.vector_load %arg6[%swap3A_26, %swap3A_27] {strides = array<i32>} : memref<2x128xi32, #tpu.memory_space<vmem>>, vector<16xi32>,
    tpu.vector_store %arg6[%swap3A_26, %swap3A_27], %add3A_24 {strides = array<i32>} : memref<2x128xi32, #tpu.memory_space<vmem>>, vector<16xi32>,
    %iota3A_29 = tpu.iota {dimensions = array<i32: 0>} : vector<16xi32>
    %add3A_30 = arith.constant 48 : i32
    %add3A_31 = vector.broadcast %add3A_30 : i32 to vector<16xi32>
    %add3A_32 = arith.addi %iota3A_29, %add3A_31 : vector<16xi32>
    %swap3A_33 = arith.constant 0 : i32
    %swap3A_34 = arith.index_cast %swap3A_33 : i32 to index
    %swap3A_35 = arith.constant 48 : index
    %swap3A_36 = tpu.vector_load %arg6[%swap3A_34, %swap3A_35] {strides = array<i32>} : memref<2x128xi32, #tpu.memory_space<vmem>>, vector<16xi32>,
    tpu.vector_store %arg6[%swap3A_34, %swap3A_35], %add3A_32 {strides = array<i32>} : memref<2x128xi32, #tpu.memory_space<vmem>>, vector<16xi32>,
    %iota3A_37 = tpu.iota {dimensions = array<i32: 0>} : vector<16xi32>
    %add3A_38 = arith.constant 64 : i32
    %add3A_39 = vector.broadcast %add3A_38 : i32 to vector<16xi32>
    %add3A_40 = arith.addi %iota3A_37, %add3A_39 : vector<16xi32>
    %swap3A_41 = arith.constant 0 : i32
    %swap3A_42 = arith.index_cast %swap3A_41 : i32 to index
    %swap3A_43 = arith.constant 64 : index
    %swap3A_44 = tpu.vector_load %arg6[%swap3A_42, %swap3A_43] {strides = array<i32>} : memref<2x128xi32, #tpu.memory_space<vmem>>, vector<16xi32>,
    tpu.vector_store %arg6[%swap3A_42, %swap3A_43], %add3A_40 {strides = array<i32>} : memref<2x128xi32, #tpu.memory_space<vmem>>, vector<16xi32>,
    %iota3A_45 = tpu.iota {dimensions = array<i32: 0>} : vector<16xi32>
    %add3A_46 = arith.constant 80 : i32
    %add3A_47 = vector.broadcast %add3A_46 : i32 to vector<16xi32>
    %add3A_48 = arith.addi %iota3A_45, %add3A_47 : vector<16xi32>
    %swap3A_49 = arith.constant 0 : i32
    %swap3A_50 = arith.index_cast %swap3A_49 : i32 to index
    %swap3A_51 = arith.constant 80 : index
    %swap3A_52 = tpu.vector_load %arg6[%swap3A_50, %swap3A_51] {strides = array<i32>} : memref<2x128xi32, #tpu.memory_space<vmem>>, vector<16xi32>,
    tpu.vector_store %arg6[%swap3A_50, %swap3A_51], %add3A_48 {strides = array<i32>} : memref<2x128xi32, #tpu.memory_space<vmem>>, vector<16xi32>,
    %iota3A_53 = tpu.iota {dimensions = array<i32: 0>} : vector<16xi32>
    %add3A_54 = arith.constant 96 : i32
    %add3A_55 = vector.broadcast %add3A_54 : i32 to vector<16xi32>
    %add3A_56 = arith.addi %iota3A_53, %add3A_55 : vector<16xi32>
    %swap3A_57 = arith.constant 0 : i32
    %swap3A_58 = arith.index_cast %swap3A_57 : i32 to index
    %swap3A_59 = arith.constant 96 : index
    %swap3A_60 = tpu.vector_load %arg6[%swap3A_58, %swap3A_59] {strides = array<i32>} : memref<2x128xi32, #tpu.memory_space<vmem>>, vector<16xi32>,
    tpu.vector_store %arg6[%swap3A_58, %swap3A_59], %add3A_56 {strides = array<i32>} : memref<2x128xi32, #tpu.memory_space<vmem>>, vector<16xi32>,
    %iota3A_61 = tpu.iota {dimensions = array<i32: 0>} : vector<16xi32>
    %add3A_62 = arith.constant 112 : i32
    %add3A_63 = vector.broadcast %add3A_62 : i32 to vector<16xi32>
    %add3A_64 = arith.addi %iota3A_61, %add3A_63 : vector<16xi32>
    %swap3A_65 = arith.constant 0 : i32
    %swap3A_66 = arith.index_cast %swap3A_65 : i32 to index
    %swap3A_67 = arith.constant 112 : index
    %swap3A_68 = tpu.vector_load %arg6[%swap3A_66, %swap3A_67] {strides = array<i32>} : memref<2x128xi32, #tpu.memory_space<vmem>>, vector<16xi32>,
    tpu.vector_store %arg6[%swap3A_66, %swap3A_67], %add3A_64 {strides = array<i32>} : memref<2x128xi32, #tpu.memory_space<vmem>>, vector<16xi32>,
    %iota3A_69 = tpu.iota {dimensions = array<i32: 0>} : vector<16xi32>
    %add3A_70 = arith.constant 128 : i32
    %add3A_71 = vector.broadcast %add3A_70 : i32 to vector<16xi32>
    %add3A_72 = arith.addi %iota3A_69, %add3A_71 : vector<16xi32>
    %swap3A_73 = arith.constant 1 : i32
    %swap3A_74 = arith.index_cast %swap3A_73 : i32 to index
    %swap3A_75 = arith.constant 0 : index
    %swap3A_76 = tpu.vector_load %arg6[%swap3A_74, %swap3A_75] {strides = array<i32>} : memref<2x128xi32, #tpu.memory_space<vmem>>, vector<16xi32>,
    tpu.vector_store %arg6[%swap3A_74, %swap3A_75], %add3A_72 {strides = array<i32>} : memref<2x128xi32, #tpu.memory_space<vmem>>, vector<16xi32>,
    %iota3A_77 = tpu.iota {dimensions = array<i32: 0>} : vector<16xi32>
    %add3A_78 = arith.constant 144 : i32
    %add3A_79 = vector.broadcast %add3A_78 : i32 to vector<16xi32>
    %add3A_80 = arith.addi %iota3A_77, %add3A_79 : vector<16xi32>
    %swap3A_81 = arith.constant 1 : i32
    %swap3A_82 = arith.index_cast %swap3A_81 : i32 to index
    %swap3A_83 = arith.constant 16 : index
    %swap3A_84 = tpu.vector_load %arg6[%swap3A_82, %swap3A_83] {strides = array<i32>} : memref<2x128xi32, #tpu.memory_space<vmem>>, vector<16xi32>,
    tpu.vector_store %arg6[%swap3A_82, %swap3A_83], %add3A_80 {strides = array<i32>} : memref<2x128xi32, #tpu.memory_space<vmem>>, vector<16xi32>,
    %iota3A_85 = tpu.iota {dimensions = array<i32: 0>} : vector<16xi32>
    %add3A_86 = arith.constant 160 : i32
    %add3A_87 = vector.broadcast %add3A_86 : i32 to vector<16xi32>
    %add3A_88 = arith.addi %iota3A_85, %add3A_87 : vector<16xi32>
    %swap3A_89 = arith.constant 1 : i32
    %swap3A_90 = arith.index_cast %swap3A_89 : i32 to index
    %swap3A_91 = arith.constant 32 : index
    %swap3A_92 = tpu.vector_load %arg6[%swap3A_90, %swap3A_91] {strides = array<i32>} : memref<2x128xi32, #tpu.memory_space<vmem>>, vector<16xi32>,
    tpu.vector_store %arg6[%swap3A_90, %swap3A_91], %add3A_88 {strides = array<i32>} : memref<2x128xi32, #tpu.memory_space<vmem>>, vector<16xi32>,
    %iota3A_93 = tpu.iota {dimensions = array<i32: 0>} : vector<16xi32>
    %add3A_94 = arith.constant 176 : i32
    %add3A_95 = vector.broadcast %add3A_94 : i32 to vector<16xi32>
    %add3A_96 = arith.addi %iota3A_93, %add3A_95 : vector<16xi32>
    %swap3A_97 = arith.constant 1 : i32
    %swap3A_98 = arith.index_cast %swap3A_97 : i32 to index
    %swap3A_99 = arith.constant 48 : index
    %swap3A_100 = tpu.vector_load %arg6[%swap3A_98, %swap3A_99] {strides = array<i32>} : memref<2x128xi32, #tpu.memory_space<vmem>>, vector<16xi32>,
    tpu.vector_store %arg6[%swap3A_98, %swap3A_99], %add3A_96 {strides = array<i32>} : memref<2x128xi32, #tpu.memory_space<vmem>>, vector<16xi32>,
    %iota3A_101 = tpu.iota {dimensions = array<i32: 0>} : vector<16xi32>
    %add3A_102 = arith.constant 192 : i32
    %add3A_103 = vector.broadcast %add3A_102 : i32 to vector<16xi32>
    %add3A_104 = arith.addi %iota3A_101, %add3A_103 : vector<16xi32>
    %swap3A_105 = arith.constant 1 : i32
    %swap3A_106 = arith.index_cast %swap3A_105 : i32 to index
    %swap3A_107 = arith.constant 64 : index
    %swap3A_108 = tpu.vector_load %arg6[%swap3A_106, %swap3A_107] {strides = array<i32>} : memref<2x128xi32, #tpu.memory_space<vmem>>, vector<16xi32>,
    tpu.vector_store %arg6[%swap3A_106, %swap3A_107], %add3A_104 {strides = array<i32>} : memref<2x128xi32, #tpu.memory_space<vmem>>, vector<16xi32>,
    %iota3A_109 = tpu.iota {dimensions = array<i32: 0>} : vector<16xi32>
    %add3A_110 = arith.constant 208 : i32
    %add3A_111 = vector.broadcast %add3A_110 : i32 to vector<16xi32>
    %add3A_112 = arith.addi %iota3A_109, %add3A_111 : vector<16xi32>
    %swap3A_113 = arith.constant 1 : i32
    %swap3A_114 = arith.index_cast %swap3A_113 : i32 to index
    %swap3A_115 = arith.constant 80 : index
    %swap3A_116 = tpu.vector_load %arg6[%swap3A_114, %swap3A_115] {strides = array<i32>} : memref<2x128xi32, #tpu.memory_space<vmem>>, vector<16xi32>,
    tpu.vector_store %arg6[%swap3A_114, %swap3A_115], %add3A_112 {strides = array<i32>} : memref<2x128xi32, #tpu.memory_space<vmem>>, vector<16xi32>,
    %iota3A_117 = tpu.iota {dimensions = array<i32: 0>} : vector<16xi32>
    %add3A_118 = arith.constant 224 : i32
    %add3A_119 = vector.broadcast %add3A_118 : i32 to vector<16xi32>
    %add3A_120 = arith.addi %iota3A_117, %add3A_119 : vector<16xi32>
    %swap3A_121 = arith.constant 1 : i32
    %swap3A_122 = arith.index_cast %swap3A_121 : i32 to index
    %swap3A_123 = arith.constant 96 : index
    %swap3A_124 = tpu.vector_load %arg6[%swap3A_122, %swap3A_123] {strides = array<i32>} : memref<2x128xi32, #tpu.memory_space<vmem>>, vector<16xi32>,
    tpu.vector_store %arg6[%swap3A_122, %swap3A_123], %add3A_120 {strides = array<i32>} : memref<2x128xi32, #tpu.memory_space<vmem>>, vector<16xi32>,
    %iota3A_125 = tpu.iota {dimensions = array<i32: 0>} : vector<16xi32>
    %add3A_126 = arith.constant 240 : i32
    %add3A_127 = vector.broadcast %add3A_126 : i32 to vector<16xi32>
    %add3A_128 = arith.addi %iota3A_125, %add3A_127 : vector<16xi32>
    %swap3A_129 = arith.constant 1 : i32
    %swap3A_130 = arith.index_cast %swap3A_129 : i32 to index
    %swap3A_131 = arith.constant 112 : index
    %swap3A_132 = tpu.vector_load %arg6[%swap3A_130, %swap3A_131] {strides = array<i32>} : memref<2x128xi32, #tpu.memory_space<vmem>>, vector<16xi32>,
    tpu.vector_store %arg6[%swap3A_130, %swap3A_131], %add3A_128 {strides = array<i32>} : memref<2x128xi32, #tpu.memory_space<vmem>>, vector<16xi32>,
    %eq3A = arith.constant 0 : i32
    %eq3A_133 = arith.cmpi eq, %arg1, %eq3A : i32
    %convert_element_type3A = arith.extui %eq3A_133 : i1 to i32
    %cond3A = arith.constant 0 : i32
    %cond3A_134 = arith.cmpi ne, %convert_element_type3A, %cond3A : i32
    scf.if %cond3A_134 {
      "tpu.region"() ({
        %run_scoped3A_157 = tpu.sem_alloc : memref<!tpu.dma_semaphore, #tpu.memory_space<semaphore_mem>>
        tpu.enqueue_dma source(%arg5 : memref<256x128xf32, #tpu.memory_space<vmem>>) target(%arg7 : memref<256x128xf32, #tpu.memory_space<vmem_shared>>) target_semaphore(%run_scoped3A_157 : memref<!tpu.dma_semaphore, #tpu.memory_space<semaphore_mem>>)
        tpu.wait_dma2 semaphore(%run_scoped3A_157 : memref<!tpu.dma_semaphore, #tpu.memory_space<semaphore_mem>>) src(%arg5 : memref<256x128xf32, #tpu.memory_space<vmem>>) dst(%arg7 : memref<256x128xf32, #tpu.memory_space<vmem_shared>>)
        tpu.yield
      }) : () -> ()
    } else {
    }
    %barrier3A = arith.constant 0 : index
    tpu.barrier barrier_id(%barrier3A)
    %broadcast_in_dim3A = arith.constant 1.000000e+00 : f32
    %broadcast_in_dim3A_135 = vector.broadcast %broadcast_in_dim3A : f32 to vector<16xf32>
    %eq3A_136 = arith.constant 0 : i32
    %eq3A_137 = arith.cmpi eq, %arg0, %eq3A_136 : i32
    %jit3A = arith.constant 38 : i32
    %jit3A_138 = arith.constant 2 : i32
    %select_n3A = arith.select %eq3A_137, %jit3A, %jit3A_138 : i32
    %while3A = arith.constant 0 : i32
    %while3A_139 = arith.constant 0 : i32
    %while3A_140 = arith.subi %select_n3A, %while3A : i32
    %while3A_141 = arith.addi %while3A, %while3A_140 : i32
    %while3A_142 = arith.constant 1 : i32
    %while3A_143 = arith.divsi %while3A_140, %while3A_142 : i32
    %while3A_144 = arith.muli %while3A_143, %while3A_142 : i32
    %while3A_145 = arith.addi %while3A, %while3A_144 : i32
    %while3A_146 = arith.constant 1 : i32
    %while3A_147 = scf.for %while3A_157 = %while3A to %while3A_145 step %while3A_146 iter_args(%while3A_158 = %while3A_139) -> (i32)  : i32 {
      %mul3A_159 = arith.constant 8 : i32
      %mul3A_160 = arith.muli %while3A_157, %mul3A_159 : i32
      "tpu.region"() ({
        %run_scoped3A_799 = tpu.sem_alloc : memref<!tpu.dma_semaphore, #tpu.memory_space<semaphore_mem>>
        %dma_start3A = arith.constant 0 : i32
        %dma_start3A_800 = tpu.memref_slice %arg2[%add3A, %mul3A_160, %dma_start3A] : memref<32x304x128xi32, #tpu.memory_space<hbm>> -> memref<1x8x128xi32, #tpu.memory_space<hbm>>
        %dma_start3A_801 = tpu.memref_squeeze %dma_start3A_800 : memref<1x8x128xi32, #tpu.memory_space<hbm>> -> memref<8x128xi32, #tpu.memory_space<hbm>>
        %dma_start3A_802 = arith.constant 0 : i32
        %dma_start3A_803 = tpu.memref_slice %arg2[%add3A, %mul3A_160, %dma_start3A_802] : memref<32x304x128xi32, #tpu.memory_space<hbm>> -> memref<1x8x128xi32, #tpu.memory_space<hbm>>
        %dma_start3A_804 = tpu.memref_squeeze %dma_start3A_803 : memref<1x8x128xi32, #tpu.memory_space<hbm>> -> memref<8x128xi32, #tpu.memory_space<hbm>>
        tpu.enqueue_dma source(%dma_start3A_804 : memref<8x128xi32, #tpu.memory_space<hbm>>) target(%arg4 : memref<8x128xi32, #tpu.memory_space<vmem>>) target_semaphore(%run_scoped3A_799 : memref<!tpu.dma_semaphore, #tpu.memory_space<semaphore_mem>>)
        %dma_wait3A = arith.constant 0 : i32
        %dma_wait3A_805 = tpu.memref_slice %arg2[%add3A, %mul3A_160, %dma_wait3A] : memref<32x304x128xi32, #tpu.memory_space<hbm>> -> memref<1x8x128xi32, #tpu.memory_space<hbm>>
        %dma_wait3A_806 = tpu.memref_squeeze %dma_wait3A_805 : memref<1x8x128xi32, #tpu.memory_space<hbm>> -> memref<8x128xi32, #tpu.memory_space<hbm>>
        %dma_wait3A_807 = arith.constant 0 : i32
        %dma_wait3A_808 = tpu.memref_slice %arg2[%add3A, %mul3A_160, %dma_wait3A_807] : memref<32x304x128xi32, #tpu.memory_space<hbm>> -> memref<1x8x128xi32, #tpu.memory_space<hbm>>
        %dma_wait3A_809 = tpu.memref_squeeze %dma_wait3A_808 : memref<1x8x128xi32, #tpu.memory_space<hbm>> -> memref<8x128xi32, #tpu.memory_space<hbm>>
        tpu.wait_dma2 semaphore(%run_scoped3A_799 : memref<!tpu.dma_semaphore, #tpu.memory_space<semaphore_mem>>) src(%dma_wait3A_809 : memref<8x128xi32, #tpu.memory_space<hbm>>) dst(%arg4 : memref<8x128xi32, #tpu.memory_space<vmem>>)
        tpu.yield
      }) : () -> ()
      %get3A = arith.constant 0 : i32
      %get3A_161 = arith.index_cast %get3A : i32 to index
      %get3A_162 = arith.constant 0 : index
      %get3A_163 = tpu.vector_load %arg4[%get3A_161, %get3A_162] {strides = array<i32>} : memref<8x128xi32, #tpu.memory_space<vmem>>, vector<16xi32>,
      %shift_right_logical3A = arith.constant 7 : i32
      %shift_right_logical3A_164 = vector.broadcast %shift_right_logical3A : i32 to vector<16xi32>
      %shift_right_logical3A_165 = arith.shrui %get3A_163, %shift_right_logical3A_164 : vector<16xi32>
      %and3A = arith.constant 127 : i32
      %and3A_166 = vector.broadcast %and3A : i32 to vector<16xi32>
      %and3A_167 = arith.andi %get3A_163, %and3A_166 : vector<16xi32>
      tpu.vector_store_idx %arg5[%shift_right_logical3A_165, %and3A_167], %broadcast_in_dim3A_135 {add = true} : memref<256x128xf32, #tpu.memory_space<vmem>>[vector<16xi32>, vector<16xi32>], vector<16xf32>,
      %get3A_168 = arith.constant 0 : i32
      %get3A_169 = arith.index_cast %get3A_168 : i32 to index
      %get3A_170 = arith.constant 16 : index
      %get3A_171 = tpu.vector_load %arg4[%get3A_169, %get3A_170] {strides = array<i32>} : memref<8x128xi32, #tpu.memory_space<vmem>>, vector<16xi32>,
      %shift_right_logical3A_172 = arith.constant 7 : i32
      %shift_right_logical3A_173 = vector.broadcast %shift_right_logical3A_172 : i32 to vector<16xi32>
      %shift_right_logical3A_174 = arith.shrui %get3A_171, %shift_right_logical3A_173 : vector<16xi32>
      %and3A_175 = arith.constant 127 : i32
      %and3A_176 = vector.broadcast %and3A_175 : i32 to vector<16xi32>
      %and3A_177 = arith.andi %get3A_171, %and3A_176 : vector<16xi32>
      tpu.vector_store_idx %arg5[%shift_right_logical3A_174, %and3A_177], %broadcast_in_dim3A_135 {add = true} : memref<256x128xf32, #tpu.memory_space<vmem>>[vector<16xi32>, vector<16xi32>], vector<16xf32>,
      %get3A_178 = arith.constant 0 : i32
      %get3A_179 = arith.index_cast %get3A_178 : i32 to index
      %get3A_180 = arith.constant 32 : index
      %get3A_181 = tpu.vector_load %arg4[%get3A_179, %get3A_180] {strides = array<i32>} : memref<8x128xi32, #tpu.memory_space<vmem>>, vector<16xi32>,
      %shift_right_logical3A_182 = arith.constant 7 : i32
      %shift_right_logical3A_183 = vector.broadcast %shift_right_logical3A_182 : i32 to vector<16xi32>
      %shift_right_logical3A_184 = arith.shrui %get3A_181, %shift_right_logical3A_183 : vector<16xi32>
      %and3A_185 = arith.constant 127 : i32
      %and3A_186 = vector.broadcast %and3A_185 : i32 to vector<16xi32>
      %and3A_187 = arith.andi %get3A_181, %and3A_186 : vector<16xi32>
      tpu.vector_store_idx %arg5[%shift_right_logical3A_184, %and3A_187], %broadcast_in_dim3A_135 {add = true} : memref<256x128xf32, #tpu.memory_space<vmem>>[vector<16xi32>, vector<16xi32>], vector<16xf32>,
      %get3A_188 = arith.constant 0 : i32
      %get3A_189 = arith.index_cast %get3A_188 : i32 to index
      %get3A_190 = arith.constant 48 : index
      %get3A_191 = tpu.vector_load %arg4[%get3A_189, %get3A_190] {strides = array<i32>} : memref<8x128xi32, #tpu.memory_space<vmem>>, vector<16xi32>,
      %shift_right_logical3A_192 = arith.constant 7 : i32
      %shift_right_logical3A_193 = vector.broadcast %shift_right_logical3A_192 : i32 to vector<16xi32>
      %shift_right_logical3A_194 = arith.shrui %get3A_191, %shift_right_logical3A_193 : vector<16xi32>
      %and3A_195 = arith.constant 127 : i32
      %and3A_196 = vector.broadcast %and3A_195 : i32 to vector<16xi32>
      %and3A_197 = arith.andi %get3A_191, %and3A_196 : vector<16xi32>
      tpu.vector_store_idx %arg5[%shift_right_logical3A_194, %and3A_197], %broadcast_in_dim3A_135 {add = true} : memref<256x128xf32, #tpu.memory_space<vmem>>[vector<16xi32>, vector<16xi32>], vector<16xf32>,
      %get3A_198 = arith.constant 0 : i32
      %get3A_199 = arith.index_cast %get3A_198 : i32 to index
      %get3A_200 = arith.constant 64 : index
      %get3A_201 = tpu.vector_load %arg4[%get3A_199, %get3A_200] {strides = array<i32>} : memref<8x128xi32, #tpu.memory_space<vmem>>, vector<16xi32>,
      %shift_right_logical3A_202 = arith.constant 7 : i32
      %shift_right_logical3A_203 = vector.broadcast %shift_right_logical3A_202 : i32 to vector<16xi32>
      %shift_right_logical3A_204 = arith.shrui %get3A_201, %shift_right_logical3A_203 : vector<16xi32>
      %and3A_205 = arith.constant 127 : i32
      %and3A_206 = vector.broadcast %and3A_205 : i32 to vector<16xi32>
      %and3A_207 = arith.andi %get3A_201, %and3A_206 : vector<16xi32>
      tpu.vector_store_idx %arg5[%shift_right_logical3A_204, %and3A_207], %broadcast_in_dim3A_135 {add = true} : memref<256x128xf32, #tpu.memory_space<vmem>>[vector<16xi32>, vector<16xi32>], vector<16xf32>,
      %get3A_208 = arith.constant 0 : i32
      %get3A_209 = arith.index_cast %get3A_208 : i32 to index
      %get3A_210 = arith.constant 80 : index
      %get3A_211 = tpu.vector_load %arg4[%get3A_209, %get3A_210] {strides = array<i32>} : memref<8x128xi32, #tpu.memory_space<vmem>>, vector<16xi32>,
      %shift_right_logical3A_212 = arith.constant 7 : i32
      %shift_right_logical3A_213 = vector.broadcast %shift_right_logical3A_212 : i32 to vector<16xi32>
      %shift_right_logical3A_214 = arith.shrui %get3A_211, %shift_right_logical3A_213 : vector<16xi32>
      %and3A_215 = arith.constant 127 : i32
      %and3A_216 = vector.broadcast %and3A_215 : i32 to vector<16xi32>
      %and3A_217 = arith.andi %get3A_211, %and3A_216 : vector<16xi32>
      tpu.vector_store_idx %arg5[%shift_right_logical3A_214, %and3A_217], %broadcast_in_dim3A_135 {add = true} : memref<256x128xf32, #tpu.memory_space<vmem>>[vector<16xi32>, vector<16xi32>], vector<16xf32>,
      %get3A_218 = arith.constant 0 : i32
      %get3A_219 = arith.index_cast %get3A_218 : i32 to index
      %get3A_220 = arith.constant 96 : index
      %get3A_221 = tpu.vector_load %arg4[%get3A_219, %get3A_220] {strides = array<i32>} : memref<8x128xi32, #tpu.memory_space<vmem>>, vector<16xi32>,
      %shift_right_logical3A_222 = arith.constant 7 : i32
      %shift_right_logical3A_223 = vector.broadcast %shift_right_logical3A_222 : i32 to vector<16xi32>
      %shift_right_logical3A_224 = arith.shrui %get3A_221, %shift_right_logical3A_223 : vector<16xi32>
      %and3A_225 = arith.constant 127 : i32
      %and3A_226 = vector.broadcast %and3A_225 : i32 to vector<16xi32>
      %and3A_227 = arith.andi %get3A_221, %and3A_226 : vector<16xi32>
      tpu.vector_store_idx %arg5[%shift_right_logical3A_224, %and3A_227], %broadcast_in_dim3A_135 {add = true} : memref<256x128xf32, #tpu.memory_space<vmem>>[vector<16xi32>, vector<16xi32>], vector<16xf32>,
      %get3A_228 = arith.constant 0 : i32
      %get3A_229 = arith.index_cast %get3A_228 : i32 to index
      %get3A_230 = arith.constant 112 : index
      %get3A_231 = tpu.vector_load %arg4[%get3A_229, %get3A_230] {strides = array<i32>} : memref<8x128xi32, #tpu.memory_space<vmem>>, vector<16xi32>,
      %shift_right_logical3A_232 = arith.constant 7 : i32
      %shift_right_logical3A_233 = vector.broadcast %shift_right_logical3A_232 : i32 to vector<16xi32>
      %shift_right_logical3A_234 = arith.shrui %get3A_231, %shift_right_logical3A_233 : vector<16xi32>
      %and3A_235 = arith.constant 127 : i32
      %and3A_236 = vector.broadcast %and3A_235 : i32 to vector<16xi32>
      %and3A_237 = arith.andi %get3A_231, %and3A_236 : vector<16xi32>
      tpu.vector_store_idx %arg5[%shift_right_logical3A_234, %and3A_237], %broadcast_in_dim3A_135 {add = true} : memref<256x128xf32, #tpu.memory_space<vmem>>[vector<16xi32>, vector<16xi32>], vector<16xf32>,
      %get3A_238 = arith.constant 1 : i32
      %get3A_239 = arith.index_cast %get3A_238 : i32 to index
      %get3A_240 = arith.constant 0 : index
      %get3A_241 = tpu.vector_load %arg4[%get3A_239, %get3A_240] {strides = array<i32>} : memref<8x128xi32, #tpu.memory_space<vmem>>, vector<16xi32>,
      %shift_right_logical3A_242 = arith.constant 7 : i32
      %shift_right_logical3A_243 = vector.broadcast %shift_right_logical3A_242 : i32 to vector<16xi32>
      %shift_right_logical3A_244 = arith.shrui %get3A_241, %shift_right_logical3A_243 : vector<16xi32>
      %and3A_245 = arith.constant 127 : i32
      %and3A_246 = vector.broadcast %and3A_245 : i32 to vector<16xi32>
      %and3A_247 = arith.andi %get3A_241, %and3A_246 : vector<16xi32>
      tpu.vector_store_idx %arg5[%shift_right_logical3A_244, %and3A_247], %broadcast_in_dim3A_135 {add = true} : memref<256x128xf32, #tpu.memory_space<vmem>>[vector<16xi32>, vector<16xi32>], vector<16xf32>,
      %get3A_248 = arith.constant 1 : i32
      %get3A_249 = arith.index_cast %get3A_248 : i32 to index
      %get3A_250 = arith.constant 16 : index
      %get3A_251 = tpu.vector_load %arg4[%get3A_249, %get3A_250] {strides = array<i32>} : memref<8x128xi32, #tpu.memory_space<vmem>>, vector<16xi32>,
      %shift_right_logical3A_252 = arith.constant 7 : i32
      %shift_right_logical3A_253 = vector.broadcast %shift_right_logical3A_252 : i32 to vector<16xi32>
      %shift_right_logical3A_254 = arith.shrui %get3A_251, %shift_right_logical3A_253 : vector<16xi32>
      %and3A_255 = arith.constant 127 : i32
      %and3A_256 = vector.broadcast %and3A_255 : i32 to vector<16xi32>
      %and3A_257 = arith.andi %get3A_251, %and3A_256 : vector<16xi32>
      tpu.vector_store_idx %arg5[%shift_right_logical3A_254, %and3A_257], %broadcast_in_dim3A_135 {add = true} : memref<256x128xf32, #tpu.memory_space<vmem>>[vector<16xi32>, vector<16xi32>], vector<16xf32>,
      %get3A_258 = arith.constant 1 : i32
      %get3A_259 = arith.index_cast %get3A_258 : i32 to index
      %get3A_260 = arith.constant 32 : index
      %get3A_261 = tpu.vector_load %arg4[%get3A_259, %get3A_260] {strides = array<i32>} : memref<8x128xi32, #tpu.memory_space<vmem>>, vector<16xi32>,
      %shift_right_logical3A_262 = arith.constant 7 : i32
      %shift_right_logical3A_263 = vector.broadcast %shift_right_logical3A_262 : i32 to vector<16xi32>
      %shift_right_logical3A_264 = arith.shrui %get3A_261, %shift_right_logical3A_263 : vector<16xi32>
      %and3A_265 = arith.constant 127 : i32
      %and3A_266 = vector.broadcast %and3A_265 : i32 to vector<16xi32>
      %and3A_267 = arith.andi %get3A_261, %and3A_266 : vector<16xi32>
      tpu.vector_store_idx %arg5[%shift_right_logical3A_264, %and3A_267], %broadcast_in_dim3A_135 {add = true} : memref<256x128xf32, #tpu.memory_space<vmem>>[vector<16xi32>, vector<16xi32>], vector<16xf32>,
      %get3A_268 = arith.constant 1 : i32
      %get3A_269 = arith.index_cast %get3A_268 : i32 to index
      %get3A_270 = arith.constant 48 : index
      %get3A_271 = tpu.vector_load %arg4[%get3A_269, %get3A_270] {strides = array<i32>} : memref<8x128xi32, #tpu.memory_space<vmem>>, vector<16xi32>,
      %shift_right_logical3A_272 = arith.constant 7 : i32
      %shift_right_logical3A_273 = vector.broadcast %shift_right_logical3A_272 : i32 to vector<16xi32>
      %shift_right_logical3A_274 = arith.shrui %get3A_271, %shift_right_logical3A_273 : vector<16xi32>
      %and3A_275 = arith.constant 127 : i32
      %and3A_276 = vector.broadcast %and3A_275 : i32 to vector<16xi32>
      %and3A_277 = arith.andi %get3A_271, %and3A_276 : vector<16xi32>
      tpu.vector_store_idx %arg5[%shift_right_logical3A_274, %and3A_277], %broadcast_in_dim3A_135 {add = true} : memref<256x128xf32, #tpu.memory_space<vmem>>[vector<16xi32>, vector<16xi32>], vector<16xf32>,
      %get3A_278 = arith.constant 1 : i32
      %get3A_279 = arith.index_cast %get3A_278 : i32 to index
      %get3A_280 = arith.constant 64 : index
      %get3A_281 = tpu.vector_load %arg4[%get3A_279, %get3A_280] {strides = array<i32>} : memref<8x128xi32, #tpu.memory_space<vmem>>, vector<16xi32>,
      %shift_right_logical3A_282 = arith.constant 7 : i32
      %shift_right_logical3A_283 = vector.broadcast %shift_right_logical3A_282 : i32 to vector<16xi32>
      %shift_right_logical3A_284 = arith.shrui %get3A_281, %shift_right_logical3A_283 : vector<16xi32>
      %and3A_285 = arith.constant 127 : i32
      %and3A_286 = vector.broadcast %and3A_285 : i32 to vector<16xi32>
      %and3A_287 = arith.andi %get3A_281, %and3A_286 : vector<16xi32>
      tpu.vector_store_idx %arg5[%shift_right_logical3A_284, %and3A_287], %broadcast_in_dim3A_135 {add = true} : memref<256x128xf32, #tpu.memory_space<vmem>>[vector<16xi32>, vector<16xi32>], vector<16xf32>,
      %get3A_288 = arith.constant 1 : i32
      %get3A_289 = arith.index_cast %get3A_288 : i32 to index
      %get3A_290 = arith.constant 80 : index
      %get3A_291 = tpu.vector_load %arg4[%get3A_289, %get3A_290] {strides = array<i32>} : memref<8x128xi32, #tpu.memory_space<vmem>>, vector<16xi32>,
      %shift_right_logical3A_292 = arith.constant 7 : i32
      %shift_right_logical3A_293 = vector.broadcast %shift_right_logical3A_292 : i32 to vector<16xi32>
      %shift_right_logical3A_294 = arith.shrui %get3A_291, %shift_right_logical3A_293 : vector<16xi32>
      %and3A_295 = arith.constant 127 : i32
      %and3A_296 = vector.broadcast %and3A_295 : i32 to vector<16xi32>
      %and3A_297 = arith.andi %get3A_291, %and3A_296 : vector<16xi32>
      tpu.vector_store_idx %arg5[%shift_right_logical3A_294, %and3A_297], %broadcast_in_dim3A_135 {add = true} : memref<256x128xf32, #tpu.memory_space<vmem>>[vector<16xi32>, vector<16xi32>], vector<16xf32>,
      %get3A_298 = arith.constant 1 : i32
      %get3A_299 = arith.index_cast %get3A_298 : i32 to index
      %get3A_300 = arith.constant 96 : index
      %get3A_301 = tpu.vector_load %arg4[%get3A_299, %get3A_300] {strides = array<i32>} : memref<8x128xi32, #tpu.memory_space<vmem>>, vector<16xi32>,
      %shift_right_logical3A_302 = arith.constant 7 : i32
      %shift_right_logical3A_303 = vector.broadcast %shift_right_logical3A_302 : i32 to vector<16xi32>
      %shift_right_logical3A_304 = arith.shrui %get3A_301, %shift_right_logical3A_303 : vector<16xi32>
      %and3A_305 = arith.constant 127 : i32
      %and3A_306 = vector.broadcast %and3A_305 : i32 to vector<16xi32>
      %and3A_307 = arith.andi %get3A_301, %and3A_306 : vector<16xi32>
      tpu.vector_store_idx %arg5[%shift_right_logical3A_304, %and3A_307], %broadcast_in_dim3A_135 {add = true} : memref<256x128xf32, #tpu.memory_space<vmem>>[vector<16xi32>, vector<16xi32>], vector<16xf32>,
      %get3A_308 = arith.constant 1 : i32
      %get3A_309 = arith.index_cast %get3A_308 : i32 to index
      %get3A_310 = arith.constant 112 : index
      %get3A_311 = tpu.vector_load %arg4[%get3A_309, %get3A_310] {strides = array<i32>} : memref<8x128xi32, #tpu.memory_space<vmem>>, vector<16xi32>,
      %shift_right_logical3A_312 = arith.constant 7 : i32
      %shift_right_logical3A_313 = vector.broadcast %shift_right_logical3A_312 : i32 to vector<16xi32>
      %shift_right_logical3A_314 = arith.shrui %get3A_311, %shift_right_logical3A_313 : vector<16xi32>
      %and3A_315 = arith.constant 127 : i32
      %and3A_316 = vector.broadcast %and3A_315 : i32 to vector<16xi32>
      %and3A_317 = arith.andi %get3A_311, %and3A_316 : vector<16xi32>
      tpu.vector_store_idx %arg5[%shift_right_logical3A_314, %and3A_317], %broadcast_in_dim3A_135 {add = true} : memref<256x128xf32, #tpu.memory_space<vmem>>[vector<16xi32>, vector<16xi32>], vector<16xf32>,
      %get3A_318 = arith.constant 2 : i32
      %get3A_319 = arith.index_cast %get3A_318 : i32 to index
      %get3A_320 = arith.constant 0 : index
      %get3A_321 = tpu.vector_load %arg4[%get3A_319, %get3A_320] {strides = array<i32>} : memref<8x128xi32, #tpu.memory_space<vmem>>, vector<16xi32>,
      %shift_right_logical3A_322 = arith.constant 7 : i32
      %shift_right_logical3A_323 = vector.broadcast %shift_right_logical3A_322 : i32 to vector<16xi32>
      %shift_right_logical3A_324 = arith.shrui %get3A_321, %shift_right_logical3A_323 : vector<16xi32>
      %and3A_325 = arith.constant 127 : i32
      %and3A_326 = vector.broadcast %and3A_325 : i32 to vector<16xi32>
      %and3A_327 = arith.andi %get3A_321, %and3A_326 : vector<16xi32>
      tpu.vector_store_idx %arg5[%shift_right_logical3A_324, %and3A_327], %broadcast_in_dim3A_135 {add = true} : memref<256x128xf32, #tpu.memory_space<vmem>>[vector<16xi32>, vector<16xi32>], vector<16xf32>,
      %get3A_328 = arith.constant 2 : i32
      %get3A_329 = arith.index_cast %get3A_328 : i32 to index
      %get3A_330 = arith.constant 16 : index
      %get3A_331 = tpu.vector_load %arg4[%get3A_329, %get3A_330] {strides = array<i32>} : memref<8x128xi32, #tpu.memory_space<vmem>>, vector<16xi32>,
      %shift_right_logical3A_332 = arith.constant 7 : i32
      %shift_right_logical3A_333 = vector.broadcast %shift_right_logical3A_332 : i32 to vector<16xi32>
      %shift_right_logical3A_334 = arith.shrui %get3A_331, %shift_right_logical3A_333 : vector<16xi32>
      %and3A_335 = arith.constant 127 : i32
      %and3A_336 = vector.broadcast %and3A_335 : i32 to vector<16xi32>
      %and3A_337 = arith.andi %get3A_331, %and3A_336 : vector<16xi32>
      tpu.vector_store_idx %arg5[%shift_right_logical3A_334, %and3A_337], %broadcast_in_dim3A_135 {add = true} : memref<256x128xf32, #tpu.memory_space<vmem>>[vector<16xi32>, vector<16xi32>], vector<16xf32>,
      %get3A_338 = arith.constant 2 : i32
      %get3A_339 = arith.index_cast %get3A_338 : i32 to index
      %get3A_340 = arith.constant 32 : index
      %get3A_341 = tpu.vector_load %arg4[%get3A_339, %get3A_340] {strides = array<i32>} : memref<8x128xi32, #tpu.memory_space<vmem>>, vector<16xi32>,
      %shift_right_logical3A_342 = arith.constant 7 : i32
      %shift_right_logical3A_343 = vector.broadcast %shift_right_logical3A_342 : i32 to vector<16xi32>
      %shift_right_logical3A_344 = arith.shrui %get3A_341, %shift_right_logical3A_343 : vector<16xi32>
      %and3A_345 = arith.constant 127 : i32
      %and3A_346 = vector.broadcast %and3A_345 : i32 to vector<16xi32>
      %and3A_347 = arith.andi %get3A_341, %and3A_346 : vector<16xi32>
      tpu.vector_store_idx %arg5[%shift_right_logical3A_344, %and3A_347], %broadcast_in_dim3A_135 {add = true} : memref<256x128xf32, #tpu.memory_space<vmem>>[vector<16xi32>, vector<16xi32>], vector<16xf32>,
      %get3A_348 = arith.constant 2 : i32
      %get3A_349 = arith.index_cast %get3A_348 : i32 to index
      %get3A_350 = arith.constant 48 : index
      %get3A_351 = tpu.vector_load %arg4[%get3A_349, %get3A_350] {strides = array<i32>} : memref<8x128xi32, #tpu.memory_space<vmem>>, vector<16xi32>,
      %shift_right_logical3A_352 = arith.constant 7 : i32
      %shift_right_logical3A_353 = vector.broadcast %shift_right_logical3A_352 : i32 to vector<16xi32>
      %shift_right_logical3A_354 = arith.shrui %get3A_351, %shift_right_logical3A_353 : vector<16xi32>
      %and3A_355 = arith.constant 127 : i32
      %and3A_356 = vector.broadcast %and3A_355 : i32 to vector<16xi32>
      %and3A_357 = arith.andi %get3A_351, %and3A_356 : vector<16xi32>
      tpu.vector_store_idx %arg5[%shift_right_logical3A_354, %and3A_357], %broadcast_in_dim3A_135 {add = true} : memref<256x128xf32, #tpu.memory_space<vmem>>[vector<16xi32>, vector<16xi32>], vector<16xf32>,
      %get3A_358 = arith.constant 2 : i32
      %get3A_359 = arith.index_cast %get3A_358 : i32 to index
      %get3A_360 = arith.constant 64 : index
      %get3A_361 = tpu.vector_load %arg4[%get3A_359, %get3A_360] {strides = array<i32>} : memref<8x128xi32, #tpu.memory_space<vmem>>, vector<16xi32>,
      %shift_right_logical3A_362 = arith.constant 7 : i32
      %shift_right_logical3A_363 = vector.broadcast %shift_right_logical3A_362 : i32 to vector<16xi32>
      %shift_right_logical3A_364 = arith.shrui %get3A_361, %shift_right_logical3A_363 : vector<16xi32>
      %and3A_365 = arith.constant 127 : i32
      %and3A_366 = vector.broadcast %and3A_365 : i32 to vector<16xi32>
      %and3A_367 = arith.andi %get3A_361, %and3A_366 : vector<16xi32>
      tpu.vector_store_idx %arg5[%shift_right_logical3A_364, %and3A_367], %broadcast_in_dim3A_135 {add = true} : memref<256x128xf32, #tpu.memory_space<vmem>>[vector<16xi32>, vector<16xi32>], vector<16xf32>,
      %get3A_368 = arith.constant 2 : i32
      %get3A_369 = arith.index_cast %get3A_368 : i32 to index
      %get3A_370 = arith.constant 80 : index
      %get3A_371 = tpu.vector_load %arg4[%get3A_369, %get3A_370] {strides = array<i32>} : memref<8x128xi32, #tpu.memory_space<vmem>>, vector<16xi32>,
      %shift_right_logical3A_372 = arith.constant 7 : i32
      %shift_right_logical3A_373 = vector.broadcast %shift_right_logical3A_372 : i32 to vector<16xi32>
      %shift_right_logical3A_374 = arith.shrui %get3A_371, %shift_right_logical3A_373 : vector<16xi32>
      %and3A_375 = arith.constant 127 : i32
      %and3A_376 = vector.broadcast %and3A_375 : i32 to vector<16xi32>
      %and3A_377 = arith.andi %get3A_371, %and3A_376 : vector<16xi32>
      tpu.vector_store_idx %arg5[%shift_right_logical3A_374, %and3A_377], %broadcast_in_dim3A_135 {add = true} : memref<256x128xf32, #tpu.memory_space<vmem>>[vector<16xi32>, vector<16xi32>], vector<16xf32>,
      %get3A_378 = arith.constant 2 : i32
      %get3A_379 = arith.index_cast %get3A_378 : i32 to index
      %get3A_380 = arith.constant 96 : index
      %get3A_381 = tpu.vector_load %arg4[%get3A_379, %get3A_380] {strides = array<i32>} : memref<8x128xi32, #tpu.memory_space<vmem>>, vector<16xi32>,
      %shift_right_logical3A_382 = arith.constant 7 : i32
      %shift_right_logical3A_383 = vector.broadcast %shift_right_logical3A_382 : i32 to vector<16xi32>
      %shift_right_logical3A_384 = arith.shrui %get3A_381, %shift_right_logical3A_383 : vector<16xi32>
      %and3A_385 = arith.constant 127 : i32
      %and3A_386 = vector.broadcast %and3A_385 : i32 to vector<16xi32>
      %and3A_387 = arith.andi %get3A_381, %and3A_386 : vector<16xi32>
      tpu.vector_store_idx %arg5[%shift_right_logical3A_384, %and3A_387], %broadcast_in_dim3A_135 {add = true} : memref<256x128xf32, #tpu.memory_space<vmem>>[vector<16xi32>, vector<16xi32>], vector<16xf32>,
      %get3A_388 = arith.constant 2 : i32
      %get3A_389 = arith.index_cast %get3A_388 : i32 to index
      %get3A_390 = arith.constant 112 : index
      %get3A_391 = tpu.vector_load %arg4[%get3A_389, %get3A_390] {strides = array<i32>} : memref<8x128xi32, #tpu.memory_space<vmem>>, vector<16xi32>,
      %shift_right_logical3A_392 = arith.constant 7 : i32
      %shift_right_logical3A_393 = vector.broadcast %shift_right_logical3A_392 : i32 to vector<16xi32>
      %shift_right_logical3A_394 = arith.shrui %get3A_391, %shift_right_logical3A_393 : vector<16xi32>
      %and3A_395 = arith.constant 127 : i32
      %and3A_396 = vector.broadcast %and3A_395 : i32 to vector<16xi32>
      %and3A_397 = arith.andi %get3A_391, %and3A_396 : vector<16xi32>
      tpu.vector_store_idx %arg5[%shift_right_logical3A_394, %and3A_397], %broadcast_in_dim3A_135 {add = true} : memref<256x128xf32, #tpu.memory_space<vmem>>[vector<16xi32>, vector<16xi32>], vector<16xf32>,
      %get3A_398 = arith.constant 3 : i32
      %get3A_399 = arith.index_cast %get3A_398 : i32 to index
      %get3A_400 = arith.constant 0 : index
      %get3A_401 = tpu.vector_load %arg4[%get3A_399, %get3A_400] {strides = array<i32>} : memref<8x128xi32, #tpu.memory_space<vmem>>, vector<16xi32>,
      %shift_right_logical3A_402 = arith.constant 7 : i32
      %shift_right_logical3A_403 = vector.broadcast %shift_right_logical3A_402 : i32 to vector<16xi32>
      %shift_right_logical3A_404 = arith.shrui %get3A_401, %shift_right_logical3A_403 : vector<16xi32>
      %and3A_405 = arith.constant 127 : i32
      %and3A_406 = vector.broadcast %and3A_405 : i32 to vector<16xi32>
      %and3A_407 = arith.andi %get3A_401, %and3A_406 : vector<16xi32>
      tpu.vector_store_idx %arg5[%shift_right_logical3A_404, %and3A_407], %broadcast_in_dim3A_135 {add = true} : memref<256x128xf32, #tpu.memory_space<vmem>>[vector<16xi32>, vector<16xi32>], vector<16xf32>,
      %get3A_408 = arith.constant 3 : i32
      %get3A_409 = arith.index_cast %get3A_408 : i32 to index
      %get3A_410 = arith.constant 16 : index
      %get3A_411 = tpu.vector_load %arg4[%get3A_409, %get3A_410] {strides = array<i32>} : memref<8x128xi32, #tpu.memory_space<vmem>>, vector<16xi32>,
      %shift_right_logical3A_412 = arith.constant 7 : i32
      %shift_right_logical3A_413 = vector.broadcast %shift_right_logical3A_412 : i32 to vector<16xi32>
      %shift_right_logical3A_414 = arith.shrui %get3A_411, %shift_right_logical3A_413 : vector<16xi32>
      %and3A_415 = arith.constant 127 : i32
      %and3A_416 = vector.broadcast %and3A_415 : i32 to vector<16xi32>
      %and3A_417 = arith.andi %get3A_411, %and3A_416 : vector<16xi32>
      tpu.vector_store_idx %arg5[%shift_right_logical3A_414, %and3A_417], %broadcast_in_dim3A_135 {add = true} : memref<256x128xf32, #tpu.memory_space<vmem>>[vector<16xi32>, vector<16xi32>], vector<16xf32>,
      %get3A_418 = arith.constant 3 : i32
      %get3A_419 = arith.index_cast %get3A_418 : i32 to index
      %get3A_420 = arith.constant 32 : index
      %get3A_421 = tpu.vector_load %arg4[%get3A_419, %get3A_420] {strides = array<i32>} : memref<8x128xi32, #tpu.memory_space<vmem>>, vector<16xi32>,
      %shift_right_logical3A_422 = arith.constant 7 : i32
      %shift_right_logical3A_423 = vector.broadcast %shift_right_logical3A_422 : i32 to vector<16xi32>
      %shift_right_logical3A_424 = arith.shrui %get3A_421, %shift_right_logical3A_423 : vector<16xi32>
      %and3A_425 = arith.constant 127 : i32
      %and3A_426 = vector.broadcast %and3A_425 : i32 to vector<16xi32>
      %and3A_427 = arith.andi %get3A_421, %and3A_426 : vector<16xi32>
      tpu.vector_store_idx %arg5[%shift_right_logical3A_424, %and3A_427], %broadcast_in_dim3A_135 {add = true} : memref<256x128xf32, #tpu.memory_space<vmem>>[vector<16xi32>, vector<16xi32>], vector<16xf32>,
      %get3A_428 = arith.constant 3 : i32
      %get3A_429 = arith.index_cast %get3A_428 : i32 to index
      %get3A_430 = arith.constant 48 : index
      %get3A_431 = tpu.vector_load %arg4[%get3A_429, %get3A_430] {strides = array<i32>} : memref<8x128xi32, #tpu.memory_space<vmem>>, vector<16xi32>,
      %shift_right_logical3A_432 = arith.constant 7 : i32
      %shift_right_logical3A_433 = vector.broadcast %shift_right_logical3A_432 : i32 to vector<16xi32>
      %shift_right_logical3A_434 = arith.shrui %get3A_431, %shift_right_logical3A_433 : vector<16xi32>
      %and3A_435 = arith.constant 127 : i32
      %and3A_436 = vector.broadcast %and3A_435 : i32 to vector<16xi32>
      %and3A_437 = arith.andi %get3A_431, %and3A_436 : vector<16xi32>
      tpu.vector_store_idx %arg5[%shift_right_logical3A_434, %and3A_437], %broadcast_in_dim3A_135 {add = true} : memref<256x128xf32, #tpu.memory_space<vmem>>[vector<16xi32>, vector<16xi32>], vector<16xf32>,
      %get3A_438 = arith.constant 3 : i32
      %get3A_439 = arith.index_cast %get3A_438 : i32 to index
      %get3A_440 = arith.constant 64 : index
      %get3A_441 = tpu.vector_load %arg4[%get3A_439, %get3A_440] {strides = array<i32>} : memref<8x128xi32, #tpu.memory_space<vmem>>, vector<16xi32>,
      %shift_right_logical3A_442 = arith.constant 7 : i32
      %shift_right_logical3A_443 = vector.broadcast %shift_right_logical3A_442 : i32 to vector<16xi32>
      %shift_right_logical3A_444 = arith.shrui %get3A_441, %shift_right_logical3A_443 : vector<16xi32>
      %and3A_445 = arith.constant 127 : i32
      %and3A_446 = vector.broadcast %and3A_445 : i32 to vector<16xi32>
      %and3A_447 = arith.andi %get3A_441, %and3A_446 : vector<16xi32>
      tpu.vector_store_idx %arg5[%shift_right_logical3A_444, %and3A_447], %broadcast_in_dim3A_135 {add = true} : memref<256x128xf32, #tpu.memory_space<vmem>>[vector<16xi32>, vector<16xi32>], vector<16xf32>,
      %get3A_448 = arith.constant 3 : i32
      %get3A_449 = arith.index_cast %get3A_448 : i32 to index
      %get3A_450 = arith.constant 80 : index
      %get3A_451 = tpu.vector_load %arg4[%get3A_449, %get3A_450] {strides = array<i32>} : memref<8x128xi32, #tpu.memory_space<vmem>>, vector<16xi32>,
      %shift_right_logical3A_452 = arith.constant 7 : i32
      %shift_right_logical3A_453 = vector.broadcast %shift_right_logical3A_452 : i32 to vector<16xi32>
      %shift_right_logical3A_454 = arith.shrui %get3A_451, %shift_right_logical3A_453 : vector<16xi32>
      %and3A_455 = arith.constant 127 : i32
      %and3A_456 = vector.broadcast %and3A_455 : i32 to vector<16xi32>
      %and3A_457 = arith.andi %get3A_451, %and3A_456 : vector<16xi32>
      tpu.vector_store_idx %arg5[%shift_right_logical3A_454, %and3A_457], %broadcast_in_dim3A_135 {add = true} : memref<256x128xf32, #tpu.memory_space<vmem>>[vector<16xi32>, vector<16xi32>], vector<16xf32>,
      %get3A_458 = arith.constant 3 : i32
      %get3A_459 = arith.index_cast %get3A_458 : i32 to index
      %get3A_460 = arith.constant 96 : index
      %get3A_461 = tpu.vector_load %arg4[%get3A_459, %get3A_460] {strides = array<i32>} : memref<8x128xi32, #tpu.memory_space<vmem>>, vector<16xi32>,
      %shift_right_logical3A_462 = arith.constant 7 : i32
      %shift_right_logical3A_463 = vector.broadcast %shift_right_logical3A_462 : i32 to vector<16xi32>
      %shift_right_logical3A_464 = arith.shrui %get3A_461, %shift_right_logical3A_463 : vector<16xi32>
      %and3A_465 = arith.constant 127 : i32
      %and3A_466 = vector.broadcast %and3A_465 : i32 to vector<16xi32>
      %and3A_467 = arith.andi %get3A_461, %and3A_466 : vector<16xi32>
      tpu.vector_store_idx %arg5[%shift_right_logical3A_464, %and3A_467], %broadcast_in_dim3A_135 {add = true} : memref<256x128xf32, #tpu.memory_space<vmem>>[vector<16xi32>, vector<16xi32>], vector<16xf32>,
      %get3A_468 = arith.constant 3 : i32
      %get3A_469 = arith.index_cast %get3A_468 : i32 to index
      %get3A_470 = arith.constant 112 : index
      %get3A_471 = tpu.vector_load %arg4[%get3A_469, %get3A_470] {strides = array<i32>} : memref<8x128xi32, #tpu.memory_space<vmem>>, vector<16xi32>,
      %shift_right_logical3A_472 = arith.constant 7 : i32
      %shift_right_logical3A_473 = vector.broadcast %shift_right_logical3A_472 : i32 to vector<16xi32>
      %shift_right_logical3A_474 = arith.shrui %get3A_471, %shift_right_logical3A_473 : vector<16xi32>
      %and3A_475 = arith.constant 127 : i32
      %and3A_476 = vector.broadcast %and3A_475 : i32 to vector<16xi32>
      %and3A_477 = arith.andi %get3A_471, %and3A_476 : vector<16xi32>
      tpu.vector_store_idx %arg5[%shift_right_logical3A_474, %and3A_477], %broadcast_in_dim3A_135 {add = true} : memref<256x128xf32, #tpu.memory_space<vmem>>[vector<16xi32>, vector<16xi32>], vector<16xf32>,
      %get3A_478 = arith.constant 4 : i32
      %get3A_479 = arith.index_cast %get3A_478 : i32 to index
      %get3A_480 = arith.constant 0 : index
      %get3A_481 = tpu.vector_load %arg4[%get3A_479, %get3A_480] {strides = array<i32>} : memref<8x128xi32, #tpu.memory_space<vmem>>, vector<16xi32>,
      %shift_right_logical3A_482 = arith.constant 7 : i32
      %shift_right_logical3A_483 = vector.broadcast %shift_right_logical3A_482 : i32 to vector<16xi32>
      %shift_right_logical3A_484 = arith.shrui %get3A_481, %shift_right_logical3A_483 : vector<16xi32>
      %and3A_485 = arith.constant 127 : i32
      %and3A_486 = vector.broadcast %and3A_485 : i32 to vector<16xi32>
      %and3A_487 = arith.andi %get3A_481, %and3A_486 : vector<16xi32>
      tpu.vector_store_idx %arg5[%shift_right_logical3A_484, %and3A_487], %broadcast_in_dim3A_135 {add = true} : memref<256x128xf32, #tpu.memory_space<vmem>>[vector<16xi32>, vector<16xi32>], vector<16xf32>,
      %get3A_488 = arith.constant 4 : i32
      %get3A_489 = arith.index_cast %get3A_488 : i32 to index
      %get3A_490 = arith.constant 16 : index
      %get3A_491 = tpu.vector_load %arg4[%get3A_489, %get3A_490] {strides = array<i32>} : memref<8x128xi32, #tpu.memory_space<vmem>>, vector<16xi32>,
      %shift_right_logical3A_492 = arith.constant 7 : i32
      %shift_right_logical3A_493 = vector.broadcast %shift_right_logical3A_492 : i32 to vector<16xi32>
      %shift_right_logical3A_494 = arith.shrui %get3A_491, %shift_right_logical3A_493 : vector<16xi32>
      %and3A_495 = arith.constant 127 : i32
      %and3A_496 = vector.broadcast %and3A_495 : i32 to vector<16xi32>
      %and3A_497 = arith.andi %get3A_491, %and3A_496 : vector<16xi32>
      tpu.vector_store_idx %arg5[%shift_right_logical3A_494, %and3A_497], %broadcast_in_dim3A_135 {add = true} : memref<256x128xf32, #tpu.memory_space<vmem>>[vector<16xi32>, vector<16xi32>], vector<16xf32>,
      %get3A_498 = arith.constant 4 : i32
      %get3A_499 = arith.index_cast %get3A_498 : i32 to index
      %get3A_500 = arith.constant 32 : index
      %get3A_501 = tpu.vector_load %arg4[%get3A_499, %get3A_500] {strides = array<i32>} : memref<8x128xi32, #tpu.memory_space<vmem>>, vector<16xi32>,
      %shift_right_logical3A_502 = arith.constant 7 : i32
      %shift_right_logical3A_503 = vector.broadcast %shift_right_logical3A_502 : i32 to vector<16xi32>
      %shift_right_logical3A_504 = arith.shrui %get3A_501, %shift_right_logical3A_503 : vector<16xi32>
      %and3A_505 = arith.constant 127 : i32
      %and3A_506 = vector.broadcast %and3A_505 : i32 to vector<16xi32>
      %and3A_507 = arith.andi %get3A_501, %and3A_506 : vector<16xi32>
      tpu.vector_store_idx %arg5[%shift_right_logical3A_504, %and3A_507], %broadcast_in_dim3A_135 {add = true} : memref<256x128xf32, #tpu.memory_space<vmem>>[vector<16xi32>, vector<16xi32>], vector<16xf32>,
      %get3A_508 = arith.constant 4 : i32
      %get3A_509 = arith.index_cast %get3A_508 : i32 to index
      %get3A_510 = arith.constant 48 : index
      %get3A_511 = tpu.vector_load %arg4[%get3A_509, %get3A_510] {strides = array<i32>} : memref<8x128xi32, #tpu.memory_space<vmem>>, vector<16xi32>,
      %shift_right_logical3A_512 = arith.constant 7 : i32
      %shift_right_logical3A_513 = vector.broadcast %shift_right_logical3A_512 : i32 to vector<16xi32>
      %shift_right_logical3A_514 = arith.shrui %get3A_511, %shift_right_logical3A_513 : vector<16xi32>
      %and3A_515 = arith.constant 127 : i32
      %and3A_516 = vector.broadcast %and3A_515 : i32 to vector<16xi32>
      %and3A_517 = arith.andi %get3A_511, %and3A_516 : vector<16xi32>
      tpu.vector_store_idx %arg5[%shift_right_logical3A_514, %and3A_517], %broadcast_in_dim3A_135 {add = true} : memref<256x128xf32, #tpu.memory_space<vmem>>[vector<16xi32>, vector<16xi32>], vector<16xf32>,
      %get3A_518 = arith.constant 4 : i32
      %get3A_519 = arith.index_cast %get3A_518 : i32 to index
      %get3A_520 = arith.constant 64 : index
      %get3A_521 = tpu.vector_load %arg4[%get3A_519, %get3A_520] {strides = array<i32>} : memref<8x128xi32, #tpu.memory_space<vmem>>, vector<16xi32>,
      %shift_right_logical3A_522 = arith.constant 7 : i32
      %shift_right_logical3A_523 = vector.broadcast %shift_right_logical3A_522 : i32 to vector<16xi32>
      %shift_right_logical3A_524 = arith.shrui %get3A_521, %shift_right_logical3A_523 : vector<16xi32>
      %and3A_525 = arith.constant 127 : i32
      %and3A_526 = vector.broadcast %and3A_525 : i32 to vector<16xi32>
      %and3A_527 = arith.andi %get3A_521, %and3A_526 : vector<16xi32>
      tpu.vector_store_idx %arg5[%shift_right_logical3A_524, %and3A_527], %broadcast_in_dim3A_135 {add = true} : memref<256x128xf32, #tpu.memory_space<vmem>>[vector<16xi32>, vector<16xi32>], vector<16xf32>,
      %get3A_528 = arith.constant 4 : i32
      %get3A_529 = arith.index_cast %get3A_528 : i32 to index
      %get3A_530 = arith.constant 80 : index
      %get3A_531 = tpu.vector_load %arg4[%get3A_529, %get3A_530] {strides = array<i32>} : memref<8x128xi32, #tpu.memory_space<vmem>>, vector<16xi32>,
      %shift_right_logical3A_532 = arith.constant 7 : i32
      %shift_right_logical3A_533 = vector.broadcast %shift_right_logical3A_532 : i32 to vector<16xi32>
      %shift_right_logical3A_534 = arith.shrui %get3A_531, %shift_right_logical3A_533 : vector<16xi32>
      %and3A_535 = arith.constant 127 : i32
      %and3A_536 = vector.broadcast %and3A_535 : i32 to vector<16xi32>
      %and3A_537 = arith.andi %get3A_531, %and3A_536 : vector<16xi32>
      tpu.vector_store_idx %arg5[%shift_right_logical3A_534, %and3A_537], %broadcast_in_dim3A_135 {add = true} : memref<256x128xf32, #tpu.memory_space<vmem>>[vector<16xi32>, vector<16xi32>], vector<16xf32>,
      %get3A_538 = arith.constant 4 : i32
      %get3A_539 = arith.index_cast %get3A_538 : i32 to index
      %get3A_540 = arith.constant 96 : index
      %get3A_541 = tpu.vector_load %arg4[%get3A_539, %get3A_540] {strides = array<i32>} : memref<8x128xi32, #tpu.memory_space<vmem>>, vector<16xi32>,
      %shift_right_logical3A_542 = arith.constant 7 : i32
      %shift_right_logical3A_543 = vector.broadcast %shift_right_logical3A_542 : i32 to vector<16xi32>
      %shift_right_logical3A_544 = arith.shrui %get3A_541, %shift_right_logical3A_543 : vector<16xi32>
      %and3A_545 = arith.constant 127 : i32
      %and3A_546 = vector.broadcast %and3A_545 : i32 to vector<16xi32>
      %and3A_547 = arith.andi %get3A_541, %and3A_546 : vector<16xi32>
      tpu.vector_store_idx %arg5[%shift_right_logical3A_544, %and3A_547], %broadcast_in_dim3A_135 {add = true} : memref<256x128xf32, #tpu.memory_space<vmem>>[vector<16xi32>, vector<16xi32>], vector<16xf32>,
      %get3A_548 = arith.constant 4 : i32
      %get3A_549 = arith.index_cast %get3A_548 : i32 to index
      %get3A_550 = arith.constant 112 : index
      %get3A_551 = tpu.vector_load %arg4[%get3A_549, %get3A_550] {strides = array<i32>} : memref<8x128xi32, #tpu.memory_space<vmem>>, vector<16xi32>,
      %shift_right_logical3A_552 = arith.constant 7 : i32
      %shift_right_logical3A_553 = vector.broadcast %shift_right_logical3A_552 : i32 to vector<16xi32>
      %shift_right_logical3A_554 = arith.shrui %get3A_551, %shift_right_logical3A_553 : vector<16xi32>
      %and3A_555 = arith.constant 127 : i32
      %and3A_556 = vector.broadcast %and3A_555 : i32 to vector<16xi32>
      %and3A_557 = arith.andi %get3A_551, %and3A_556 : vector<16xi32>
      tpu.vector_store_idx %arg5[%shift_right_logical3A_554, %and3A_557], %broadcast_in_dim3A_135 {add = true} : memref<256x128xf32, #tpu.memory_space<vmem>>[vector<16xi32>, vector<16xi32>], vector<16xf32>,
      %get3A_558 = arith.constant 5 : i32
      %get3A_559 = arith.index_cast %get3A_558 : i32 to index
      %get3A_560 = arith.constant 0 : index
      %get3A_561 = tpu.vector_load %arg4[%get3A_559, %get3A_560] {strides = array<i32>} : memref<8x128xi32, #tpu.memory_space<vmem>>, vector<16xi32>,
      %shift_right_logical3A_562 = arith.constant 7 : i32
      %shift_right_logical3A_563 = vector.broadcast %shift_right_logical3A_562 : i32 to vector<16xi32>
      %shift_right_logical3A_564 = arith.shrui %get3A_561, %shift_right_logical3A_563 : vector<16xi32>
      %and3A_565 = arith.constant 127 : i32
      %and3A_566 = vector.broadcast %and3A_565 : i32 to vector<16xi32>
      %and3A_567 = arith.andi %get3A_561, %and3A_566 : vector<16xi32>
      tpu.vector_store_idx %arg5[%shift_right_logical3A_564, %and3A_567], %broadcast_in_dim3A_135 {add = true} : memref<256x128xf32, #tpu.memory_space<vmem>>[vector<16xi32>, vector<16xi32>], vector<16xf32>,
      %get3A_568 = arith.constant 5 : i32
      %get3A_569 = arith.index_cast %get3A_568 : i32 to index
      %get3A_570 = arith.constant 16 : index
      %get3A_571 = tpu.vector_load %arg4[%get3A_569, %get3A_570] {strides = array<i32>} : memref<8x128xi32, #tpu.memory_space<vmem>>, vector<16xi32>,
      %shift_right_logical3A_572 = arith.constant 7 : i32
      %shift_right_logical3A_573 = vector.broadcast %shift_right_logical3A_572 : i32 to vector<16xi32>
      %shift_right_logical3A_574 = arith.shrui %get3A_571, %shift_right_logical3A_573 : vector<16xi32>
      %and3A_575 = arith.constant 127 : i32
      %and3A_576 = vector.broadcast %and3A_575 : i32 to vector<16xi32>
      %and3A_577 = arith.andi %get3A_571, %and3A_576 : vector<16xi32>
      tpu.vector_store_idx %arg5[%shift_right_logical3A_574, %and3A_577], %broadcast_in_dim3A_135 {add = true} : memref<256x128xf32, #tpu.memory_space<vmem>>[vector<16xi32>, vector<16xi32>], vector<16xf32>,
      %get3A_578 = arith.constant 5 : i32
      %get3A_579 = arith.index_cast %get3A_578 : i32 to index
      %get3A_580 = arith.constant 32 : index
      %get3A_581 = tpu.vector_load %arg4[%get3A_579, %get3A_580] {strides = array<i32>} : memref<8x128xi32, #tpu.memory_space<vmem>>, vector<16xi32>,
      %shift_right_logical3A_582 = arith.constant 7 : i32
      %shift_right_logical3A_583 = vector.broadcast %shift_right_logical3A_582 : i32 to vector<16xi32>
      %shift_right_logical3A_584 = arith.shrui %get3A_581, %shift_right_logical3A_583 : vector<16xi32>
      %and3A_585 = arith.constant 127 : i32
      %and3A_586 = vector.broadcast %and3A_585 : i32 to vector<16xi32>
      %and3A_587 = arith.andi %get3A_581, %and3A_586 : vector<16xi32>
      tpu.vector_store_idx %arg5[%shift_right_logical3A_584, %and3A_587], %broadcast_in_dim3A_135 {add = true} : memref<256x128xf32, #tpu.memory_space<vmem>>[vector<16xi32>, vector<16xi32>], vector<16xf32>,
      %get3A_588 = arith.constant 5 : i32
      %get3A_589 = arith.index_cast %get3A_588 : i32 to index
      %get3A_590 = arith.constant 48 : index
      %get3A_591 = tpu.vector_load %arg4[%get3A_589, %get3A_590] {strides = array<i32>} : memref<8x128xi32, #tpu.memory_space<vmem>>, vector<16xi32>,
      %shift_right_logical3A_592 = arith.constant 7 : i32
      %shift_right_logical3A_593 = vector.broadcast %shift_right_logical3A_592 : i32 to vector<16xi32>
      %shift_right_logical3A_594 = arith.shrui %get3A_591, %shift_right_logical3A_593 : vector<16xi32>
      %and3A_595 = arith.constant 127 : i32
      %and3A_596 = vector.broadcast %and3A_595 : i32 to vector<16xi32>
      %and3A_597 = arith.andi %get3A_591, %and3A_596 : vector<16xi32>
      tpu.vector_store_idx %arg5[%shift_right_logical3A_594, %and3A_597], %broadcast_in_dim3A_135 {add = true} : memref<256x128xf32, #tpu.memory_space<vmem>>[vector<16xi32>, vector<16xi32>], vector<16xf32>,
      %get3A_598 = arith.constant 5 : i32
      %get3A_599 = arith.index_cast %get3A_598 : i32 to index
      %get3A_600 = arith.constant 64 : index
      %get3A_601 = tpu.vector_load %arg4[%get3A_599, %get3A_600] {strides = array<i32>} : memref<8x128xi32, #tpu.memory_space<vmem>>, vector<16xi32>,
      %shift_right_logical3A_602 = arith.constant 7 : i32
      %shift_right_logical3A_603 = vector.broadcast %shift_right_logical3A_602 : i32 to vector<16xi32>
      %shift_right_logical3A_604 = arith.shrui %get3A_601, %shift_right_logical3A_603 : vector<16xi32>
      %and3A_605 = arith.constant 127 : i32
      %and3A_606 = vector.broadcast %and3A_605 : i32 to vector<16xi32>
      %and3A_607 = arith.andi %get3A_601, %and3A_606 : vector<16xi32>
      tpu.vector_store_idx %arg5[%shift_right_logical3A_604, %and3A_607], %broadcast_in_dim3A_135 {add = true} : memref<256x128xf32, #tpu.memory_space<vmem>>[vector<16xi32>, vector<16xi32>], vector<16xf32>,
      %get3A_608 = arith.constant 5 : i32
      %get3A_609 = arith.index_cast %get3A_608 : i32 to index
      %get3A_610 = arith.constant 80 : index
      %get3A_611 = tpu.vector_load %arg4[%get3A_609, %get3A_610] {strides = array<i32>} : memref<8x128xi32, #tpu.memory_space<vmem>>, vector<16xi32>,
      %shift_right_logical3A_612 = arith.constant 7 : i32
      %shift_right_logical3A_613 = vector.broadcast %shift_right_logical3A_612 : i32 to vector<16xi32>
      %shift_right_logical3A_614 = arith.shrui %get3A_611, %shift_right_logical3A_613 : vector<16xi32>
      %and3A_615 = arith.constant 127 : i32
      %and3A_616 = vector.broadcast %and3A_615 : i32 to vector<16xi32>
      %and3A_617 = arith.andi %get3A_611, %and3A_616 : vector<16xi32>
      tpu.vector_store_idx %arg5[%shift_right_logical3A_614, %and3A_617], %broadcast_in_dim3A_135 {add = true} : memref<256x128xf32, #tpu.memory_space<vmem>>[vector<16xi32>, vector<16xi32>], vector<16xf32>,
      %get3A_618 = arith.constant 5 : i32
      %get3A_619 = arith.index_cast %get3A_618 : i32 to index
      %get3A_620 = arith.constant 96 : index
      %get3A_621 = tpu.vector_load %arg4[%get3A_619, %get3A_620] {strides = array<i32>} : memref<8x128xi32, #tpu.memory_space<vmem>>, vector<16xi32>,
      %shift_right_logical3A_622 = arith.constant 7 : i32
      %shift_right_logical3A_623 = vector.broadcast %shift_right_logical3A_622 : i32 to vector<16xi32>
      %shift_right_logical3A_624 = arith.shrui %get3A_621, %shift_right_logical3A_623 : vector<16xi32>
      %and3A_625 = arith.constant 127 : i32
      %and3A_626 = vector.broadcast %and3A_625 : i32 to vector<16xi32>
      %and3A_627 = arith.andi %get3A_621, %and3A_626 : vector<16xi32>
      tpu.vector_store_idx %arg5[%shift_right_logical3A_624, %and3A_627], %broadcast_in_dim3A_135 {add = true} : memref<256x128xf32, #tpu.memory_space<vmem>>[vector<16xi32>, vector<16xi32>], vector<16xf32>,
      %get3A_628 = arith.constant 5 : i32
      %get3A_629 = arith.index_cast %get3A_628 : i32 to index
      %get3A_630 = arith.constant 112 : index
      %get3A_631 = tpu.vector_load %arg4[%get3A_629, %get3A_630] {strides = array<i32>} : memref<8x128xi32, #tpu.memory_space<vmem>>, vector<16xi32>,
      %shift_right_logical3A_632 = arith.constant 7 : i32
      %shift_right_logical3A_633 = vector.broadcast %shift_right_logical3A_632 : i32 to vector<16xi32>
      %shift_right_logical3A_634 = arith.shrui %get3A_631, %shift_right_logical3A_633 : vector<16xi32>
      %and3A_635 = arith.constant 127 : i32
      %and3A_636 = vector.broadcast %and3A_635 : i32 to vector<16xi32>
      %and3A_637 = arith.andi %get3A_631, %and3A_636 : vector<16xi32>
      tpu.vector_store_idx %arg5[%shift_right_logical3A_634, %and3A_637], %broadcast_in_dim3A_135 {add = true} : memref<256x128xf32, #tpu.memory_space<vmem>>[vector<16xi32>, vector<16xi32>], vector<16xf32>,
      %get3A_638 = arith.constant 6 : i32
      %get3A_639 = arith.index_cast %get3A_638 : i32 to index
      %get3A_640 = arith.constant 0 : index
      %get3A_641 = tpu.vector_load %arg4[%get3A_639, %get3A_640] {strides = array<i32>} : memref<8x128xi32, #tpu.memory_space<vmem>>, vector<16xi32>,
      %shift_right_logical3A_642 = arith.constant 7 : i32
      %shift_right_logical3A_643 = vector.broadcast %shift_right_logical3A_642 : i32 to vector<16xi32>
      %shift_right_logical3A_644 = arith.shrui %get3A_641, %shift_right_logical3A_643 : vector<16xi32>
      %and3A_645 = arith.constant 127 : i32
      %and3A_646 = vector.broadcast %and3A_645 : i32 to vector<16xi32>
      %and3A_647 = arith.andi %get3A_641, %and3A_646 : vector<16xi32>
      tpu.vector_store_idx %arg5[%shift_right_logical3A_644, %and3A_647], %broadcast_in_dim3A_135 {add = true} : memref<256x128xf32, #tpu.memory_space<vmem>>[vector<16xi32>, vector<16xi32>], vector<16xf32>,
      %get3A_648 = arith.constant 6 : i32
      %get3A_649 = arith.index_cast %get3A_648 : i32 to index
      %get3A_650 = arith.constant 16 : index
      %get3A_651 = tpu.vector_load %arg4[%get3A_649, %get3A_650] {strides = array<i32>} : memref<8x128xi32, #tpu.memory_space<vmem>>, vector<16xi32>,
      %shift_right_logical3A_652 = arith.constant 7 : i32
      %shift_right_logical3A_653 = vector.broadcast %shift_right_logical3A_652 : i32 to vector<16xi32>
      %shift_right_logical3A_654 = arith.shrui %get3A_651, %shift_right_logical3A_653 : vector<16xi32>
      %and3A_655 = arith.constant 127 : i32
      %and3A_656 = vector.broadcast %and3A_655 : i32 to vector<16xi32>
      %and3A_657 = arith.andi %get3A_651, %and3A_656 : vector<16xi32>
      tpu.vector_store_idx %arg5[%shift_right_logical3A_654, %and3A_657], %broadcast_in_dim3A_135 {add = true} : memref<256x128xf32, #tpu.memory_space<vmem>>[vector<16xi32>, vector<16xi32>], vector<16xf32>,
      %get3A_658 = arith.constant 6 : i32
      %get3A_659 = arith.index_cast %get3A_658 : i32 to index
      %get3A_660 = arith.constant 32 : index
      %get3A_661 = tpu.vector_load %arg4[%get3A_659, %get3A_660] {strides = array<i32>} : memref<8x128xi32, #tpu.memory_space<vmem>>, vector<16xi32>,
      %shift_right_logical3A_662 = arith.constant 7 : i32
      %shift_right_logical3A_663 = vector.broadcast %shift_right_logical3A_662 : i32 to vector<16xi32>
      %shift_right_logical3A_664 = arith.shrui %get3A_661, %shift_right_logical3A_663 : vector<16xi32>
      %and3A_665 = arith.constant 127 : i32
      %and3A_666 = vector.broadcast %and3A_665 : i32 to vector<16xi32>
      %and3A_667 = arith.andi %get3A_661, %and3A_666 : vector<16xi32>
      tpu.vector_store_idx %arg5[%shift_right_logical3A_664, %and3A_667], %broadcast_in_dim3A_135 {add = true} : memref<256x128xf32, #tpu.memory_space<vmem>>[vector<16xi32>, vector<16xi32>], vector<16xf32>,
      %get3A_668 = arith.constant 6 : i32
      %get3A_669 = arith.index_cast %get3A_668 : i32 to index
      %get3A_670 = arith.constant 48 : index
      %get3A_671 = tpu.vector_load %arg4[%get3A_669, %get3A_670] {strides = array<i32>} : memref<8x128xi32, #tpu.memory_space<vmem>>, vector<16xi32>,
      %shift_right_logical3A_672 = arith.constant 7 : i32
      %shift_right_logical3A_673 = vector.broadcast %shift_right_logical3A_672 : i32 to vector<16xi32>
      %shift_right_logical3A_674 = arith.shrui %get3A_671, %shift_right_logical3A_673 : vector<16xi32>
      %and3A_675 = arith.constant 127 : i32
      %and3A_676 = vector.broadcast %and3A_675 : i32 to vector<16xi32>
      %and3A_677 = arith.andi %get3A_671, %and3A_676 : vector<16xi32>
      tpu.vector_store_idx %arg5[%shift_right_logical3A_674, %and3A_677], %broadcast_in_dim3A_135 {add = true} : memref<256x128xf32, #tpu.memory_space<vmem>>[vector<16xi32>, vector<16xi32>], vector<16xf32>,
      %get3A_678 = arith.constant 6 : i32
      %get3A_679 = arith.index_cast %get3A_678 : i32 to index
      %get3A_680 = arith.constant 64 : index
      %get3A_681 = tpu.vector_load %arg4[%get3A_679, %get3A_680] {strides = array<i32>} : memref<8x128xi32, #tpu.memory_space<vmem>>, vector<16xi32>,
      %shift_right_logical3A_682 = arith.constant 7 : i32
      %shift_right_logical3A_683 = vector.broadcast %shift_right_logical3A_682 : i32 to vector<16xi32>
      %shift_right_logical3A_684 = arith.shrui %get3A_681, %shift_right_logical3A_683 : vector<16xi32>
      %and3A_685 = arith.constant 127 : i32
      %and3A_686 = vector.broadcast %and3A_685 : i32 to vector<16xi32>
      %and3A_687 = arith.andi %get3A_681, %and3A_686 : vector<16xi32>
      tpu.vector_store_idx %arg5[%shift_right_logical3A_684, %and3A_687], %broadcast_in_dim3A_135 {add = true} : memref<256x128xf32, #tpu.memory_space<vmem>>[vector<16xi32>, vector<16xi32>], vector<16xf32>,
      %get3A_688 = arith.constant 6 : i32
      %get3A_689 = arith.index_cast %get3A_688 : i32 to index
      %get3A_690 = arith.constant 80 : index
      %get3A_691 = tpu.vector_load %arg4[%get3A_689, %get3A_690] {strides = array<i32>} : memref<8x128xi32, #tpu.memory_space<vmem>>, vector<16xi32>,
      %shift_right_logical3A_692 = arith.constant 7 : i32
      %shift_right_logical3A_693 = vector.broadcast %shift_right_logical3A_692 : i32 to vector<16xi32>
      %shift_right_logical3A_694 = arith.shrui %get3A_691, %shift_right_logical3A_693 : vector<16xi32>
      %and3A_695 = arith.constant 127 : i32
      %and3A_696 = vector.broadcast %and3A_695 : i32 to vector<16xi32>
      %and3A_697 = arith.andi %get3A_691, %and3A_696 : vector<16xi32>
      tpu.vector_store_idx %arg5[%shift_right_logical3A_694, %and3A_697], %broadcast_in_dim3A_135 {add = true} : memref<256x128xf32, #tpu.memory_space<vmem>>[vector<16xi32>, vector<16xi32>], vector<16xf32>,
      %get3A_698 = arith.constant 6 : i32
      %get3A_699 = arith.index_cast %get3A_698 : i32 to index
      %get3A_700 = arith.constant 96 : index
      %get3A_701 = tpu.vector_load %arg4[%get3A_699, %get3A_700] {strides = array<i32>} : memref<8x128xi32, #tpu.memory_space<vmem>>, vector<16xi32>,
      %shift_right_logical3A_702 = arith.constant 7 : i32
      %shift_right_logical3A_703 = vector.broadcast %shift_right_logical3A_702 : i32 to vector<16xi32>
      %shift_right_logical3A_704 = arith.shrui %get3A_701, %shift_right_logical3A_703 : vector<16xi32>
      %and3A_705 = arith.constant 127 : i32
      %and3A_706 = vector.broadcast %and3A_705 : i32 to vector<16xi32>
      %and3A_707 = arith.andi %get3A_701, %and3A_706 : vector<16xi32>
      tpu.vector_store_idx %arg5[%shift_right_logical3A_704, %and3A_707], %broadcast_in_dim3A_135 {add = true} : memref<256x128xf32, #tpu.memory_space<vmem>>[vector<16xi32>, vector<16xi32>], vector<16xf32>,
      %get3A_708 = arith.constant 6 : i32
      %get3A_709 = arith.index_cast %get3A_708 : i32 to index
      %get3A_710 = arith.constant 112 : index
      %get3A_711 = tpu.vector_load %arg4[%get3A_709, %get3A_710] {strides = array<i32>} : memref<8x128xi32, #tpu.memory_space<vmem>>, vector<16xi32>,
      %shift_right_logical3A_712 = arith.constant 7 : i32
      %shift_right_logical3A_713 = vector.broadcast %shift_right_logical3A_712 : i32 to vector<16xi32>
      %shift_right_logical3A_714 = arith.shrui %get3A_711, %shift_right_logical3A_713 : vector<16xi32>
      %and3A_715 = arith.constant 127 : i32
      %and3A_716 = vector.broadcast %and3A_715 : i32 to vector<16xi32>
      %and3A_717 = arith.andi %get3A_711, %and3A_716 : vector<16xi32>
      tpu.vector_store_idx %arg5[%shift_right_logical3A_714, %and3A_717], %broadcast_in_dim3A_135 {add = true} : memref<256x128xf32, #tpu.memory_space<vmem>>[vector<16xi32>, vector<16xi32>], vector<16xf32>,
      %get3A_718 = arith.constant 7 : i32
      %get3A_719 = arith.index_cast %get3A_718 : i32 to index
      %get3A_720 = arith.constant 0 : index
      %get3A_721 = tpu.vector_load %arg4[%get3A_719, %get3A_720] {strides = array<i32>} : memref<8x128xi32, #tpu.memory_space<vmem>>, vector<16xi32>,
      %shift_right_logical3A_722 = arith.constant 7 : i32
      %shift_right_logical3A_723 = vector.broadcast %shift_right_logical3A_722 : i32 to vector<16xi32>
      %shift_right_logical3A_724 = arith.shrui %get3A_721, %shift_right_logical3A_723 : vector<16xi32>
      %and3A_725 = arith.constant 127 : i32
      %and3A_726 = vector.broadcast %and3A_725 : i32 to vector<16xi32>
      %and3A_727 = arith.andi %get3A_721, %and3A_726 : vector<16xi32>
      tpu.vector_store_idx %arg5[%shift_right_logical3A_724, %and3A_727], %broadcast_in_dim3A_135 {add = true} : memref<256x128xf32, #tpu.memory_space<vmem>>[vector<16xi32>, vector<16xi32>], vector<16xf32>,
      %get3A_728 = arith.constant 7 : i32
      %get3A_729 = arith.index_cast %get3A_728 : i32 to index
      %get3A_730 = arith.constant 16 : index
      %get3A_731 = tpu.vector_load %arg4[%get3A_729, %get3A_730] {strides = array<i32>} : memref<8x128xi32, #tpu.memory_space<vmem>>, vector<16xi32>,
      %shift_right_logical3A_732 = arith.constant 7 : i32
      %shift_right_logical3A_733 = vector.broadcast %shift_right_logical3A_732 : i32 to vector<16xi32>
      %shift_right_logical3A_734 = arith.shrui %get3A_731, %shift_right_logical3A_733 : vector<16xi32>
      %and3A_735 = arith.constant 127 : i32
      %and3A_736 = vector.broadcast %and3A_735 : i32 to vector<16xi32>
      %and3A_737 = arith.andi %get3A_731, %and3A_736 : vector<16xi32>
      tpu.vector_store_idx %arg5[%shift_right_logical3A_734, %and3A_737], %broadcast_in_dim3A_135 {add = true} : memref<256x128xf32, #tpu.memory_space<vmem>>[vector<16xi32>, vector<16xi32>], vector<16xf32>,
      %get3A_738 = arith.constant 7 : i32
      %get3A_739 = arith.index_cast %get3A_738 : i32 to index
      %get3A_740 = arith.constant 32 : index
      %get3A_741 = tpu.vector_load %arg4[%get3A_739, %get3A_740] {strides = array<i32>} : memref<8x128xi32, #tpu.memory_space<vmem>>, vector<16xi32>,
      %shift_right_logical3A_742 = arith.constant 7 : i32
      %shift_right_logical3A_743 = vector.broadcast %shift_right_logical3A_742 : i32 to vector<16xi32>
      %shift_right_logical3A_744 = arith.shrui %get3A_741, %shift_right_logical3A_743 : vector<16xi32>
      %and3A_745 = arith.constant 127 : i32
      %and3A_746 = vector.broadcast %and3A_745 : i32 to vector<16xi32>
      %and3A_747 = arith.andi %get3A_741, %and3A_746 : vector<16xi32>
      tpu.vector_store_idx %arg5[%shift_right_logical3A_744, %and3A_747], %broadcast_in_dim3A_135 {add = true} : memref<256x128xf32, #tpu.memory_space<vmem>>[vector<16xi32>, vector<16xi32>], vector<16xf32>,
      %get3A_748 = arith.constant 7 : i32
      %get3A_749 = arith.index_cast %get3A_748 : i32 to index
      %get3A_750 = arith.constant 48 : index
      %get3A_751 = tpu.vector_load %arg4[%get3A_749, %get3A_750] {strides = array<i32>} : memref<8x128xi32, #tpu.memory_space<vmem>>, vector<16xi32>,
      %shift_right_logical3A_752 = arith.constant 7 : i32
      %shift_right_logical3A_753 = vector.broadcast %shift_right_logical3A_752 : i32 to vector<16xi32>
      %shift_right_logical3A_754 = arith.shrui %get3A_751, %shift_right_logical3A_753 : vector<16xi32>
      %and3A_755 = arith.constant 127 : i32
      %and3A_756 = vector.broadcast %and3A_755 : i32 to vector<16xi32>
      %and3A_757 = arith.andi %get3A_751, %and3A_756 : vector<16xi32>
      tpu.vector_store_idx %arg5[%shift_right_logical3A_754, %and3A_757], %broadcast_in_dim3A_135 {add = true} : memref<256x128xf32, #tpu.memory_space<vmem>>[vector<16xi32>, vector<16xi32>], vector<16xf32>,
      %get3A_758 = arith.constant 7 : i32
      %get3A_759 = arith.index_cast %get3A_758 : i32 to index
      %get3A_760 = arith.constant 64 : index
      %get3A_761 = tpu.vector_load %arg4[%get3A_759, %get3A_760] {strides = array<i32>} : memref<8x128xi32, #tpu.memory_space<vmem>>, vector<16xi32>,
      %shift_right_logical3A_762 = arith.constant 7 : i32
      %shift_right_logical3A_763 = vector.broadcast %shift_right_logical3A_762 : i32 to vector<16xi32>
      %shift_right_logical3A_764 = arith.shrui %get3A_761, %shift_right_logical3A_763 : vector<16xi32>
      %and3A_765 = arith.constant 127 : i32
      %and3A_766 = vector.broadcast %and3A_765 : i32 to vector<16xi32>
      %and3A_767 = arith.andi %get3A_761, %and3A_766 : vector<16xi32>
      tpu.vector_store_idx %arg5[%shift_right_logical3A_764, %and3A_767], %broadcast_in_dim3A_135 {add = true} : memref<256x128xf32, #tpu.memory_space<vmem>>[vector<16xi32>, vector<16xi32>], vector<16xf32>,
      %get3A_768 = arith.constant 7 : i32
      %get3A_769 = arith.index_cast %get3A_768 : i32 to index
      %get3A_770 = arith.constant 80 : index
      %get3A_771 = tpu.vector_load %arg4[%get3A_769, %get3A_770] {strides = array<i32>} : memref<8x128xi32, #tpu.memory_space<vmem>>, vector<16xi32>,
      %shift_right_logical3A_772 = arith.constant 7 : i32
      %shift_right_logical3A_773 = vector.broadcast %shift_right_logical3A_772 : i32 to vector<16xi32>
      %shift_right_logical3A_774 = arith.shrui %get3A_771, %shift_right_logical3A_773 : vector<16xi32>
      %and3A_775 = arith.constant 127 : i32
      %and3A_776 = vector.broadcast %and3A_775 : i32 to vector<16xi32>
      %and3A_777 = arith.andi %get3A_771, %and3A_776 : vector<16xi32>
      tpu.vector_store_idx %arg5[%shift_right_logical3A_774, %and3A_777], %broadcast_in_dim3A_135 {add = true} : memref<256x128xf32, #tpu.memory_space<vmem>>[vector<16xi32>, vector<16xi32>], vector<16xf32>,
      %get3A_778 = arith.constant 7 : i32
      %get3A_779 = arith.index_cast %get3A_778 : i32 to index
      %get3A_780 = arith.constant 96 : index
      %get3A_781 = tpu.vector_load %arg4[%get3A_779, %get3A_780] {strides = array<i32>} : memref<8x128xi32, #tpu.memory_space<vmem>>, vector<16xi32>,
      %shift_right_logical3A_782 = arith.constant 7 : i32
      %shift_right_logical3A_783 = vector.broadcast %shift_right_logical3A_782 : i32 to vector<16xi32>
      %shift_right_logical3A_784 = arith.shrui %get3A_781, %shift_right_logical3A_783 : vector<16xi32>
      %and3A_785 = arith.constant 127 : i32
      %and3A_786 = vector.broadcast %and3A_785 : i32 to vector<16xi32>
      %and3A_787 = arith.andi %get3A_781, %and3A_786 : vector<16xi32>
      tpu.vector_store_idx %arg5[%shift_right_logical3A_784, %and3A_787], %broadcast_in_dim3A_135 {add = true} : memref<256x128xf32, #tpu.memory_space<vmem>>[vector<16xi32>, vector<16xi32>], vector<16xf32>,
      %get3A_788 = arith.constant 7 : i32
      %get3A_789 = arith.index_cast %get3A_788 : i32 to index
      %get3A_790 = arith.constant 112 : index
      %get3A_791 = tpu.vector_load %arg4[%get3A_789, %get3A_790] {strides = array<i32>} : memref<8x128xi32, #tpu.memory_space<vmem>>, vector<16xi32>,
      %shift_right_logical3A_792 = arith.constant 7 : i32
      %shift_right_logical3A_793 = vector.broadcast %shift_right_logical3A_792 : i32 to vector<16xi32>
      %shift_right_logical3A_794 = arith.shrui %get3A_791, %shift_right_logical3A_793 : vector<16xi32>
      %and3A_795 = arith.constant 127 : i32
      %and3A_796 = vector.broadcast %and3A_795 : i32 to vector<16xi32>
      %and3A_797 = arith.andi %get3A_791, %and3A_796 : vector<16xi32>
      tpu.vector_store_idx %arg5[%shift_right_logical3A_794, %and3A_797], %broadcast_in_dim3A_135 {add = true} : memref<256x128xf32, #tpu.memory_space<vmem>>[vector<16xi32>, vector<16xi32>], vector<16xf32>,
      %while3A_798 = arith.constant 0 : i32
      scf.yield %while3A_798 : i32
    }
    %while3A_148 = arith.constant 1 : i32
    %while3A_149 = scf.for %while3A_157 = %while3A_145 to %while3A_141 step %while3A_148 iter_args(%while3A_158 = %while3A_147) -> (i32)  : i32 {
      %mul3A_159 = arith.constant 8 : i32
      %mul3A_160 = arith.muli %while3A_157, %mul3A_159 : i32
      "tpu.region"() ({
        %run_scoped3A_799 = tpu.sem_alloc : memref<!tpu.dma_semaphore, #tpu.memory_space<semaphore_mem>>
        %dma_start3A = arith.constant 0 : i32
        %dma_start3A_800 = tpu.memref_slice %arg2[%add3A, %mul3A_160, %dma_start3A] : memref<32x304x128xi32, #tpu.memory_space<hbm>> -> memref<1x8x128xi32, #tpu.memory_space<hbm>>
        %dma_start3A_801 = tpu.memref_squeeze %dma_start3A_800 : memref<1x8x128xi32, #tpu.memory_space<hbm>> -> memref<8x128xi32, #tpu.memory_space<hbm>>
        %dma_start3A_802 = arith.constant 0 : i32
        %dma_start3A_803 = tpu.memref_slice %arg2[%add3A, %mul3A_160, %dma_start3A_802] : memref<32x304x128xi32, #tpu.memory_space<hbm>> -> memref<1x8x128xi32, #tpu.memory_space<hbm>>
        %dma_start3A_804 = tpu.memref_squeeze %dma_start3A_803 : memref<1x8x128xi32, #tpu.memory_space<hbm>> -> memref<8x128xi32, #tpu.memory_space<hbm>>
        tpu.enqueue_dma source(%dma_start3A_804 : memref<8x128xi32, #tpu.memory_space<hbm>>) target(%arg4 : memref<8x128xi32, #tpu.memory_space<vmem>>) target_semaphore(%run_scoped3A_799 : memref<!tpu.dma_semaphore, #tpu.memory_space<semaphore_mem>>)
        %dma_wait3A = arith.constant 0 : i32
        %dma_wait3A_805 = tpu.memref_slice %arg2[%add3A, %mul3A_160, %dma_wait3A] : memref<32x304x128xi32, #tpu.memory_space<hbm>> -> memref<1x8x128xi32, #tpu.memory_space<hbm>>
        %dma_wait3A_806 = tpu.memref_squeeze %dma_wait3A_805 : memref<1x8x128xi32, #tpu.memory_space<hbm>> -> memref<8x128xi32, #tpu.memory_space<hbm>>
        %dma_wait3A_807 = arith.constant 0 : i32
        %dma_wait3A_808 = tpu.memref_slice %arg2[%add3A, %mul3A_160, %dma_wait3A_807] : memref<32x304x128xi32, #tpu.memory_space<hbm>> -> memref<1x8x128xi32, #tpu.memory_space<hbm>>
        %dma_wait3A_809 = tpu.memref_squeeze %dma_wait3A_808 : memref<1x8x128xi32, #tpu.memory_space<hbm>> -> memref<8x128xi32, #tpu.memory_space<hbm>>
        tpu.wait_dma2 semaphore(%run_scoped3A_799 : memref<!tpu.dma_semaphore, #tpu.memory_space<semaphore_mem>>) src(%dma_wait3A_809 : memref<8x128xi32, #tpu.memory_space<hbm>>) dst(%arg4 : memref<8x128xi32, #tpu.memory_space<vmem>>)
        tpu.yield
      }) : () -> ()
      %get3A = arith.constant 0 : i32
      %get3A_161 = arith.index_cast %get3A : i32 to index
      %get3A_162 = arith.constant 0 : index
      %get3A_163 = tpu.vector_load %arg4[%get3A_161, %get3A_162] {strides = array<i32>} : memref<8x128xi32, #tpu.memory_space<vmem>>, vector<16xi32>,
      %shift_right_logical3A = arith.constant 7 : i32
      %shift_right_logical3A_164 = vector.broadcast %shift_right_logical3A : i32 to vector<16xi32>
      %shift_right_logical3A_165 = arith.shrui %get3A_163, %shift_right_logical3A_164 : vector<16xi32>
      %and3A = arith.constant 127 : i32
      %and3A_166 = vector.broadcast %and3A : i32 to vector<16xi32>
      %and3A_167 = arith.andi %get3A_163, %and3A_166 : vector<16xi32>
      tpu.vector_store_idx %arg5[%shift_right_logical3A_165, %and3A_167], %broadcast_in_dim3A_135 {add = true} : memref<256x128xf32, #tpu.memory_space<vmem>>[vector<16xi32>, vector<16xi32>], vector<16xf32>,
      %get3A_168 = arith.constant 0 : i32
      %get3A_169 = arith.index_cast %get3A_168 : i32 to index
      %get3A_170 = arith.constant 16 : index
      %get3A_171 = tpu.vector_load %arg4[%get3A_169, %get3A_170] {strides = array<i32>} : memref<8x128xi32, #tpu.memory_space<vmem>>, vector<16xi32>,
      %shift_right_logical3A_172 = arith.constant 7 : i32
      %shift_right_logical3A_173 = vector.broadcast %shift_right_logical3A_172 : i32 to vector<16xi32>
      %shift_right_logical3A_174 = arith.shrui %get3A_171, %shift_right_logical3A_173 : vector<16xi32>
      %and3A_175 = arith.constant 127 : i32
      %and3A_176 = vector.broadcast %and3A_175 : i32 to vector<16xi32>
      %and3A_177 = arith.andi %get3A_171, %and3A_176 : vector<16xi32>
      tpu.vector_store_idx %arg5[%shift_right_logical3A_174, %and3A_177], %broadcast_in_dim3A_135 {add = true} : memref<256x128xf32, #tpu.memory_space<vmem>>[vector<16xi32>, vector<16xi32>], vector<16xf32>,
      %get3A_178 = arith.constant 0 : i32
      %get3A_179 = arith.index_cast %get3A_178 : i32 to index
      %get3A_180 = arith.constant 32 : index
      %get3A_181 = tpu.vector_load %arg4[%get3A_179, %get3A_180] {strides = array<i32>} : memref<8x128xi32, #tpu.memory_space<vmem>>, vector<16xi32>,
      %shift_right_logical3A_182 = arith.constant 7 : i32
      %shift_right_logical3A_183 = vector.broadcast %shift_right_logical3A_182 : i32 to vector<16xi32>
      %shift_right_logical3A_184 = arith.shrui %get3A_181, %shift_right_logical3A_183 : vector<16xi32>
      %and3A_185 = arith.constant 127 : i32
      %and3A_186 = vector.broadcast %and3A_185 : i32 to vector<16xi32>
      %and3A_187 = arith.andi %get3A_181, %and3A_186 : vector<16xi32>
      tpu.vector_store_idx %arg5[%shift_right_logical3A_184, %and3A_187], %broadcast_in_dim3A_135 {add = true} : memref<256x128xf32, #tpu.memory_space<vmem>>[vector<16xi32>, vector<16xi32>], vector<16xf32>,
      %get3A_188 = arith.constant 0 : i32
      %get3A_189 = arith.index_cast %get3A_188 : i32 to index
      %get3A_190 = arith.constant 48 : index
      %get3A_191 = tpu.vector_load %arg4[%get3A_189, %get3A_190] {strides = array<i32>} : memref<8x128xi32, #tpu.memory_space<vmem>>, vector<16xi32>,
      %shift_right_logical3A_192 = arith.constant 7 : i32
      %shift_right_logical3A_193 = vector.broadcast %shift_right_logical3A_192 : i32 to vector<16xi32>
      %shift_right_logical3A_194 = arith.shrui %get3A_191, %shift_right_logical3A_193 : vector<16xi32>
      %and3A_195 = arith.constant 127 : i32
      %and3A_196 = vector.broadcast %and3A_195 : i32 to vector<16xi32>
      %and3A_197 = arith.andi %get3A_191, %and3A_196 : vector<16xi32>
      tpu.vector_store_idx %arg5[%shift_right_logical3A_194, %and3A_197], %broadcast_in_dim3A_135 {add = true} : memref<256x128xf32, #tpu.memory_space<vmem>>[vector<16xi32>, vector<16xi32>], vector<16xf32>,
      %get3A_198 = arith.constant 0 : i32
      %get3A_199 = arith.index_cast %get3A_198 : i32 to index
      %get3A_200 = arith.constant 64 : index
      %get3A_201 = tpu.vector_load %arg4[%get3A_199, %get3A_200] {strides = array<i32>} : memref<8x128xi32, #tpu.memory_space<vmem>>, vector<16xi32>,
      %shift_right_logical3A_202 = arith.constant 7 : i32
      %shift_right_logical3A_203 = vector.broadcast %shift_right_logical3A_202 : i32 to vector<16xi32>
      %shift_right_logical3A_204 = arith.shrui %get3A_201, %shift_right_logical3A_203 : vector<16xi32>
      %and3A_205 = arith.constant 127 : i32
      %and3A_206 = vector.broadcast %and3A_205 : i32 to vector<16xi32>
      %and3A_207 = arith.andi %get3A_201, %and3A_206 : vector<16xi32>
      tpu.vector_store_idx %arg5[%shift_right_logical3A_204, %and3A_207], %broadcast_in_dim3A_135 {add = true} : memref<256x128xf32, #tpu.memory_space<vmem>>[vector<16xi32>, vector<16xi32>], vector<16xf32>,
      %get3A_208 = arith.constant 0 : i32
      %get3A_209 = arith.index_cast %get3A_208 : i32 to index
      %get3A_210 = arith.constant 80 : index
      %get3A_211 = tpu.vector_load %arg4[%get3A_209, %get3A_210] {strides = array<i32>} : memref<8x128xi32, #tpu.memory_space<vmem>>, vector<16xi32>,
      %shift_right_logical3A_212 = arith.constant 7 : i32
      %shift_right_logical3A_213 = vector.broadcast %shift_right_logical3A_212 : i32 to vector<16xi32>
      %shift_right_logical3A_214 = arith.shrui %get3A_211, %shift_right_logical3A_213 : vector<16xi32>
      %and3A_215 = arith.constant 127 : i32
      %and3A_216 = vector.broadcast %and3A_215 : i32 to vector<16xi32>
      %and3A_217 = arith.andi %get3A_211, %and3A_216 : vector<16xi32>
      tpu.vector_store_idx %arg5[%shift_right_logical3A_214, %and3A_217], %broadcast_in_dim3A_135 {add = true} : memref<256x128xf32, #tpu.memory_space<vmem>>[vector<16xi32>, vector<16xi32>], vector<16xf32>,
      %get3A_218 = arith.constant 0 : i32
      %get3A_219 = arith.index_cast %get3A_218 : i32 to index
      %get3A_220 = arith.constant 96 : index
      %get3A_221 = tpu.vector_load %arg4[%get3A_219, %get3A_220] {strides = array<i32>} : memref<8x128xi32, #tpu.memory_space<vmem>>, vector<16xi32>,
      %shift_right_logical3A_222 = arith.constant 7 : i32
      %shift_right_logical3A_223 = vector.broadcast %shift_right_logical3A_222 : i32 to vector<16xi32>
      %shift_right_logical3A_224 = arith.shrui %get3A_221, %shift_right_logical3A_223 : vector<16xi32>
      %and3A_225 = arith.constant 127 : i32
      %and3A_226 = vector.broadcast %and3A_225 : i32 to vector<16xi32>
      %and3A_227 = arith.andi %get3A_221, %and3A_226 : vector<16xi32>
      tpu.vector_store_idx %arg5[%shift_right_logical3A_224, %and3A_227], %broadcast_in_dim3A_135 {add = true} : memref<256x128xf32, #tpu.memory_space<vmem>>[vector<16xi32>, vector<16xi32>], vector<16xf32>,
      %get3A_228 = arith.constant 0 : i32
      %get3A_229 = arith.index_cast %get3A_228 : i32 to index
      %get3A_230 = arith.constant 112 : index
      %get3A_231 = tpu.vector_load %arg4[%get3A_229, %get3A_230] {strides = array<i32>} : memref<8x128xi32, #tpu.memory_space<vmem>>, vector<16xi32>,
      %shift_right_logical3A_232 = arith.constant 7 : i32
      %shift_right_logical3A_233 = vector.broadcast %shift_right_logical3A_232 : i32 to vector<16xi32>
      %shift_right_logical3A_234 = arith.shrui %get3A_231, %shift_right_logical3A_233 : vector<16xi32>
      %and3A_235 = arith.constant 127 : i32
      %and3A_236 = vector.broadcast %and3A_235 : i32 to vector<16xi32>
      %and3A_237 = arith.andi %get3A_231, %and3A_236 : vector<16xi32>
      tpu.vector_store_idx %arg5[%shift_right_logical3A_234, %and3A_237], %broadcast_in_dim3A_135 {add = true} : memref<256x128xf32, #tpu.memory_space<vmem>>[vector<16xi32>, vector<16xi32>], vector<16xf32>,
      %get3A_238 = arith.constant 1 : i32
      %get3A_239 = arith.index_cast %get3A_238 : i32 to index
      %get3A_240 = arith.constant 0 : index
      %get3A_241 = tpu.vector_load %arg4[%get3A_239, %get3A_240] {strides = array<i32>} : memref<8x128xi32, #tpu.memory_space<vmem>>, vector<16xi32>,
      %shift_right_logical3A_242 = arith.constant 7 : i32
      %shift_right_logical3A_243 = vector.broadcast %shift_right_logical3A_242 : i32 to vector<16xi32>
      %shift_right_logical3A_244 = arith.shrui %get3A_241, %shift_right_logical3A_243 : vector<16xi32>
      %and3A_245 = arith.constant 127 : i32
      %and3A_246 = vector.broadcast %and3A_245 : i32 to vector<16xi32>
      %and3A_247 = arith.andi %get3A_241, %and3A_246 : vector<16xi32>
      tpu.vector_store_idx %arg5[%shift_right_logical3A_244, %and3A_247], %broadcast_in_dim3A_135 {add = true} : memref<256x128xf32, #tpu.memory_space<vmem>>[vector<16xi32>, vector<16xi32>], vector<16xf32>,
      %get3A_248 = arith.constant 1 : i32
      %get3A_249 = arith.index_cast %get3A_248 : i32 to index
      %get3A_250 = arith.constant 16 : index
      %get3A_251 = tpu.vector_load %arg4[%get3A_249, %get3A_250] {strides = array<i32>} : memref<8x128xi32, #tpu.memory_space<vmem>>, vector<16xi32>,
      %shift_right_logical3A_252 = arith.constant 7 : i32
      %shift_right_logical3A_253 = vector.broadcast %shift_right_logical3A_252 : i32 to vector<16xi32>
      %shift_right_logical3A_254 = arith.shrui %get3A_251, %shift_right_logical3A_253 : vector<16xi32>
      %and3A_255 = arith.constant 127 : i32
      %and3A_256 = vector.broadcast %and3A_255 : i32 to vector<16xi32>
      %and3A_257 = arith.andi %get3A_251, %and3A_256 : vector<16xi32>
      tpu.vector_store_idx %arg5[%shift_right_logical3A_254, %and3A_257], %broadcast_in_dim3A_135 {add = true} : memref<256x128xf32, #tpu.memory_space<vmem>>[vector<16xi32>, vector<16xi32>], vector<16xf32>,
      %get3A_258 = arith.constant 1 : i32
      %get3A_259 = arith.index_cast %get3A_258 : i32 to index
      %get3A_260 = arith.constant 32 : index
      %get3A_261 = tpu.vector_load %arg4[%get3A_259, %get3A_260] {strides = array<i32>} : memref<8x128xi32, #tpu.memory_space<vmem>>, vector<16xi32>,
      %shift_right_logical3A_262 = arith.constant 7 : i32
      %shift_right_logical3A_263 = vector.broadcast %shift_right_logical3A_262 : i32 to vector<16xi32>
      %shift_right_logical3A_264 = arith.shrui %get3A_261, %shift_right_logical3A_263 : vector<16xi32>
      %and3A_265 = arith.constant 127 : i32
      %and3A_266 = vector.broadcast %and3A_265 : i32 to vector<16xi32>
      %and3A_267 = arith.andi %get3A_261, %and3A_266 : vector<16xi32>
      tpu.vector_store_idx %arg5[%shift_right_logical3A_264, %and3A_267], %broadcast_in_dim3A_135 {add = true} : memref<256x128xf32, #tpu.memory_space<vmem>>[vector<16xi32>, vector<16xi32>], vector<16xf32>,
      %get3A_268 = arith.constant 1 : i32
      %get3A_269 = arith.index_cast %get3A_268 : i32 to index
      %get3A_270 = arith.constant 48 : index
      %get3A_271 = tpu.vector_load %arg4[%get3A_269, %get3A_270] {strides = array<i32>} : memref<8x128xi32, #tpu.memory_space<vmem>>, vector<16xi32>,
      %shift_right_logical3A_272 = arith.constant 7 : i32
      %shift_right_logical3A_273 = vector.broadcast %shift_right_logical3A_272 : i32 to vector<16xi32>
      %shift_right_logical3A_274 = arith.shrui %get3A_271, %shift_right_logical3A_273 : vector<16xi32>
      %and3A_275 = arith.constant 127 : i32
      %and3A_276 = vector.broadcast %and3A_275 : i32 to vector<16xi32>
      %and3A_277 = arith.andi %get3A_271, %and3A_276 : vector<16xi32>
      tpu.vector_store_idx %arg5[%shift_right_logical3A_274, %and3A_277], %broadcast_in_dim3A_135 {add = true} : memref<256x128xf32, #tpu.memory_space<vmem>>[vector<16xi32>, vector<16xi32>], vector<16xf32>,
      %get3A_278 = arith.constant 1 : i32
      %get3A_279 = arith.index_cast %get3A_278 : i32 to index
      %get3A_280 = arith.constant 64 : index
      %get3A_281 = tpu.vector_load %arg4[%get3A_279, %get3A_280] {strides = array<i32>} : memref<8x128xi32, #tpu.memory_space<vmem>>, vector<16xi32>,
      %shift_right_logical3A_282 = arith.constant 7 : i32
      %shift_right_logical3A_283 = vector.broadcast %shift_right_logical3A_282 : i32 to vector<16xi32>
      %shift_right_logical3A_284 = arith.shrui %get3A_281, %shift_right_logical3A_283 : vector<16xi32>
      %and3A_285 = arith.constant 127 : i32
      %and3A_286 = vector.broadcast %and3A_285 : i32 to vector<16xi32>
      %and3A_287 = arith.andi %get3A_281, %and3A_286 : vector<16xi32>
      tpu.vector_store_idx %arg5[%shift_right_logical3A_284, %and3A_287], %broadcast_in_dim3A_135 {add = true} : memref<256x128xf32, #tpu.memory_space<vmem>>[vector<16xi32>, vector<16xi32>], vector<16xf32>,
      %get3A_288 = arith.constant 1 : i32
      %get3A_289 = arith.index_cast %get3A_288 : i32 to index
      %get3A_290 = arith.constant 80 : index
      %get3A_291 = tpu.vector_load %arg4[%get3A_289, %get3A_290] {strides = array<i32>} : memref<8x128xi32, #tpu.memory_space<vmem>>, vector<16xi32>,
      %shift_right_logical3A_292 = arith.constant 7 : i32
      %shift_right_logical3A_293 = vector.broadcast %shift_right_logical3A_292 : i32 to vector<16xi32>
      %shift_right_logical3A_294 = arith.shrui %get3A_291, %shift_right_logical3A_293 : vector<16xi32>
      %and3A_295 = arith.constant 127 : i32
      %and3A_296 = vector.broadcast %and3A_295 : i32 to vector<16xi32>
      %and3A_297 = arith.andi %get3A_291, %and3A_296 : vector<16xi32>
      tpu.vector_store_idx %arg5[%shift_right_logical3A_294, %and3A_297], %broadcast_in_dim3A_135 {add = true} : memref<256x128xf32, #tpu.memory_space<vmem>>[vector<16xi32>, vector<16xi32>], vector<16xf32>,
      %get3A_298 = arith.constant 1 : i32
      %get3A_299 = arith.index_cast %get3A_298 : i32 to index
      %get3A_300 = arith.constant 96 : index
      %get3A_301 = tpu.vector_load %arg4[%get3A_299, %get3A_300] {strides = array<i32>} : memref<8x128xi32, #tpu.memory_space<vmem>>, vector<16xi32>,
      %shift_right_logical3A_302 = arith.constant 7 : i32
      %shift_right_logical3A_303 = vector.broadcast %shift_right_logical3A_302 : i32 to vector<16xi32>
      %shift_right_logical3A_304 = arith.shrui %get3A_301, %shift_right_logical3A_303 : vector<16xi32>
      %and3A_305 = arith.constant 127 : i32
      %and3A_306 = vector.broadcast %and3A_305 : i32 to vector<16xi32>
      %and3A_307 = arith.andi %get3A_301, %and3A_306 : vector<16xi32>
      tpu.vector_store_idx %arg5[%shift_right_logical3A_304, %and3A_307], %broadcast_in_dim3A_135 {add = true} : memref<256x128xf32, #tpu.memory_space<vmem>>[vector<16xi32>, vector<16xi32>], vector<16xf32>,
      %get3A_308 = arith.constant 1 : i32
      %get3A_309 = arith.index_cast %get3A_308 : i32 to index
      %get3A_310 = arith.constant 112 : index
      %get3A_311 = tpu.vector_load %arg4[%get3A_309, %get3A_310] {strides = array<i32>} : memref<8x128xi32, #tpu.memory_space<vmem>>, vector<16xi32>,
      %shift_right_logical3A_312 = arith.constant 7 : i32
      %shift_right_logical3A_313 = vector.broadcast %shift_right_logical3A_312 : i32 to vector<16xi32>
      %shift_right_logical3A_314 = arith.shrui %get3A_311, %shift_right_logical3A_313 : vector<16xi32>
      %and3A_315 = arith.constant 127 : i32
      %and3A_316 = vector.broadcast %and3A_315 : i32 to vector<16xi32>
      %and3A_317 = arith.andi %get3A_311, %and3A_316 : vector<16xi32>
      tpu.vector_store_idx %arg5[%shift_right_logical3A_314, %and3A_317], %broadcast_in_dim3A_135 {add = true} : memref<256x128xf32, #tpu.memory_space<vmem>>[vector<16xi32>, vector<16xi32>], vector<16xf32>,
      %get3A_318 = arith.constant 2 : i32
      %get3A_319 = arith.index_cast %get3A_318 : i32 to index
      %get3A_320 = arith.constant 0 : index
      %get3A_321 = tpu.vector_load %arg4[%get3A_319, %get3A_320] {strides = array<i32>} : memref<8x128xi32, #tpu.memory_space<vmem>>, vector<16xi32>,
      %shift_right_logical3A_322 = arith.constant 7 : i32
      %shift_right_logical3A_323 = vector.broadcast %shift_right_logical3A_322 : i32 to vector<16xi32>
      %shift_right_logical3A_324 = arith.shrui %get3A_321, %shift_right_logical3A_323 : vector<16xi32>
      %and3A_325 = arith.constant 127 : i32
      %and3A_326 = vector.broadcast %and3A_325 : i32 to vector<16xi32>
      %and3A_327 = arith.andi %get3A_321, %and3A_326 : vector<16xi32>
      tpu.vector_store_idx %arg5[%shift_right_logical3A_324, %and3A_327], %broadcast_in_dim3A_135 {add = true} : memref<256x128xf32, #tpu.memory_space<vmem>>[vector<16xi32>, vector<16xi32>], vector<16xf32>,
      %get3A_328 = arith.constant 2 : i32
      %get3A_329 = arith.index_cast %get3A_328 : i32 to index
      %get3A_330 = arith.constant 16 : index
      %get3A_331 = tpu.vector_load %arg4[%get3A_329, %get3A_330] {strides = array<i32>} : memref<8x128xi32, #tpu.memory_space<vmem>>, vector<16xi32>,
      %shift_right_logical3A_332 = arith.constant 7 : i32
      %shift_right_logical3A_333 = vector.broadcast %shift_right_logical3A_332 : i32 to vector<16xi32>
      %shift_right_logical3A_334 = arith.shrui %get3A_331, %shift_right_logical3A_333 : vector<16xi32>
      %and3A_335 = arith.constant 127 : i32
      %and3A_336 = vector.broadcast %and3A_335 : i32 to vector<16xi32>
      %and3A_337 = arith.andi %get3A_331, %and3A_336 : vector<16xi32>
      tpu.vector_store_idx %arg5[%shift_right_logical3A_334, %and3A_337], %broadcast_in_dim3A_135 {add = true} : memref<256x128xf32, #tpu.memory_space<vmem>>[vector<16xi32>, vector<16xi32>], vector<16xf32>,
      %get3A_338 = arith.constant 2 : i32
      %get3A_339 = arith.index_cast %get3A_338 : i32 to index
      %get3A_340 = arith.constant 32 : index
      %get3A_341 = tpu.vector_load %arg4[%get3A_339, %get3A_340] {strides = array<i32>} : memref<8x128xi32, #tpu.memory_space<vmem>>, vector<16xi32>,
      %shift_right_logical3A_342 = arith.constant 7 : i32
      %shift_right_logical3A_343 = vector.broadcast %shift_right_logical3A_342 : i32 to vector<16xi32>
      %shift_right_logical3A_344 = arith.shrui %get3A_341, %shift_right_logical3A_343 : vector<16xi32>
      %and3A_345 = arith.constant 127 : i32
      %and3A_346 = vector.broadcast %and3A_345 : i32 to vector<16xi32>
      %and3A_347 = arith.andi %get3A_341, %and3A_346 : vector<16xi32>
      tpu.vector_store_idx %arg5[%shift_right_logical3A_344, %and3A_347], %broadcast_in_dim3A_135 {add = true} : memref<256x128xf32, #tpu.memory_space<vmem>>[vector<16xi32>, vector<16xi32>], vector<16xf32>,
      %get3A_348 = arith.constant 2 : i32
      %get3A_349 = arith.index_cast %get3A_348 : i32 to index
      %get3A_350 = arith.constant 48 : index
      %get3A_351 = tpu.vector_load %arg4[%get3A_349, %get3A_350] {strides = array<i32>} : memref<8x128xi32, #tpu.memory_space<vmem>>, vector<16xi32>,
      %shift_right_logical3A_352 = arith.constant 7 : i32
      %shift_right_logical3A_353 = vector.broadcast %shift_right_logical3A_352 : i32 to vector<16xi32>
      %shift_right_logical3A_354 = arith.shrui %get3A_351, %shift_right_logical3A_353 : vector<16xi32>
      %and3A_355 = arith.constant 127 : i32
      %and3A_356 = vector.broadcast %and3A_355 : i32 to vector<16xi32>
      %and3A_357 = arith.andi %get3A_351, %and3A_356 : vector<16xi32>
      tpu.vector_store_idx %arg5[%shift_right_logical3A_354, %and3A_357], %broadcast_in_dim3A_135 {add = true} : memref<256x128xf32, #tpu.memory_space<vmem>>[vector<16xi32>, vector<16xi32>], vector<16xf32>,
      %get3A_358 = arith.constant 2 : i32
      %get3A_359 = arith.index_cast %get3A_358 : i32 to index
      %get3A_360 = arith.constant 64 : index
      %get3A_361 = tpu.vector_load %arg4[%get3A_359, %get3A_360] {strides = array<i32>} : memref<8x128xi32, #tpu.memory_space<vmem>>, vector<16xi32>,
      %shift_right_logical3A_362 = arith.constant 7 : i32
      %shift_right_logical3A_363 = vector.broadcast %shift_right_logical3A_362 : i32 to vector<16xi32>
      %shift_right_logical3A_364 = arith.shrui %get3A_361, %shift_right_logical3A_363 : vector<16xi32>
      %and3A_365 = arith.constant 127 : i32
      %and3A_366 = vector.broadcast %and3A_365 : i32 to vector<16xi32>
      %and3A_367 = arith.andi %get3A_361, %and3A_366 : vector<16xi32>
      tpu.vector_store_idx %arg5[%shift_right_logical3A_364, %and3A_367], %broadcast_in_dim3A_135 {add = true} : memref<256x128xf32, #tpu.memory_space<vmem>>[vector<16xi32>, vector<16xi32>], vector<16xf32>,
      %get3A_368 = arith.constant 2 : i32
      %get3A_369 = arith.index_cast %get3A_368 : i32 to index
      %get3A_370 = arith.constant 80 : index
      %get3A_371 = tpu.vector_load %arg4[%get3A_369, %get3A_370] {strides = array<i32>} : memref<8x128xi32, #tpu.memory_space<vmem>>, vector<16xi32>,
      %shift_right_logical3A_372 = arith.constant 7 : i32
      %shift_right_logical3A_373 = vector.broadcast %shift_right_logical3A_372 : i32 to vector<16xi32>
      %shift_right_logical3A_374 = arith.shrui %get3A_371, %shift_right_logical3A_373 : vector<16xi32>
      %and3A_375 = arith.constant 127 : i32
      %and3A_376 = vector.broadcast %and3A_375 : i32 to vector<16xi32>
      %and3A_377 = arith.andi %get3A_371, %and3A_376 : vector<16xi32>
      tpu.vector_store_idx %arg5[%shift_right_logical3A_374, %and3A_377], %broadcast_in_dim3A_135 {add = true} : memref<256x128xf32, #tpu.memory_space<vmem>>[vector<16xi32>, vector<16xi32>], vector<16xf32>,
      %get3A_378 = arith.constant 2 : i32
      %get3A_379 = arith.index_cast %get3A_378 : i32 to index
      %get3A_380 = arith.constant 96 : index
      %get3A_381 = tpu.vector_load %arg4[%get3A_379, %get3A_380] {strides = array<i32>} : memref<8x128xi32, #tpu.memory_space<vmem>>, vector<16xi32>,
      %shift_right_logical3A_382 = arith.constant 7 : i32
      %shift_right_logical3A_383 = vector.broadcast %shift_right_logical3A_382 : i32 to vector<16xi32>
      %shift_right_logical3A_384 = arith.shrui %get3A_381, %shift_right_logical3A_383 : vector<16xi32>
      %and3A_385 = arith.constant 127 : i32
      %and3A_386 = vector.broadcast %and3A_385 : i32 to vector<16xi32>
      %and3A_387 = arith.andi %get3A_381, %and3A_386 : vector<16xi32>
      tpu.vector_store_idx %arg5[%shift_right_logical3A_384, %and3A_387], %broadcast_in_dim3A_135 {add = true} : memref<256x128xf32, #tpu.memory_space<vmem>>[vector<16xi32>, vector<16xi32>], vector<16xf32>,
      %get3A_388 = arith.constant 2 : i32
      %get3A_389 = arith.index_cast %get3A_388 : i32 to index
      %get3A_390 = arith.constant 112 : index
      %get3A_391 = tpu.vector_load %arg4[%get3A_389, %get3A_390] {strides = array<i32>} : memref<8x128xi32, #tpu.memory_space<vmem>>, vector<16xi32>,
      %shift_right_logical3A_392 = arith.constant 7 : i32
      %shift_right_logical3A_393 = vector.broadcast %shift_right_logical3A_392 : i32 to vector<16xi32>
      %shift_right_logical3A_394 = arith.shrui %get3A_391, %shift_right_logical3A_393 : vector<16xi32>
      %and3A_395 = arith.constant 127 : i32
      %and3A_396 = vector.broadcast %and3A_395 : i32 to vector<16xi32>
      %and3A_397 = arith.andi %get3A_391, %and3A_396 : vector<16xi32>
      tpu.vector_store_idx %arg5[%shift_right_logical3A_394, %and3A_397], %broadcast_in_dim3A_135 {add = true} : memref<256x128xf32, #tpu.memory_space<vmem>>[vector<16xi32>, vector<16xi32>], vector<16xf32>,
      %get3A_398 = arith.constant 3 : i32
      %get3A_399 = arith.index_cast %get3A_398 : i32 to index
      %get3A_400 = arith.constant 0 : index
      %get3A_401 = tpu.vector_load %arg4[%get3A_399, %get3A_400] {strides = array<i32>} : memref<8x128xi32, #tpu.memory_space<vmem>>, vector<16xi32>,
      %shift_right_logical3A_402 = arith.constant 7 : i32
      %shift_right_logical3A_403 = vector.broadcast %shift_right_logical3A_402 : i32 to vector<16xi32>
      %shift_right_logical3A_404 = arith.shrui %get3A_401, %shift_right_logical3A_403 : vector<16xi32>
      %and3A_405 = arith.constant 127 : i32
      %and3A_406 = vector.broadcast %and3A_405 : i32 to vector<16xi32>
      %and3A_407 = arith.andi %get3A_401, %and3A_406 : vector<16xi32>
      tpu.vector_store_idx %arg5[%shift_right_logical3A_404, %and3A_407], %broadcast_in_dim3A_135 {add = true} : memref<256x128xf32, #tpu.memory_space<vmem>>[vector<16xi32>, vector<16xi32>], vector<16xf32>,
      %get3A_408 = arith.constant 3 : i32
      %get3A_409 = arith.index_cast %get3A_408 : i32 to index
      %get3A_410 = arith.constant 16 : index
      %get3A_411 = tpu.vector_load %arg4[%get3A_409, %get3A_410] {strides = array<i32>} : memref<8x128xi32, #tpu.memory_space<vmem>>, vector<16xi32>,
      %shift_right_logical3A_412 = arith.constant 7 : i32
      %shift_right_logical3A_413 = vector.broadcast %shift_right_logical3A_412 : i32 to vector<16xi32>
      %shift_right_logical3A_414 = arith.shrui %get3A_411, %shift_right_logical3A_413 : vector<16xi32>
      %and3A_415 = arith.constant 127 : i32
      %and3A_416 = vector.broadcast %and3A_415 : i32 to vector<16xi32>
      %and3A_417 = arith.andi %get3A_411, %and3A_416 : vector<16xi32>
      tpu.vector_store_idx %arg5[%shift_right_logical3A_414, %and3A_417], %broadcast_in_dim3A_135 {add = true} : memref<256x128xf32, #tpu.memory_space<vmem>>[vector<16xi32>, vector<16xi32>], vector<16xf32>,
      %get3A_418 = arith.constant 3 : i32
      %get3A_419 = arith.index_cast %get3A_418 : i32 to index
      %get3A_420 = arith.constant 32 : index
      %get3A_421 = tpu.vector_load %arg4[%get3A_419, %get3A_420] {strides = array<i32>} : memref<8x128xi32, #tpu.memory_space<vmem>>, vector<16xi32>,
      %shift_right_logical3A_422 = arith.constant 7 : i32
      %shift_right_logical3A_423 = vector.broadcast %shift_right_logical3A_422 : i32 to vector<16xi32>
      %shift_right_logical3A_424 = arith.shrui %get3A_421, %shift_right_logical3A_423 : vector<16xi32>
      %and3A_425 = arith.constant 127 : i32
      %and3A_426 = vector.broadcast %and3A_425 : i32 to vector<16xi32>
      %and3A_427 = arith.andi %get3A_421, %and3A_426 : vector<16xi32>
      tpu.vector_store_idx %arg5[%shift_right_logical3A_424, %and3A_427], %broadcast_in_dim3A_135 {add = true} : memref<256x128xf32, #tpu.memory_space<vmem>>[vector<16xi32>, vector<16xi32>], vector<16xf32>,
      %get3A_428 = arith.constant 3 : i32
      %get3A_429 = arith.index_cast %get3A_428 : i32 to index
      %get3A_430 = arith.constant 48 : index
      %get3A_431 = tpu.vector_load %arg4[%get3A_429, %get3A_430] {strides = array<i32>} : memref<8x128xi32, #tpu.memory_space<vmem>>, vector<16xi32>,
      %shift_right_logical3A_432 = arith.constant 7 : i32
      %shift_right_logical3A_433 = vector.broadcast %shift_right_logical3A_432 : i32 to vector<16xi32>
      %shift_right_logical3A_434 = arith.shrui %get3A_431, %shift_right_logical3A_433 : vector<16xi32>
      %and3A_435 = arith.constant 127 : i32
      %and3A_436 = vector.broadcast %and3A_435 : i32 to vector<16xi32>
      %and3A_437 = arith.andi %get3A_431, %and3A_436 : vector<16xi32>
      tpu.vector_store_idx %arg5[%shift_right_logical3A_434, %and3A_437], %broadcast_in_dim3A_135 {add = true} : memref<256x128xf32, #tpu.memory_space<vmem>>[vector<16xi32>, vector<16xi32>], vector<16xf32>,
      %get3A_438 = arith.constant 3 : i32
      %get3A_439 = arith.index_cast %get3A_438 : i32 to index
      %get3A_440 = arith.constant 64 : index
      %get3A_441 = tpu.vector_load %arg4[%get3A_439, %get3A_440] {strides = array<i32>} : memref<8x128xi32, #tpu.memory_space<vmem>>, vector<16xi32>,
      %shift_right_logical3A_442 = arith.constant 7 : i32
      %shift_right_logical3A_443 = vector.broadcast %shift_right_logical3A_442 : i32 to vector<16xi32>
      %shift_right_logical3A_444 = arith.shrui %get3A_441, %shift_right_logical3A_443 : vector<16xi32>
      %and3A_445 = arith.constant 127 : i32
      %and3A_446 = vector.broadcast %and3A_445 : i32 to vector<16xi32>
      %and3A_447 = arith.andi %get3A_441, %and3A_446 : vector<16xi32>
      tpu.vector_store_idx %arg5[%shift_right_logical3A_444, %and3A_447], %broadcast_in_dim3A_135 {add = true} : memref<256x128xf32, #tpu.memory_space<vmem>>[vector<16xi32>, vector<16xi32>], vector<16xf32>,
      %get3A_448 = arith.constant 3 : i32
      %get3A_449 = arith.index_cast %get3A_448 : i32 to index
      %get3A_450 = arith.constant 80 : index
      %get3A_451 = tpu.vector_load %arg4[%get3A_449, %get3A_450] {strides = array<i32>} : memref<8x128xi32, #tpu.memory_space<vmem>>, vector<16xi32>,
      %shift_right_logical3A_452 = arith.constant 7 : i32
      %shift_right_logical3A_453 = vector.broadcast %shift_right_logical3A_452 : i32 to vector<16xi32>
      %shift_right_logical3A_454 = arith.shrui %get3A_451, %shift_right_logical3A_453 : vector<16xi32>
      %and3A_455 = arith.constant 127 : i32
      %and3A_456 = vector.broadcast %and3A_455 : i32 to vector<16xi32>
      %and3A_457 = arith.andi %get3A_451, %and3A_456 : vector<16xi32>
      tpu.vector_store_idx %arg5[%shift_right_logical3A_454, %and3A_457], %broadcast_in_dim3A_135 {add = true} : memref<256x128xf32, #tpu.memory_space<vmem>>[vector<16xi32>, vector<16xi32>], vector<16xf32>,
      %get3A_458 = arith.constant 3 : i32
      %get3A_459 = arith.index_cast %get3A_458 : i32 to index
      %get3A_460 = arith.constant 96 : index
      %get3A_461 = tpu.vector_load %arg4[%get3A_459, %get3A_460] {strides = array<i32>} : memref<8x128xi32, #tpu.memory_space<vmem>>, vector<16xi32>,
      %shift_right_logical3A_462 = arith.constant 7 : i32
      %shift_right_logical3A_463 = vector.broadcast %shift_right_logical3A_462 : i32 to vector<16xi32>
      %shift_right_logical3A_464 = arith.shrui %get3A_461, %shift_right_logical3A_463 : vector<16xi32>
      %and3A_465 = arith.constant 127 : i32
      %and3A_466 = vector.broadcast %and3A_465 : i32 to vector<16xi32>
      %and3A_467 = arith.andi %get3A_461, %and3A_466 : vector<16xi32>
      tpu.vector_store_idx %arg5[%shift_right_logical3A_464, %and3A_467], %broadcast_in_dim3A_135 {add = true} : memref<256x128xf32, #tpu.memory_space<vmem>>[vector<16xi32>, vector<16xi32>], vector<16xf32>,
      %get3A_468 = arith.constant 3 : i32
      %get3A_469 = arith.index_cast %get3A_468 : i32 to index
      %get3A_470 = arith.constant 112 : index
      %get3A_471 = tpu.vector_load %arg4[%get3A_469, %get3A_470] {strides = array<i32>} : memref<8x128xi32, #tpu.memory_space<vmem>>, vector<16xi32>,
      %shift_right_logical3A_472 = arith.constant 7 : i32
      %shift_right_logical3A_473 = vector.broadcast %shift_right_logical3A_472 : i32 to vector<16xi32>
      %shift_right_logical3A_474 = arith.shrui %get3A_471, %shift_right_logical3A_473 : vector<16xi32>
      %and3A_475 = arith.constant 127 : i32
      %and3A_476 = vector.broadcast %and3A_475 : i32 to vector<16xi32>
      %and3A_477 = arith.andi %get3A_471, %and3A_476 : vector<16xi32>
      tpu.vector_store_idx %arg5[%shift_right_logical3A_474, %and3A_477], %broadcast_in_dim3A_135 {add = true} : memref<256x128xf32, #tpu.memory_space<vmem>>[vector<16xi32>, vector<16xi32>], vector<16xf32>,
      %get3A_478 = arith.constant 4 : i32
      %get3A_479 = arith.index_cast %get3A_478 : i32 to index
      %get3A_480 = arith.constant 0 : index
      %get3A_481 = tpu.vector_load %arg4[%get3A_479, %get3A_480] {strides = array<i32>} : memref<8x128xi32, #tpu.memory_space<vmem>>, vector<16xi32>,
      %shift_right_logical3A_482 = arith.constant 7 : i32
      %shift_right_logical3A_483 = vector.broadcast %shift_right_logical3A_482 : i32 to vector<16xi32>
      %shift_right_logical3A_484 = arith.shrui %get3A_481, %shift_right_logical3A_483 : vector<16xi32>
      %and3A_485 = arith.constant 127 : i32
      %and3A_486 = vector.broadcast %and3A_485 : i32 to vector<16xi32>
      %and3A_487 = arith.andi %get3A_481, %and3A_486 : vector<16xi32>
      tpu.vector_store_idx %arg5[%shift_right_logical3A_484, %and3A_487], %broadcast_in_dim3A_135 {add = true} : memref<256x128xf32, #tpu.memory_space<vmem>>[vector<16xi32>, vector<16xi32>], vector<16xf32>,
      %get3A_488 = arith.constant 4 : i32
      %get3A_489 = arith.index_cast %get3A_488 : i32 to index
      %get3A_490 = arith.constant 16 : index
      %get3A_491 = tpu.vector_load %arg4[%get3A_489, %get3A_490] {strides = array<i32>} : memref<8x128xi32, #tpu.memory_space<vmem>>, vector<16xi32>,
      %shift_right_logical3A_492 = arith.constant 7 : i32
      %shift_right_logical3A_493 = vector.broadcast %shift_right_logical3A_492 : i32 to vector<16xi32>
      %shift_right_logical3A_494 = arith.shrui %get3A_491, %shift_right_logical3A_493 : vector<16xi32>
      %and3A_495 = arith.constant 127 : i32
      %and3A_496 = vector.broadcast %and3A_495 : i32 to vector<16xi32>
      %and3A_497 = arith.andi %get3A_491, %and3A_496 : vector<16xi32>
      tpu.vector_store_idx %arg5[%shift_right_logical3A_494, %and3A_497], %broadcast_in_dim3A_135 {add = true} : memref<256x128xf32, #tpu.memory_space<vmem>>[vector<16xi32>, vector<16xi32>], vector<16xf32>,
      %get3A_498 = arith.constant 4 : i32
      %get3A_499 = arith.index_cast %get3A_498 : i32 to index
      %get3A_500 = arith.constant 32 : index
      %get3A_501 = tpu.vector_load %arg4[%get3A_499, %get3A_500] {strides = array<i32>} : memref<8x128xi32, #tpu.memory_space<vmem>>, vector<16xi32>,
      %shift_right_logical3A_502 = arith.constant 7 : i32
      %shift_right_logical3A_503 = vector.broadcast %shift_right_logical3A_502 : i32 to vector<16xi32>
      %shift_right_logical3A_504 = arith.shrui %get3A_501, %shift_right_logical3A_503 : vector<16xi32>
      %and3A_505 = arith.constant 127 : i32
      %and3A_506 = vector.broadcast %and3A_505 : i32 to vector<16xi32>
      %and3A_507 = arith.andi %get3A_501, %and3A_506 : vector<16xi32>
      tpu.vector_store_idx %arg5[%shift_right_logical3A_504, %and3A_507], %broadcast_in_dim3A_135 {add = true} : memref<256x128xf32, #tpu.memory_space<vmem>>[vector<16xi32>, vector<16xi32>], vector<16xf32>,
      %get3A_508 = arith.constant 4 : i32
      %get3A_509 = arith.index_cast %get3A_508 : i32 to index
      %get3A_510 = arith.constant 48 : index
      %get3A_511 = tpu.vector_load %arg4[%get3A_509, %get3A_510] {strides = array<i32>} : memref<8x128xi32, #tpu.memory_space<vmem>>, vector<16xi32>,
      %shift_right_logical3A_512 = arith.constant 7 : i32
      %shift_right_logical3A_513 = vector.broadcast %shift_right_logical3A_512 : i32 to vector<16xi32>
      %shift_right_logical3A_514 = arith.shrui %get3A_511, %shift_right_logical3A_513 : vector<16xi32>
      %and3A_515 = arith.constant 127 : i32
      %and3A_516 = vector.broadcast %and3A_515 : i32 to vector<16xi32>
      %and3A_517 = arith.andi %get3A_511, %and3A_516 : vector<16xi32>
      tpu.vector_store_idx %arg5[%shift_right_logical3A_514, %and3A_517], %broadcast_in_dim3A_135 {add = true} : memref<256x128xf32, #tpu.memory_space<vmem>>[vector<16xi32>, vector<16xi32>], vector<16xf32>,
      %get3A_518 = arith.constant 4 : i32
      %get3A_519 = arith.index_cast %get3A_518 : i32 to index
      %get3A_520 = arith.constant 64 : index
      %get3A_521 = tpu.vector_load %arg4[%get3A_519, %get3A_520] {strides = array<i32>} : memref<8x128xi32, #tpu.memory_space<vmem>>, vector<16xi32>,
      %shift_right_logical3A_522 = arith.constant 7 : i32
      %shift_right_logical3A_523 = vector.broadcast %shift_right_logical3A_522 : i32 to vector<16xi32>
      %shift_right_logical3A_524 = arith.shrui %get3A_521, %shift_right_logical3A_523 : vector<16xi32>
      %and3A_525 = arith.constant 127 : i32
      %and3A_526 = vector.broadcast %and3A_525 : i32 to vector<16xi32>
      %and3A_527 = arith.andi %get3A_521, %and3A_526 : vector<16xi32>
      tpu.vector_store_idx %arg5[%shift_right_logical3A_524, %and3A_527], %broadcast_in_dim3A_135 {add = true} : memref<256x128xf32, #tpu.memory_space<vmem>>[vector<16xi32>, vector<16xi32>], vector<16xf32>,
      %get3A_528 = arith.constant 4 : i32
      %get3A_529 = arith.index_cast %get3A_528 : i32 to index
      %get3A_530 = arith.constant 80 : index
      %get3A_531 = tpu.vector_load %arg4[%get3A_529, %get3A_530] {strides = array<i32>} : memref<8x128xi32, #tpu.memory_space<vmem>>, vector<16xi32>,
      %shift_right_logical3A_532 = arith.constant 7 : i32
      %shift_right_logical3A_533 = vector.broadcast %shift_right_logical3A_532 : i32 to vector<16xi32>
      %shift_right_logical3A_534 = arith.shrui %get3A_531, %shift_right_logical3A_533 : vector<16xi32>
      %and3A_535 = arith.constant 127 : i32
      %and3A_536 = vector.broadcast %and3A_535 : i32 to vector<16xi32>
      %and3A_537 = arith.andi %get3A_531, %and3A_536 : vector<16xi32>
      tpu.vector_store_idx %arg5[%shift_right_logical3A_534, %and3A_537], %broadcast_in_dim3A_135 {add = true} : memref<256x128xf32, #tpu.memory_space<vmem>>[vector<16xi32>, vector<16xi32>], vector<16xf32>,
      %get3A_538 = arith.constant 4 : i32
      %get3A_539 = arith.index_cast %get3A_538 : i32 to index
      %get3A_540 = arith.constant 96 : index
      %get3A_541 = tpu.vector_load %arg4[%get3A_539, %get3A_540] {strides = array<i32>} : memref<8x128xi32, #tpu.memory_space<vmem>>, vector<16xi32>,
      %shift_right_logical3A_542 = arith.constant 7 : i32
      %shift_right_logical3A_543 = vector.broadcast %shift_right_logical3A_542 : i32 to vector<16xi32>
      %shift_right_logical3A_544 = arith.shrui %get3A_541, %shift_right_logical3A_543 : vector<16xi32>
      %and3A_545 = arith.constant 127 : i32
      %and3A_546 = vector.broadcast %and3A_545 : i32 to vector<16xi32>
      %and3A_547 = arith.andi %get3A_541, %and3A_546 : vector<16xi32>
      tpu.vector_store_idx %arg5[%shift_right_logical3A_544, %and3A_547], %broadcast_in_dim3A_135 {add = true} : memref<256x128xf32, #tpu.memory_space<vmem>>[vector<16xi32>, vector<16xi32>], vector<16xf32>,
      %get3A_548 = arith.constant 4 : i32
      %get3A_549 = arith.index_cast %get3A_548 : i32 to index
      %get3A_550 = arith.constant 112 : index
      %get3A_551 = tpu.vector_load %arg4[%get3A_549, %get3A_550] {strides = array<i32>} : memref<8x128xi32, #tpu.memory_space<vmem>>, vector<16xi32>,
      %shift_right_logical3A_552 = arith.constant 7 : i32
      %shift_right_logical3A_553 = vector.broadcast %shift_right_logical3A_552 : i32 to vector<16xi32>
      %shift_right_logical3A_554 = arith.shrui %get3A_551, %shift_right_logical3A_553 : vector<16xi32>
      %and3A_555 = arith.constant 127 : i32
      %and3A_556 = vector.broadcast %and3A_555 : i32 to vector<16xi32>
      %and3A_557 = arith.andi %get3A_551, %and3A_556 : vector<16xi32>
      tpu.vector_store_idx %arg5[%shift_right_logical3A_554, %and3A_557], %broadcast_in_dim3A_135 {add = true} : memref<256x128xf32, #tpu.memory_space<vmem>>[vector<16xi32>, vector<16xi32>], vector<16xf32>,
      %get3A_558 = arith.constant 5 : i32
      %get3A_559 = arith.index_cast %get3A_558 : i32 to index
      %get3A_560 = arith.constant 0 : index
      %get3A_561 = tpu.vector_load %arg4[%get3A_559, %get3A_560] {strides = array<i32>} : memref<8x128xi32, #tpu.memory_space<vmem>>, vector<16xi32>,
      %shift_right_logical3A_562 = arith.constant 7 : i32
      %shift_right_logical3A_563 = vector.broadcast %shift_right_logical3A_562 : i32 to vector<16xi32>
      %shift_right_logical3A_564 = arith.shrui %get3A_561, %shift_right_logical3A_563 : vector<16xi32>
      %and3A_565 = arith.constant 127 : i32
      %and3A_566 = vector.broadcast %and3A_565 : i32 to vector<16xi32>
      %and3A_567 = arith.andi %get3A_561, %and3A_566 : vector<16xi32>
      tpu.vector_store_idx %arg5[%shift_right_logical3A_564, %and3A_567], %broadcast_in_dim3A_135 {add = true} : memref<256x128xf32, #tpu.memory_space<vmem>>[vector<16xi32>, vector<16xi32>], vector<16xf32>,
      %get3A_568 = arith.constant 5 : i32
      %get3A_569 = arith.index_cast %get3A_568 : i32 to index
      %get3A_570 = arith.constant 16 : index
      %get3A_571 = tpu.vector_load %arg4[%get3A_569, %get3A_570] {strides = array<i32>} : memref<8x128xi32, #tpu.memory_space<vmem>>, vector<16xi32>,
      %shift_right_logical3A_572 = arith.constant 7 : i32
      %shift_right_logical3A_573 = vector.broadcast %shift_right_logical3A_572 : i32 to vector<16xi32>
      %shift_right_logical3A_574 = arith.shrui %get3A_571, %shift_right_logical3A_573 : vector<16xi32>
      %and3A_575 = arith.constant 127 : i32
      %and3A_576 = vector.broadcast %and3A_575 : i32 to vector<16xi32>
      %and3A_577 = arith.andi %get3A_571, %and3A_576 : vector<16xi32>
      tpu.vector_store_idx %arg5[%shift_right_logical3A_574, %and3A_577], %broadcast_in_dim3A_135 {add = true} : memref<256x128xf32, #tpu.memory_space<vmem>>[vector<16xi32>, vector<16xi32>], vector<16xf32>,
      %get3A_578 = arith.constant 5 : i32
      %get3A_579 = arith.index_cast %get3A_578 : i32 to index
      %get3A_580 = arith.constant 32 : index
      %get3A_581 = tpu.vector_load %arg4[%get3A_579, %get3A_580] {strides = array<i32>} : memref<8x128xi32, #tpu.memory_space<vmem>>, vector<16xi32>,
      %shift_right_logical3A_582 = arith.constant 7 : i32
      %shift_right_logical3A_583 = vector.broadcast %shift_right_logical3A_582 : i32 to vector<16xi32>
      %shift_right_logical3A_584 = arith.shrui %get3A_581, %shift_right_logical3A_583 : vector<16xi32>
      %and3A_585 = arith.constant 127 : i32
      %and3A_586 = vector.broadcast %and3A_585 : i32 to vector<16xi32>
      %and3A_587 = arith.andi %get3A_581, %and3A_586 : vector<16xi32>
      tpu.vector_store_idx %arg5[%shift_right_logical3A_584, %and3A_587], %broadcast_in_dim3A_135 {add = true} : memref<256x128xf32, #tpu.memory_space<vmem>>[vector<16xi32>, vector<16xi32>], vector<16xf32>,
      %get3A_588 = arith.constant 5 : i32
      %get3A_589 = arith.index_cast %get3A_588 : i32 to index
      %get3A_590 = arith.constant 48 : index
      %get3A_591 = tpu.vector_load %arg4[%get3A_589, %get3A_590] {strides = array<i32>} : memref<8x128xi32, #tpu.memory_space<vmem>>, vector<16xi32>,
      %shift_right_logical3A_592 = arith.constant 7 : i32
      %shift_right_logical3A_593 = vector.broadcast %shift_right_logical3A_592 : i32 to vector<16xi32>
      %shift_right_logical3A_594 = arith.shrui %get3A_591, %shift_right_logical3A_593 : vector<16xi32>
      %and3A_595 = arith.constant 127 : i32
      %and3A_596 = vector.broadcast %and3A_595 : i32 to vector<16xi32>
      %and3A_597 = arith.andi %get3A_591, %and3A_596 : vector<16xi32>
      tpu.vector_store_idx %arg5[%shift_right_logical3A_594, %and3A_597], %broadcast_in_dim3A_135 {add = true} : memref<256x128xf32, #tpu.memory_space<vmem>>[vector<16xi32>, vector<16xi32>], vector<16xf32>,
      %get3A_598 = arith.constant 5 : i32
      %get3A_599 = arith.index_cast %get3A_598 : i32 to index
      %get3A_600 = arith.constant 64 : index
      %get3A_601 = tpu.vector_load %arg4[%get3A_599, %get3A_600] {strides = array<i32>} : memref<8x128xi32, #tpu.memory_space<vmem>>, vector<16xi32>,
      %shift_right_logical3A_602 = arith.constant 7 : i32
      %shift_right_logical3A_603 = vector.broadcast %shift_right_logical3A_602 : i32 to vector<16xi32>
      %shift_right_logical3A_604 = arith.shrui %get3A_601, %shift_right_logical3A_603 : vector<16xi32>
      %and3A_605 = arith.constant 127 : i32
      %and3A_606 = vector.broadcast %and3A_605 : i32 to vector<16xi32>
      %and3A_607 = arith.andi %get3A_601, %and3A_606 : vector<16xi32>
      tpu.vector_store_idx %arg5[%shift_right_logical3A_604, %and3A_607], %broadcast_in_dim3A_135 {add = true} : memref<256x128xf32, #tpu.memory_space<vmem>>[vector<16xi32>, vector<16xi32>], vector<16xf32>,
      %get3A_608 = arith.constant 5 : i32
      %get3A_609 = arith.index_cast %get3A_608 : i32 to index
      %get3A_610 = arith.constant 80 : index
      %get3A_611 = tpu.vector_load %arg4[%get3A_609, %get3A_610] {strides = array<i32>} : memref<8x128xi32, #tpu.memory_space<vmem>>, vector<16xi32>,
      %shift_right_logical3A_612 = arith.constant 7 : i32
      %shift_right_logical3A_613 = vector.broadcast %shift_right_logical3A_612 : i32 to vector<16xi32>
      %shift_right_logical3A_614 = arith.shrui %get3A_611, %shift_right_logical3A_613 : vector<16xi32>
      %and3A_615 = arith.constant 127 : i32
      %and3A_616 = vector.broadcast %and3A_615 : i32 to vector<16xi32>
      %and3A_617 = arith.andi %get3A_611, %and3A_616 : vector<16xi32>
      tpu.vector_store_idx %arg5[%shift_right_logical3A_614, %and3A_617], %broadcast_in_dim3A_135 {add = true} : memref<256x128xf32, #tpu.memory_space<vmem>>[vector<16xi32>, vector<16xi32>], vector<16xf32>,
      %get3A_618 = arith.constant 5 : i32
      %get3A_619 = arith.index_cast %get3A_618 : i32 to index
      %get3A_620 = arith.constant 96 : index
      %get3A_621 = tpu.vector_load %arg4[%get3A_619, %get3A_620] {strides = array<i32>} : memref<8x128xi32, #tpu.memory_space<vmem>>, vector<16xi32>,
      %shift_right_logical3A_622 = arith.constant 7 : i32
      %shift_right_logical3A_623 = vector.broadcast %shift_right_logical3A_622 : i32 to vector<16xi32>
      %shift_right_logical3A_624 = arith.shrui %get3A_621, %shift_right_logical3A_623 : vector<16xi32>
      %and3A_625 = arith.constant 127 : i32
      %and3A_626 = vector.broadcast %and3A_625 : i32 to vector<16xi32>
      %and3A_627 = arith.andi %get3A_621, %and3A_626 : vector<16xi32>
      tpu.vector_store_idx %arg5[%shift_right_logical3A_624, %and3A_627], %broadcast_in_dim3A_135 {add = true} : memref<256x128xf32, #tpu.memory_space<vmem>>[vector<16xi32>, vector<16xi32>], vector<16xf32>,
      %get3A_628 = arith.constant 5 : i32
      %get3A_629 = arith.index_cast %get3A_628 : i32 to index
      %get3A_630 = arith.constant 112 : index
      %get3A_631 = tpu.vector_load %arg4[%get3A_629, %get3A_630] {strides = array<i32>} : memref<8x128xi32, #tpu.memory_space<vmem>>, vector<16xi32>,
      %shift_right_logical3A_632 = arith.constant 7 : i32
      %shift_right_logical3A_633 = vector.broadcast %shift_right_logical3A_632 : i32 to vector<16xi32>
      %shift_right_logical3A_634 = arith.shrui %get3A_631, %shift_right_logical3A_633 : vector<16xi32>
      %and3A_635 = arith.constant 127 : i32
      %and3A_636 = vector.broadcast %and3A_635 : i32 to vector<16xi32>
      %and3A_637 = arith.andi %get3A_631, %and3A_636 : vector<16xi32>
      tpu.vector_store_idx %arg5[%shift_right_logical3A_634, %and3A_637], %broadcast_in_dim3A_135 {add = true} : memref<256x128xf32, #tpu.memory_space<vmem>>[vector<16xi32>, vector<16xi32>], vector<16xf32>,
      %get3A_638 = arith.constant 6 : i32
      %get3A_639 = arith.index_cast %get3A_638 : i32 to index
      %get3A_640 = arith.constant 0 : index
      %get3A_641 = tpu.vector_load %arg4[%get3A_639, %get3A_640] {strides = array<i32>} : memref<8x128xi32, #tpu.memory_space<vmem>>, vector<16xi32>,
      %shift_right_logical3A_642 = arith.constant 7 : i32
      %shift_right_logical3A_643 = vector.broadcast %shift_right_logical3A_642 : i32 to vector<16xi32>
      %shift_right_logical3A_644 = arith.shrui %get3A_641, %shift_right_logical3A_643 : vector<16xi32>
      %and3A_645 = arith.constant 127 : i32
      %and3A_646 = vector.broadcast %and3A_645 : i32 to vector<16xi32>
      %and3A_647 = arith.andi %get3A_641, %and3A_646 : vector<16xi32>
      tpu.vector_store_idx %arg5[%shift_right_logical3A_644, %and3A_647], %broadcast_in_dim3A_135 {add = true} : memref<256x128xf32, #tpu.memory_space<vmem>>[vector<16xi32>, vector<16xi32>], vector<16xf32>,
      %get3A_648 = arith.constant 6 : i32
      %get3A_649 = arith.index_cast %get3A_648 : i32 to index
      %get3A_650 = arith.constant 16 : index
      %get3A_651 = tpu.vector_load %arg4[%get3A_649, %get3A_650] {strides = array<i32>} : memref<8x128xi32, #tpu.memory_space<vmem>>, vector<16xi32>,
      %shift_right_logical3A_652 = arith.constant 7 : i32
      %shift_right_logical3A_653 = vector.broadcast %shift_right_logical3A_652 : i32 to vector<16xi32>
      %shift_right_logical3A_654 = arith.shrui %get3A_651, %shift_right_logical3A_653 : vector<16xi32>
      %and3A_655 = arith.constant 127 : i32
      %and3A_656 = vector.broadcast %and3A_655 : i32 to vector<16xi32>
      %and3A_657 = arith.andi %get3A_651, %and3A_656 : vector<16xi32>
      tpu.vector_store_idx %arg5[%shift_right_logical3A_654, %and3A_657], %broadcast_in_dim3A_135 {add = true} : memref<256x128xf32, #tpu.memory_space<vmem>>[vector<16xi32>, vector<16xi32>], vector<16xf32>,
      %get3A_658 = arith.constant 6 : i32
      %get3A_659 = arith.index_cast %get3A_658 : i32 to index
      %get3A_660 = arith.constant 32 : index
      %get3A_661 = tpu.vector_load %arg4[%get3A_659, %get3A_660] {strides = array<i32>} : memref<8x128xi32, #tpu.memory_space<vmem>>, vector<16xi32>,
      %shift_right_logical3A_662 = arith.constant 7 : i32
      %shift_right_logical3A_663 = vector.broadcast %shift_right_logical3A_662 : i32 to vector<16xi32>
      %shift_right_logical3A_664 = arith.shrui %get3A_661, %shift_right_logical3A_663 : vector<16xi32>
      %and3A_665 = arith.constant 127 : i32
      %and3A_666 = vector.broadcast %and3A_665 : i32 to vector<16xi32>
      %and3A_667 = arith.andi %get3A_661, %and3A_666 : vector<16xi32>
      tpu.vector_store_idx %arg5[%shift_right_logical3A_664, %and3A_667], %broadcast_in_dim3A_135 {add = true} : memref<256x128xf32, #tpu.memory_space<vmem>>[vector<16xi32>, vector<16xi32>], vector<16xf32>,
      %get3A_668 = arith.constant 6 : i32
      %get3A_669 = arith.index_cast %get3A_668 : i32 to index
      %get3A_670 = arith.constant 48 : index
      %get3A_671 = tpu.vector_load %arg4[%get3A_669, %get3A_670] {strides = array<i32>} : memref<8x128xi32, #tpu.memory_space<vmem>>, vector<16xi32>,
      %shift_right_logical3A_672 = arith.constant 7 : i32
      %shift_right_logical3A_673 = vector.broadcast %shift_right_logical3A_672 : i32 to vector<16xi32>
      %shift_right_logical3A_674 = arith.shrui %get3A_671, %shift_right_logical3A_673 : vector<16xi32>
      %and3A_675 = arith.constant 127 : i32
      %and3A_676 = vector.broadcast %and3A_675 : i32 to vector<16xi32>
      %and3A_677 = arith.andi %get3A_671, %and3A_676 : vector<16xi32>
      tpu.vector_store_idx %arg5[%shift_right_logical3A_674, %and3A_677], %broadcast_in_dim3A_135 {add = true} : memref<256x128xf32, #tpu.memory_space<vmem>>[vector<16xi32>, vector<16xi32>], vector<16xf32>,
      %get3A_678 = arith.constant 6 : i32
      %get3A_679 = arith.index_cast %get3A_678 : i32 to index
      %get3A_680 = arith.constant 64 : index
      %get3A_681 = tpu.vector_load %arg4[%get3A_679, %get3A_680] {strides = array<i32>} : memref<8x128xi32, #tpu.memory_space<vmem>>, vector<16xi32>,
      %shift_right_logical3A_682 = arith.constant 7 : i32
      %shift_right_logical3A_683 = vector.broadcast %shift_right_logical3A_682 : i32 to vector<16xi32>
      %shift_right_logical3A_684 = arith.shrui %get3A_681, %shift_right_logical3A_683 : vector<16xi32>
      %and3A_685 = arith.constant 127 : i32
      %and3A_686 = vector.broadcast %and3A_685 : i32 to vector<16xi32>
      %and3A_687 = arith.andi %get3A_681, %and3A_686 : vector<16xi32>
      tpu.vector_store_idx %arg5[%shift_right_logical3A_684, %and3A_687], %broadcast_in_dim3A_135 {add = true} : memref<256x128xf32, #tpu.memory_space<vmem>>[vector<16xi32>, vector<16xi32>], vector<16xf32>,
      %get3A_688 = arith.constant 6 : i32
      %get3A_689 = arith.index_cast %get3A_688 : i32 to index
      %get3A_690 = arith.constant 80 : index
      %get3A_691 = tpu.vector_load %arg4[%get3A_689, %get3A_690] {strides = array<i32>} : memref<8x128xi32, #tpu.memory_space<vmem>>, vector<16xi32>,
      %shift_right_logical3A_692 = arith.constant 7 : i32
      %shift_right_logical3A_693 = vector.broadcast %shift_right_logical3A_692 : i32 to vector<16xi32>
      %shift_right_logical3A_694 = arith.shrui %get3A_691, %shift_right_logical3A_693 : vector<16xi32>
      %and3A_695 = arith.constant 127 : i32
      %and3A_696 = vector.broadcast %and3A_695 : i32 to vector<16xi32>
      %and3A_697 = arith.andi %get3A_691, %and3A_696 : vector<16xi32>
      tpu.vector_store_idx %arg5[%shift_right_logical3A_694, %and3A_697], %broadcast_in_dim3A_135 {add = true} : memref<256x128xf32, #tpu.memory_space<vmem>>[vector<16xi32>, vector<16xi32>], vector<16xf32>,
      %get3A_698 = arith.constant 6 : i32
      %get3A_699 = arith.index_cast %get3A_698 : i32 to index
      %get3A_700 = arith.constant 96 : index
      %get3A_701 = tpu.vector_load %arg4[%get3A_699, %get3A_700] {strides = array<i32>} : memref<8x128xi32, #tpu.memory_space<vmem>>, vector<16xi32>,
      %shift_right_logical3A_702 = arith.constant 7 : i32
      %shift_right_logical3A_703 = vector.broadcast %shift_right_logical3A_702 : i32 to vector<16xi32>
      %shift_right_logical3A_704 = arith.shrui %get3A_701, %shift_right_logical3A_703 : vector<16xi32>
      %and3A_705 = arith.constant 127 : i32
      %and3A_706 = vector.broadcast %and3A_705 : i32 to vector<16xi32>
      %and3A_707 = arith.andi %get3A_701, %and3A_706 : vector<16xi32>
      tpu.vector_store_idx %arg5[%shift_right_logical3A_704, %and3A_707], %broadcast_in_dim3A_135 {add = true} : memref<256x128xf32, #tpu.memory_space<vmem>>[vector<16xi32>, vector<16xi32>], vector<16xf32>,
      %get3A_708 = arith.constant 6 : i32
      %get3A_709 = arith.index_cast %get3A_708 : i32 to index
      %get3A_710 = arith.constant 112 : index
      %get3A_711 = tpu.vector_load %arg4[%get3A_709, %get3A_710] {strides = array<i32>} : memref<8x128xi32, #tpu.memory_space<vmem>>, vector<16xi32>,
      %shift_right_logical3A_712 = arith.constant 7 : i32
      %shift_right_logical3A_713 = vector.broadcast %shift_right_logical3A_712 : i32 to vector<16xi32>
      %shift_right_logical3A_714 = arith.shrui %get3A_711, %shift_right_logical3A_713 : vector<16xi32>
      %and3A_715 = arith.constant 127 : i32
      %and3A_716 = vector.broadcast %and3A_715 : i32 to vector<16xi32>
      %and3A_717 = arith.andi %get3A_711, %and3A_716 : vector<16xi32>
      tpu.vector_store_idx %arg5[%shift_right_logical3A_714, %and3A_717], %broadcast_in_dim3A_135 {add = true} : memref<256x128xf32, #tpu.memory_space<vmem>>[vector<16xi32>, vector<16xi32>], vector<16xf32>,
      %get3A_718 = arith.constant 7 : i32
      %get3A_719 = arith.index_cast %get3A_718 : i32 to index
      %get3A_720 = arith.constant 0 : index
      %get3A_721 = tpu.vector_load %arg4[%get3A_719, %get3A_720] {strides = array<i32>} : memref<8x128xi32, #tpu.memory_space<vmem>>, vector<16xi32>,
      %shift_right_logical3A_722 = arith.constant 7 : i32
      %shift_right_logical3A_723 = vector.broadcast %shift_right_logical3A_722 : i32 to vector<16xi32>
      %shift_right_logical3A_724 = arith.shrui %get3A_721, %shift_right_logical3A_723 : vector<16xi32>
      %and3A_725 = arith.constant 127 : i32
      %and3A_726 = vector.broadcast %and3A_725 : i32 to vector<16xi32>
      %and3A_727 = arith.andi %get3A_721, %and3A_726 : vector<16xi32>
      tpu.vector_store_idx %arg5[%shift_right_logical3A_724, %and3A_727], %broadcast_in_dim3A_135 {add = true} : memref<256x128xf32, #tpu.memory_space<vmem>>[vector<16xi32>, vector<16xi32>], vector<16xf32>,
      %get3A_728 = arith.constant 7 : i32
      %get3A_729 = arith.index_cast %get3A_728 : i32 to index
      %get3A_730 = arith.constant 16 : index
      %get3A_731 = tpu.vector_load %arg4[%get3A_729, %get3A_730] {strides = array<i32>} : memref<8x128xi32, #tpu.memory_space<vmem>>, vector<16xi32>,
      %shift_right_logical3A_732 = arith.constant 7 : i32
      %shift_right_logical3A_733 = vector.broadcast %shift_right_logical3A_732 : i32 to vector<16xi32>
      %shift_right_logical3A_734 = arith.shrui %get3A_731, %shift_right_logical3A_733 : vector<16xi32>
      %and3A_735 = arith.constant 127 : i32
      %and3A_736 = vector.broadcast %and3A_735 : i32 to vector<16xi32>
      %and3A_737 = arith.andi %get3A_731, %and3A_736 : vector<16xi32>
      tpu.vector_store_idx %arg5[%shift_right_logical3A_734, %and3A_737], %broadcast_in_dim3A_135 {add = true} : memref<256x128xf32, #tpu.memory_space<vmem>>[vector<16xi32>, vector<16xi32>], vector<16xf32>,
      %get3A_738 = arith.constant 7 : i32
      %get3A_739 = arith.index_cast %get3A_738 : i32 to index
      %get3A_740 = arith.constant 32 : index
      %get3A_741 = tpu.vector_load %arg4[%get3A_739, %get3A_740] {strides = array<i32>} : memref<8x128xi32, #tpu.memory_space<vmem>>, vector<16xi32>,
      %shift_right_logical3A_742 = arith.constant 7 : i32
      %shift_right_logical3A_743 = vector.broadcast %shift_right_logical3A_742 : i32 to vector<16xi32>
      %shift_right_logical3A_744 = arith.shrui %get3A_741, %shift_right_logical3A_743 : vector<16xi32>
      %and3A_745 = arith.constant 127 : i32
      %and3A_746 = vector.broadcast %and3A_745 : i32 to vector<16xi32>
      %and3A_747 = arith.andi %get3A_741, %and3A_746 : vector<16xi32>
      tpu.vector_store_idx %arg5[%shift_right_logical3A_744, %and3A_747], %broadcast_in_dim3A_135 {add = true} : memref<256x128xf32, #tpu.memory_space<vmem>>[vector<16xi32>, vector<16xi32>], vector<16xf32>,
      %get3A_748 = arith.constant 7 : i32
      %get3A_749 = arith.index_cast %get3A_748 : i32 to index
      %get3A_750 = arith.constant 48 : index
      %get3A_751 = tpu.vector_load %arg4[%get3A_749, %get3A_750] {strides = array<i32>} : memref<8x128xi32, #tpu.memory_space<vmem>>, vector<16xi32>,
      %shift_right_logical3A_752 = arith.constant 7 : i32
      %shift_right_logical3A_753 = vector.broadcast %shift_right_logical3A_752 : i32 to vector<16xi32>
      %shift_right_logical3A_754 = arith.shrui %get3A_751, %shift_right_logical3A_753 : vector<16xi32>
      %and3A_755 = arith.constant 127 : i32
      %and3A_756 = vector.broadcast %and3A_755 : i32 to vector<16xi32>
      %and3A_757 = arith.andi %get3A_751, %and3A_756 : vector<16xi32>
      tpu.vector_store_idx %arg5[%shift_right_logical3A_754, %and3A_757], %broadcast_in_dim3A_135 {add = true} : memref<256x128xf32, #tpu.memory_space<vmem>>[vector<16xi32>, vector<16xi32>], vector<16xf32>,
      %get3A_758 = arith.constant 7 : i32
      %get3A_759 = arith.index_cast %get3A_758 : i32 to index
      %get3A_760 = arith.constant 64 : index
      %get3A_761 = tpu.vector_load %arg4[%get3A_759, %get3A_760] {strides = array<i32>} : memref<8x128xi32, #tpu.memory_space<vmem>>, vector<16xi32>,
      %shift_right_logical3A_762 = arith.constant 7 : i32
      %shift_right_logical3A_763 = vector.broadcast %shift_right_logical3A_762 : i32 to vector<16xi32>
      %shift_right_logical3A_764 = arith.shrui %get3A_761, %shift_right_logical3A_763 : vector<16xi32>
      %and3A_765 = arith.constant 127 : i32
      %and3A_766 = vector.broadcast %and3A_765 : i32 to vector<16xi32>
      %and3A_767 = arith.andi %get3A_761, %and3A_766 : vector<16xi32>
      tpu.vector_store_idx %arg5[%shift_right_logical3A_764, %and3A_767], %broadcast_in_dim3A_135 {add = true} : memref<256x128xf32, #tpu.memory_space<vmem>>[vector<16xi32>, vector<16xi32>], vector<16xf32>,
      %get3A_768 = arith.constant 7 : i32
      %get3A_769 = arith.index_cast %get3A_768 : i32 to index
      %get3A_770 = arith.constant 80 : index
      %get3A_771 = tpu.vector_load %arg4[%get3A_769, %get3A_770] {strides = array<i32>} : memref<8x128xi32, #tpu.memory_space<vmem>>, vector<16xi32>,
      %shift_right_logical3A_772 = arith.constant 7 : i32
      %shift_right_logical3A_773 = vector.broadcast %shift_right_logical3A_772 : i32 to vector<16xi32>
      %shift_right_logical3A_774 = arith.shrui %get3A_771, %shift_right_logical3A_773 : vector<16xi32>
      %and3A_775 = arith.constant 127 : i32
      %and3A_776 = vector.broadcast %and3A_775 : i32 to vector<16xi32>
      %and3A_777 = arith.andi %get3A_771, %and3A_776 : vector<16xi32>
      tpu.vector_store_idx %arg5[%shift_right_logical3A_774, %and3A_777], %broadcast_in_dim3A_135 {add = true} : memref<256x128xf32, #tpu.memory_space<vmem>>[vector<16xi32>, vector<16xi32>], vector<16xf32>,
      %get3A_778 = arith.constant 7 : i32
      %get3A_779 = arith.index_cast %get3A_778 : i32 to index
      %get3A_780 = arith.constant 96 : index
      %get3A_781 = tpu.vector_load %arg4[%get3A_779, %get3A_780] {strides = array<i32>} : memref<8x128xi32, #tpu.memory_space<vmem>>, vector<16xi32>,
      %shift_right_logical3A_782 = arith.constant 7 : i32
      %shift_right_logical3A_783 = vector.broadcast %shift_right_logical3A_782 : i32 to vector<16xi32>
      %shift_right_logical3A_784 = arith.shrui %get3A_781, %shift_right_logical3A_783 : vector<16xi32>
      %and3A_785 = arith.constant 127 : i32
      %and3A_786 = vector.broadcast %and3A_785 : i32 to vector<16xi32>
      %and3A_787 = arith.andi %get3A_781, %and3A_786 : vector<16xi32>
      tpu.vector_store_idx %arg5[%shift_right_logical3A_784, %and3A_787], %broadcast_in_dim3A_135 {add = true} : memref<256x128xf32, #tpu.memory_space<vmem>>[vector<16xi32>, vector<16xi32>], vector<16xf32>,
      %get3A_788 = arith.constant 7 : i32
      %get3A_789 = arith.index_cast %get3A_788 : i32 to index
      %get3A_790 = arith.constant 112 : index
      %get3A_791 = tpu.vector_load %arg4[%get3A_789, %get3A_790] {strides = array<i32>} : memref<8x128xi32, #tpu.memory_space<vmem>>, vector<16xi32>,
      %shift_right_logical3A_792 = arith.constant 7 : i32
      %shift_right_logical3A_793 = vector.broadcast %shift_right_logical3A_792 : i32 to vector<16xi32>
      %shift_right_logical3A_794 = arith.shrui %get3A_791, %shift_right_logical3A_793 : vector<16xi32>
      %and3A_795 = arith.constant 127 : i32
      %and3A_796 = vector.broadcast %and3A_795 : i32 to vector<16xi32>
      %and3A_797 = arith.andi %get3A_791, %and3A_796 : vector<16xi32>
      tpu.vector_store_idx %arg5[%shift_right_logical3A_794, %and3A_797], %broadcast_in_dim3A_135 {add = true} : memref<256x128xf32, #tpu.memory_space<vmem>>[vector<16xi32>, vector<16xi32>], vector<16xf32>,
      %while3A_798 = arith.constant 0 : i32
      scf.yield %while3A_798 : i32
    }
    %run_scoped3A = arith.constant 0 : i32
    "tpu.region"() ({
      %run_scoped3A_157 = tpu.sem_alloc : memref<!tpu.dma_semaphore, #tpu.memory_space<semaphore_mem>>
      %dma_start3A = arith.constant 0 : i32
      %dma_start3A_158 = arith.constant 0 : i32
      %dma_start3A_159 = tpu.memref_slice %arg5[%dma_start3A, %dma_start3A_158] : memref<256x128xf32, #tpu.memory_space<vmem>> -> memref<128x128xf32, #tpu.memory_space<vmem>>
      %dma_start3A_160 = arith.constant 0 : i32
      %dma_start3A_161 = tpu.memref_slice %arg6[%run_scoped3A, %dma_start3A_160] : memref<2x128xi32, #tpu.memory_space<vmem>> -> memref<1x128xi32, #tpu.memory_space<vmem>>
      %dma_start3A_162 = tpu.memref_squeeze %dma_start3A_161 : memref<1x128xi32, #tpu.memory_space<vmem>> -> memref<128xi32, #tpu.memory_space<vmem>>
      %dma_start3A_163 = arith.constant 0 : i32
      %dma_start3A_164 = arith.constant 0 : i32
      %dma_start3A_165 = tpu.memref_slice %arg7[%dma_start3A_163, %dma_start3A_164] : memref<256x128xf32, #tpu.memory_space<vmem_shared>> -> memref<256x128xf32, #tpu.memory_space<vmem_shared>>
      tpu.enqueue_indirect_dma source(%dma_start3A_159 : memref<128x128xf32, #tpu.memory_space<vmem>>) target(%dma_start3A_165 : memref<256x128xf32, #tpu.memory_space<vmem_shared>>) offsets(%dma_start3A_162 : memref<128xi32, #tpu.memory_space<vmem>>) semaphore(%run_scoped3A_157 : memref<!tpu.dma_semaphore, #tpu.memory_space<semaphore_mem>>) {add = true}
      %dma_wait3A = arith.constant 0 : i32
      %dma_wait3A_166 = arith.constant 0 : i32
      %dma_wait3A_167 = tpu.memref_slice %arg5[%dma_wait3A, %dma_wait3A_166] : memref<256x128xf32, #tpu.memory_space<vmem>> -> memref<128x128xf32, #tpu.memory_space<vmem>>
      %dma_wait3A_168 = arith.constant 0 : i32
      %dma_wait3A_169 = tpu.memref_slice %arg6[%run_scoped3A, %dma_wait3A_168] : memref<2x128xi32, #tpu.memory_space<vmem>> -> memref<1x128xi32, #tpu.memory_space<vmem>>
      %dma_wait3A_170 = tpu.memref_squeeze %dma_wait3A_169 : memref<1x128xi32, #tpu.memory_space<vmem>> -> memref<128xi32, #tpu.memory_space<vmem>>
      %dma_wait3A_171 = arith.constant 0 : i32
      %dma_wait3A_172 = arith.constant 0 : i32
      %dma_wait3A_173 = tpu.memref_slice %arg7[%dma_wait3A_171, %dma_wait3A_172] : memref<256x128xf32, #tpu.memory_space<vmem_shared>> -> memref<256x128xf32, #tpu.memory_space<vmem_shared>>
      tpu.wait_indirect_dma semaphore(%run_scoped3A_157 : memref<!tpu.dma_semaphore, #tpu.memory_space<semaphore_mem>>) src(%dma_wait3A_167 : memref<128x128xf32, #tpu.memory_space<vmem>>) dst(%dma_wait3A_173 : memref<256x128xf32, #tpu.memory_space<vmem_shared>>)
      tpu.yield
    }) : () -> ()
    %run_scoped3A_150 = arith.constant 1 : i32
    "tpu.region"() ({
      %run_scoped3A_157 = tpu.sem_alloc : memref<!tpu.dma_semaphore, #tpu.memory_space<semaphore_mem>>
      %dma_start3A = arith.constant 128 : i32
      %dma_start3A_158 = arith.constant 0 : i32
      %dma_start3A_159 = tpu.memref_slice %arg5[%dma_start3A, %dma_start3A_158] : memref<256x128xf32, #tpu.memory_space<vmem>> -> memref<128x128xf32, #tpu.memory_space<vmem>>
      %dma_start3A_160 = arith.constant 0 : i32
      %dma_start3A_161 = tpu.memref_slice %arg6[%run_scoped3A_150, %dma_start3A_160] : memref<2x128xi32, #tpu.memory_space<vmem>> -> memref<1x128xi32, #tpu.memory_space<vmem>>
      %dma_start3A_162 = tpu.memref_squeeze %dma_start3A_161 : memref<1x128xi32, #tpu.memory_space<vmem>> -> memref<128xi32, #tpu.memory_space<vmem>>
      %dma_start3A_163 = arith.constant 0 : i32
      %dma_start3A_164 = arith.constant 0 : i32
      %dma_start3A_165 = tpu.memref_slice %arg7[%dma_start3A_163, %dma_start3A_164] : memref<256x128xf32, #tpu.memory_space<vmem_shared>> -> memref<256x128xf32, #tpu.memory_space<vmem_shared>>
      tpu.enqueue_indirect_dma source(%dma_start3A_159 : memref<128x128xf32, #tpu.memory_space<vmem>>) target(%dma_start3A_165 : memref<256x128xf32, #tpu.memory_space<vmem_shared>>) offsets(%dma_start3A_162 : memref<128xi32, #tpu.memory_space<vmem>>) semaphore(%run_scoped3A_157 : memref<!tpu.dma_semaphore, #tpu.memory_space<semaphore_mem>>) {add = true}
      %dma_wait3A = arith.constant 128 : i32
      %dma_wait3A_166 = arith.constant 0 : i32
      %dma_wait3A_167 = tpu.memref_slice %arg5[%dma_wait3A, %dma_wait3A_166] : memref<256x128xf32, #tpu.memory_space<vmem>> -> memref<128x128xf32, #tpu.memory_space<vmem>>
      %dma_wait3A_168 = arith.constant 0 : i32
      %dma_wait3A_169 = tpu.memref_slice %arg6[%run_scoped3A_150, %dma_wait3A_168] : memref<2x128xi32, #tpu.memory_space<vmem>> -> memref<1x128xi32, #tpu.memory_space<vmem>>
      %dma_wait3A_170 = tpu.memref_squeeze %dma_wait3A_169 : memref<1x128xi32, #tpu.memory_space<vmem>> -> memref<128xi32, #tpu.memory_space<vmem>>
      %dma_wait3A_171 = arith.constant 0 : i32
      %dma_wait3A_172 = arith.constant 0 : i32
      %dma_wait3A_173 = tpu.memref_slice %arg7[%dma_wait3A_171, %dma_wait3A_172] : memref<256x128xf32, #tpu.memory_space<vmem_shared>> -> memref<256x128xf32, #tpu.memory_space<vmem_shared>>
      tpu.wait_indirect_dma semaphore(%run_scoped3A_157 : memref<!tpu.dma_semaphore, #tpu.memory_space<semaphore_mem>>) src(%dma_wait3A_167 : memref<128x128xf32, #tpu.memory_space<vmem>>) dst(%dma_wait3A_173 : memref<256x128xf32, #tpu.memory_space<vmem_shared>>)
      tpu.yield
    }) : () -> ()
    %barrier3A_151 = arith.constant 0 : index
    tpu.barrier barrier_id(%barrier3A_151)
    %eq3A_152 = arith.constant 0 : i32
    %eq3A_153 = arith.cmpi eq, %arg1, %eq3A_152 : i32
    %convert_element_type3A_154 = arith.extui %eq3A_153 : i1 to i32
    %cond3A_155 = arith.constant 0 : i32
    %cond3A_156 = arith.cmpi ne, %convert_element_type3A_154, %cond3A_155 : i32
    scf.if %cond3A_156 {
      "tpu.region"() ({
        %run_scoped3A_157 = tpu.sem_alloc : memref<!tpu.dma_semaphore, #tpu.memory_space<semaphore_mem>>
        %dma_start3A = arith.constant 0 : i32
        %dma_start3A_158 = arith.constant 0 : i32
        %dma_start3A_159 = tpu.memref_slice %arg3[%arg0, %dma_start3A, %dma_start3A_158] : memref<2x160x128xf32, #tpu.memory_space<hbm>> -> memref<1x160x128xf32, #tpu.memory_space<hbm>>
        %dma_start3A_160 = tpu.memref_squeeze %dma_start3A_159 : memref<1x160x128xf32, #tpu.memory_space<hbm>> -> memref<160x128xf32, #tpu.memory_space<hbm>>
        %dma_start3A_161 = arith.constant 0 : i32
        %dma_start3A_162 = arith.constant 0 : i32
        %dma_start3A_163 = tpu.memref_slice %arg7[%dma_start3A_161, %dma_start3A_162] : memref<256x128xf32, #tpu.memory_space<vmem_shared>> -> memref<160x128xf32, #tpu.memory_space<vmem_shared>>
        tpu.enqueue_dma source(%dma_start3A_163 : memref<160x128xf32, #tpu.memory_space<vmem_shared>>) target(%dma_start3A_160 : memref<160x128xf32, #tpu.memory_space<hbm>>) target_semaphore(%run_scoped3A_157 : memref<!tpu.dma_semaphore, #tpu.memory_space<semaphore_mem>>)
        %dma_wait3A = arith.constant 0 : i32
        %dma_wait3A_164 = arith.constant 0 : i32
        %dma_wait3A_165 = tpu.memref_slice %arg3[%arg0, %dma_wait3A, %dma_wait3A_164] : memref<2x160x128xf32, #tpu.memory_space<hbm>> -> memref<1x160x128xf32, #tpu.memory_space<hbm>>
        %dma_wait3A_166 = tpu.memref_squeeze %dma_wait3A_165 : memref<1x160x128xf32, #tpu.memory_space<hbm>> -> memref<160x128xf32, #tpu.memory_space<hbm>>
        %dma_wait3A_167 = arith.constant 0 : i32
        %dma_wait3A_168 = arith.constant 0 : i32
        %dma_wait3A_169 = tpu.memref_slice %arg7[%dma_wait3A_167, %dma_wait3A_168] : memref<256x128xf32, #tpu.memory_space<vmem_shared>> -> memref<160x128xf32, #tpu.memory_space<vmem_shared>>
        tpu.wait_dma2 semaphore(%run_scoped3A_157 : memref<!tpu.dma_semaphore, #tpu.memory_space<semaphore_mem>>) src(%dma_wait3A_169 : memref<160x128xf32, #tpu.memory_space<vmem_shared>>) dst(%dma_wait3A_166 : memref<160x128xf32, #tpu.memory_space<hbm>>)
        tpu.yield
      }) : () -> ()
    } else {
    }
    return
  }
}

#map = affine_map<(d0, d1) -> (0, 0)>
#map1 = affine_map<(d0, d1) -> (0, 0, 0)>
module attributes {stable_mosaic.version = 14 : i64} {
  func.func @_sc_agg_body(%arg0: i32, %arg1: i32, %arg2: memref<10000x128xf32, #tpu.memory_space<hbm>>, %arg3: memref<32x152x128xi32, #tpu.memory_space<hbm>>, %arg4: memref<32x152x128xi32, #tpu.memory_space<hbm>>, %arg5: memref<2x10112x128xf32, #tpu.memory_space<hbm>>, %arg6: memref<2x8x128xi32, #tpu.memory_space<vmem>>, %arg7: memref<2x8x128xi32, #tpu.memory_space<vmem>>, %arg8: memref<128x128xf32, #tpu.memory_space<vmem>>, %arg9: memref<128x128xf32, #tpu.memory_space<vmem>>, %arg10: memref<10112x128xf32, #tpu.memory_space<vmem_shared>>, %arg11: memref<!tpu.dma_semaphore, #tpu.memory_space<semaphore_mem>>, %arg12: memref<!tpu.dma_semaphore, #tpu.memory_space<semaphore_mem>>, %arg13: memref<!tpu.dma_semaphore, #tpu.memory_space<semaphore_mem>>, %arg14: memref<!tpu.dma_semaphore, #tpu.memory_space<semaphore_mem>>, %arg15: memref<!tpu.dma_semaphore, #tpu.memory_space<semaphore_mem>>) attributes {dimension_semantics = [#tpu.dimension_semantics<core_parallel>, #tpu.dimension_semantics<subcore_parallel>], iteration_bounds = array<i64: 2, 16>, scalar_prefetch = 0 : i64, scratch_operands = 10 : i64, tpu.core_type = #tpu.core_type<sc_vector_subcore>, window_params = [{transform_indices = #map}, {transform_indices = #map1}, {transform_indices = #map1}, {transform_indices = #map1}]} {
    %mul3A = arith.constant 16 : i32
    %mul3A_0 = arith.muli %arg0, %mul3A : i32
    %add3A = arith.addi %mul3A_0, %arg1 : i32
    %mul3A_1 = arith.constant 632 : i32
    %mul3A_2 = arith.muli %arg1, %mul3A_1 : i32
    %scan3A = arith.constant 0 : i32
    %scan3A_3 = arith.constant 0 : i32
    %scan3A_4 = arith.constant 128 : i32
    %scan3A_5 = arith.addi %scan3A_3, %scan3A_4 : i32
    %scan3A_6 = arith.constant 1 : i32
    %scan3A_7 = scf.for %scan3A_70 = %scan3A_3 to %scan3A_5 step %scan3A_6 iter_args(%scan3A_71 = %scan3A) -> (i32)  : i32 {
      %broadcast_in_dim3A = arith.constant 0.000000e+00 : f32
      %broadcast_in_dim3A_72 = vector.broadcast %broadcast_in_dim3A : f32 to vector<16xf32>
      %swap3A = arith.index_cast %scan3A_70 : i32 to index
      %swap3A_73 = arith.constant 0 : index
      %swap3A_74 = tpu.vector_load %arg8[%swap3A, %swap3A_73] {strides = array<i32>} : memref<128x128xf32, #tpu.memory_space<vmem>>, vector<1x16xf32>,
      %swap3A_75 = vector.shape_cast %swap3A_74 : vector<1x16xf32> to vector<16xf32>
      %swap3A_76 = vector.shape_cast %broadcast_in_dim3A_72 : vector<16xf32> to vector<1x16xf32>
      tpu.vector_store %arg8[%swap3A, %swap3A_73], %swap3A_76 {strides = array<i32>} : memref<128x128xf32, #tpu.memory_space<vmem>>, vector<1x16xf32>,
      %swap3A_77 = arith.index_cast %scan3A_70 : i32 to index
      %swap3A_78 = arith.constant 16 : index
      %swap3A_79 = tpu.vector_load %arg8[%swap3A_77, %swap3A_78] {strides = array<i32>} : memref<128x128xf32, #tpu.memory_space<vmem>>, vector<1x16xf32>,
      %swap3A_80 = vector.shape_cast %swap3A_79 : vector<1x16xf32> to vector<16xf32>
      %swap3A_81 = vector.shape_cast %broadcast_in_dim3A_72 : vector<16xf32> to vector<1x16xf32>
      tpu.vector_store %arg8[%swap3A_77, %swap3A_78], %swap3A_81 {strides = array<i32>} : memref<128x128xf32, #tpu.memory_space<vmem>>, vector<1x16xf32>,
      %swap3A_82 = arith.index_cast %scan3A_70 : i32 to index
      %swap3A_83 = arith.constant 32 : index
      %swap3A_84 = tpu.vector_load %arg8[%swap3A_82, %swap3A_83] {strides = array<i32>} : memref<128x128xf32, #tpu.memory_space<vmem>>, vector<1x16xf32>,
      %swap3A_85 = vector.shape_cast %swap3A_84 : vector<1x16xf32> to vector<16xf32>
      %swap3A_86 = vector.shape_cast %broadcast_in_dim3A_72 : vector<16xf32> to vector<1x16xf32>
      tpu.vector_store %arg8[%swap3A_82, %swap3A_83], %swap3A_86 {strides = array<i32>} : memref<128x128xf32, #tpu.memory_space<vmem>>, vector<1x16xf32>,
      %swap3A_87 = arith.index_cast %scan3A_70 : i32 to index
      %swap3A_88 = arith.constant 48 : index
      %swap3A_89 = tpu.vector_load %arg8[%swap3A_87, %swap3A_88] {strides = array<i32>} : memref<128x128xf32, #tpu.memory_space<vmem>>, vector<1x16xf32>,
      %swap3A_90 = vector.shape_cast %swap3A_89 : vector<1x16xf32> to vector<16xf32>
      %swap3A_91 = vector.shape_cast %broadcast_in_dim3A_72 : vector<16xf32> to vector<1x16xf32>
      tpu.vector_store %arg8[%swap3A_87, %swap3A_88], %swap3A_91 {strides = array<i32>} : memref<128x128xf32, #tpu.memory_space<vmem>>, vector<1x16xf32>,
      %swap3A_92 = arith.index_cast %scan3A_70 : i32 to index
      %swap3A_93 = arith.constant 64 : index
      %swap3A_94 = tpu.vector_load %arg8[%swap3A_92, %swap3A_93] {strides = array<i32>} : memref<128x128xf32, #tpu.memory_space<vmem>>, vector<1x16xf32>,
      %swap3A_95 = vector.shape_cast %swap3A_94 : vector<1x16xf32> to vector<16xf32>
      %swap3A_96 = vector.shape_cast %broadcast_in_dim3A_72 : vector<16xf32> to vector<1x16xf32>
      tpu.vector_store %arg8[%swap3A_92, %swap3A_93], %swap3A_96 {strides = array<i32>} : memref<128x128xf32, #tpu.memory_space<vmem>>, vector<1x16xf32>,
      %swap3A_97 = arith.index_cast %scan3A_70 : i32 to index
      %swap3A_98 = arith.constant 80 : index
      %swap3A_99 = tpu.vector_load %arg8[%swap3A_97, %swap3A_98] {strides = array<i32>} : memref<128x128xf32, #tpu.memory_space<vmem>>, vector<1x16xf32>,
      %swap3A_100 = vector.shape_cast %swap3A_99 : vector<1x16xf32> to vector<16xf32>
      %swap3A_101 = vector.shape_cast %broadcast_in_dim3A_72 : vector<16xf32> to vector<1x16xf32>
      tpu.vector_store %arg8[%swap3A_97, %swap3A_98], %swap3A_101 {strides = array<i32>} : memref<128x128xf32, #tpu.memory_space<vmem>>, vector<1x16xf32>,
      %swap3A_102 = arith.index_cast %scan3A_70 : i32 to index
      %swap3A_103 = arith.constant 96 : index
      %swap3A_104 = tpu.vector_load %arg8[%swap3A_102, %swap3A_103] {strides = array<i32>} : memref<128x128xf32, #tpu.memory_space<vmem>>, vector<1x16xf32>,
      %swap3A_105 = vector.shape_cast %swap3A_104 : vector<1x16xf32> to vector<16xf32>
      %swap3A_106 = vector.shape_cast %broadcast_in_dim3A_72 : vector<16xf32> to vector<1x16xf32>
      tpu.vector_store %arg8[%swap3A_102, %swap3A_103], %swap3A_106 {strides = array<i32>} : memref<128x128xf32, #tpu.memory_space<vmem>>, vector<1x16xf32>,
      %swap3A_107 = arith.index_cast %scan3A_70 : i32 to index
      %swap3A_108 = arith.constant 112 : index
      %swap3A_109 = tpu.vector_load %arg8[%swap3A_107, %swap3A_108] {strides = array<i32>} : memref<128x128xf32, #tpu.memory_space<vmem>>, vector<1x16xf32>,
      %swap3A_110 = vector.shape_cast %swap3A_109 : vector<1x16xf32> to vector<16xf32>
      %swap3A_111 = vector.shape_cast %broadcast_in_dim3A_72 : vector<16xf32> to vector<1x16xf32>
      tpu.vector_store %arg8[%swap3A_107, %swap3A_108], %swap3A_111 {strides = array<i32>} : memref<128x128xf32, #tpu.memory_space<vmem>>, vector<1x16xf32>,
      %scan3A_112 = arith.constant 0 : i32
      scf.yield %scan3A_112 : i32
    }
    %scan3A_8 = arith.constant 128 : i32
    %add3A_9 = arith.constant 0 : i32
    %add3A_10 = arith.addi %add3A_9, %arg1 : i32
    %lt3A = arith.constant 79 : i32
    %lt3A_11 = arith.cmpi slt, %add3A_10, %lt3A : i32
    %convert_element_type3A = arith.extui %lt3A_11 : i1 to i32
    %cond3A = arith.constant 0 : i32
    %cond3A_12 = arith.cmpi ne, %convert_element_type3A, %cond3A : i32
    scf.if %cond3A_12 {
      %mul3A_70 = arith.constant 128 : i32
      %mul3A_71 = arith.muli %add3A_10, %mul3A_70 : i32
      "tpu.region"() ({
        %run_scoped3A_72 = tpu.sem_alloc : memref<!tpu.dma_semaphore, #tpu.memory_space<semaphore_mem>>
        %dma_start3A_73 = arith.constant 0 : i32
        %dma_start3A_74 = tpu.memref_slice %arg10[%mul3A_71, %dma_start3A_73] : memref<10112x128xf32, #tpu.memory_space<vmem_shared>> -> memref<128x128xf32, #tpu.memory_space<vmem_shared>>
        %dma_start3A_75 = arith.constant 0 : i32
        %dma_start3A_76 = tpu.memref_slice %arg10[%mul3A_71, %dma_start3A_75] : memref<10112x128xf32, #tpu.memory_space<vmem_shared>> -> memref<128x128xf32, #tpu.memory_space<vmem_shared>>
        tpu.enqueue_dma source(%arg8 : memref<128x128xf32, #tpu.memory_space<vmem>>) target(%dma_start3A_76 : memref<128x128xf32, #tpu.memory_space<vmem_shared>>) target_semaphore(%run_scoped3A_72 : memref<!tpu.dma_semaphore, #tpu.memory_space<semaphore_mem>>)
        %dma_wait3A_77 = arith.constant 0 : i32
        %dma_wait3A_78 = tpu.memref_slice %arg10[%mul3A_71, %dma_wait3A_77] : memref<10112x128xf32, #tpu.memory_space<vmem_shared>> -> memref<128x128xf32, #tpu.memory_space<vmem_shared>>
        %dma_wait3A_79 = arith.constant 0 : i32
        %dma_wait3A_80 = tpu.memref_slice %arg10[%mul3A_71, %dma_wait3A_79] : memref<10112x128xf32, #tpu.memory_space<vmem_shared>> -> memref<128x128xf32, #tpu.memory_space<vmem_shared>>
        tpu.wait_dma2 semaphore(%run_scoped3A_72 : memref<!tpu.dma_semaphore, #tpu.memory_space<semaphore_mem>>) src(%arg8 : memref<128x128xf32, #tpu.memory_space<vmem>>) dst(%dma_wait3A_80 : memref<128x128xf32, #tpu.memory_space<vmem_shared>>)
        tpu.yield
      }) : () -> ()
    } else {
    }
    %add3A_13 = arith.constant 16 : i32
    %add3A_14 = arith.addi %add3A_13, %arg1 : i32
    %lt3A_15 = arith.constant 79 : i32
    %lt3A_16 = arith.cmpi slt, %add3A_14, %lt3A_15 : i32
    %convert_element_type3A_17 = arith.extui %lt3A_16 : i1 to i32
    %cond3A_18 = arith.constant 0 : i32
    %cond3A_19 = arith.cmpi ne, %convert_element_type3A_17, %cond3A_18 : i32
    scf.if %cond3A_19 {
      %mul3A_70 = arith.constant 128 : i32
      %mul3A_71 = arith.muli %add3A_14, %mul3A_70 : i32
      "tpu.region"() ({
        %run_scoped3A_72 = tpu.sem_alloc : memref<!tpu.dma_semaphore, #tpu.memory_space<semaphore_mem>>
        %dma_start3A_73 = arith.constant 0 : i32
        %dma_start3A_74 = tpu.memref_slice %arg10[%mul3A_71, %dma_start3A_73] : memref<10112x128xf32, #tpu.memory_space<vmem_shared>> -> memref<128x128xf32, #tpu.memory_space<vmem_shared>>
        %dma_start3A_75 = arith.constant 0 : i32
        %dma_start3A_76 = tpu.memref_slice %arg10[%mul3A_71, %dma_start3A_75] : memref<10112x128xf32, #tpu.memory_space<vmem_shared>> -> memref<128x128xf32, #tpu.memory_space<vmem_shared>>
        tpu.enqueue_dma source(%arg8 : memref<128x128xf32, #tpu.memory_space<vmem>>) target(%dma_start3A_76 : memref<128x128xf32, #tpu.memory_space<vmem_shared>>) target_semaphore(%run_scoped3A_72 : memref<!tpu.dma_semaphore, #tpu.memory_space<semaphore_mem>>)
        %dma_wait3A_77 = arith.constant 0 : i32
        %dma_wait3A_78 = tpu.memref_slice %arg10[%mul3A_71, %dma_wait3A_77] : memref<10112x128xf32, #tpu.memory_space<vmem_shared>> -> memref<128x128xf32, #tpu.memory_space<vmem_shared>>
        %dma_wait3A_79 = arith.constant 0 : i32
        %dma_wait3A_80 = tpu.memref_slice %arg10[%mul3A_71, %dma_wait3A_79] : memref<10112x128xf32, #tpu.memory_space<vmem_shared>> -> memref<128x128xf32, #tpu.memory_space<vmem_shared>>
        tpu.wait_dma2 semaphore(%run_scoped3A_72 : memref<!tpu.dma_semaphore, #tpu.memory_space<semaphore_mem>>) src(%arg8 : memref<128x128xf32, #tpu.memory_space<vmem>>) dst(%dma_wait3A_80 : memref<128x128xf32, #tpu.memory_space<vmem_shared>>)
        tpu.yield
      }) : () -> ()
    } else {
    }
    %add3A_20 = arith.constant 32 : i32
    %add3A_21 = arith.addi %add3A_20, %arg1 : i32
    %lt3A_22 = arith.constant 79 : i32
    %lt3A_23 = arith.cmpi slt, %add3A_21, %lt3A_22 : i32
    %convert_element_type3A_24 = arith.extui %lt3A_23 : i1 to i32
    %cond3A_25 = arith.constant 0 : i32
    %cond3A_26 = arith.cmpi ne, %convert_element_type3A_24, %cond3A_25 : i32
    scf.if %cond3A_26 {
      %mul3A_70 = arith.constant 128 : i32
      %mul3A_71 = arith.muli %add3A_21, %mul3A_70 : i32
      "tpu.region"() ({
        %run_scoped3A_72 = tpu.sem_alloc : memref<!tpu.dma_semaphore, #tpu.memory_space<semaphore_mem>>
        %dma_start3A_73 = arith.constant 0 : i32
        %dma_start3A_74 = tpu.memref_slice %arg10[%mul3A_71, %dma_start3A_73] : memref<10112x128xf32, #tpu.memory_space<vmem_shared>> -> memref<128x128xf32, #tpu.memory_space<vmem_shared>>
        %dma_start3A_75 = arith.constant 0 : i32
        %dma_start3A_76 = tpu.memref_slice %arg10[%mul3A_71, %dma_start3A_75] : memref<10112x128xf32, #tpu.memory_space<vmem_shared>> -> memref<128x128xf32, #tpu.memory_space<vmem_shared>>
        tpu.enqueue_dma source(%arg8 : memref<128x128xf32, #tpu.memory_space<vmem>>) target(%dma_start3A_76 : memref<128x128xf32, #tpu.memory_space<vmem_shared>>) target_semaphore(%run_scoped3A_72 : memref<!tpu.dma_semaphore, #tpu.memory_space<semaphore_mem>>)
        %dma_wait3A_77 = arith.constant 0 : i32
        %dma_wait3A_78 = tpu.memref_slice %arg10[%mul3A_71, %dma_wait3A_77] : memref<10112x128xf32, #tpu.memory_space<vmem_shared>> -> memref<128x128xf32, #tpu.memory_space<vmem_shared>>
        %dma_wait3A_79 = arith.constant 0 : i32
        %dma_wait3A_80 = tpu.memref_slice %arg10[%mul3A_71, %dma_wait3A_79] : memref<10112x128xf32, #tpu.memory_space<vmem_shared>> -> memref<128x128xf32, #tpu.memory_space<vmem_shared>>
        tpu.wait_dma2 semaphore(%run_scoped3A_72 : memref<!tpu.dma_semaphore, #tpu.memory_space<semaphore_mem>>) src(%arg8 : memref<128x128xf32, #tpu.memory_space<vmem>>) dst(%dma_wait3A_80 : memref<128x128xf32, #tpu.memory_space<vmem_shared>>)
        tpu.yield
      }) : () -> ()
    } else {
    }
    %add3A_27 = arith.constant 48 : i32
    %add3A_28 = arith.addi %add3A_27, %arg1 : i32
    %lt3A_29 = arith.constant 79 : i32
    %lt3A_30 = arith.cmpi slt, %add3A_28, %lt3A_29 : i32
    %convert_element_type3A_31 = arith.extui %lt3A_30 : i1 to i32
    %cond3A_32 = arith.constant 0 : i32
    %cond3A_33 = arith.cmpi ne, %convert_element_type3A_31, %cond3A_32 : i32
    scf.if %cond3A_33 {
      %mul3A_70 = arith.constant 128 : i32
      %mul3A_71 = arith.muli %add3A_28, %mul3A_70 : i32
      "tpu.region"() ({
        %run_scoped3A_72 = tpu.sem_alloc : memref<!tpu.dma_semaphore, #tpu.memory_space<semaphore_mem>>
        %dma_start3A_73 = arith.constant 0 : i32
        %dma_start3A_74 = tpu.memref_slice %arg10[%mul3A_71, %dma_start3A_73] : memref<10112x128xf32, #tpu.memory_space<vmem_shared>> -> memref<128x128xf32, #tpu.memory_space<vmem_shared>>
        %dma_start3A_75 = arith.constant 0 : i32
        %dma_start3A_76 = tpu.memref_slice %arg10[%mul3A_71, %dma_start3A_75] : memref<10112x128xf32, #tpu.memory_space<vmem_shared>> -> memref<128x128xf32, #tpu.memory_space<vmem_shared>>
        tpu.enqueue_dma source(%arg8 : memref<128x128xf32, #tpu.memory_space<vmem>>) target(%dma_start3A_76 : memref<128x128xf32, #tpu.memory_space<vmem_shared>>) target_semaphore(%run_scoped3A_72 : memref<!tpu.dma_semaphore, #tpu.memory_space<semaphore_mem>>)
        %dma_wait3A_77 = arith.constant 0 : i32
        %dma_wait3A_78 = tpu.memref_slice %arg10[%mul3A_71, %dma_wait3A_77] : memref<10112x128xf32, #tpu.memory_space<vmem_shared>> -> memref<128x128xf32, #tpu.memory_space<vmem_shared>>
        %dma_wait3A_79 = arith.constant 0 : i32
        %dma_wait3A_80 = tpu.memref_slice %arg10[%mul3A_71, %dma_wait3A_79] : memref<10112x128xf32, #tpu.memory_space<vmem_shared>> -> memref<128x128xf32, #tpu.memory_space<vmem_shared>>
        tpu.wait_dma2 semaphore(%run_scoped3A_72 : memref<!tpu.dma_semaphore, #tpu.memory_space<semaphore_mem>>) src(%arg8 : memref<128x128xf32, #tpu.memory_space<vmem>>) dst(%dma_wait3A_80 : memref<128x128xf32, #tpu.memory_space<vmem_shared>>)
        tpu.yield
      }) : () -> ()
    } else {
    }
    %add3A_34 = arith.constant 64 : i32
    %add3A_35 = arith.addi %add3A_34, %arg1 : i32
    %lt3A_36 = arith.constant 79 : i32
    %lt3A_37 = arith.cmpi slt, %add3A_35, %lt3A_36 : i32
    %convert_element_type3A_38 = arith.extui %lt3A_37 : i1 to i32
    %cond3A_39 = arith.constant 0 : i32
    %cond3A_40 = arith.cmpi ne, %convert_element_type3A_38, %cond3A_39 : i32
    scf.if %cond3A_40 {
      %mul3A_70 = arith.constant 128 : i32
      %mul3A_71 = arith.muli %add3A_35, %mul3A_70 : i32
      "tpu.region"() ({
        %run_scoped3A_72 = tpu.sem_alloc : memref<!tpu.dma_semaphore, #tpu.memory_space<semaphore_mem>>
        %dma_start3A_73 = arith.constant 0 : i32
        %dma_start3A_74 = tpu.memref_slice %arg10[%mul3A_71, %dma_start3A_73] : memref<10112x128xf32, #tpu.memory_space<vmem_shared>> -> memref<128x128xf32, #tpu.memory_space<vmem_shared>>
        %dma_start3A_75 = arith.constant 0 : i32
        %dma_start3A_76 = tpu.memref_slice %arg10[%mul3A_71, %dma_start3A_75] : memref<10112x128xf32, #tpu.memory_space<vmem_shared>> -> memref<128x128xf32, #tpu.memory_space<vmem_shared>>
        tpu.enqueue_dma source(%arg8 : memref<128x128xf32, #tpu.memory_space<vmem>>) target(%dma_start3A_76 : memref<128x128xf32, #tpu.memory_space<vmem_shared>>) target_semaphore(%run_scoped3A_72 : memref<!tpu.dma_semaphore, #tpu.memory_space<semaphore_mem>>)
        %dma_wait3A_77 = arith.constant 0 : i32
        %dma_wait3A_78 = tpu.memref_slice %arg10[%mul3A_71, %dma_wait3A_77] : memref<10112x128xf32, #tpu.memory_space<vmem_shared>> -> memref<128x128xf32, #tpu.memory_space<vmem_shared>>
        %dma_wait3A_79 = arith.constant 0 : i32
        %dma_wait3A_80 = tpu.memref_slice %arg10[%mul3A_71, %dma_wait3A_79] : memref<10112x128xf32, #tpu.memory_space<vmem_shared>> -> memref<128x128xf32, #tpu.memory_space<vmem_shared>>
        tpu.wait_dma2 semaphore(%run_scoped3A_72 : memref<!tpu.dma_semaphore, #tpu.memory_space<semaphore_mem>>) src(%arg8 : memref<128x128xf32, #tpu.memory_space<vmem>>) dst(%dma_wait3A_80 : memref<128x128xf32, #tpu.memory_space<vmem_shared>>)
        tpu.yield
      }) : () -> ()
    } else {
    }
    %run_scoped3A = arith.constant 0 : i32
    "tpu.region"() ({
      %run_scoped3A_70 = tpu.sem_alloc : memref<!tpu.dma_semaphore, #tpu.memory_space<semaphore_mem>>
      %dma_start3A_71 = arith.constant 0 : i32
      %dma_start3A_72 = arith.constant 0 : i32
      %dma_start3A_73 = tpu.memref_slice %arg6[%run_scoped3A, %dma_start3A_71, %dma_start3A_72] : memref<2x8x128xi32, #tpu.memory_space<vmem>> -> memref<1x8x128xi32, #tpu.memory_space<vmem>>
      %dma_start3A_74 = tpu.memref_squeeze %dma_start3A_73 : memref<1x8x128xi32, #tpu.memory_space<vmem>> -> memref<8x128xi32, #tpu.memory_space<vmem>>
      %dma_start3A_75 = arith.constant 0 : i32
      %dma_start3A_76 = arith.constant 0 : i32
      %dma_start3A_77 = tpu.memref_slice %arg3[%add3A, %dma_start3A_75, %dma_start3A_76] : memref<32x152x128xi32, #tpu.memory_space<hbm>> -> memref<1x8x128xi32, #tpu.memory_space<hbm>>
      %dma_start3A_78 = tpu.memref_squeeze %dma_start3A_77 : memref<1x8x128xi32, #tpu.memory_space<hbm>> -> memref<8x128xi32, #tpu.memory_space<hbm>>
      %dma_start3A_79 = arith.constant 0 : i32
      %dma_start3A_80 = arith.constant 0 : i32
      %dma_start3A_81 = tpu.memref_slice %arg6[%run_scoped3A, %dma_start3A_79, %dma_start3A_80] : memref<2x8x128xi32, #tpu.memory_space<vmem>> -> memref<1x8x128xi32, #tpu.memory_space<vmem>>
      %dma_start3A_82 = tpu.memref_squeeze %dma_start3A_81 : memref<1x8x128xi32, #tpu.memory_space<vmem>> -> memref<8x128xi32, #tpu.memory_space<vmem>>
      %dma_start3A_83 = arith.constant 0 : i32
      %dma_start3A_84 = arith.constant 0 : i32
      %dma_start3A_85 = tpu.memref_slice %arg3[%add3A, %dma_start3A_83, %dma_start3A_84] : memref<32x152x128xi32, #tpu.memory_space<hbm>> -> memref<1x8x128xi32, #tpu.memory_space<hbm>>
      %dma_start3A_86 = tpu.memref_squeeze %dma_start3A_85 : memref<1x8x128xi32, #tpu.memory_space<hbm>> -> memref<8x128xi32, #tpu.memory_space<hbm>>
      tpu.enqueue_dma source(%dma_start3A_86 : memref<8x128xi32, #tpu.memory_space<hbm>>) target(%dma_start3A_82 : memref<8x128xi32, #tpu.memory_space<vmem>>) target_semaphore(%run_scoped3A_70 : memref<!tpu.dma_semaphore, #tpu.memory_space<semaphore_mem>>)
      %dma_wait3A_87 = arith.constant 0 : i32
      %dma_wait3A_88 = arith.constant 0 : i32
      %dma_wait3A_89 = tpu.memref_slice %arg6[%run_scoped3A, %dma_wait3A_87, %dma_wait3A_88] : memref<2x8x128xi32, #tpu.memory_space<vmem>> -> memref<1x8x128xi32, #tpu.memory_space<vmem>>
      %dma_wait3A_90 = tpu.memref_squeeze %dma_wait3A_89 : memref<1x8x128xi32, #tpu.memory_space<vmem>> -> memref<8x128xi32, #tpu.memory_space<vmem>>
      %dma_wait3A_91 = arith.constant 0 : i32
      %dma_wait3A_92 = arith.constant 0 : i32
      %dma_wait3A_93 = tpu.memref_slice %arg3[%add3A, %dma_wait3A_91, %dma_wait3A_92] : memref<32x152x128xi32, #tpu.memory_space<hbm>> -> memref<1x8x128xi32, #tpu.memory_space<hbm>>
      %dma_wait3A_94 = tpu.memref_squeeze %dma_wait3A_93 : memref<1x8x128xi32, #tpu.memory_space<hbm>> -> memref<8x128xi32, #tpu.memory_space<hbm>>
      %dma_wait3A_95 = arith.constant 0 : i32
      %dma_wait3A_96 = arith.constant 0 : i32
      %dma_wait3A_97 = tpu.memref_slice %arg6[%run_scoped3A, %dma_wait3A_95, %dma_wait3A_96] : memref<2x8x128xi32, #tpu.memory_space<vmem>> -> memref<1x8x128xi32, #tpu.memory_space<vmem>>
      %dma_wait3A_98 = tpu.memref_squeeze %dma_wait3A_97 : memref<1x8x128xi32, #tpu.memory_space<vmem>> -> memref<8x128xi32, #tpu.memory_space<vmem>>
      %dma_wait3A_99 = arith.constant 0 : i32
      %dma_wait3A_100 = arith.constant 0 : i32
      %dma_wait3A_101 = tpu.memref_slice %arg3[%add3A, %dma_wait3A_99, %dma_wait3A_100] : memref<32x152x128xi32, #tpu.memory_space<hbm>> -> memref<1x8x128xi32, #tpu.memory_space<hbm>>
      %dma_wait3A_102 = tpu.memref_squeeze %dma_wait3A_101 : memref<1x8x128xi32, #tpu.memory_space<hbm>> -> memref<8x128xi32, #tpu.memory_space<hbm>>
      tpu.wait_dma2 semaphore(%run_scoped3A_70 : memref<!tpu.dma_semaphore, #tpu.memory_space<semaphore_mem>>) src(%dma_wait3A_102 : memref<8x128xi32, #tpu.memory_space<hbm>>) dst(%dma_wait3A_98 : memref<8x128xi32, #tpu.memory_space<vmem>>)
      tpu.yield
    }) : () -> ()
    %run_scoped3A_41 = arith.constant 0 : i32
    "tpu.region"() ({
      %run_scoped3A_70 = tpu.sem_alloc : memref<!tpu.dma_semaphore, #tpu.memory_space<semaphore_mem>>
      %dma_start3A_71 = arith.constant 0 : i32
      %dma_start3A_72 = arith.constant 0 : i32
      %dma_start3A_73 = tpu.memref_slice %arg7[%run_scoped3A_41, %dma_start3A_71, %dma_start3A_72] : memref<2x8x128xi32, #tpu.memory_space<vmem>> -> memref<1x8x128xi32, #tpu.memory_space<vmem>>
      %dma_start3A_74 = tpu.memref_squeeze %dma_start3A_73 : memref<1x8x128xi32, #tpu.memory_space<vmem>> -> memref<8x128xi32, #tpu.memory_space<vmem>>
      %dma_start3A_75 = arith.constant 0 : i32
      %dma_start3A_76 = arith.constant 0 : i32
      %dma_start3A_77 = tpu.memref_slice %arg4[%add3A, %dma_start3A_75, %dma_start3A_76] : memref<32x152x128xi32, #tpu.memory_space<hbm>> -> memref<1x8x128xi32, #tpu.memory_space<hbm>>
      %dma_start3A_78 = tpu.memref_squeeze %dma_start3A_77 : memref<1x8x128xi32, #tpu.memory_space<hbm>> -> memref<8x128xi32, #tpu.memory_space<hbm>>
      %dma_start3A_79 = arith.constant 0 : i32
      %dma_start3A_80 = arith.constant 0 : i32
      %dma_start3A_81 = tpu.memref_slice %arg7[%run_scoped3A_41, %dma_start3A_79, %dma_start3A_80] : memref<2x8x128xi32, #tpu.memory_space<vmem>> -> memref<1x8x128xi32, #tpu.memory_space<vmem>>
      %dma_start3A_82 = tpu.memref_squeeze %dma_start3A_81 : memref<1x8x128xi32, #tpu.memory_space<vmem>> -> memref<8x128xi32, #tpu.memory_space<vmem>>
      %dma_start3A_83 = arith.constant 0 : i32
      %dma_start3A_84 = arith.constant 0 : i32
      %dma_start3A_85 = tpu.memref_slice %arg4[%add3A, %dma_start3A_83, %dma_start3A_84] : memref<32x152x128xi32, #tpu.memory_space<hbm>> -> memref<1x8x128xi32, #tpu.memory_space<hbm>>
      %dma_start3A_86 = tpu.memref_squeeze %dma_start3A_85 : memref<1x8x128xi32, #tpu.memory_space<hbm>> -> memref<8x128xi32, #tpu.memory_space<hbm>>
      tpu.enqueue_dma source(%dma_start3A_86 : memref<8x128xi32, #tpu.memory_space<hbm>>) target(%dma_start3A_82 : memref<8x128xi32, #tpu.memory_space<vmem>>) target_semaphore(%run_scoped3A_70 : memref<!tpu.dma_semaphore, #tpu.memory_space<semaphore_mem>>)
      %dma_wait3A_87 = arith.constant 0 : i32
      %dma_wait3A_88 = arith.constant 0 : i32
      %dma_wait3A_89 = tpu.memref_slice %arg7[%run_scoped3A_41, %dma_wait3A_87, %dma_wait3A_88] : memref<2x8x128xi32, #tpu.memory_space<vmem>> -> memref<1x8x128xi32, #tpu.memory_space<vmem>>
      %dma_wait3A_90 = tpu.memref_squeeze %dma_wait3A_89 : memref<1x8x128xi32, #tpu.memory_space<vmem>> -> memref<8x128xi32, #tpu.memory_space<vmem>>
      %dma_wait3A_91 = arith.constant 0 : i32
      %dma_wait3A_92 = arith.constant 0 : i32
      %dma_wait3A_93 = tpu.memref_slice %arg4[%add3A, %dma_wait3A_91, %dma_wait3A_92] : memref<32x152x128xi32, #tpu.memory_space<hbm>> -> memref<1x8x128xi32, #tpu.memory_space<hbm>>
      %dma_wait3A_94 = tpu.memref_squeeze %dma_wait3A_93 : memref<1x8x128xi32, #tpu.memory_space<hbm>> -> memref<8x128xi32, #tpu.memory_space<hbm>>
      %dma_wait3A_95 = arith.constant 0 : i32
      %dma_wait3A_96 = arith.constant 0 : i32
      %dma_wait3A_97 = tpu.memref_slice %arg7[%run_scoped3A_41, %dma_wait3A_95, %dma_wait3A_96] : memref<2x8x128xi32, #tpu.memory_space<vmem>> -> memref<1x8x128xi32, #tpu.memory_space<vmem>>
      %dma_wait3A_98 = tpu.memref_squeeze %dma_wait3A_97 : memref<1x8x128xi32, #tpu.memory_space<vmem>> -> memref<8x128xi32, #tpu.memory_space<vmem>>
      %dma_wait3A_99 = arith.constant 0 : i32
      %dma_wait3A_100 = arith.constant 0 : i32
      %dma_wait3A_101 = tpu.memref_slice %arg4[%add3A, %dma_wait3A_99, %dma_wait3A_100] : memref<32x152x128xi32, #tpu.memory_space<hbm>> -> memref<1x8x128xi32, #tpu.memory_space<hbm>>
      %dma_wait3A_102 = tpu.memref_squeeze %dma_wait3A_101 : memref<1x8x128xi32, #tpu.memory_space<hbm>> -> memref<8x128xi32, #tpu.memory_space<hbm>>
      tpu.wait_dma2 semaphore(%run_scoped3A_70 : memref<!tpu.dma_semaphore, #tpu.memory_space<semaphore_mem>>) src(%dma_wait3A_102 : memref<8x128xi32, #tpu.memory_space<hbm>>) dst(%dma_wait3A_98 : memref<8x128xi32, #tpu.memory_space<vmem>>)
      tpu.yield
    }) : () -> ()
    %dma_start3A = arith.constant 0 : i32
    %dma_start3A_42 = arith.constant 0 : i32
    %dma_start3A_43 = arith.constant 0 : i32
    %dma_start3A_44 = tpu.memref_slice %arg6[%dma_start3A, %dma_start3A_42, %dma_start3A_43] : memref<2x8x128xi32, #tpu.memory_space<vmem>> -> memref<1x1x128xi32, #tpu.memory_space<vmem>>
    %dma_start3A_45 = tpu.memref_squeeze %dma_start3A_44 : memref<1x1x128xi32, #tpu.memory_space<vmem>> -> memref<128xi32, #tpu.memory_space<vmem>>
    %dma_start3A_46 = arith.constant 0 : i32
    %dma_start3A_47 = arith.constant 0 : i32
    %dma_start3A_48 = tpu.memref_slice %arg2[%dma_start3A_46, %dma_start3A_47] : memref<10000x128xf32, #tpu.memory_space<hbm>> -> memref<10000x128xf32, #tpu.memory_space<hbm>>
    tpu.enqueue_indirect_dma source(%dma_start3A_48 : memref<10000x128xf32, #tpu.memory_space<hbm>>) target(%arg8 : memref<128x128xf32, #tpu.memory_space<vmem>>) offsets(%dma_start3A_45 : memref<128xi32, #tpu.memory_space<vmem>>) semaphore(%arg12 : memref<!tpu.dma_semaphore, #tpu.memory_space<semaphore_mem>>)
    %barrier3A = arith.constant 0 : index
    tpu.barrier barrier_id(%barrier3A)
    %eq3A = arith.constant 0 : i32
    %eq3A_49 = arith.cmpi eq, %arg0, %eq3A : i32
    %jit3A = arith.constant 19 : i32
    %jit3A_50 = arith.constant 1 : i32
    %select_n3A = arith.select %eq3A_49, %jit3A, %jit3A_50 : i32
    %while3A = arith.constant 0 : i32
    %while3A_51 = arith.constant 0 : i32
    %while3A_52 = arith.subi %select_n3A, %while3A : i32
    %while3A_53 = arith.addi %while3A, %while3A_52 : i32
    %while3A_54 = arith.constant 1 : i32
    %while3A_55 = arith.divsi %while3A_52, %while3A_54 : i32
    %while3A_56 = arith.muli %while3A_55, %while3A_54 : i32
    %while3A_57 = arith.addi %while3A, %while3A_56 : i32
    %while3A_58 = arith.constant 1 : i32
    %while3A_59 = scf.for %while3A_70 = %while3A to %while3A_57 step %while3A_58 iter_args(%while3A_71 = %while3A_51) -> (i32)  : i32 {
      %jit3A_72 = arith.constant 2 : i32
      %eq3A_73 = arith.constant 0 : i32
      %eq3A_74 = arith.cmpi eq, %jit3A_72, %eq3A_73 : i32
      %jit3A_75 = arith.constant 1 : i32
      %select_n3A_76 = arith.select %eq3A_74, %jit3A_75, %jit3A_72 : i32
      %rem3A = arith.remsi %while3A_70, %select_n3A_76 : i32
      %ne3A = arith.constant 0 : i32
      %ne3A_77 = arith.cmpi ne, %rem3A, %ne3A : i32
      %lt3A_78 = arith.constant 0 : i32
      %lt3A_79 = arith.cmpi slt, %rem3A, %lt3A_78 : i32
      %lt3A_80 = arith.constant 0 : i32
      %lt3A_81 = arith.cmpi slt, %select_n3A_76, %lt3A_80 : i32
      %ne3A_82 = arith.xori %lt3A_79, %lt3A_81 : i1
      %and3A = arith.andi %ne3A_82, %ne3A_77 : i1
      %add3A_83 = arith.addi %rem3A, %select_n3A_76 : i32
      %select_n3A_84 = arith.select %and3A, %add3A_83, %rem3A : i32
      %add3A_85 = arith.constant 1 : i32
      %add3A_86 = arith.addi %while3A_70, %add3A_85 : i32
      %jit3A_87 = arith.constant 2 : i32
      %eq3A_88 = arith.constant 0 : i32
      %eq3A_89 = arith.cmpi eq, %jit3A_87, %eq3A_88 : i32
      %jit3A_90 = arith.constant 1 : i32
      %select_n3A_91 = arith.select %eq3A_89, %jit3A_90, %jit3A_87 : i32
      %rem3A_92 = arith.remsi %add3A_86, %select_n3A_91 : i32
      %ne3A_93 = arith.constant 0 : i32
      %ne3A_94 = arith.cmpi ne, %rem3A_92, %ne3A_93 : i32
      %lt3A_95 = arith.constant 0 : i32
      %lt3A_96 = arith.cmpi slt, %rem3A_92, %lt3A_95 : i32
      %lt3A_97 = arith.constant 0 : i32
      %lt3A_98 = arith.cmpi slt, %select_n3A_91, %lt3A_97 : i32
      %ne3A_99 = arith.xori %lt3A_96, %lt3A_98 : i1
      %and3A_100 = arith.andi %ne3A_99, %ne3A_94 : i1
      %add3A_101 = arith.addi %rem3A_92, %select_n3A_91 : i32
      %select_n3A_102 = arith.select %and3A_100, %add3A_101, %rem3A_92 : i32
      %mul3A_103 = arith.constant 8 : i32
      %mul3A_104 = arith.muli %while3A_70, %mul3A_103 : i32
      %add3A_105 = arith.constant 0 : i32
      %add3A_106 = arith.addi %mul3A_104, %add3A_105 : i32
      %dma_wait3A_107 = arith.constant 0 : i32
      %dma_wait3A_108 = arith.constant 0 : i32
      %dma_wait3A_109 = tpu.memref_slice %arg6[%select_n3A_84, %dma_wait3A_107, %dma_wait3A_108] : memref<2x8x128xi32, #tpu.memory_space<vmem>> -> memref<1x1x128xi32, #tpu.memory_space<vmem>>
      %dma_wait3A_110 = tpu.memref_squeeze %dma_wait3A_109 : memref<1x1x128xi32, #tpu.memory_space<vmem>> -> memref<128xi32, #tpu.memory_space<vmem>>
      %dma_wait3A_111 = arith.constant 0 : i32
      %dma_wait3A_112 = arith.constant 0 : i32
      %dma_wait3A_113 = tpu.memref_slice %arg2[%dma_wait3A_111, %dma_wait3A_112] : memref<10000x128xf32, #tpu.memory_space<hbm>> -> memref<10000x128xf32, #tpu.memory_space<hbm>>
      tpu.wait_indirect_dma semaphore(%arg12 : memref<!tpu.dma_semaphore, #tpu.memory_space<semaphore_mem>>) src(%dma_wait3A_113 : memref<10000x128xf32, #tpu.memory_space<hbm>>) dst(%arg8 : memref<128x128xf32, #tpu.memory_space<vmem>>)
      %dma_start3A_114 = arith.constant 0 : i32
      %dma_start3A_115 = arith.constant 0 : i32
      %dma_start3A_116 = tpu.memref_slice %arg7[%select_n3A_84, %dma_start3A_114, %dma_start3A_115] : memref<2x8x128xi32, #tpu.memory_space<vmem>> -> memref<1x1x128xi32, #tpu.memory_space<vmem>>
      %dma_start3A_117 = tpu.memref_squeeze %dma_start3A_116 : memref<1x1x128xi32, #tpu.memory_space<vmem>> -> memref<128xi32, #tpu.memory_space<vmem>>
      %dma_start3A_118 = arith.constant 0 : i32
      %dma_start3A_119 = arith.constant 0 : i32
      %dma_start3A_120 = tpu.memref_slice %arg10[%dma_start3A_118, %dma_start3A_119] : memref<10112x128xf32, #tpu.memory_space<vmem_shared>> -> memref<10112x128xf32, #tpu.memory_space<vmem_shared>>
      tpu.enqueue_indirect_dma source(%arg8 : memref<128x128xf32, #tpu.memory_space<vmem>>) target(%dma_start3A_120 : memref<10112x128xf32, #tpu.memory_space<vmem_shared>>) offsets(%dma_start3A_117 : memref<128xi32, #tpu.memory_space<vmem>>) semaphore(%arg14 : memref<!tpu.dma_semaphore, #tpu.memory_space<semaphore_mem>>) {add = true}
      %ge3A = arith.constant 1 : i32
      %ge3A_121 = arith.cmpi sge, %add3A_106, %ge3A : i32
      %convert_element_type3A_122 = arith.extui %ge3A_121 : i1 to i32
      %cond3A_123 = arith.constant 0 : i32
      %cond3A_124 = arith.cmpi ne, %convert_element_type3A_122, %cond3A_123 : i32
      scf.if %cond3A_124 {
        %dma_wait3A_348 = arith.constant 0 : i32
        %dma_wait3A_349 = arith.constant 0 : i32
        %dma_wait3A_350 = tpu.memref_slice %arg7[%select_n3A_84, %dma_wait3A_348, %dma_wait3A_349] : memref<2x8x128xi32, #tpu.memory_space<vmem>> -> memref<1x1x128xi32, #tpu.memory_space<vmem>>
        %dma_wait3A_351 = tpu.memref_squeeze %dma_wait3A_350 : memref<1x1x128xi32, #tpu.memory_space<vmem>> -> memref<128xi32, #tpu.memory_space<vmem>>
        %dma_wait3A_352 = arith.constant 0 : i32
        %dma_wait3A_353 = arith.constant 0 : i32
        %dma_wait3A_354 = tpu.memref_slice %arg10[%dma_wait3A_352, %dma_wait3A_353] : memref<10112x128xf32, #tpu.memory_space<vmem_shared>> -> memref<10112x128xf32, #tpu.memory_space<vmem_shared>>
        tpu.wait_indirect_dma semaphore(%arg15 : memref<!tpu.dma_semaphore, #tpu.memory_space<semaphore_mem>>) src(%arg9 : memref<128x128xf32, #tpu.memory_space<vmem>>) dst(%dma_wait3A_354 : memref<10112x128xf32, #tpu.memory_space<vmem_shared>>)
      } else {
      }
      %add3A_125 = arith.constant 1 : i32
      %add3A_126 = arith.addi %while3A_70, %add3A_125 : i32
      %lt3A_127 = arith.cmpi slt, %add3A_126, %select_n3A : i32
      %convert_element_type3A_128 = arith.extui %lt3A_127 : i1 to i32
      %cond3A_129 = arith.constant 0 : i32
      %cond3A_130 = arith.cmpi ne, %convert_element_type3A_128, %cond3A_129 : i32
      scf.if %cond3A_130 {
        %add3A_348 = arith.constant 1 : i32
        %add3A_349 = arith.addi %while3A_70, %add3A_348 : i32
        %mul3A_350 = arith.constant 8 : i32
        %mul3A_351 = arith.muli %add3A_349, %mul3A_350 : i32
        %dma_start3A_352 = arith.constant 0 : i32
        %dma_start3A_353 = arith.constant 0 : i32
        %dma_start3A_354 = tpu.memref_slice %arg6[%select_n3A_102, %dma_start3A_352, %dma_start3A_353] : memref<2x8x128xi32, #tpu.memory_space<vmem>> -> memref<1x8x128xi32, #tpu.memory_space<vmem>>
        %dma_start3A_355 = tpu.memref_squeeze %dma_start3A_354 : memref<1x8x128xi32, #tpu.memory_space<vmem>> -> memref<8x128xi32, #tpu.memory_space<vmem>>
        %dma_start3A_356 = arith.constant 0 : i32
        %dma_start3A_357 = tpu.memref_slice %arg3[%add3A, %mul3A_351, %dma_start3A_356] : memref<32x152x128xi32, #tpu.memory_space<hbm>> -> memref<1x8x128xi32, #tpu.memory_space<hbm>>
        %dma_start3A_358 = tpu.memref_squeeze %dma_start3A_357 : memref<1x8x128xi32, #tpu.memory_space<hbm>> -> memref<8x128xi32, #tpu.memory_space<hbm>>
        %dma_start3A_359 = arith.constant 0 : i32
        %dma_start3A_360 = arith.constant 0 : i32
        %dma_start3A_361 = tpu.memref_slice %arg6[%select_n3A_102, %dma_start3A_359, %dma_start3A_360] : memref<2x8x128xi32, #tpu.memory_space<vmem>> -> memref<1x8x128xi32, #tpu.memory_space<vmem>>
        %dma_start3A_362 = tpu.memref_squeeze %dma_start3A_361 : memref<1x8x128xi32, #tpu.memory_space<vmem>> -> memref<8x128xi32, #tpu.memory_space<vmem>>
        %dma_start3A_363 = arith.constant 0 : i32
        %dma_start3A_364 = tpu.memref_slice %arg3[%add3A, %mul3A_351, %dma_start3A_363] : memref<32x152x128xi32, #tpu.memory_space<hbm>> -> memref<1x8x128xi32, #tpu.memory_space<hbm>>
        %dma_start3A_365 = tpu.memref_squeeze %dma_start3A_364 : memref<1x8x128xi32, #tpu.memory_space<hbm>> -> memref<8x128xi32, #tpu.memory_space<hbm>>
        tpu.enqueue_dma source(%dma_start3A_365 : memref<8x128xi32, #tpu.memory_space<hbm>>) target(%dma_start3A_362 : memref<8x128xi32, #tpu.memory_space<vmem>>) target_semaphore(%arg11 : memref<!tpu.dma_semaphore, #tpu.memory_space<semaphore_mem>>)
        %add3A_366 = arith.constant 1 : i32
        %add3A_367 = arith.addi %while3A_70, %add3A_366 : i32
        %mul3A_368 = arith.constant 8 : i32
        %mul3A_369 = arith.muli %add3A_367, %mul3A_368 : i32
        %dma_start3A_370 = arith.constant 0 : i32
        %dma_start3A_371 = arith.constant 0 : i32
        %dma_start3A_372 = tpu.memref_slice %arg7[%select_n3A_102, %dma_start3A_370, %dma_start3A_371] : memref<2x8x128xi32, #tpu.memory_space<vmem>> -> memref<1x8x128xi32, #tpu.memory_space<vmem>>
        %dma_start3A_373 = tpu.memref_squeeze %dma_start3A_372 : memref<1x8x128xi32, #tpu.memory_space<vmem>> -> memref<8x128xi32, #tpu.memory_space<vmem>>
        %dma_start3A_374 = arith.constant 0 : i32
        %dma_start3A_375 = tpu.memref_slice %arg4[%add3A, %mul3A_369, %dma_start3A_374] : memref<32x152x128xi32, #tpu.memory_space<hbm>> -> memref<1x8x128xi32, #tpu.memory_space<hbm>>
        %dma_start3A_376 = tpu.memref_squeeze %dma_start3A_375 : memref<1x8x128xi32, #tpu.memory_space<hbm>> -> memref<8x128xi32, #tpu.memory_space<hbm>>
        %dma_start3A_377 = arith.constant 0 : i32
        %dma_start3A_378 = arith.constant 0 : i32
        %dma_start3A_379 = tpu.memref_slice %arg7[%select_n3A_102, %dma_start3A_377, %dma_start3A_378] : memref<2x8x128xi32, #tpu.memory_space<vmem>> -> memref<1x8x128xi32, #tpu.memory_space<vmem>>
        %dma_start3A_380 = tpu.memref_squeeze %dma_start3A_379 : memref<1x8x128xi32, #tpu.memory_space<vmem>> -> memref<8x128xi32, #tpu.memory_space<vmem>>
        %dma_start3A_381 = arith.constant 0 : i32
        %dma_start3A_382 = tpu.memref_slice %arg4[%add3A, %mul3A_369, %dma_start3A_381] : memref<32x152x128xi32, #tpu.memory_space<hbm>> -> memref<1x8x128xi32, #tpu.memory_space<hbm>>
        %dma_start3A_383 = tpu.memref_squeeze %dma_start3A_382 : memref<1x8x128xi32, #tpu.memory_space<hbm>> -> memref<8x128xi32, #tpu.memory_space<hbm>>
        tpu.enqueue_dma source(%dma_start3A_383 : memref<8x128xi32, #tpu.memory_space<hbm>>) target(%dma_start3A_380 : memref<8x128xi32, #tpu.memory_space<vmem>>) target_semaphore(%arg11 : memref<!tpu.dma_semaphore, #tpu.memory_space<semaphore_mem>>)
      } else {
      }
      %dma_start3A_131 = arith.constant 1 : i32
      %dma_start3A_132 = arith.constant 0 : i32
      %dma_start3A_133 = tpu.memref_slice %arg6[%select_n3A_84, %dma_start3A_131, %dma_start3A_132] : memref<2x8x128xi32, #tpu.memory_space<vmem>> -> memref<1x1x128xi32, #tpu.memory_space<vmem>>
      %dma_start3A_134 = tpu.memref_squeeze %dma_start3A_133 : memref<1x1x128xi32, #tpu.memory_space<vmem>> -> memref<128xi32, #tpu.memory_space<vmem>>
      %dma_start3A_135 = arith.constant 0 : i32
      %dma_start3A_136 = arith.constant 0 : i32
      %dma_start3A_137 = tpu.memref_slice %arg2[%dma_start3A_135, %dma_start3A_136] : memref<10000x128xf32, #tpu.memory_space<hbm>> -> memref<10000x128xf32, #tpu.memory_space<hbm>>
      tpu.enqueue_indirect_dma source(%dma_start3A_137 : memref<10000x128xf32, #tpu.memory_space<hbm>>) target(%arg9 : memref<128x128xf32, #tpu.memory_space<vmem>>) offsets(%dma_start3A_134 : memref<128xi32, #tpu.memory_space<vmem>>) semaphore(%arg13 : memref<!tpu.dma_semaphore, #tpu.memory_space<semaphore_mem>>)
      %mul3A_138 = arith.constant 8 : i32
      %mul3A_139 = arith.muli %while3A_70, %mul3A_138 : i32
      %add3A_140 = arith.constant 1 : i32
      %add3A_141 = arith.addi %mul3A_139, %add3A_140 : i32
      %dma_wait3A_142 = arith.constant 1 : i32
      %dma_wait3A_143 = arith.constant 0 : i32
      %dma_wait3A_144 = tpu.memref_slice %arg6[%select_n3A_84, %dma_wait3A_142, %dma_wait3A_143] : memref<2x8x128xi32, #tpu.memory_space<vmem>> -> memref<1x1x128xi32, #tpu.memory_space<vmem>>
      %dma_wait3A_145 = tpu.memref_squeeze %dma_wait3A_144 : memref<1x1x128xi32, #tpu.memory_space<vmem>> -> memref<128xi32, #tpu.memory_space<vmem>>
      %dma_wait3A_146 = arith.constant 0 : i32
      %dma_wait3A_147 = arith.constant 0 : i32
      %dma_wait3A_148 = tpu.memref_slice %arg2[%dma_wait3A_146, %dma_wait3A_147] : memref<10000x128xf32, #tpu.memory_space<hbm>> -> memref<10000x128xf32, #tpu.memory_space<hbm>>
      tpu.wait_indirect_dma semaphore(%arg13 : memref<!tpu.dma_semaphore, #tpu.memory_space<semaphore_mem>>) src(%dma_wait3A_148 : memref<10000x128xf32, #tpu.memory_space<hbm>>) dst(%arg9 : memref<128x128xf32, #tpu.memory_space<vmem>>)
      %dma_start3A_149 = arith.constant 1 : i32
      %dma_start3A_150 = arith.constant 0 : i32
      %dma_start3A_151 = tpu.memref_slice %arg7[%select_n3A_84, %dma_start3A_149, %dma_start3A_150] : memref<2x8x128xi32, #tpu.memory_space<vmem>> -> memref<1x1x128xi32, #tpu.memory_space<vmem>>
      %dma_start3A_152 = tpu.memref_squeeze %dma_start3A_151 : memref<1x1x128xi32, #tpu.memory_space<vmem>> -> memref<128xi32, #tpu.memory_space<vmem>>
      %dma_start3A_153 = arith.constant 0 : i32
      %dma_start3A_154 = arith.constant 0 : i32
      %dma_start3A_155 = tpu.memref_slice %arg10[%dma_start3A_153, %dma_start3A_154] : memref<10112x128xf32, #tpu.memory_space<vmem_shared>> -> memref<10112x128xf32, #tpu.memory_space<vmem_shared>>
      tpu.enqueue_indirect_dma source(%arg9 : memref<128x128xf32, #tpu.memory_space<vmem>>) target(%dma_start3A_155 : memref<10112x128xf32, #tpu.memory_space<vmem_shared>>) offsets(%dma_start3A_152 : memref<128xi32, #tpu.memory_space<vmem>>) semaphore(%arg15 : memref<!tpu.dma_semaphore, #tpu.memory_space<semaphore_mem>>) {add = true}
      %ge3A_156 = arith.constant 1 : i32
      %ge3A_157 = arith.cmpi sge, %add3A_141, %ge3A_156 : i32
      %convert_element_type3A_158 = arith.extui %ge3A_157 : i1 to i32
      %cond3A_159 = arith.constant 0 : i32
      %cond3A_160 = arith.cmpi ne, %convert_element_type3A_158, %cond3A_159 : i32
      scf.if %cond3A_160 {
        %dma_wait3A_348 = arith.constant 1 : i32
        %dma_wait3A_349 = arith.constant 0 : i32
        %dma_wait3A_350 = tpu.memref_slice %arg7[%select_n3A_84, %dma_wait3A_348, %dma_wait3A_349] : memref<2x8x128xi32, #tpu.memory_space<vmem>> -> memref<1x1x128xi32, #tpu.memory_space<vmem>>
        %dma_wait3A_351 = tpu.memref_squeeze %dma_wait3A_350 : memref<1x1x128xi32, #tpu.memory_space<vmem>> -> memref<128xi32, #tpu.memory_space<vmem>>
        %dma_wait3A_352 = arith.constant 0 : i32
        %dma_wait3A_353 = arith.constant 0 : i32
        %dma_wait3A_354 = tpu.memref_slice %arg10[%dma_wait3A_352, %dma_wait3A_353] : memref<10112x128xf32, #tpu.memory_space<vmem_shared>> -> memref<10112x128xf32, #tpu.memory_space<vmem_shared>>
        tpu.wait_indirect_dma semaphore(%arg14 : memref<!tpu.dma_semaphore, #tpu.memory_space<semaphore_mem>>) src(%arg8 : memref<128x128xf32, #tpu.memory_space<vmem>>) dst(%dma_wait3A_354 : memref<10112x128xf32, #tpu.memory_space<vmem_shared>>)
      } else {
      }
      %dma_start3A_161 = arith.constant 2 : i32
      %dma_start3A_162 = arith.constant 0 : i32
      %dma_start3A_163 = tpu.memref_slice %arg6[%select_n3A_84, %dma_start3A_161, %dma_start3A_162] : memref<2x8x128xi32, #tpu.memory_space<vmem>> -> memref<1x1x128xi32, #tpu.memory_space<vmem>>
      %dma_start3A_164 = tpu.memref_squeeze %dma_start3A_163 : memref<1x1x128xi32, #tpu.memory_space<vmem>> -> memref<128xi32, #tpu.memory_space<vmem>>
      %dma_start3A_165 = arith.constant 0 : i32
      %dma_start3A_166 = arith.constant 0 : i32
      %dma_start3A_167 = tpu.memref_slice %arg2[%dma_start3A_165, %dma_start3A_166] : memref<10000x128xf32, #tpu.memory_space<hbm>> -> memref<10000x128xf32, #tpu.memory_space<hbm>>
      tpu.enqueue_indirect_dma source(%dma_start3A_167 : memref<10000x128xf32, #tpu.memory_space<hbm>>) target(%arg8 : memref<128x128xf32, #tpu.memory_space<vmem>>) offsets(%dma_start3A_164 : memref<128xi32, #tpu.memory_space<vmem>>) semaphore(%arg12 : memref<!tpu.dma_semaphore, #tpu.memory_space<semaphore_mem>>)
      %mul3A_168 = arith.constant 8 : i32
      %mul3A_169 = arith.muli %while3A_70, %mul3A_168 : i32
      %add3A_170 = arith.constant 2 : i32
      %add3A_171 = arith.addi %mul3A_169, %add3A_170 : i32
      %dma_wait3A_172 = arith.constant 2 : i32
      %dma_wait3A_173 = arith.constant 0 : i32
      %dma_wait3A_174 = tpu.memref_slice %arg6[%select_n3A_84, %dma_wait3A_172, %dma_wait3A_173] : memref<2x8x128xi32, #tpu.memory_space<vmem>> -> memref<1x1x128xi32, #tpu.memory_space<vmem>>
      %dma_wait3A_175 = tpu.memref_squeeze %dma_wait3A_174 : memref<1x1x128xi32, #tpu.memory_space<vmem>> -> memref<128xi32, #tpu.memory_space<vmem>>
      %dma_wait3A_176 = arith.constant 0 : i32
      %dma_wait3A_177 = arith.constant 0 : i32
      %dma_wait3A_178 = tpu.memref_slice %arg2[%dma_wait3A_176, %dma_wait3A_177] : memref<10000x128xf32, #tpu.memory_space<hbm>> -> memref<10000x128xf32, #tpu.memory_space<hbm>>
      tpu.wait_indirect_dma semaphore(%arg12 : memref<!tpu.dma_semaphore, #tpu.memory_space<semaphore_mem>>) src(%dma_wait3A_178 : memref<10000x128xf32, #tpu.memory_space<hbm>>) dst(%arg8 : memref<128x128xf32, #tpu.memory_space<vmem>>)
      %dma_start3A_179 = arith.constant 2 : i32
      %dma_start3A_180 = arith.constant 0 : i32
      %dma_start3A_181 = tpu.memref_slice %arg7[%select_n3A_84, %dma_start3A_179, %dma_start3A_180] : memref<2x8x128xi32, #tpu.memory_space<vmem>> -> memref<1x1x128xi32, #tpu.memory_space<vmem>>
      %dma_start3A_182 = tpu.memref_squeeze %dma_start3A_181 : memref<1x1x128xi32, #tpu.memory_space<vmem>> -> memref<128xi32, #tpu.memory_space<vmem>>
      %dma_start3A_183 = arith.constant 0 : i32
      %dma_start3A_184 = arith.constant 0 : i32
      %dma_start3A_185 = tpu.memref_slice %arg10[%dma_start3A_183, %dma_start3A_184] : memref<10112x128xf32, #tpu.memory_space<vmem_shared>> -> memref<10112x128xf32, #tpu.memory_space<vmem_shared>>
      tpu.enqueue_indirect_dma source(%arg8 : memref<128x128xf32, #tpu.memory_space<vmem>>) target(%dma_start3A_185 : memref<10112x128xf32, #tpu.memory_space<vmem_shared>>) offsets(%dma_start3A_182 : memref<128xi32, #tpu.memory_space<vmem>>) semaphore(%arg14 : memref<!tpu.dma_semaphore, #tpu.memory_space<semaphore_mem>>) {add = true}
      %ge3A_186 = arith.constant 1 : i32
      %ge3A_187 = arith.cmpi sge, %add3A_171, %ge3A_186 : i32
      %convert_element_type3A_188 = arith.extui %ge3A_187 : i1 to i32
      %cond3A_189 = arith.constant 0 : i32
      %cond3A_190 = arith.cmpi ne, %convert_element_type3A_188, %cond3A_189 : i32
      scf.if %cond3A_190 {
        %dma_wait3A_348 = arith.constant 2 : i32
        %dma_wait3A_349 = arith.constant 0 : i32
        %dma_wait3A_350 = tpu.memref_slice %arg7[%select_n3A_84, %dma_wait3A_348, %dma_wait3A_349] : memref<2x8x128xi32, #tpu.memory_space<vmem>> -> memref<1x1x128xi32, #tpu.memory_space<vmem>>
        %dma_wait3A_351 = tpu.memref_squeeze %dma_wait3A_350 : memref<1x1x128xi32, #tpu.memory_space<vmem>> -> memref<128xi32, #tpu.memory_space<vmem>>
        %dma_wait3A_352 = arith.constant 0 : i32
        %dma_wait3A_353 = arith.constant 0 : i32
        %dma_wait3A_354 = tpu.memref_slice %arg10[%dma_wait3A_352, %dma_wait3A_353] : memref<10112x128xf32, #tpu.memory_space<vmem_shared>> -> memref<10112x128xf32, #tpu.memory_space<vmem_shared>>
        tpu.wait_indirect_dma semaphore(%arg15 : memref<!tpu.dma_semaphore, #tpu.memory_space<semaphore_mem>>) src(%arg9 : memref<128x128xf32, #tpu.memory_space<vmem>>) dst(%dma_wait3A_354 : memref<10112x128xf32, #tpu.memory_space<vmem_shared>>)
      } else {
      }
      %dma_start3A_191 = arith.constant 3 : i32
      %dma_start3A_192 = arith.constant 0 : i32
      %dma_start3A_193 = tpu.memref_slice %arg6[%select_n3A_84, %dma_start3A_191, %dma_start3A_192] : memref<2x8x128xi32, #tpu.memory_space<vmem>> -> memref<1x1x128xi32, #tpu.memory_space<vmem>>
      %dma_start3A_194 = tpu.memref_squeeze %dma_start3A_193 : memref<1x1x128xi32, #tpu.memory_space<vmem>> -> memref<128xi32, #tpu.memory_space<vmem>>
      %dma_start3A_195 = arith.constant 0 : i32
      %dma_start3A_196 = arith.constant 0 : i32
      %dma_start3A_197 = tpu.memref_slice %arg2[%dma_start3A_195, %dma_start3A_196] : memref<10000x128xf32, #tpu.memory_space<hbm>> -> memref<10000x128xf32, #tpu.memory_space<hbm>>
      tpu.enqueue_indirect_dma source(%dma_start3A_197 : memref<10000x128xf32, #tpu.memory_space<hbm>>) target(%arg9 : memref<128x128xf32, #tpu.memory_space<vmem>>) offsets(%dma_start3A_194 : memref<128xi32, #tpu.memory_space<vmem>>) semaphore(%arg13 : memref<!tpu.dma_semaphore, #tpu.memory_space<semaphore_mem>>)
      %mul3A_198 = arith.constant 8 : i32
      %mul3A_199 = arith.muli %while3A_70, %mul3A_198 : i32
      %add3A_200 = arith.constant 3 : i32
      %add3A_201 = arith.addi %mul3A_199, %add3A_200 : i32
      %dma_wait3A_202 = arith.constant 3 : i32
      %dma_wait3A_203 = arith.constant 0 : i32
      %dma_wait3A_204 = tpu.memref_slice %arg6[%select_n3A_84, %dma_wait3A_202, %dma_wait3A_203] : memref<2x8x128xi32, #tpu.memory_space<vmem>> -> memref<1x1x128xi32, #tpu.memory_space<vmem>>
      %dma_wait3A_205 = tpu.memref_squeeze %dma_wait3A_204 : memref<1x1x128xi32, #tpu.memory_space<vmem>> -> memref<128xi32, #tpu.memory_space<vmem>>
      %dma_wait3A_206 = arith.constant 0 : i32
      %dma_wait3A_207 = arith.constant 0 : i32
      %dma_wait3A_208 = tpu.memref_slice %arg2[%dma_wait3A_206, %dma_wait3A_207] : memref<10000x128xf32, #tpu.memory_space<hbm>> -> memref<10000x128xf32, #tpu.memory_space<hbm>>
      tpu.wait_indirect_dma semaphore(%arg13 : memref<!tpu.dma_semaphore, #tpu.memory_space<semaphore_mem>>) src(%dma_wait3A_208 : memref<10000x128xf32, #tpu.memory_space<hbm>>) dst(%arg9 : memref<128x128xf32, #tpu.memory_space<vmem>>)
      %dma_start3A_209 = arith.constant 3 : i32
      %dma_start3A_210 = arith.constant 0 : i32
      %dma_start3A_211 = tpu.memref_slice %arg7[%select_n3A_84, %dma_start3A_209, %dma_start3A_210] : memref<2x8x128xi32, #tpu.memory_space<vmem>> -> memref<1x1x128xi32, #tpu.memory_space<vmem>>
      %dma_start3A_212 = tpu.memref_squeeze %dma_start3A_211 : memref<1x1x128xi32, #tpu.memory_space<vmem>> -> memref<128xi32, #tpu.memory_space<vmem>>
      %dma_start3A_213 = arith.constant 0 : i32
      %dma_start3A_214 = arith.constant 0 : i32
      %dma_start3A_215 = tpu.memref_slice %arg10[%dma_start3A_213, %dma_start3A_214] : memref<10112x128xf32, #tpu.memory_space<vmem_shared>> -> memref<10112x128xf32, #tpu.memory_space<vmem_shared>>
      tpu.enqueue_indirect_dma source(%arg9 : memref<128x128xf32, #tpu.memory_space<vmem>>) target(%dma_start3A_215 : memref<10112x128xf32, #tpu.memory_space<vmem_shared>>) offsets(%dma_start3A_212 : memref<128xi32, #tpu.memory_space<vmem>>) semaphore(%arg15 : memref<!tpu.dma_semaphore, #tpu.memory_space<semaphore_mem>>) {add = true}
      %ge3A_216 = arith.constant 1 : i32
      %ge3A_217 = arith.cmpi sge, %add3A_201, %ge3A_216 : i32
      %convert_element_type3A_218 = arith.extui %ge3A_217 : i1 to i32
      %cond3A_219 = arith.constant 0 : i32
      %cond3A_220 = arith.cmpi ne, %convert_element_type3A_218, %cond3A_219 : i32
      scf.if %cond3A_220 {
        %dma_wait3A_348 = arith.constant 3 : i32
        %dma_wait3A_349 = arith.constant 0 : i32
        %dma_wait3A_350 = tpu.memref_slice %arg7[%select_n3A_84, %dma_wait3A_348, %dma_wait3A_349] : memref<2x8x128xi32, #tpu.memory_space<vmem>> -> memref<1x1x128xi32, #tpu.memory_space<vmem>>
        %dma_wait3A_351 = tpu.memref_squeeze %dma_wait3A_350 : memref<1x1x128xi32, #tpu.memory_space<vmem>> -> memref<128xi32, #tpu.memory_space<vmem>>
        %dma_wait3A_352 = arith.constant 0 : i32
        %dma_wait3A_353 = arith.constant 0 : i32
        %dma_wait3A_354 = tpu.memref_slice %arg10[%dma_wait3A_352, %dma_wait3A_353] : memref<10112x128xf32, #tpu.memory_space<vmem_shared>> -> memref<10112x128xf32, #tpu.memory_space<vmem_shared>>
        tpu.wait_indirect_dma semaphore(%arg14 : memref<!tpu.dma_semaphore, #tpu.memory_space<semaphore_mem>>) src(%arg8 : memref<128x128xf32, #tpu.memory_space<vmem>>) dst(%dma_wait3A_354 : memref<10112x128xf32, #tpu.memory_space<vmem_shared>>)
      } else {
      }
      %dma_start3A_221 = arith.constant 4 : i32
      %dma_start3A_222 = arith.constant 0 : i32
      %dma_start3A_223 = tpu.memref_slice %arg6[%select_n3A_84, %dma_start3A_221, %dma_start3A_222] : memref<2x8x128xi32, #tpu.memory_space<vmem>> -> memref<1x1x128xi32, #tpu.memory_space<vmem>>
      %dma_start3A_224 = tpu.memref_squeeze %dma_start3A_223 : memref<1x1x128xi32, #tpu.memory_space<vmem>> -> memref<128xi32, #tpu.memory_space<vmem>>
      %dma_start3A_225 = arith.constant 0 : i32
      %dma_start3A_226 = arith.constant 0 : i32
      %dma_start3A_227 = tpu.memref_slice %arg2[%dma_start3A_225, %dma_start3A_226] : memref<10000x128xf32, #tpu.memory_space<hbm>> -> memref<10000x128xf32, #tpu.memory_space<hbm>>
      tpu.enqueue_indirect_dma source(%dma_start3A_227 : memref<10000x128xf32, #tpu.memory_space<hbm>>) target(%arg8 : memref<128x128xf32, #tpu.memory_space<vmem>>) offsets(%dma_start3A_224 : memref<128xi32, #tpu.memory_space<vmem>>) semaphore(%arg12 : memref<!tpu.dma_semaphore, #tpu.memory_space<semaphore_mem>>)
      %mul3A_228 = arith.constant 8 : i32
      %mul3A_229 = arith.muli %while3A_70, %mul3A_228 : i32
      %add3A_230 = arith.constant 4 : i32
      %add3A_231 = arith.addi %mul3A_229, %add3A_230 : i32
      %dma_wait3A_232 = arith.constant 4 : i32
      %dma_wait3A_233 = arith.constant 0 : i32
      %dma_wait3A_234 = tpu.memref_slice %arg6[%select_n3A_84, %dma_wait3A_232, %dma_wait3A_233] : memref<2x8x128xi32, #tpu.memory_space<vmem>> -> memref<1x1x128xi32, #tpu.memory_space<vmem>>
      %dma_wait3A_235 = tpu.memref_squeeze %dma_wait3A_234 : memref<1x1x128xi32, #tpu.memory_space<vmem>> -> memref<128xi32, #tpu.memory_space<vmem>>
      %dma_wait3A_236 = arith.constant 0 : i32
      %dma_wait3A_237 = arith.constant 0 : i32
      %dma_wait3A_238 = tpu.memref_slice %arg2[%dma_wait3A_236, %dma_wait3A_237] : memref<10000x128xf32, #tpu.memory_space<hbm>> -> memref<10000x128xf32, #tpu.memory_space<hbm>>
      tpu.wait_indirect_dma semaphore(%arg12 : memref<!tpu.dma_semaphore, #tpu.memory_space<semaphore_mem>>) src(%dma_wait3A_238 : memref<10000x128xf32, #tpu.memory_space<hbm>>) dst(%arg8 : memref<128x128xf32, #tpu.memory_space<vmem>>)
      %dma_start3A_239 = arith.constant 4 : i32
      %dma_start3A_240 = arith.constant 0 : i32
      %dma_start3A_241 = tpu.memref_slice %arg7[%select_n3A_84, %dma_start3A_239, %dma_start3A_240] : memref<2x8x128xi32, #tpu.memory_space<vmem>> -> memref<1x1x128xi32, #tpu.memory_space<vmem>>
      %dma_start3A_242 = tpu.memref_squeeze %dma_start3A_241 : memref<1x1x128xi32, #tpu.memory_space<vmem>> -> memref<128xi32, #tpu.memory_space<vmem>>
      %dma_start3A_243 = arith.constant 0 : i32
      %dma_start3A_244 = arith.constant 0 : i32
      %dma_start3A_245 = tpu.memref_slice %arg10[%dma_start3A_243, %dma_start3A_244] : memref<10112x128xf32, #tpu.memory_space<vmem_shared>> -> memref<10112x128xf32, #tpu.memory_space<vmem_shared>>
      tpu.enqueue_indirect_dma source(%arg8 : memref<128x128xf32, #tpu.memory_space<vmem>>) target(%dma_start3A_245 : memref<10112x128xf32, #tpu.memory_space<vmem_shared>>) offsets(%dma_start3A_242 : memref<128xi32, #tpu.memory_space<vmem>>) semaphore(%arg14 : memref<!tpu.dma_semaphore, #tpu.memory_space<semaphore_mem>>) {add = true}
      %ge3A_246 = arith.constant 1 : i32
      %ge3A_247 = arith.cmpi sge, %add3A_231, %ge3A_246 : i32
      %convert_element_type3A_248 = arith.extui %ge3A_247 : i1 to i32
      %cond3A_249 = arith.constant 0 : i32
      %cond3A_250 = arith.cmpi ne, %convert_element_type3A_248, %cond3A_249 : i32
      scf.if %cond3A_250 {
        %dma_wait3A_348 = arith.constant 4 : i32
        %dma_wait3A_349 = arith.constant 0 : i32
        %dma_wait3A_350 = tpu.memref_slice %arg7[%select_n3A_84, %dma_wait3A_348, %dma_wait3A_349] : memref<2x8x128xi32, #tpu.memory_space<vmem>> -> memref<1x1x128xi32, #tpu.memory_space<vmem>>
        %dma_wait3A_351 = tpu.memref_squeeze %dma_wait3A_350 : memref<1x1x128xi32, #tpu.memory_space<vmem>> -> memref<128xi32, #tpu.memory_space<vmem>>
        %dma_wait3A_352 = arith.constant 0 : i32
        %dma_wait3A_353 = arith.constant 0 : i32
        %dma_wait3A_354 = tpu.memref_slice %arg10[%dma_wait3A_352, %dma_wait3A_353] : memref<10112x128xf32, #tpu.memory_space<vmem_shared>> -> memref<10112x128xf32, #tpu.memory_space<vmem_shared>>
        tpu.wait_indirect_dma semaphore(%arg15 : memref<!tpu.dma_semaphore, #tpu.memory_space<semaphore_mem>>) src(%arg9 : memref<128x128xf32, #tpu.memory_space<vmem>>) dst(%dma_wait3A_354 : memref<10112x128xf32, #tpu.memory_space<vmem_shared>>)
      } else {
      }
      %dma_start3A_251 = arith.constant 5 : i32
      %dma_start3A_252 = arith.constant 0 : i32
      %dma_start3A_253 = tpu.memref_slice %arg6[%select_n3A_84, %dma_start3A_251, %dma_start3A_252] : memref<2x8x128xi32, #tpu.memory_space<vmem>> -> memref<1x1x128xi32, #tpu.memory_space<vmem>>
      %dma_start3A_254 = tpu.memref_squeeze %dma_start3A_253 : memref<1x1x128xi32, #tpu.memory_space<vmem>> -> memref<128xi32, #tpu.memory_space<vmem>>
      %dma_start3A_255 = arith.constant 0 : i32
      %dma_start3A_256 = arith.constant 0 : i32
      %dma_start3A_257 = tpu.memref_slice %arg2[%dma_start3A_255, %dma_start3A_256] : memref<10000x128xf32, #tpu.memory_space<hbm>> -> memref<10000x128xf32, #tpu.memory_space<hbm>>
      tpu.enqueue_indirect_dma source(%dma_start3A_257 : memref<10000x128xf32, #tpu.memory_space<hbm>>) target(%arg9 : memref<128x128xf32, #tpu.memory_space<vmem>>) offsets(%dma_start3A_254 : memref<128xi32, #tpu.memory_space<vmem>>) semaphore(%arg13 : memref<!tpu.dma_semaphore, #tpu.memory_space<semaphore_mem>>)
      %mul3A_258 = arith.constant 8 : i32
      %mul3A_259 = arith.muli %while3A_70, %mul3A_258 : i32
      %add3A_260 = arith.constant 5 : i32
      %add3A_261 = arith.addi %mul3A_259, %add3A_260 : i32
      %dma_wait3A_262 = arith.constant 5 : i32
      %dma_wait3A_263 = arith.constant 0 : i32
      %dma_wait3A_264 = tpu.memref_slice %arg6[%select_n3A_84, %dma_wait3A_262, %dma_wait3A_263] : memref<2x8x128xi32, #tpu.memory_space<vmem>> -> memref<1x1x128xi32, #tpu.memory_space<vmem>>
      %dma_wait3A_265 = tpu.memref_squeeze %dma_wait3A_264 : memref<1x1x128xi32, #tpu.memory_space<vmem>> -> memref<128xi32, #tpu.memory_space<vmem>>
      %dma_wait3A_266 = arith.constant 0 : i32
      %dma_wait3A_267 = arith.constant 0 : i32
      %dma_wait3A_268 = tpu.memref_slice %arg2[%dma_wait3A_266, %dma_wait3A_267] : memref<10000x128xf32, #tpu.memory_space<hbm>> -> memref<10000x128xf32, #tpu.memory_space<hbm>>
      tpu.wait_indirect_dma semaphore(%arg13 : memref<!tpu.dma_semaphore, #tpu.memory_space<semaphore_mem>>) src(%dma_wait3A_268 : memref<10000x128xf32, #tpu.memory_space<hbm>>) dst(%arg9 : memref<128x128xf32, #tpu.memory_space<vmem>>)
      %dma_start3A_269 = arith.constant 5 : i32
      %dma_start3A_270 = arith.constant 0 : i32
      %dma_start3A_271 = tpu.memref_slice %arg7[%select_n3A_84, %dma_start3A_269, %dma_start3A_270] : memref<2x8x128xi32, #tpu.memory_space<vmem>> -> memref<1x1x128xi32, #tpu.memory_space<vmem>>
      %dma_start3A_272 = tpu.memref_squeeze %dma_start3A_271 : memref<1x1x128xi32, #tpu.memory_space<vmem>> -> memref<128xi32, #tpu.memory_space<vmem>>
      %dma_start3A_273 = arith.constant 0 : i32
      %dma_start3A_274 = arith.constant 0 : i32
      %dma_start3A_275 = tpu.memref_slice %arg10[%dma_start3A_273, %dma_start3A_274] : memref<10112x128xf32, #tpu.memory_space<vmem_shared>> -> memref<10112x128xf32, #tpu.memory_space<vmem_shared>>
      tpu.enqueue_indirect_dma source(%arg9 : memref<128x128xf32, #tpu.memory_space<vmem>>) target(%dma_start3A_275 : memref<10112x128xf32, #tpu.memory_space<vmem_shared>>) offsets(%dma_start3A_272 : memref<128xi32, #tpu.memory_space<vmem>>) semaphore(%arg15 : memref<!tpu.dma_semaphore, #tpu.memory_space<semaphore_mem>>) {add = true}
      %ge3A_276 = arith.constant 1 : i32
      %ge3A_277 = arith.cmpi sge, %add3A_261, %ge3A_276 : i32
      %convert_element_type3A_278 = arith.extui %ge3A_277 : i1 to i32
      %cond3A_279 = arith.constant 0 : i32
      %cond3A_280 = arith.cmpi ne, %convert_element_type3A_278, %cond3A_279 : i32
      scf.if %cond3A_280 {
        %dma_wait3A_348 = arith.constant 5 : i32
        %dma_wait3A_349 = arith.constant 0 : i32
        %dma_wait3A_350 = tpu.memref_slice %arg7[%select_n3A_84, %dma_wait3A_348, %dma_wait3A_349] : memref<2x8x128xi32, #tpu.memory_space<vmem>> -> memref<1x1x128xi32, #tpu.memory_space<vmem>>
        %dma_wait3A_351 = tpu.memref_squeeze %dma_wait3A_350 : memref<1x1x128xi32, #tpu.memory_space<vmem>> -> memref<128xi32, #tpu.memory_space<vmem>>
        %dma_wait3A_352 = arith.constant 0 : i32
        %dma_wait3A_353 = arith.constant 0 : i32
        %dma_wait3A_354 = tpu.memref_slice %arg10[%dma_wait3A_352, %dma_wait3A_353] : memref<10112x128xf32, #tpu.memory_space<vmem_shared>> -> memref<10112x128xf32, #tpu.memory_space<vmem_shared>>
        tpu.wait_indirect_dma semaphore(%arg14 : memref<!tpu.dma_semaphore, #tpu.memory_space<semaphore_mem>>) src(%arg8 : memref<128x128xf32, #tpu.memory_space<vmem>>) dst(%dma_wait3A_354 : memref<10112x128xf32, #tpu.memory_space<vmem_shared>>)
      } else {
      }
      %dma_start3A_281 = arith.constant 6 : i32
      %dma_start3A_282 = arith.constant 0 : i32
      %dma_start3A_283 = tpu.memref_slice %arg6[%select_n3A_84, %dma_start3A_281, %dma_start3A_282] : memref<2x8x128xi32, #tpu.memory_space<vmem>> -> memref<1x1x128xi32, #tpu.memory_space<vmem>>
      %dma_start3A_284 = tpu.memref_squeeze %dma_start3A_283 : memref<1x1x128xi32, #tpu.memory_space<vmem>> -> memref<128xi32, #tpu.memory_space<vmem>>
      %dma_start3A_285 = arith.constant 0 : i32
      %dma_start3A_286 = arith.constant 0 : i32
      %dma_start3A_287 = tpu.memref_slice %arg2[%dma_start3A_285, %dma_start3A_286] : memref<10000x128xf32, #tpu.memory_space<hbm>> -> memref<10000x128xf32, #tpu.memory_space<hbm>>
      tpu.enqueue_indirect_dma source(%dma_start3A_287 : memref<10000x128xf32, #tpu.memory_space<hbm>>) target(%arg8 : memref<128x128xf32, #tpu.memory_space<vmem>>) offsets(%dma_start3A_284 : memref<128xi32, #tpu.memory_space<vmem>>) semaphore(%arg12 : memref<!tpu.dma_semaphore, #tpu.memory_space<semaphore_mem>>)
      %mul3A_288 = arith.constant 8 : i32
      %mul3A_289 = arith.muli %while3A_70, %mul3A_288 : i32
      %add3A_290 = arith.constant 6 : i32
      %add3A_291 = arith.addi %mul3A_289, %add3A_290 : i32
      %dma_wait3A_292 = arith.constant 6 : i32
      %dma_wait3A_293 = arith.constant 0 : i32
      %dma_wait3A_294 = tpu.memref_slice %arg6[%select_n3A_84, %dma_wait3A_292, %dma_wait3A_293] : memref<2x8x128xi32, #tpu.memory_space<vmem>> -> memref<1x1x128xi32, #tpu.memory_space<vmem>>
      %dma_wait3A_295 = tpu.memref_squeeze %dma_wait3A_294 : memref<1x1x128xi32, #tpu.memory_space<vmem>> -> memref<128xi32, #tpu.memory_space<vmem>>
      %dma_wait3A_296 = arith.constant 0 : i32
      %dma_wait3A_297 = arith.constant 0 : i32
      %dma_wait3A_298 = tpu.memref_slice %arg2[%dma_wait3A_296, %dma_wait3A_297] : memref<10000x128xf32, #tpu.memory_space<hbm>> -> memref<10000x128xf32, #tpu.memory_space<hbm>>
      tpu.wait_indirect_dma semaphore(%arg12 : memref<!tpu.dma_semaphore, #tpu.memory_space<semaphore_mem>>) src(%dma_wait3A_298 : memref<10000x128xf32, #tpu.memory_space<hbm>>) dst(%arg8 : memref<128x128xf32, #tpu.memory_space<vmem>>)
      %dma_start3A_299 = arith.constant 6 : i32
      %dma_start3A_300 = arith.constant 0 : i32
      %dma_start3A_301 = tpu.memref_slice %arg7[%select_n3A_84, %dma_start3A_299, %dma_start3A_300] : memref<2x8x128xi32, #tpu.memory_space<vmem>> -> memref<1x1x128xi32, #tpu.memory_space<vmem>>
      %dma_start3A_302 = tpu.memref_squeeze %dma_start3A_301 : memref<1x1x128xi32, #tpu.memory_space<vmem>> -> memref<128xi32, #tpu.memory_space<vmem>>
      %dma_start3A_303 = arith.constant 0 : i32
      %dma_start3A_304 = arith.constant 0 : i32
      %dma_start3A_305 = tpu.memref_slice %arg10[%dma_start3A_303, %dma_start3A_304] : memref<10112x128xf32, #tpu.memory_space<vmem_shared>> -> memref<10112x128xf32, #tpu.memory_space<vmem_shared>>
      tpu.enqueue_indirect_dma source(%arg8 : memref<128x128xf32, #tpu.memory_space<vmem>>) target(%dma_start3A_305 : memref<10112x128xf32, #tpu.memory_space<vmem_shared>>) offsets(%dma_start3A_302 : memref<128xi32, #tpu.memory_space<vmem>>) semaphore(%arg14 : memref<!tpu.dma_semaphore, #tpu.memory_space<semaphore_mem>>) {add = true}
      %ge3A_306 = arith.constant 1 : i32
      %ge3A_307 = arith.cmpi sge, %add3A_291, %ge3A_306 : i32
      %convert_element_type3A_308 = arith.extui %ge3A_307 : i1 to i32
      %cond3A_309 = arith.constant 0 : i32
      %cond3A_310 = arith.cmpi ne, %convert_element_type3A_308, %cond3A_309 : i32
      scf.if %cond3A_310 {
        %dma_wait3A_348 = arith.constant 6 : i32
        %dma_wait3A_349 = arith.constant 0 : i32
        %dma_wait3A_350 = tpu.memref_slice %arg7[%select_n3A_84, %dma_wait3A_348, %dma_wait3A_349] : memref<2x8x128xi32, #tpu.memory_space<vmem>> -> memref<1x1x128xi32, #tpu.memory_space<vmem>>
        %dma_wait3A_351 = tpu.memref_squeeze %dma_wait3A_350 : memref<1x1x128xi32, #tpu.memory_space<vmem>> -> memref<128xi32, #tpu.memory_space<vmem>>
        %dma_wait3A_352 = arith.constant 0 : i32
        %dma_wait3A_353 = arith.constant 0 : i32
        %dma_wait3A_354 = tpu.memref_slice %arg10[%dma_wait3A_352, %dma_wait3A_353] : memref<10112x128xf32, #tpu.memory_space<vmem_shared>> -> memref<10112x128xf32, #tpu.memory_space<vmem_shared>>
        tpu.wait_indirect_dma semaphore(%arg15 : memref<!tpu.dma_semaphore, #tpu.memory_space<semaphore_mem>>) src(%arg9 : memref<128x128xf32, #tpu.memory_space<vmem>>) dst(%dma_wait3A_354 : memref<10112x128xf32, #tpu.memory_space<vmem_shared>>)
      } else {
      }
      %dma_start3A_311 = arith.constant 7 : i32
      %dma_start3A_312 = arith.constant 0 : i32
      %dma_start3A_313 = tpu.memref_slice %arg6[%select_n3A_84, %dma_start3A_311, %dma_start3A_312] : memref<2x8x128xi32, #tpu.memory_space<vmem>> -> memref<1x1x128xi32, #tpu.memory_space<vmem>>
      %dma_start3A_314 = tpu.memref_squeeze %dma_start3A_313 : memref<1x1x128xi32, #tpu.memory_space<vmem>> -> memref<128xi32, #tpu.memory_space<vmem>>
      %dma_start3A_315 = arith.constant 0 : i32
      %dma_start3A_316 = arith.constant 0 : i32
      %dma_start3A_317 = tpu.memref_slice %arg2[%dma_start3A_315, %dma_start3A_316] : memref<10000x128xf32, #tpu.memory_space<hbm>> -> memref<10000x128xf32, #tpu.memory_space<hbm>>
      tpu.enqueue_indirect_dma source(%dma_start3A_317 : memref<10000x128xf32, #tpu.memory_space<hbm>>) target(%arg9 : memref<128x128xf32, #tpu.memory_space<vmem>>) offsets(%dma_start3A_314 : memref<128xi32, #tpu.memory_space<vmem>>) semaphore(%arg13 : memref<!tpu.dma_semaphore, #tpu.memory_space<semaphore_mem>>)
      %mul3A_318 = arith.constant 8 : i32
      %mul3A_319 = arith.muli %while3A_70, %mul3A_318 : i32
      %add3A_320 = arith.constant 7 : i32
      %add3A_321 = arith.addi %mul3A_319, %add3A_320 : i32
      %dma_wait3A_322 = arith.constant 7 : i32
      %dma_wait3A_323 = arith.constant 0 : i32
      %dma_wait3A_324 = tpu.memref_slice %arg6[%select_n3A_84, %dma_wait3A_322, %dma_wait3A_323] : memref<2x8x128xi32, #tpu.memory_space<vmem>> -> memref<1x1x128xi32, #tpu.memory_space<vmem>>
      %dma_wait3A_325 = tpu.memref_squeeze %dma_wait3A_324 : memref<1x1x128xi32, #tpu.memory_space<vmem>> -> memref<128xi32, #tpu.memory_space<vmem>>
      %dma_wait3A_326 = arith.constant 0 : i32
      %dma_wait3A_327 = arith.constant 0 : i32
      %dma_wait3A_328 = tpu.memref_slice %arg2[%dma_wait3A_326, %dma_wait3A_327] : memref<10000x128xf32, #tpu.memory_space<hbm>> -> memref<10000x128xf32, #tpu.memory_space<hbm>>
      tpu.wait_indirect_dma semaphore(%arg13 : memref<!tpu.dma_semaphore, #tpu.memory_space<semaphore_mem>>) src(%dma_wait3A_328 : memref<10000x128xf32, #tpu.memory_space<hbm>>) dst(%arg9 : memref<128x128xf32, #tpu.memory_space<vmem>>)
      %dma_start3A_329 = arith.constant 7 : i32
      %dma_start3A_330 = arith.constant 0 : i32
      %dma_start3A_331 = tpu.memref_slice %arg7[%select_n3A_84, %dma_start3A_329, %dma_start3A_330] : memref<2x8x128xi32, #tpu.memory_space<vmem>> -> memref<1x1x128xi32, #tpu.memory_space<vmem>>
      %dma_start3A_332 = tpu.memref_squeeze %dma_start3A_331 : memref<1x1x128xi32, #tpu.memory_space<vmem>> -> memref<128xi32, #tpu.memory_space<vmem>>
      %dma_start3A_333 = arith.constant 0 : i32
      %dma_start3A_334 = arith.constant 0 : i32
      %dma_start3A_335 = tpu.memref_slice %arg10[%dma_start3A_333, %dma_start3A_334] : memref<10112x128xf32, #tpu.memory_space<vmem_shared>> -> memref<10112x128xf32, #tpu.memory_space<vmem_shared>>
      tpu.enqueue_indirect_dma source(%arg9 : memref<128x128xf32, #tpu.memory_space<vmem>>) target(%dma_start3A_335 : memref<10112x128xf32, #tpu.memory_space<vmem_shared>>) offsets(%dma_start3A_332 : memref<128xi32, #tpu.memory_space<vmem>>) semaphore(%arg15 : memref<!tpu.dma_semaphore, #tpu.memory_space<semaphore_mem>>) {add = true}
      %ge3A_336 = arith.constant 1 : i32
      %ge3A_337 = arith.cmpi sge, %add3A_321, %ge3A_336 : i32
      %convert_element_type3A_338 = arith.extui %ge3A_337 : i1 to i32
      %cond3A_339 = arith.constant 0 : i32
      %cond3A_340 = arith.cmpi ne, %convert_element_type3A_338, %cond3A_339 : i32
      scf.if %cond3A_340 {
        %dma_wait3A_348 = arith.constant 7 : i32
        %dma_wait3A_349 = arith.constant 0 : i32
        %dma_wait3A_350 = tpu.memref_slice %arg7[%select_n3A_84, %dma_wait3A_348, %dma_wait3A_349] : memref<2x8x128xi32, #tpu.memory_space<vmem>> -> memref<1x1x128xi32, #tpu.memory_space<vmem>>
        %dma_wait3A_351 = tpu.memref_squeeze %dma_wait3A_350 : memref<1x1x128xi32, #tpu.memory_space<vmem>> -> memref<128xi32, #tpu.memory_space<vmem>>
        %dma_wait3A_352 = arith.constant 0 : i32
        %dma_wait3A_353 = arith.constant 0 : i32
        %dma_wait3A_354 = tpu.memref_slice %arg10[%dma_wait3A_352, %dma_wait3A_353] : memref<10112x128xf32, #tpu.memory_space<vmem_shared>> -> memref<10112x128xf32, #tpu.memory_space<vmem_shared>>
        tpu.wait_indirect_dma semaphore(%arg14 : memref<!tpu.dma_semaphore, #tpu.memory_space<semaphore_mem>>) src(%arg8 : memref<128x128xf32, #tpu.memory_space<vmem>>) dst(%dma_wait3A_354 : memref<10112x128xf32, #tpu.memory_space<vmem_shared>>)
      } else {
      }
      %add3A_341 = arith.constant 1 : i32
      %add3A_342 = arith.addi %while3A_70, %add3A_341 : i32
      %lt3A_343 = arith.cmpi slt, %add3A_342, %select_n3A : i32
      %convert_element_type3A_344 = arith.extui %lt3A_343 : i1 to i32
      %cond3A_345 = arith.constant 0 : i32
      %cond3A_346 = arith.cmpi ne, %convert_element_type3A_344, %cond3A_345 : i32
      scf.if %cond3A_346 {
        %add3A_348 = arith.constant 1 : i32
        %add3A_349 = arith.addi %while3A_70, %add3A_348 : i32
        %mul3A_350 = arith.constant 8 : i32
        %mul3A_351 = arith.muli %add3A_349, %mul3A_350 : i32
        %dma_wait3A_352 = arith.constant 0 : i32
        %dma_wait3A_353 = arith.constant 0 : i32
        %dma_wait3A_354 = tpu.memref_slice %arg6[%select_n3A_102, %dma_wait3A_352, %dma_wait3A_353] : memref<2x8x128xi32, #tpu.memory_space<vmem>> -> memref<1x8x128xi32, #tpu.memory_space<vmem>>
        %dma_wait3A_355 = tpu.memref_squeeze %dma_wait3A_354 : memref<1x8x128xi32, #tpu.memory_space<vmem>> -> memref<8x128xi32, #tpu.memory_space<vmem>>
        %dma_wait3A_356 = arith.constant 0 : i32
        %dma_wait3A_357 = tpu.memref_slice %arg3[%add3A, %mul3A_351, %dma_wait3A_356] : memref<32x152x128xi32, #tpu.memory_space<hbm>> -> memref<1x8x128xi32, #tpu.memory_space<hbm>>
        %dma_wait3A_358 = tpu.memref_squeeze %dma_wait3A_357 : memref<1x8x128xi32, #tpu.memory_space<hbm>> -> memref<8x128xi32, #tpu.memory_space<hbm>>
        %dma_wait3A_359 = arith.constant 0 : i32
        %dma_wait3A_360 = arith.constant 0 : i32
        %dma_wait3A_361 = tpu.memref_slice %arg6[%select_n3A_102, %dma_wait3A_359, %dma_wait3A_360] : memref<2x8x128xi32, #tpu.memory_space<vmem>> -> memref<1x8x128xi32, #tpu.memory_space<vmem>>
        %dma_wait3A_362 = tpu.memref_squeeze %dma_wait3A_361 : memref<1x8x128xi32, #tpu.memory_space<vmem>> -> memref<8x128xi32, #tpu.memory_space<vmem>>
        %dma_wait3A_363 = arith.constant 0 : i32
        %dma_wait3A_364 = tpu.memref_slice %arg3[%add3A, %mul3A_351, %dma_wait3A_363] : memref<32x152x128xi32, #tpu.memory_space<hbm>> -> memref<1x8x128xi32, #tpu.memory_space<hbm>>
        %dma_wait3A_365 = tpu.memref_squeeze %dma_wait3A_364 : memref<1x8x128xi32, #tpu.memory_space<hbm>> -> memref<8x128xi32, #tpu.memory_space<hbm>>
        tpu.wait_dma2 semaphore(%arg11 : memref<!tpu.dma_semaphore, #tpu.memory_space<semaphore_mem>>) src(%dma_wait3A_365 : memref<8x128xi32, #tpu.memory_space<hbm>>) dst(%dma_wait3A_362 : memref<8x128xi32, #tpu.memory_space<vmem>>)
        %add3A_366 = arith.constant 1 : i32
        %add3A_367 = arith.addi %while3A_70, %add3A_366 : i32
        %mul3A_368 = arith.constant 8 : i32
        %mul3A_369 = arith.muli %add3A_367, %mul3A_368 : i32
        %dma_wait3A_370 = arith.constant 0 : i32
        %dma_wait3A_371 = arith.constant 0 : i32
        %dma_wait3A_372 = tpu.memref_slice %arg7[%select_n3A_102, %dma_wait3A_370, %dma_wait3A_371] : memref<2x8x128xi32, #tpu.memory_space<vmem>> -> memref<1x8x128xi32, #tpu.memory_space<vmem>>
        %dma_wait3A_373 = tpu.memref_squeeze %dma_wait3A_372 : memref<1x8x128xi32, #tpu.memory_space<vmem>> -> memref<8x128xi32, #tpu.memory_space<vmem>>
        %dma_wait3A_374 = arith.constant 0 : i32
        %dma_wait3A_375 = tpu.memref_slice %arg4[%add3A, %mul3A_369, %dma_wait3A_374] : memref<32x152x128xi32, #tpu.memory_space<hbm>> -> memref<1x8x128xi32, #tpu.memory_space<hbm>>
        %dma_wait3A_376 = tpu.memref_squeeze %dma_wait3A_375 : memref<1x8x128xi32, #tpu.memory_space<hbm>> -> memref<8x128xi32, #tpu.memory_space<hbm>>
        %dma_wait3A_377 = arith.constant 0 : i32
        %dma_wait3A_378 = arith.constant 0 : i32
        %dma_wait3A_379 = tpu.memref_slice %arg7[%select_n3A_102, %dma_wait3A_377, %dma_wait3A_378] : memref<2x8x128xi32, #tpu.memory_space<vmem>> -> memref<1x8x128xi32, #tpu.memory_space<vmem>>
        %dma_wait3A_380 = tpu.memref_squeeze %dma_wait3A_379 : memref<1x8x128xi32, #tpu.memory_space<vmem>> -> memref<8x128xi32, #tpu.memory_space<vmem>>
        %dma_wait3A_381 = arith.constant 0 : i32
        %dma_wait3A_382 = tpu.memref_slice %arg4[%add3A, %mul3A_369, %dma_wait3A_381] : memref<32x152x128xi32, #tpu.memory_space<hbm>> -> memref<1x8x128xi32, #tpu.memory_space<hbm>>
        %dma_wait3A_383 = tpu.memref_squeeze %dma_wait3A_382 : memref<1x8x128xi32, #tpu.memory_space<hbm>> -> memref<8x128xi32, #tpu.memory_space<hbm>>
        tpu.wait_dma2 semaphore(%arg11 : memref<!tpu.dma_semaphore, #tpu.memory_space<semaphore_mem>>) src(%dma_wait3A_383 : memref<8x128xi32, #tpu.memory_space<hbm>>) dst(%dma_wait3A_380 : memref<8x128xi32, #tpu.memory_space<vmem>>)
        %dma_start3A_384 = arith.constant 0 : i32
        %dma_start3A_385 = arith.constant 0 : i32
        %dma_start3A_386 = tpu.memref_slice %arg6[%select_n3A_102, %dma_start3A_384, %dma_start3A_385] : memref<2x8x128xi32, #tpu.memory_space<vmem>> -> memref<1x1x128xi32, #tpu.memory_space<vmem>>
        %dma_start3A_387 = tpu.memref_squeeze %dma_start3A_386 : memref<1x1x128xi32, #tpu.memory_space<vmem>> -> memref<128xi32, #tpu.memory_space<vmem>>
        %dma_start3A_388 = arith.constant 0 : i32
        %dma_start3A_389 = arith.constant 0 : i32
        %dma_start3A_390 = tpu.memref_slice %arg2[%dma_start3A_388, %dma_start3A_389] : memref<10000x128xf32, #tpu.memory_space<hbm>> -> memref<10000x128xf32, #tpu.memory_space<hbm>>
        tpu.enqueue_indirect_dma source(%dma_start3A_390 : memref<10000x128xf32, #tpu.memory_space<hbm>>) target(%arg8 : memref<128x128xf32, #tpu.memory_space<vmem>>) offsets(%dma_start3A_387 : memref<128xi32, #tpu.memory_space<vmem>>) semaphore(%arg12 : memref<!tpu.dma_semaphore, #tpu.memory_space<semaphore_mem>>)
      } else {
      }
      %while3A_347 = arith.constant 0 : i32
      scf.yield %while3A_347 : i32
    }
    %while3A_60 = arith.constant 1 : i32
    %while3A_61 = scf.for %while3A_70 = %while3A_57 to %while3A_53 step %while3A_60 iter_args(%while3A_71 = %while3A_59) -> (i32)  : i32 {
      %jit3A_72 = arith.constant 2 : i32
      %eq3A_73 = arith.constant 0 : i32
      %eq3A_74 = arith.cmpi eq, %jit3A_72, %eq3A_73 : i32
      %jit3A_75 = arith.constant 1 : i32
      %select_n3A_76 = arith.select %eq3A_74, %jit3A_75, %jit3A_72 : i32
      %rem3A = arith.remsi %while3A_70, %select_n3A_76 : i32
      %ne3A = arith.constant 0 : i32
      %ne3A_77 = arith.cmpi ne, %rem3A, %ne3A : i32
      %lt3A_78 = arith.constant 0 : i32
      %lt3A_79 = arith.cmpi slt, %rem3A, %lt3A_78 : i32
      %lt3A_80 = arith.constant 0 : i32
      %lt3A_81 = arith.cmpi slt, %select_n3A_76, %lt3A_80 : i32
      %ne3A_82 = arith.xori %lt3A_79, %lt3A_81 : i1
      %and3A = arith.andi %ne3A_82, %ne3A_77 : i1
      %add3A_83 = arith.addi %rem3A, %select_n3A_76 : i32
      %select_n3A_84 = arith.select %and3A, %add3A_83, %rem3A : i32
      %add3A_85 = arith.constant 1 : i32
      %add3A_86 = arith.addi %while3A_70, %add3A_85 : i32
      %jit3A_87 = arith.constant 2 : i32
      %eq3A_88 = arith.constant 0 : i32
      %eq3A_89 = arith.cmpi eq, %jit3A_87, %eq3A_88 : i32
      %jit3A_90 = arith.constant 1 : i32
      %select_n3A_91 = arith.select %eq3A_89, %jit3A_90, %jit3A_87 : i32
      %rem3A_92 = arith.remsi %add3A_86, %select_n3A_91 : i32
      %ne3A_93 = arith.constant 0 : i32
      %ne3A_94 = arith.cmpi ne, %rem3A_92, %ne3A_93 : i32
      %lt3A_95 = arith.constant 0 : i32
      %lt3A_96 = arith.cmpi slt, %rem3A_92, %lt3A_95 : i32
      %lt3A_97 = arith.constant 0 : i32
      %lt3A_98 = arith.cmpi slt, %select_n3A_91, %lt3A_97 : i32
      %ne3A_99 = arith.xori %lt3A_96, %lt3A_98 : i1
      %and3A_100 = arith.andi %ne3A_99, %ne3A_94 : i1
      %add3A_101 = arith.addi %rem3A_92, %select_n3A_91 : i32
      %select_n3A_102 = arith.select %and3A_100, %add3A_101, %rem3A_92 : i32
      %mul3A_103 = arith.constant 8 : i32
      %mul3A_104 = arith.muli %while3A_70, %mul3A_103 : i32
      %add3A_105 = arith.constant 0 : i32
      %add3A_106 = arith.addi %mul3A_104, %add3A_105 : i32
      %dma_wait3A_107 = arith.constant 0 : i32
      %dma_wait3A_108 = arith.constant 0 : i32
      %dma_wait3A_109 = tpu.memref_slice %arg6[%select_n3A_84, %dma_wait3A_107, %dma_wait3A_108] : memref<2x8x128xi32, #tpu.memory_space<vmem>> -> memref<1x1x128xi32, #tpu.memory_space<vmem>>
      %dma_wait3A_110 = tpu.memref_squeeze %dma_wait3A_109 : memref<1x1x128xi32, #tpu.memory_space<vmem>> -> memref<128xi32, #tpu.memory_space<vmem>>
      %dma_wait3A_111 = arith.constant 0 : i32
      %dma_wait3A_112 = arith.constant 0 : i32
      %dma_wait3A_113 = tpu.memref_slice %arg2[%dma_wait3A_111, %dma_wait3A_112] : memref<10000x128xf32, #tpu.memory_space<hbm>> -> memref<10000x128xf32, #tpu.memory_space<hbm>>
      tpu.wait_indirect_dma semaphore(%arg12 : memref<!tpu.dma_semaphore, #tpu.memory_space<semaphore_mem>>) src(%dma_wait3A_113 : memref<10000x128xf32, #tpu.memory_space<hbm>>) dst(%arg8 : memref<128x128xf32, #tpu.memory_space<vmem>>)
      %dma_start3A_114 = arith.constant 0 : i32
      %dma_start3A_115 = arith.constant 0 : i32
      %dma_start3A_116 = tpu.memref_slice %arg7[%select_n3A_84, %dma_start3A_114, %dma_start3A_115] : memref<2x8x128xi32, #tpu.memory_space<vmem>> -> memref<1x1x128xi32, #tpu.memory_space<vmem>>
      %dma_start3A_117 = tpu.memref_squeeze %dma_start3A_116 : memref<1x1x128xi32, #tpu.memory_space<vmem>> -> memref<128xi32, #tpu.memory_space<vmem>>
      %dma_start3A_118 = arith.constant 0 : i32
      %dma_start3A_119 = arith.constant 0 : i32
      %dma_start3A_120 = tpu.memref_slice %arg10[%dma_start3A_118, %dma_start3A_119] : memref<10112x128xf32, #tpu.memory_space<vmem_shared>> -> memref<10112x128xf32, #tpu.memory_space<vmem_shared>>
      tpu.enqueue_indirect_dma source(%arg8 : memref<128x128xf32, #tpu.memory_space<vmem>>) target(%dma_start3A_120 : memref<10112x128xf32, #tpu.memory_space<vmem_shared>>) offsets(%dma_start3A_117 : memref<128xi32, #tpu.memory_space<vmem>>) semaphore(%arg14 : memref<!tpu.dma_semaphore, #tpu.memory_space<semaphore_mem>>) {add = true}
      %ge3A = arith.constant 1 : i32
      %ge3A_121 = arith.cmpi sge, %add3A_106, %ge3A : i32
      %convert_element_type3A_122 = arith.extui %ge3A_121 : i1 to i32
      %cond3A_123 = arith.constant 0 : i32
      %cond3A_124 = arith.cmpi ne, %convert_element_type3A_122, %cond3A_123 : i32
      scf.if %cond3A_124 {
        %dma_wait3A_348 = arith.constant 0 : i32
        %dma_wait3A_349 = arith.constant 0 : i32
        %dma_wait3A_350 = tpu.memref_slice %arg7[%select_n3A_84, %dma_wait3A_348, %dma_wait3A_349] : memref<2x8x128xi32, #tpu.memory_space<vmem>> -> memref<1x1x128xi32, #tpu.memory_space<vmem>>
        %dma_wait3A_351 = tpu.memref_squeeze %dma_wait3A_350 : memref<1x1x128xi32, #tpu.memory_space<vmem>> -> memref<128xi32, #tpu.memory_space<vmem>>
        %dma_wait3A_352 = arith.constant 0 : i32
        %dma_wait3A_353 = arith.constant 0 : i32
        %dma_wait3A_354 = tpu.memref_slice %arg10[%dma_wait3A_352, %dma_wait3A_353] : memref<10112x128xf32, #tpu.memory_space<vmem_shared>> -> memref<10112x128xf32, #tpu.memory_space<vmem_shared>>
        tpu.wait_indirect_dma semaphore(%arg15 : memref<!tpu.dma_semaphore, #tpu.memory_space<semaphore_mem>>) src(%arg9 : memref<128x128xf32, #tpu.memory_space<vmem>>) dst(%dma_wait3A_354 : memref<10112x128xf32, #tpu.memory_space<vmem_shared>>)
      } else {
      }
      %add3A_125 = arith.constant 1 : i32
      %add3A_126 = arith.addi %while3A_70, %add3A_125 : i32
      %lt3A_127 = arith.cmpi slt, %add3A_126, %select_n3A : i32
      %convert_element_type3A_128 = arith.extui %lt3A_127 : i1 to i32
      %cond3A_129 = arith.constant 0 : i32
      %cond3A_130 = arith.cmpi ne, %convert_element_type3A_128, %cond3A_129 : i32
      scf.if %cond3A_130 {
        %add3A_348 = arith.constant 1 : i32
        %add3A_349 = arith.addi %while3A_70, %add3A_348 : i32
        %mul3A_350 = arith.constant 8 : i32
        %mul3A_351 = arith.muli %add3A_349, %mul3A_350 : i32
        %dma_start3A_352 = arith.constant 0 : i32
        %dma_start3A_353 = arith.constant 0 : i32
        %dma_start3A_354 = tpu.memref_slice %arg6[%select_n3A_102, %dma_start3A_352, %dma_start3A_353] : memref<2x8x128xi32, #tpu.memory_space<vmem>> -> memref<1x8x128xi32, #tpu.memory_space<vmem>>
        %dma_start3A_355 = tpu.memref_squeeze %dma_start3A_354 : memref<1x8x128xi32, #tpu.memory_space<vmem>> -> memref<8x128xi32, #tpu.memory_space<vmem>>
        %dma_start3A_356 = arith.constant 0 : i32
        %dma_start3A_357 = tpu.memref_slice %arg3[%add3A, %mul3A_351, %dma_start3A_356] : memref<32x152x128xi32, #tpu.memory_space<hbm>> -> memref<1x8x128xi32, #tpu.memory_space<hbm>>
        %dma_start3A_358 = tpu.memref_squeeze %dma_start3A_357 : memref<1x8x128xi32, #tpu.memory_space<hbm>> -> memref<8x128xi32, #tpu.memory_space<hbm>>
        %dma_start3A_359 = arith.constant 0 : i32
        %dma_start3A_360 = arith.constant 0 : i32
        %dma_start3A_361 = tpu.memref_slice %arg6[%select_n3A_102, %dma_start3A_359, %dma_start3A_360] : memref<2x8x128xi32, #tpu.memory_space<vmem>> -> memref<1x8x128xi32, #tpu.memory_space<vmem>>
        %dma_start3A_362 = tpu.memref_squeeze %dma_start3A_361 : memref<1x8x128xi32, #tpu.memory_space<vmem>> -> memref<8x128xi32, #tpu.memory_space<vmem>>
        %dma_start3A_363 = arith.constant 0 : i32
        %dma_start3A_364 = tpu.memref_slice %arg3[%add3A, %mul3A_351, %dma_start3A_363] : memref<32x152x128xi32, #tpu.memory_space<hbm>> -> memref<1x8x128xi32, #tpu.memory_space<hbm>>
        %dma_start3A_365 = tpu.memref_squeeze %dma_start3A_364 : memref<1x8x128xi32, #tpu.memory_space<hbm>> -> memref<8x128xi32, #tpu.memory_space<hbm>>
        tpu.enqueue_dma source(%dma_start3A_365 : memref<8x128xi32, #tpu.memory_space<hbm>>) target(%dma_start3A_362 : memref<8x128xi32, #tpu.memory_space<vmem>>) target_semaphore(%arg11 : memref<!tpu.dma_semaphore, #tpu.memory_space<semaphore_mem>>)
        %add3A_366 = arith.constant 1 : i32
        %add3A_367 = arith.addi %while3A_70, %add3A_366 : i32
        %mul3A_368 = arith.constant 8 : i32
        %mul3A_369 = arith.muli %add3A_367, %mul3A_368 : i32
        %dma_start3A_370 = arith.constant 0 : i32
        %dma_start3A_371 = arith.constant 0 : i32
        %dma_start3A_372 = tpu.memref_slice %arg7[%select_n3A_102, %dma_start3A_370, %dma_start3A_371] : memref<2x8x128xi32, #tpu.memory_space<vmem>> -> memref<1x8x128xi32, #tpu.memory_space<vmem>>
        %dma_start3A_373 = tpu.memref_squeeze %dma_start3A_372 : memref<1x8x128xi32, #tpu.memory_space<vmem>> -> memref<8x128xi32, #tpu.memory_space<vmem>>
        %dma_start3A_374 = arith.constant 0 : i32
        %dma_start3A_375 = tpu.memref_slice %arg4[%add3A, %mul3A_369, %dma_start3A_374] : memref<32x152x128xi32, #tpu.memory_space<hbm>> -> memref<1x8x128xi32, #tpu.memory_space<hbm>>
        %dma_start3A_376 = tpu.memref_squeeze %dma_start3A_375 : memref<1x8x128xi32, #tpu.memory_space<hbm>> -> memref<8x128xi32, #tpu.memory_space<hbm>>
        %dma_start3A_377 = arith.constant 0 : i32
        %dma_start3A_378 = arith.constant 0 : i32
        %dma_start3A_379 = tpu.memref_slice %arg7[%select_n3A_102, %dma_start3A_377, %dma_start3A_378] : memref<2x8x128xi32, #tpu.memory_space<vmem>> -> memref<1x8x128xi32, #tpu.memory_space<vmem>>
        %dma_start3A_380 = tpu.memref_squeeze %dma_start3A_379 : memref<1x8x128xi32, #tpu.memory_space<vmem>> -> memref<8x128xi32, #tpu.memory_space<vmem>>
        %dma_start3A_381 = arith.constant 0 : i32
        %dma_start3A_382 = tpu.memref_slice %arg4[%add3A, %mul3A_369, %dma_start3A_381] : memref<32x152x128xi32, #tpu.memory_space<hbm>> -> memref<1x8x128xi32, #tpu.memory_space<hbm>>
        %dma_start3A_383 = tpu.memref_squeeze %dma_start3A_382 : memref<1x8x128xi32, #tpu.memory_space<hbm>> -> memref<8x128xi32, #tpu.memory_space<hbm>>
        tpu.enqueue_dma source(%dma_start3A_383 : memref<8x128xi32, #tpu.memory_space<hbm>>) target(%dma_start3A_380 : memref<8x128xi32, #tpu.memory_space<vmem>>) target_semaphore(%arg11 : memref<!tpu.dma_semaphore, #tpu.memory_space<semaphore_mem>>)
      } else {
      }
      %dma_start3A_131 = arith.constant 1 : i32
      %dma_start3A_132 = arith.constant 0 : i32
      %dma_start3A_133 = tpu.memref_slice %arg6[%select_n3A_84, %dma_start3A_131, %dma_start3A_132] : memref<2x8x128xi32, #tpu.memory_space<vmem>> -> memref<1x1x128xi32, #tpu.memory_space<vmem>>
      %dma_start3A_134 = tpu.memref_squeeze %dma_start3A_133 : memref<1x1x128xi32, #tpu.memory_space<vmem>> -> memref<128xi32, #tpu.memory_space<vmem>>
      %dma_start3A_135 = arith.constant 0 : i32
      %dma_start3A_136 = arith.constant 0 : i32
      %dma_start3A_137 = tpu.memref_slice %arg2[%dma_start3A_135, %dma_start3A_136] : memref<10000x128xf32, #tpu.memory_space<hbm>> -> memref<10000x128xf32, #tpu.memory_space<hbm>>
      tpu.enqueue_indirect_dma source(%dma_start3A_137 : memref<10000x128xf32, #tpu.memory_space<hbm>>) target(%arg9 : memref<128x128xf32, #tpu.memory_space<vmem>>) offsets(%dma_start3A_134 : memref<128xi32, #tpu.memory_space<vmem>>) semaphore(%arg13 : memref<!tpu.dma_semaphore, #tpu.memory_space<semaphore_mem>>)
      %mul3A_138 = arith.constant 8 : i32
      %mul3A_139 = arith.muli %while3A_70, %mul3A_138 : i32
      %add3A_140 = arith.constant 1 : i32
      %add3A_141 = arith.addi %mul3A_139, %add3A_140 : i32
      %dma_wait3A_142 = arith.constant 1 : i32
      %dma_wait3A_143 = arith.constant 0 : i32
      %dma_wait3A_144 = tpu.memref_slice %arg6[%select_n3A_84, %dma_wait3A_142, %dma_wait3A_143] : memref<2x8x128xi32, #tpu.memory_space<vmem>> -> memref<1x1x128xi32, #tpu.memory_space<vmem>>
      %dma_wait3A_145 = tpu.memref_squeeze %dma_wait3A_144 : memref<1x1x128xi32, #tpu.memory_space<vmem>> -> memref<128xi32, #tpu.memory_space<vmem>>
      %dma_wait3A_146 = arith.constant 0 : i32
      %dma_wait3A_147 = arith.constant 0 : i32
      %dma_wait3A_148 = tpu.memref_slice %arg2[%dma_wait3A_146, %dma_wait3A_147] : memref<10000x128xf32, #tpu.memory_space<hbm>> -> memref<10000x128xf32, #tpu.memory_space<hbm>>
      tpu.wait_indirect_dma semaphore(%arg13 : memref<!tpu.dma_semaphore, #tpu.memory_space<semaphore_mem>>) src(%dma_wait3A_148 : memref<10000x128xf32, #tpu.memory_space<hbm>>) dst(%arg9 : memref<128x128xf32, #tpu.memory_space<vmem>>)
      %dma_start3A_149 = arith.constant 1 : i32
      %dma_start3A_150 = arith.constant 0 : i32
      %dma_start3A_151 = tpu.memref_slice %arg7[%select_n3A_84, %dma_start3A_149, %dma_start3A_150] : memref<2x8x128xi32, #tpu.memory_space<vmem>> -> memref<1x1x128xi32, #tpu.memory_space<vmem>>
      %dma_start3A_152 = tpu.memref_squeeze %dma_start3A_151 : memref<1x1x128xi32, #tpu.memory_space<vmem>> -> memref<128xi32, #tpu.memory_space<vmem>>
      %dma_start3A_153 = arith.constant 0 : i32
      %dma_start3A_154 = arith.constant 0 : i32
      %dma_start3A_155 = tpu.memref_slice %arg10[%dma_start3A_153, %dma_start3A_154] : memref<10112x128xf32, #tpu.memory_space<vmem_shared>> -> memref<10112x128xf32, #tpu.memory_space<vmem_shared>>
      tpu.enqueue_indirect_dma source(%arg9 : memref<128x128xf32, #tpu.memory_space<vmem>>) target(%dma_start3A_155 : memref<10112x128xf32, #tpu.memory_space<vmem_shared>>) offsets(%dma_start3A_152 : memref<128xi32, #tpu.memory_space<vmem>>) semaphore(%arg15 : memref<!tpu.dma_semaphore, #tpu.memory_space<semaphore_mem>>) {add = true}
      %ge3A_156 = arith.constant 1 : i32
      %ge3A_157 = arith.cmpi sge, %add3A_141, %ge3A_156 : i32
      %convert_element_type3A_158 = arith.extui %ge3A_157 : i1 to i32
      %cond3A_159 = arith.constant 0 : i32
      %cond3A_160 = arith.cmpi ne, %convert_element_type3A_158, %cond3A_159 : i32
      scf.if %cond3A_160 {
        %dma_wait3A_348 = arith.constant 1 : i32
        %dma_wait3A_349 = arith.constant 0 : i32
        %dma_wait3A_350 = tpu.memref_slice %arg7[%select_n3A_84, %dma_wait3A_348, %dma_wait3A_349] : memref<2x8x128xi32, #tpu.memory_space<vmem>> -> memref<1x1x128xi32, #tpu.memory_space<vmem>>
        %dma_wait3A_351 = tpu.memref_squeeze %dma_wait3A_350 : memref<1x1x128xi32, #tpu.memory_space<vmem>> -> memref<128xi32, #tpu.memory_space<vmem>>
        %dma_wait3A_352 = arith.constant 0 : i32
        %dma_wait3A_353 = arith.constant 0 : i32
        %dma_wait3A_354 = tpu.memref_slice %arg10[%dma_wait3A_352, %dma_wait3A_353] : memref<10112x128xf32, #tpu.memory_space<vmem_shared>> -> memref<10112x128xf32, #tpu.memory_space<vmem_shared>>
        tpu.wait_indirect_dma semaphore(%arg14 : memref<!tpu.dma_semaphore, #tpu.memory_space<semaphore_mem>>) src(%arg8 : memref<128x128xf32, #tpu.memory_space<vmem>>) dst(%dma_wait3A_354 : memref<10112x128xf32, #tpu.memory_space<vmem_shared>>)
      } else {
      }
      %dma_start3A_161 = arith.constant 2 : i32
      %dma_start3A_162 = arith.constant 0 : i32
      %dma_start3A_163 = tpu.memref_slice %arg6[%select_n3A_84, %dma_start3A_161, %dma_start3A_162] : memref<2x8x128xi32, #tpu.memory_space<vmem>> -> memref<1x1x128xi32, #tpu.memory_space<vmem>>
      %dma_start3A_164 = tpu.memref_squeeze %dma_start3A_163 : memref<1x1x128xi32, #tpu.memory_space<vmem>> -> memref<128xi32, #tpu.memory_space<vmem>>
      %dma_start3A_165 = arith.constant 0 : i32
      %dma_start3A_166 = arith.constant 0 : i32
      %dma_start3A_167 = tpu.memref_slice %arg2[%dma_start3A_165, %dma_start3A_166] : memref<10000x128xf32, #tpu.memory_space<hbm>> -> memref<10000x128xf32, #tpu.memory_space<hbm>>
      tpu.enqueue_indirect_dma source(%dma_start3A_167 : memref<10000x128xf32, #tpu.memory_space<hbm>>) target(%arg8 : memref<128x128xf32, #tpu.memory_space<vmem>>) offsets(%dma_start3A_164 : memref<128xi32, #tpu.memory_space<vmem>>) semaphore(%arg12 : memref<!tpu.dma_semaphore, #tpu.memory_space<semaphore_mem>>)
      %mul3A_168 = arith.constant 8 : i32
      %mul3A_169 = arith.muli %while3A_70, %mul3A_168 : i32
      %add3A_170 = arith.constant 2 : i32
      %add3A_171 = arith.addi %mul3A_169, %add3A_170 : i32
      %dma_wait3A_172 = arith.constant 2 : i32
      %dma_wait3A_173 = arith.constant 0 : i32
      %dma_wait3A_174 = tpu.memref_slice %arg6[%select_n3A_84, %dma_wait3A_172, %dma_wait3A_173] : memref<2x8x128xi32, #tpu.memory_space<vmem>> -> memref<1x1x128xi32, #tpu.memory_space<vmem>>
      %dma_wait3A_175 = tpu.memref_squeeze %dma_wait3A_174 : memref<1x1x128xi32, #tpu.memory_space<vmem>> -> memref<128xi32, #tpu.memory_space<vmem>>
      %dma_wait3A_176 = arith.constant 0 : i32
      %dma_wait3A_177 = arith.constant 0 : i32
      %dma_wait3A_178 = tpu.memref_slice %arg2[%dma_wait3A_176, %dma_wait3A_177] : memref<10000x128xf32, #tpu.memory_space<hbm>> -> memref<10000x128xf32, #tpu.memory_space<hbm>>
      tpu.wait_indirect_dma semaphore(%arg12 : memref<!tpu.dma_semaphore, #tpu.memory_space<semaphore_mem>>) src(%dma_wait3A_178 : memref<10000x128xf32, #tpu.memory_space<hbm>>) dst(%arg8 : memref<128x128xf32, #tpu.memory_space<vmem>>)
      %dma_start3A_179 = arith.constant 2 : i32
      %dma_start3A_180 = arith.constant 0 : i32
      %dma_start3A_181 = tpu.memref_slice %arg7[%select_n3A_84, %dma_start3A_179, %dma_start3A_180] : memref<2x8x128xi32, #tpu.memory_space<vmem>> -> memref<1x1x128xi32, #tpu.memory_space<vmem>>
      %dma_start3A_182 = tpu.memref_squeeze %dma_start3A_181 : memref<1x1x128xi32, #tpu.memory_space<vmem>> -> memref<128xi32, #tpu.memory_space<vmem>>
      %dma_start3A_183 = arith.constant 0 : i32
      %dma_start3A_184 = arith.constant 0 : i32
      %dma_start3A_185 = tpu.memref_slice %arg10[%dma_start3A_183, %dma_start3A_184] : memref<10112x128xf32, #tpu.memory_space<vmem_shared>> -> memref<10112x128xf32, #tpu.memory_space<vmem_shared>>
      tpu.enqueue_indirect_dma source(%arg8 : memref<128x128xf32, #tpu.memory_space<vmem>>) target(%dma_start3A_185 : memref<10112x128xf32, #tpu.memory_space<vmem_shared>>) offsets(%dma_start3A_182 : memref<128xi32, #tpu.memory_space<vmem>>) semaphore(%arg14 : memref<!tpu.dma_semaphore, #tpu.memory_space<semaphore_mem>>) {add = true}
      %ge3A_186 = arith.constant 1 : i32
      %ge3A_187 = arith.cmpi sge, %add3A_171, %ge3A_186 : i32
      %convert_element_type3A_188 = arith.extui %ge3A_187 : i1 to i32
      %cond3A_189 = arith.constant 0 : i32
      %cond3A_190 = arith.cmpi ne, %convert_element_type3A_188, %cond3A_189 : i32
      scf.if %cond3A_190 {
        %dma_wait3A_348 = arith.constant 2 : i32
        %dma_wait3A_349 = arith.constant 0 : i32
        %dma_wait3A_350 = tpu.memref_slice %arg7[%select_n3A_84, %dma_wait3A_348, %dma_wait3A_349] : memref<2x8x128xi32, #tpu.memory_space<vmem>> -> memref<1x1x128xi32, #tpu.memory_space<vmem>>
        %dma_wait3A_351 = tpu.memref_squeeze %dma_wait3A_350 : memref<1x1x128xi32, #tpu.memory_space<vmem>> -> memref<128xi32, #tpu.memory_space<vmem>>
        %dma_wait3A_352 = arith.constant 0 : i32
        %dma_wait3A_353 = arith.constant 0 : i32
        %dma_wait3A_354 = tpu.memref_slice %arg10[%dma_wait3A_352, %dma_wait3A_353] : memref<10112x128xf32, #tpu.memory_space<vmem_shared>> -> memref<10112x128xf32, #tpu.memory_space<vmem_shared>>
        tpu.wait_indirect_dma semaphore(%arg15 : memref<!tpu.dma_semaphore, #tpu.memory_space<semaphore_mem>>) src(%arg9 : memref<128x128xf32, #tpu.memory_space<vmem>>) dst(%dma_wait3A_354 : memref<10112x128xf32, #tpu.memory_space<vmem_shared>>)
      } else {
      }
      %dma_start3A_191 = arith.constant 3 : i32
      %dma_start3A_192 = arith.constant 0 : i32
      %dma_start3A_193 = tpu.memref_slice %arg6[%select_n3A_84, %dma_start3A_191, %dma_start3A_192] : memref<2x8x128xi32, #tpu.memory_space<vmem>> -> memref<1x1x128xi32, #tpu.memory_space<vmem>>
      %dma_start3A_194 = tpu.memref_squeeze %dma_start3A_193 : memref<1x1x128xi32, #tpu.memory_space<vmem>> -> memref<128xi32, #tpu.memory_space<vmem>>
      %dma_start3A_195 = arith.constant 0 : i32
      %dma_start3A_196 = arith.constant 0 : i32
      %dma_start3A_197 = tpu.memref_slice %arg2[%dma_start3A_195, %dma_start3A_196] : memref<10000x128xf32, #tpu.memory_space<hbm>> -> memref<10000x128xf32, #tpu.memory_space<hbm>>
      tpu.enqueue_indirect_dma source(%dma_start3A_197 : memref<10000x128xf32, #tpu.memory_space<hbm>>) target(%arg9 : memref<128x128xf32, #tpu.memory_space<vmem>>) offsets(%dma_start3A_194 : memref<128xi32, #tpu.memory_space<vmem>>) semaphore(%arg13 : memref<!tpu.dma_semaphore, #tpu.memory_space<semaphore_mem>>)
      %mul3A_198 = arith.constant 8 : i32
      %mul3A_199 = arith.muli %while3A_70, %mul3A_198 : i32
      %add3A_200 = arith.constant 3 : i32
      %add3A_201 = arith.addi %mul3A_199, %add3A_200 : i32
      %dma_wait3A_202 = arith.constant 3 : i32
      %dma_wait3A_203 = arith.constant 0 : i32
      %dma_wait3A_204 = tpu.memref_slice %arg6[%select_n3A_84, %dma_wait3A_202, %dma_wait3A_203] : memref<2x8x128xi32, #tpu.memory_space<vmem>> -> memref<1x1x128xi32, #tpu.memory_space<vmem>>
      %dma_wait3A_205 = tpu.memref_squeeze %dma_wait3A_204 : memref<1x1x128xi32, #tpu.memory_space<vmem>> -> memref<128xi32, #tpu.memory_space<vmem>>
      %dma_wait3A_206 = arith.constant 0 : i32
      %dma_wait3A_207 = arith.constant 0 : i32
      %dma_wait3A_208 = tpu.memref_slice %arg2[%dma_wait3A_206, %dma_wait3A_207] : memref<10000x128xf32, #tpu.memory_space<hbm>> -> memref<10000x128xf32, #tpu.memory_space<hbm>>
      tpu.wait_indirect_dma semaphore(%arg13 : memref<!tpu.dma_semaphore, #tpu.memory_space<semaphore_mem>>) src(%dma_wait3A_208 : memref<10000x128xf32, #tpu.memory_space<hbm>>) dst(%arg9 : memref<128x128xf32, #tpu.memory_space<vmem>>)
      %dma_start3A_209 = arith.constant 3 : i32
      %dma_start3A_210 = arith.constant 0 : i32
      %dma_start3A_211 = tpu.memref_slice %arg7[%select_n3A_84, %dma_start3A_209, %dma_start3A_210] : memref<2x8x128xi32, #tpu.memory_space<vmem>> -> memref<1x1x128xi32, #tpu.memory_space<vmem>>
      %dma_start3A_212 = tpu.memref_squeeze %dma_start3A_211 : memref<1x1x128xi32, #tpu.memory_space<vmem>> -> memref<128xi32, #tpu.memory_space<vmem>>
      %dma_start3A_213 = arith.constant 0 : i32
      %dma_start3A_214 = arith.constant 0 : i32
      %dma_start3A_215 = tpu.memref_slice %arg10[%dma_start3A_213, %dma_start3A_214] : memref<10112x128xf32, #tpu.memory_space<vmem_shared>> -> memref<10112x128xf32, #tpu.memory_space<vmem_shared>>
      tpu.enqueue_indirect_dma source(%arg9 : memref<128x128xf32, #tpu.memory_space<vmem>>) target(%dma_start3A_215 : memref<10112x128xf32, #tpu.memory_space<vmem_shared>>) offsets(%dma_start3A_212 : memref<128xi32, #tpu.memory_space<vmem>>) semaphore(%arg15 : memref<!tpu.dma_semaphore, #tpu.memory_space<semaphore_mem>>) {add = true}
      %ge3A_216 = arith.constant 1 : i32
      %ge3A_217 = arith.cmpi sge, %add3A_201, %ge3A_216 : i32
      %convert_element_type3A_218 = arith.extui %ge3A_217 : i1 to i32
      %cond3A_219 = arith.constant 0 : i32
      %cond3A_220 = arith.cmpi ne, %convert_element_type3A_218, %cond3A_219 : i32
      scf.if %cond3A_220 {
        %dma_wait3A_348 = arith.constant 3 : i32
        %dma_wait3A_349 = arith.constant 0 : i32
        %dma_wait3A_350 = tpu.memref_slice %arg7[%select_n3A_84, %dma_wait3A_348, %dma_wait3A_349] : memref<2x8x128xi32, #tpu.memory_space<vmem>> -> memref<1x1x128xi32, #tpu.memory_space<vmem>>
        %dma_wait3A_351 = tpu.memref_squeeze %dma_wait3A_350 : memref<1x1x128xi32, #tpu.memory_space<vmem>> -> memref<128xi32, #tpu.memory_space<vmem>>
        %dma_wait3A_352 = arith.constant 0 : i32
        %dma_wait3A_353 = arith.constant 0 : i32
        %dma_wait3A_354 = tpu.memref_slice %arg10[%dma_wait3A_352, %dma_wait3A_353] : memref<10112x128xf32, #tpu.memory_space<vmem_shared>> -> memref<10112x128xf32, #tpu.memory_space<vmem_shared>>
        tpu.wait_indirect_dma semaphore(%arg14 : memref<!tpu.dma_semaphore, #tpu.memory_space<semaphore_mem>>) src(%arg8 : memref<128x128xf32, #tpu.memory_space<vmem>>) dst(%dma_wait3A_354 : memref<10112x128xf32, #tpu.memory_space<vmem_shared>>)
      } else {
      }
      %dma_start3A_221 = arith.constant 4 : i32
      %dma_start3A_222 = arith.constant 0 : i32
      %dma_start3A_223 = tpu.memref_slice %arg6[%select_n3A_84, %dma_start3A_221, %dma_start3A_222] : memref<2x8x128xi32, #tpu.memory_space<vmem>> -> memref<1x1x128xi32, #tpu.memory_space<vmem>>
      %dma_start3A_224 = tpu.memref_squeeze %dma_start3A_223 : memref<1x1x128xi32, #tpu.memory_space<vmem>> -> memref<128xi32, #tpu.memory_space<vmem>>
      %dma_start3A_225 = arith.constant 0 : i32
      %dma_start3A_226 = arith.constant 0 : i32
      %dma_start3A_227 = tpu.memref_slice %arg2[%dma_start3A_225, %dma_start3A_226] : memref<10000x128xf32, #tpu.memory_space<hbm>> -> memref<10000x128xf32, #tpu.memory_space<hbm>>
      tpu.enqueue_indirect_dma source(%dma_start3A_227 : memref<10000x128xf32, #tpu.memory_space<hbm>>) target(%arg8 : memref<128x128xf32, #tpu.memory_space<vmem>>) offsets(%dma_start3A_224 : memref<128xi32, #tpu.memory_space<vmem>>) semaphore(%arg12 : memref<!tpu.dma_semaphore, #tpu.memory_space<semaphore_mem>>)
      %mul3A_228 = arith.constant 8 : i32
      %mul3A_229 = arith.muli %while3A_70, %mul3A_228 : i32
      %add3A_230 = arith.constant 4 : i32
      %add3A_231 = arith.addi %mul3A_229, %add3A_230 : i32
      %dma_wait3A_232 = arith.constant 4 : i32
      %dma_wait3A_233 = arith.constant 0 : i32
      %dma_wait3A_234 = tpu.memref_slice %arg6[%select_n3A_84, %dma_wait3A_232, %dma_wait3A_233] : memref<2x8x128xi32, #tpu.memory_space<vmem>> -> memref<1x1x128xi32, #tpu.memory_space<vmem>>
      %dma_wait3A_235 = tpu.memref_squeeze %dma_wait3A_234 : memref<1x1x128xi32, #tpu.memory_space<vmem>> -> memref<128xi32, #tpu.memory_space<vmem>>
      %dma_wait3A_236 = arith.constant 0 : i32
      %dma_wait3A_237 = arith.constant 0 : i32
      %dma_wait3A_238 = tpu.memref_slice %arg2[%dma_wait3A_236, %dma_wait3A_237] : memref<10000x128xf32, #tpu.memory_space<hbm>> -> memref<10000x128xf32, #tpu.memory_space<hbm>>
      tpu.wait_indirect_dma semaphore(%arg12 : memref<!tpu.dma_semaphore, #tpu.memory_space<semaphore_mem>>) src(%dma_wait3A_238 : memref<10000x128xf32, #tpu.memory_space<hbm>>) dst(%arg8 : memref<128x128xf32, #tpu.memory_space<vmem>>)
      %dma_start3A_239 = arith.constant 4 : i32
      %dma_start3A_240 = arith.constant 0 : i32
      %dma_start3A_241 = tpu.memref_slice %arg7[%select_n3A_84, %dma_start3A_239, %dma_start3A_240] : memref<2x8x128xi32, #tpu.memory_space<vmem>> -> memref<1x1x128xi32, #tpu.memory_space<vmem>>
      %dma_start3A_242 = tpu.memref_squeeze %dma_start3A_241 : memref<1x1x128xi32, #tpu.memory_space<vmem>> -> memref<128xi32, #tpu.memory_space<vmem>>
      %dma_start3A_243 = arith.constant 0 : i32
      %dma_start3A_244 = arith.constant 0 : i32
      %dma_start3A_245 = tpu.memref_slice %arg10[%dma_start3A_243, %dma_start3A_244] : memref<10112x128xf32, #tpu.memory_space<vmem_shared>> -> memref<10112x128xf32, #tpu.memory_space<vmem_shared>>
      tpu.enqueue_indirect_dma source(%arg8 : memref<128x128xf32, #tpu.memory_space<vmem>>) target(%dma_start3A_245 : memref<10112x128xf32, #tpu.memory_space<vmem_shared>>) offsets(%dma_start3A_242 : memref<128xi32, #tpu.memory_space<vmem>>) semaphore(%arg14 : memref<!tpu.dma_semaphore, #tpu.memory_space<semaphore_mem>>) {add = true}
      %ge3A_246 = arith.constant 1 : i32
      %ge3A_247 = arith.cmpi sge, %add3A_231, %ge3A_246 : i32
      %convert_element_type3A_248 = arith.extui %ge3A_247 : i1 to i32
      %cond3A_249 = arith.constant 0 : i32
      %cond3A_250 = arith.cmpi ne, %convert_element_type3A_248, %cond3A_249 : i32
      scf.if %cond3A_250 {
        %dma_wait3A_348 = arith.constant 4 : i32
        %dma_wait3A_349 = arith.constant 0 : i32
        %dma_wait3A_350 = tpu.memref_slice %arg7[%select_n3A_84, %dma_wait3A_348, %dma_wait3A_349] : memref<2x8x128xi32, #tpu.memory_space<vmem>> -> memref<1x1x128xi32, #tpu.memory_space<vmem>>
        %dma_wait3A_351 = tpu.memref_squeeze %dma_wait3A_350 : memref<1x1x128xi32, #tpu.memory_space<vmem>> -> memref<128xi32, #tpu.memory_space<vmem>>
        %dma_wait3A_352 = arith.constant 0 : i32
        %dma_wait3A_353 = arith.constant 0 : i32
        %dma_wait3A_354 = tpu.memref_slice %arg10[%dma_wait3A_352, %dma_wait3A_353] : memref<10112x128xf32, #tpu.memory_space<vmem_shared>> -> memref<10112x128xf32, #tpu.memory_space<vmem_shared>>
        tpu.wait_indirect_dma semaphore(%arg15 : memref<!tpu.dma_semaphore, #tpu.memory_space<semaphore_mem>>) src(%arg9 : memref<128x128xf32, #tpu.memory_space<vmem>>) dst(%dma_wait3A_354 : memref<10112x128xf32, #tpu.memory_space<vmem_shared>>)
      } else {
      }
      %dma_start3A_251 = arith.constant 5 : i32
      %dma_start3A_252 = arith.constant 0 : i32
      %dma_start3A_253 = tpu.memref_slice %arg6[%select_n3A_84, %dma_start3A_251, %dma_start3A_252] : memref<2x8x128xi32, #tpu.memory_space<vmem>> -> memref<1x1x128xi32, #tpu.memory_space<vmem>>
      %dma_start3A_254 = tpu.memref_squeeze %dma_start3A_253 : memref<1x1x128xi32, #tpu.memory_space<vmem>> -> memref<128xi32, #tpu.memory_space<vmem>>
      %dma_start3A_255 = arith.constant 0 : i32
      %dma_start3A_256 = arith.constant 0 : i32
      %dma_start3A_257 = tpu.memref_slice %arg2[%dma_start3A_255, %dma_start3A_256] : memref<10000x128xf32, #tpu.memory_space<hbm>> -> memref<10000x128xf32, #tpu.memory_space<hbm>>
      tpu.enqueue_indirect_dma source(%dma_start3A_257 : memref<10000x128xf32, #tpu.memory_space<hbm>>) target(%arg9 : memref<128x128xf32, #tpu.memory_space<vmem>>) offsets(%dma_start3A_254 : memref<128xi32, #tpu.memory_space<vmem>>) semaphore(%arg13 : memref<!tpu.dma_semaphore, #tpu.memory_space<semaphore_mem>>)
      %mul3A_258 = arith.constant 8 : i32
      %mul3A_259 = arith.muli %while3A_70, %mul3A_258 : i32
      %add3A_260 = arith.constant 5 : i32
      %add3A_261 = arith.addi %mul3A_259, %add3A_260 : i32
      %dma_wait3A_262 = arith.constant 5 : i32
      %dma_wait3A_263 = arith.constant 0 : i32
      %dma_wait3A_264 = tpu.memref_slice %arg6[%select_n3A_84, %dma_wait3A_262, %dma_wait3A_263] : memref<2x8x128xi32, #tpu.memory_space<vmem>> -> memref<1x1x128xi32, #tpu.memory_space<vmem>>
      %dma_wait3A_265 = tpu.memref_squeeze %dma_wait3A_264 : memref<1x1x128xi32, #tpu.memory_space<vmem>> -> memref<128xi32, #tpu.memory_space<vmem>>
      %dma_wait3A_266 = arith.constant 0 : i32
      %dma_wait3A_267 = arith.constant 0 : i32
      %dma_wait3A_268 = tpu.memref_slice %arg2[%dma_wait3A_266, %dma_wait3A_267] : memref<10000x128xf32, #tpu.memory_space<hbm>> -> memref<10000x128xf32, #tpu.memory_space<hbm>>
      tpu.wait_indirect_dma semaphore(%arg13 : memref<!tpu.dma_semaphore, #tpu.memory_space<semaphore_mem>>) src(%dma_wait3A_268 : memref<10000x128xf32, #tpu.memory_space<hbm>>) dst(%arg9 : memref<128x128xf32, #tpu.memory_space<vmem>>)
      %dma_start3A_269 = arith.constant 5 : i32
      %dma_start3A_270 = arith.constant 0 : i32
      %dma_start3A_271 = tpu.memref_slice %arg7[%select_n3A_84, %dma_start3A_269, %dma_start3A_270] : memref<2x8x128xi32, #tpu.memory_space<vmem>> -> memref<1x1x128xi32, #tpu.memory_space<vmem>>
      %dma_start3A_272 = tpu.memref_squeeze %dma_start3A_271 : memref<1x1x128xi32, #tpu.memory_space<vmem>> -> memref<128xi32, #tpu.memory_space<vmem>>
      %dma_start3A_273 = arith.constant 0 : i32
      %dma_start3A_274 = arith.constant 0 : i32
      %dma_start3A_275 = tpu.memref_slice %arg10[%dma_start3A_273, %dma_start3A_274] : memref<10112x128xf32, #tpu.memory_space<vmem_shared>> -> memref<10112x128xf32, #tpu.memory_space<vmem_shared>>
      tpu.enqueue_indirect_dma source(%arg9 : memref<128x128xf32, #tpu.memory_space<vmem>>) target(%dma_start3A_275 : memref<10112x128xf32, #tpu.memory_space<vmem_shared>>) offsets(%dma_start3A_272 : memref<128xi32, #tpu.memory_space<vmem>>) semaphore(%arg15 : memref<!tpu.dma_semaphore, #tpu.memory_space<semaphore_mem>>) {add = true}
      %ge3A_276 = arith.constant 1 : i32
      %ge3A_277 = arith.cmpi sge, %add3A_261, %ge3A_276 : i32
      %convert_element_type3A_278 = arith.extui %ge3A_277 : i1 to i32
      %cond3A_279 = arith.constant 0 : i32
      %cond3A_280 = arith.cmpi ne, %convert_element_type3A_278, %cond3A_279 : i32
      scf.if %cond3A_280 {
        %dma_wait3A_348 = arith.constant 5 : i32
        %dma_wait3A_349 = arith.constant 0 : i32
        %dma_wait3A_350 = tpu.memref_slice %arg7[%select_n3A_84, %dma_wait3A_348, %dma_wait3A_349] : memref<2x8x128xi32, #tpu.memory_space<vmem>> -> memref<1x1x128xi32, #tpu.memory_space<vmem>>
        %dma_wait3A_351 = tpu.memref_squeeze %dma_wait3A_350 : memref<1x1x128xi32, #tpu.memory_space<vmem>> -> memref<128xi32, #tpu.memory_space<vmem>>
        %dma_wait3A_352 = arith.constant 0 : i32
        %dma_wait3A_353 = arith.constant 0 : i32
        %dma_wait3A_354 = tpu.memref_slice %arg10[%dma_wait3A_352, %dma_wait3A_353] : memref<10112x128xf32, #tpu.memory_space<vmem_shared>> -> memref<10112x128xf32, #tpu.memory_space<vmem_shared>>
        tpu.wait_indirect_dma semaphore(%arg14 : memref<!tpu.dma_semaphore, #tpu.memory_space<semaphore_mem>>) src(%arg8 : memref<128x128xf32, #tpu.memory_space<vmem>>) dst(%dma_wait3A_354 : memref<10112x128xf32, #tpu.memory_space<vmem_shared>>)
      } else {
      }
      %dma_start3A_281 = arith.constant 6 : i32
      %dma_start3A_282 = arith.constant 0 : i32
      %dma_start3A_283 = tpu.memref_slice %arg6[%select_n3A_84, %dma_start3A_281, %dma_start3A_282] : memref<2x8x128xi32, #tpu.memory_space<vmem>> -> memref<1x1x128xi32, #tpu.memory_space<vmem>>
      %dma_start3A_284 = tpu.memref_squeeze %dma_start3A_283 : memref<1x1x128xi32, #tpu.memory_space<vmem>> -> memref<128xi32, #tpu.memory_space<vmem>>
      %dma_start3A_285 = arith.constant 0 : i32
      %dma_start3A_286 = arith.constant 0 : i32
      %dma_start3A_287 = tpu.memref_slice %arg2[%dma_start3A_285, %dma_start3A_286] : memref<10000x128xf32, #tpu.memory_space<hbm>> -> memref<10000x128xf32, #tpu.memory_space<hbm>>
      tpu.enqueue_indirect_dma source(%dma_start3A_287 : memref<10000x128xf32, #tpu.memory_space<hbm>>) target(%arg8 : memref<128x128xf32, #tpu.memory_space<vmem>>) offsets(%dma_start3A_284 : memref<128xi32, #tpu.memory_space<vmem>>) semaphore(%arg12 : memref<!tpu.dma_semaphore, #tpu.memory_space<semaphore_mem>>)
      %mul3A_288 = arith.constant 8 : i32
      %mul3A_289 = arith.muli %while3A_70, %mul3A_288 : i32
      %add3A_290 = arith.constant 6 : i32
      %add3A_291 = arith.addi %mul3A_289, %add3A_290 : i32
      %dma_wait3A_292 = arith.constant 6 : i32
      %dma_wait3A_293 = arith.constant 0 : i32
      %dma_wait3A_294 = tpu.memref_slice %arg6[%select_n3A_84, %dma_wait3A_292, %dma_wait3A_293] : memref<2x8x128xi32, #tpu.memory_space<vmem>> -> memref<1x1x128xi32, #tpu.memory_space<vmem>>
      %dma_wait3A_295 = tpu.memref_squeeze %dma_wait3A_294 : memref<1x1x128xi32, #tpu.memory_space<vmem>> -> memref<128xi32, #tpu.memory_space<vmem>>
      %dma_wait3A_296 = arith.constant 0 : i32
      %dma_wait3A_297 = arith.constant 0 : i32
      %dma_wait3A_298 = tpu.memref_slice %arg2[%dma_wait3A_296, %dma_wait3A_297] : memref<10000x128xf32, #tpu.memory_space<hbm>> -> memref<10000x128xf32, #tpu.memory_space<hbm>>
      tpu.wait_indirect_dma semaphore(%arg12 : memref<!tpu.dma_semaphore, #tpu.memory_space<semaphore_mem>>) src(%dma_wait3A_298 : memref<10000x128xf32, #tpu.memory_space<hbm>>) dst(%arg8 : memref<128x128xf32, #tpu.memory_space<vmem>>)
      %dma_start3A_299 = arith.constant 6 : i32
      %dma_start3A_300 = arith.constant 0 : i32
      %dma_start3A_301 = tpu.memref_slice %arg7[%select_n3A_84, %dma_start3A_299, %dma_start3A_300] : memref<2x8x128xi32, #tpu.memory_space<vmem>> -> memref<1x1x128xi32, #tpu.memory_space<vmem>>
      %dma_start3A_302 = tpu.memref_squeeze %dma_start3A_301 : memref<1x1x128xi32, #tpu.memory_space<vmem>> -> memref<128xi32, #tpu.memory_space<vmem>>
      %dma_start3A_303 = arith.constant 0 : i32
      %dma_start3A_304 = arith.constant 0 : i32
      %dma_start3A_305 = tpu.memref_slice %arg10[%dma_start3A_303, %dma_start3A_304] : memref<10112x128xf32, #tpu.memory_space<vmem_shared>> -> memref<10112x128xf32, #tpu.memory_space<vmem_shared>>
      tpu.enqueue_indirect_dma source(%arg8 : memref<128x128xf32, #tpu.memory_space<vmem>>) target(%dma_start3A_305 : memref<10112x128xf32, #tpu.memory_space<vmem_shared>>) offsets(%dma_start3A_302 : memref<128xi32, #tpu.memory_space<vmem>>) semaphore(%arg14 : memref<!tpu.dma_semaphore, #tpu.memory_space<semaphore_mem>>) {add = true}
      %ge3A_306 = arith.constant 1 : i32
      %ge3A_307 = arith.cmpi sge, %add3A_291, %ge3A_306 : i32
      %convert_element_type3A_308 = arith.extui %ge3A_307 : i1 to i32
      %cond3A_309 = arith.constant 0 : i32
      %cond3A_310 = arith.cmpi ne, %convert_element_type3A_308, %cond3A_309 : i32
      scf.if %cond3A_310 {
        %dma_wait3A_348 = arith.constant 6 : i32
        %dma_wait3A_349 = arith.constant 0 : i32
        %dma_wait3A_350 = tpu.memref_slice %arg7[%select_n3A_84, %dma_wait3A_348, %dma_wait3A_349] : memref<2x8x128xi32, #tpu.memory_space<vmem>> -> memref<1x1x128xi32, #tpu.memory_space<vmem>>
        %dma_wait3A_351 = tpu.memref_squeeze %dma_wait3A_350 : memref<1x1x128xi32, #tpu.memory_space<vmem>> -> memref<128xi32, #tpu.memory_space<vmem>>
        %dma_wait3A_352 = arith.constant 0 : i32
        %dma_wait3A_353 = arith.constant 0 : i32
        %dma_wait3A_354 = tpu.memref_slice %arg10[%dma_wait3A_352, %dma_wait3A_353] : memref<10112x128xf32, #tpu.memory_space<vmem_shared>> -> memref<10112x128xf32, #tpu.memory_space<vmem_shared>>
        tpu.wait_indirect_dma semaphore(%arg15 : memref<!tpu.dma_semaphore, #tpu.memory_space<semaphore_mem>>) src(%arg9 : memref<128x128xf32, #tpu.memory_space<vmem>>) dst(%dma_wait3A_354 : memref<10112x128xf32, #tpu.memory_space<vmem_shared>>)
      } else {
      }
      %dma_start3A_311 = arith.constant 7 : i32
      %dma_start3A_312 = arith.constant 0 : i32
      %dma_start3A_313 = tpu.memref_slice %arg6[%select_n3A_84, %dma_start3A_311, %dma_start3A_312] : memref<2x8x128xi32, #tpu.memory_space<vmem>> -> memref<1x1x128xi32, #tpu.memory_space<vmem>>
      %dma_start3A_314 = tpu.memref_squeeze %dma_start3A_313 : memref<1x1x128xi32, #tpu.memory_space<vmem>> -> memref<128xi32, #tpu.memory_space<vmem>>
      %dma_start3A_315 = arith.constant 0 : i32
      %dma_start3A_316 = arith.constant 0 : i32
      %dma_start3A_317 = tpu.memref_slice %arg2[%dma_start3A_315, %dma_start3A_316] : memref<10000x128xf32, #tpu.memory_space<hbm>> -> memref<10000x128xf32, #tpu.memory_space<hbm>>
      tpu.enqueue_indirect_dma source(%dma_start3A_317 : memref<10000x128xf32, #tpu.memory_space<hbm>>) target(%arg9 : memref<128x128xf32, #tpu.memory_space<vmem>>) offsets(%dma_start3A_314 : memref<128xi32, #tpu.memory_space<vmem>>) semaphore(%arg13 : memref<!tpu.dma_semaphore, #tpu.memory_space<semaphore_mem>>)
      %mul3A_318 = arith.constant 8 : i32
      %mul3A_319 = arith.muli %while3A_70, %mul3A_318 : i32
      %add3A_320 = arith.constant 7 : i32
      %add3A_321 = arith.addi %mul3A_319, %add3A_320 : i32
      %dma_wait3A_322 = arith.constant 7 : i32
      %dma_wait3A_323 = arith.constant 0 : i32
      %dma_wait3A_324 = tpu.memref_slice %arg6[%select_n3A_84, %dma_wait3A_322, %dma_wait3A_323] : memref<2x8x128xi32, #tpu.memory_space<vmem>> -> memref<1x1x128xi32, #tpu.memory_space<vmem>>
      %dma_wait3A_325 = tpu.memref_squeeze %dma_wait3A_324 : memref<1x1x128xi32, #tpu.memory_space<vmem>> -> memref<128xi32, #tpu.memory_space<vmem>>
      %dma_wait3A_326 = arith.constant 0 : i32
      %dma_wait3A_327 = arith.constant 0 : i32
      %dma_wait3A_328 = tpu.memref_slice %arg2[%dma_wait3A_326, %dma_wait3A_327] : memref<10000x128xf32, #tpu.memory_space<hbm>> -> memref<10000x128xf32, #tpu.memory_space<hbm>>
      tpu.wait_indirect_dma semaphore(%arg13 : memref<!tpu.dma_semaphore, #tpu.memory_space<semaphore_mem>>) src(%dma_wait3A_328 : memref<10000x128xf32, #tpu.memory_space<hbm>>) dst(%arg9 : memref<128x128xf32, #tpu.memory_space<vmem>>)
      %dma_start3A_329 = arith.constant 7 : i32
      %dma_start3A_330 = arith.constant 0 : i32
      %dma_start3A_331 = tpu.memref_slice %arg7[%select_n3A_84, %dma_start3A_329, %dma_start3A_330] : memref<2x8x128xi32, #tpu.memory_space<vmem>> -> memref<1x1x128xi32, #tpu.memory_space<vmem>>
      %dma_start3A_332 = tpu.memref_squeeze %dma_start3A_331 : memref<1x1x128xi32, #tpu.memory_space<vmem>> -> memref<128xi32, #tpu.memory_space<vmem>>
      %dma_start3A_333 = arith.constant 0 : i32
      %dma_start3A_334 = arith.constant 0 : i32
      %dma_start3A_335 = tpu.memref_slice %arg10[%dma_start3A_333, %dma_start3A_334] : memref<10112x128xf32, #tpu.memory_space<vmem_shared>> -> memref<10112x128xf32, #tpu.memory_space<vmem_shared>>
      tpu.enqueue_indirect_dma source(%arg9 : memref<128x128xf32, #tpu.memory_space<vmem>>) target(%dma_start3A_335 : memref<10112x128xf32, #tpu.memory_space<vmem_shared>>) offsets(%dma_start3A_332 : memref<128xi32, #tpu.memory_space<vmem>>) semaphore(%arg15 : memref<!tpu.dma_semaphore, #tpu.memory_space<semaphore_mem>>) {add = true}
      %ge3A_336 = arith.constant 1 : i32
      %ge3A_337 = arith.cmpi sge, %add3A_321, %ge3A_336 : i32
      %convert_element_type3A_338 = arith.extui %ge3A_337 : i1 to i32
      %cond3A_339 = arith.constant 0 : i32
      %cond3A_340 = arith.cmpi ne, %convert_element_type3A_338, %cond3A_339 : i32
      scf.if %cond3A_340 {
        %dma_wait3A_348 = arith.constant 7 : i32
        %dma_wait3A_349 = arith.constant 0 : i32
        %dma_wait3A_350 = tpu.memref_slice %arg7[%select_n3A_84, %dma_wait3A_348, %dma_wait3A_349] : memref<2x8x128xi32, #tpu.memory_space<vmem>> -> memref<1x1x128xi32, #tpu.memory_space<vmem>>
        %dma_wait3A_351 = tpu.memref_squeeze %dma_wait3A_350 : memref<1x1x128xi32, #tpu.memory_space<vmem>> -> memref<128xi32, #tpu.memory_space<vmem>>
        %dma_wait3A_352 = arith.constant 0 : i32
        %dma_wait3A_353 = arith.constant 0 : i32
        %dma_wait3A_354 = tpu.memref_slice %arg10[%dma_wait3A_352, %dma_wait3A_353] : memref<10112x128xf32, #tpu.memory_space<vmem_shared>> -> memref<10112x128xf32, #tpu.memory_space<vmem_shared>>
        tpu.wait_indirect_dma semaphore(%arg14 : memref<!tpu.dma_semaphore, #tpu.memory_space<semaphore_mem>>) src(%arg8 : memref<128x128xf32, #tpu.memory_space<vmem>>) dst(%dma_wait3A_354 : memref<10112x128xf32, #tpu.memory_space<vmem_shared>>)
      } else {
      }
      %add3A_341 = arith.constant 1 : i32
      %add3A_342 = arith.addi %while3A_70, %add3A_341 : i32
      %lt3A_343 = arith.cmpi slt, %add3A_342, %select_n3A : i32
      %convert_element_type3A_344 = arith.extui %lt3A_343 : i1 to i32
      %cond3A_345 = arith.constant 0 : i32
      %cond3A_346 = arith.cmpi ne, %convert_element_type3A_344, %cond3A_345 : i32
      scf.if %cond3A_346 {
        %add3A_348 = arith.constant 1 : i32
        %add3A_349 = arith.addi %while3A_70, %add3A_348 : i32
        %mul3A_350 = arith.constant 8 : i32
        %mul3A_351 = arith.muli %add3A_349, %mul3A_350 : i32
        %dma_wait3A_352 = arith.constant 0 : i32
        %dma_wait3A_353 = arith.constant 0 : i32
        %dma_wait3A_354 = tpu.memref_slice %arg6[%select_n3A_102, %dma_wait3A_352, %dma_wait3A_353] : memref<2x8x128xi32, #tpu.memory_space<vmem>> -> memref<1x8x128xi32, #tpu.memory_space<vmem>>
        %dma_wait3A_355 = tpu.memref_squeeze %dma_wait3A_354 : memref<1x8x128xi32, #tpu.memory_space<vmem>> -> memref<8x128xi32, #tpu.memory_space<vmem>>
        %dma_wait3A_356 = arith.constant 0 : i32
        %dma_wait3A_357 = tpu.memref_slice %arg3[%add3A, %mul3A_351, %dma_wait3A_356] : memref<32x152x128xi32, #tpu.memory_space<hbm>> -> memref<1x8x128xi32, #tpu.memory_space<hbm>>
        %dma_wait3A_358 = tpu.memref_squeeze %dma_wait3A_357 : memref<1x8x128xi32, #tpu.memory_space<hbm>> -> memref<8x128xi32, #tpu.memory_space<hbm>>
        %dma_wait3A_359 = arith.constant 0 : i32
        %dma_wait3A_360 = arith.constant 0 : i32
        %dma_wait3A_361 = tpu.memref_slice %arg6[%select_n3A_102, %dma_wait3A_359, %dma_wait3A_360] : memref<2x8x128xi32, #tpu.memory_space<vmem>> -> memref<1x8x128xi32, #tpu.memory_space<vmem>>
        %dma_wait3A_362 = tpu.memref_squeeze %dma_wait3A_361 : memref<1x8x128xi32, #tpu.memory_space<vmem>> -> memref<8x128xi32, #tpu.memory_space<vmem>>
        %dma_wait3A_363 = arith.constant 0 : i32
        %dma_wait3A_364 = tpu.memref_slice %arg3[%add3A, %mul3A_351, %dma_wait3A_363] : memref<32x152x128xi32, #tpu.memory_space<hbm>> -> memref<1x8x128xi32, #tpu.memory_space<hbm>>
        %dma_wait3A_365 = tpu.memref_squeeze %dma_wait3A_364 : memref<1x8x128xi32, #tpu.memory_space<hbm>> -> memref<8x128xi32, #tpu.memory_space<hbm>>
        tpu.wait_dma2 semaphore(%arg11 : memref<!tpu.dma_semaphore, #tpu.memory_space<semaphore_mem>>) src(%dma_wait3A_365 : memref<8x128xi32, #tpu.memory_space<hbm>>) dst(%dma_wait3A_362 : memref<8x128xi32, #tpu.memory_space<vmem>>)
        %add3A_366 = arith.constant 1 : i32
        %add3A_367 = arith.addi %while3A_70, %add3A_366 : i32
        %mul3A_368 = arith.constant 8 : i32
        %mul3A_369 = arith.muli %add3A_367, %mul3A_368 : i32
        %dma_wait3A_370 = arith.constant 0 : i32
        %dma_wait3A_371 = arith.constant 0 : i32
        %dma_wait3A_372 = tpu.memref_slice %arg7[%select_n3A_102, %dma_wait3A_370, %dma_wait3A_371] : memref<2x8x128xi32, #tpu.memory_space<vmem>> -> memref<1x8x128xi32, #tpu.memory_space<vmem>>
        %dma_wait3A_373 = tpu.memref_squeeze %dma_wait3A_372 : memref<1x8x128xi32, #tpu.memory_space<vmem>> -> memref<8x128xi32, #tpu.memory_space<vmem>>
        %dma_wait3A_374 = arith.constant 0 : i32
        %dma_wait3A_375 = tpu.memref_slice %arg4[%add3A, %mul3A_369, %dma_wait3A_374] : memref<32x152x128xi32, #tpu.memory_space<hbm>> -> memref<1x8x128xi32, #tpu.memory_space<hbm>>
        %dma_wait3A_376 = tpu.memref_squeeze %dma_wait3A_375 : memref<1x8x128xi32, #tpu.memory_space<hbm>> -> memref<8x128xi32, #tpu.memory_space<hbm>>
        %dma_wait3A_377 = arith.constant 0 : i32
        %dma_wait3A_378 = arith.constant 0 : i32
        %dma_wait3A_379 = tpu.memref_slice %arg7[%select_n3A_102, %dma_wait3A_377, %dma_wait3A_378] : memref<2x8x128xi32, #tpu.memory_space<vmem>> -> memref<1x8x128xi32, #tpu.memory_space<vmem>>
        %dma_wait3A_380 = tpu.memref_squeeze %dma_wait3A_379 : memref<1x8x128xi32, #tpu.memory_space<vmem>> -> memref<8x128xi32, #tpu.memory_space<vmem>>
        %dma_wait3A_381 = arith.constant 0 : i32
        %dma_wait3A_382 = tpu.memref_slice %arg4[%add3A, %mul3A_369, %dma_wait3A_381] : memref<32x152x128xi32, #tpu.memory_space<hbm>> -> memref<1x8x128xi32, #tpu.memory_space<hbm>>
        %dma_wait3A_383 = tpu.memref_squeeze %dma_wait3A_382 : memref<1x8x128xi32, #tpu.memory_space<hbm>> -> memref<8x128xi32, #tpu.memory_space<hbm>>
        tpu.wait_dma2 semaphore(%arg11 : memref<!tpu.dma_semaphore, #tpu.memory_space<semaphore_mem>>) src(%dma_wait3A_383 : memref<8x128xi32, #tpu.memory_space<hbm>>) dst(%dma_wait3A_380 : memref<8x128xi32, #tpu.memory_space<vmem>>)
        %dma_start3A_384 = arith.constant 0 : i32
        %dma_start3A_385 = arith.constant 0 : i32
        %dma_start3A_386 = tpu.memref_slice %arg6[%select_n3A_102, %dma_start3A_384, %dma_start3A_385] : memref<2x8x128xi32, #tpu.memory_space<vmem>> -> memref<1x1x128xi32, #tpu.memory_space<vmem>>
        %dma_start3A_387 = tpu.memref_squeeze %dma_start3A_386 : memref<1x1x128xi32, #tpu.memory_space<vmem>> -> memref<128xi32, #tpu.memory_space<vmem>>
        %dma_start3A_388 = arith.constant 0 : i32
        %dma_start3A_389 = arith.constant 0 : i32
        %dma_start3A_390 = tpu.memref_slice %arg2[%dma_start3A_388, %dma_start3A_389] : memref<10000x128xf32, #tpu.memory_space<hbm>> -> memref<10000x128xf32, #tpu.memory_space<hbm>>
        tpu.enqueue_indirect_dma source(%dma_start3A_390 : memref<10000x128xf32, #tpu.memory_space<hbm>>) target(%arg8 : memref<128x128xf32, #tpu.memory_space<vmem>>) offsets(%dma_start3A_387 : memref<128xi32, #tpu.memory_space<vmem>>) semaphore(%arg12 : memref<!tpu.dma_semaphore, #tpu.memory_space<semaphore_mem>>)
      } else {
      }
      %while3A_347 = arith.constant 0 : i32
      scf.yield %while3A_347 : i32
    }
    %dma_wait3A = arith.constant 0 : i32
    %dma_wait3A_62 = arith.constant 7 : i32
    %dma_wait3A_63 = arith.constant 0 : i32
    %dma_wait3A_64 = tpu.memref_slice %arg7[%dma_wait3A, %dma_wait3A_62, %dma_wait3A_63] : memref<2x8x128xi32, #tpu.memory_space<vmem>> -> memref<1x1x128xi32, #tpu.memory_space<vmem>>
    %dma_wait3A_65 = tpu.memref_squeeze %dma_wait3A_64 : memref<1x1x128xi32, #tpu.memory_space<vmem>> -> memref<128xi32, #tpu.memory_space<vmem>>
    %dma_wait3A_66 = arith.constant 0 : i32
    %dma_wait3A_67 = arith.constant 0 : i32
    %dma_wait3A_68 = tpu.memref_slice %arg10[%dma_wait3A_66, %dma_wait3A_67] : memref<10112x128xf32, #tpu.memory_space<vmem_shared>> -> memref<10112x128xf32, #tpu.memory_space<vmem_shared>>
    tpu.wait_indirect_dma semaphore(%arg15 : memref<!tpu.dma_semaphore, #tpu.memory_space<semaphore_mem>>) src(%arg9 : memref<128x128xf32, #tpu.memory_space<vmem>>) dst(%dma_wait3A_68 : memref<10112x128xf32, #tpu.memory_space<vmem_shared>>)
    %barrier3A_69 = arith.constant 0 : index
    tpu.barrier barrier_id(%barrier3A_69)
    "tpu.region"() ({
      %run_scoped3A_70 = tpu.sem_alloc : memref<!tpu.dma_semaphore, #tpu.memory_space<semaphore_mem>>
      %dma_start3A_71 = arith.constant 0 : i32
      %dma_start3A_72 = tpu.memref_slice %arg5[%arg0, %mul3A_2, %dma_start3A_71] : memref<2x10112x128xf32, #tpu.memory_space<hbm>> -> memref<1x632x128xf32, #tpu.memory_space<hbm>>
      %dma_start3A_73 = tpu.memref_squeeze %dma_start3A_72 : memref<1x632x128xf32, #tpu.memory_space<hbm>> -> memref<632x128xf32, #tpu.memory_space<hbm>>
      %dma_start3A_74 = arith.constant 0 : i32
      %dma_start3A_75 = tpu.memref_slice %arg10[%mul3A_2, %dma_start3A_74] : memref<10112x128xf32, #tpu.memory_space<vmem_shared>> -> memref<632x128xf32, #tpu.memory_space<vmem_shared>>
      tpu.enqueue_dma source(%dma_start3A_75 : memref<632x128xf32, #tpu.memory_space<vmem_shared>>) target(%dma_start3A_73 : memref<632x128xf32, #tpu.memory_space<hbm>>) target_semaphore(%run_scoped3A_70 : memref<!tpu.dma_semaphore, #tpu.memory_space<semaphore_mem>>)
      %dma_wait3A_76 = arith.constant 0 : i32
      %dma_wait3A_77 = tpu.memref_slice %arg5[%arg0, %mul3A_2, %dma_wait3A_76] : memref<2x10112x128xf32, #tpu.memory_space<hbm>> -> memref<1x632x128xf32, #tpu.memory_space<hbm>>
      %dma_wait3A_78 = tpu.memref_squeeze %dma_wait3A_77 : memref<1x632x128xf32, #tpu.memory_space<hbm>> -> memref<632x128xf32, #tpu.memory_space<hbm>>
      %dma_wait3A_79 = arith.constant 0 : i32
      %dma_wait3A_80 = tpu.memref_slice %arg10[%mul3A_2, %dma_wait3A_79] : memref<10112x128xf32, #tpu.memory_space<vmem_shared>> -> memref<632x128xf32, #tpu.memory_space<vmem_shared>>
      tpu.wait_dma2 semaphore(%run_scoped3A_70 : memref<!tpu.dma_semaphore, #tpu.memory_space<semaphore_mem>>) src(%dma_wait3A_80 : memref<632x128xf32, #tpu.memory_space<vmem_shared>>) dst(%dma_wait3A_78 : memref<632x128xf32, #tpu.memory_space<hbm>>)
      tpu.yield
    }) : () -> ()
    return
  }
}

module attributes {stable_mosaic.version = 14 : i64} {
  func.func @_tc_final_body(%arg0: i32, %arg1: memref<2x1000x128xf32, #tpu.memory_space<vmem>>, %arg2: memref<2x1000x1xf32, #tpu.memory_space<vmem>>, %arg3: memref<1000x128xf32, #tpu.memory_space<vmem>>, %arg4: memref<128x128xf32, #tpu.memory_space<vmem>>, %arg5: memref<1x128xf32, #tpu.memory_space<vmem>>, %arg6: memref<128x128xf32, #tpu.memory_space<vmem>>, %arg7: memref<128x128xf32, #tpu.memory_space<vmem>>, %arg8: memref<1x128xf32, #tpu.memory_space<vmem>>, %arg9: memref<1000x128xf32, #tpu.memory_space<vmem>>) attributes {dimension_semantics = [#tpu.dimension_semantics<arbitrary>], iteration_bounds = array<i64: 10>, scalar_prefetch = 0 : i64, scratch_operands = 0 : i64, tpu.core_type = #tpu.core_type<tc>, window_params = [{transform_indices = @transform_0, window_bounds = array<i64: 2, 1000, 128>}, {transform_indices = @transform_1, window_bounds = array<i64: 2, 1000, 1>}, {transform_indices = @transform_2, window_bounds = array<i64: 1000, 128>}, {pipeline_mode = #tpu.pipeline_mode<synchronous>, transform_indices = @transform_3, window_bounds = array<i64: 128, 128>}, {pipeline_mode = #tpu.pipeline_mode<synchronous>, transform_indices = @transform_4, window_bounds = array<i64: 1, 128>}, {pipeline_mode = #tpu.pipeline_mode<synchronous>, transform_indices = @transform_5, window_bounds = array<i64: 128, 128>}, {pipeline_mode = #tpu.pipeline_mode<synchronous>, transform_indices = @transform_6, window_bounds = array<i64: 128, 128>}, {pipeline_mode = #tpu.pipeline_mode<synchronous>, transform_indices = @transform_7, window_bounds = array<i64: 1, 128>}, {transform_indices = @transform_8, window_bounds = array<i64: 1000, 128>}]} {
    %get3A = arith.constant 0 : index
    %get3A_0 = arith.constant 0 : index
    %get3A_1 = arith.constant 0 : index
    %get3A_2 = vector.load %arg1[%get3A, %get3A_0, %get3A_1] : memref<2x1000x128xf32, #tpu.memory_space<vmem>>, vector<1x1000x128xf32>
    %get3A_3 = vector.shape_cast %get3A_2 : vector<1x1000x128xf32> to vector<1000x128xf32>
    %get3A_4 = arith.constant 1 : index
    %get3A_5 = arith.constant 0 : index
    %get3A_6 = arith.constant 0 : index
    %get3A_7 = vector.load %arg1[%get3A_4, %get3A_5, %get3A_6] : memref<2x1000x128xf32, #tpu.memory_space<vmem>>, vector<1x1000x128xf32>
    %get3A_8 = vector.shape_cast %get3A_7 : vector<1x1000x128xf32> to vector<1000x128xf32>
    %add3A = arith.addf %get3A_3, %get3A_8 : vector<1000x128xf32>
    %get3A_9 = arith.constant 0 : index
    %get3A_10 = arith.constant 0 : index
    %get3A_11 = arith.constant 0 : index
    %get3A_12 = vector.load %arg2[%get3A_9, %get3A_10, %get3A_11] : memref<2x1000x1xf32, #tpu.memory_space<vmem>>, vector<1x1000x1xf32>
    %get3A_13 = vector.shape_cast %get3A_12 : vector<1x1000x1xf32> to vector<1000x1xf32>
    %get3A_14 = arith.constant 1 : index
    %get3A_15 = arith.constant 0 : index
    %get3A_16 = arith.constant 0 : index
    %get3A_17 = vector.load %arg2[%get3A_14, %get3A_15, %get3A_16] : memref<2x1000x1xf32, #tpu.memory_space<vmem>>, vector<1x1000x1xf32>
    %get3A_18 = vector.shape_cast %get3A_17 : vector<1x1000x1xf32> to vector<1000x1xf32>
    %add3A_19 = arith.addf %get3A_13, %get3A_18 : vector<1000x1xf32>
    %max3A = arith.constant 1.000000e+00 : f32
    %max3A_20 = vector.broadcast %max3A : f32 to vector<1000x1xf32>
    %max3A_21 = arith.maximumf %add3A_19, %max3A_20 : vector<1000x1xf32>
    %div3A = arith.constant 1.000000e+00 : f32
    %div3A_22 = vector.broadcast %div3A : f32 to vector<1000x1xf32>
    %div3A_23 = arith.divf %div3A_22, %max3A_21 : vector<1000x1xf32>
    %mul3A = vector.broadcast %div3A_23 : vector<1000x1xf32> to vector<1000x128xf32>
    %mul3A_24 = arith.mulf %add3A, %mul3A : vector<1000x128xf32>
    %get3A_25 = arith.constant 0 : index
    %get3A_26 = arith.constant 0 : index
    %get3A_27 = vector.load %arg4[%get3A_25, %get3A_26] : memref<128x128xf32, #tpu.memory_space<vmem>>, vector<128x128xf32>
    %dot_general3A = arith.constant dense<0.000000e+00> : vector<1000x128xf32>
    %dot_general3A_28 = tpu.matmul %mul3A_24, %get3A_27, %dot_general3A {dimension_numbers = #tpu.dot_dimension_numbers<[1], [0], [0], [1], [0, 0, 1, 1], [], []>, transpose_lhs_hint = false} : vector<1000x128xf32>, vector<128x128xf32>, vector<1000x128xf32> -> vector<1000x128xf32>
    %get3A_29 = arith.constant 0 : index
    %get3A_30 = arith.constant 0 : index
    %get3A_31 = vector.load %arg3[%get3A_29, %get3A_30] : memref<1000x128xf32, #tpu.memory_space<vmem>>, vector<1000x128xf32>
    %get3A_32 = arith.constant 0 : index
    %get3A_33 = arith.constant 0 : index
    %get3A_34 = vector.load %arg6[%get3A_32, %get3A_33] : memref<128x128xf32, #tpu.memory_space<vmem>>, vector<128x128xf32>
    %dot_general3A_35 = arith.constant dense<0.000000e+00> : vector<1000x128xf32>
    %dot_general3A_36 = tpu.matmul %get3A_31, %get3A_34, %dot_general3A_35 {dimension_numbers = #tpu.dot_dimension_numbers<[1], [0], [0], [1], [0, 0, 1, 1], [], []>, transpose_lhs_hint = false} : vector<1000x128xf32>, vector<128x128xf32>, vector<1000x128xf32> -> vector<1000x128xf32>
    %add3A_37 = arith.addf %dot_general3A_28, %dot_general3A_36 : vector<1000x128xf32>
    %get3A_38 = arith.constant 0 : index
    %get3A_39 = arith.constant 0 : index
    %get3A_40 = vector.load %arg5[%get3A_38, %get3A_39] : memref<1x128xf32, #tpu.memory_space<vmem>>, vector<1x128xf32>
    %add3A_41 = vector.broadcast %get3A_40 : vector<1x128xf32> to vector<1000x128xf32>
    %add3A_42 = arith.addf %add3A_37, %add3A_41 : vector<1000x128xf32>
    %tanh3A = math.tanh %add3A_42 : vector<1000x128xf32>
    %get3A_43 = arith.constant 0 : index
    %get3A_44 = arith.constant 0 : index
    %get3A_45 = vector.load %arg7[%get3A_43, %get3A_44] : memref<128x128xf32, #tpu.memory_space<vmem>>, vector<128x128xf32>
    %dot_general3A_46 = arith.constant dense<0.000000e+00> : vector<1000x128xf32>
    %dot_general3A_47 = tpu.matmul %tanh3A, %get3A_45, %dot_general3A_46 {dimension_numbers = #tpu.dot_dimension_numbers<[1], [0], [0], [1], [0, 0, 1, 1], [], []>, transpose_lhs_hint = false} : vector<1000x128xf32>, vector<128x128xf32>, vector<1000x128xf32> -> vector<1000x128xf32>
    %get3A_48 = arith.constant 0 : index
    %get3A_49 = arith.constant 0 : index
    %get3A_50 = vector.load %arg8[%get3A_48, %get3A_49] : memref<1x128xf32, #tpu.memory_space<vmem>>, vector<1x128xf32>
    %add3A_51 = vector.broadcast %get3A_50 : vector<1x128xf32> to vector<1000x128xf32>
    %add3A_52 = arith.addf %dot_general3A_47, %add3A_51 : vector<1000x128xf32>
    %reduce_max3A = arith.constant dense<0xFF800000> : vector<1000xf32>
    %reduce_max3A_53 = vector.multi_reduction <maximumf>, %add3A_52, %reduce_max3A [1] : vector<1000x128xf32> to vector<1000xf32>
    %broadcast_in_dim3A = vector.shape_cast %reduce_max3A_53 : vector<1000xf32> to vector<1000x1xf32>
    %sub3A = vector.broadcast %broadcast_in_dim3A : vector<1000x1xf32> to vector<1000x128xf32>
    %sub3A_54 = arith.subf %add3A_52, %sub3A : vector<1000x128xf32>
    %exp3A = math.exp %sub3A_54 : vector<1000x128xf32>
    %reduce_sum3A = arith.constant dense<0.000000e+00> : vector<1000xf32>
    %reduce_sum3A_55 = vector.multi_reduction <add>, %exp3A, %reduce_sum3A [1] : vector<1000x128xf32> to vector<1000xf32>
    %broadcast_in_dim3A_56 = vector.shape_cast %reduce_sum3A_55 : vector<1000xf32> to vector<1000x1xf32>
    %div3A_57 = vector.broadcast %broadcast_in_dim3A_56 : vector<1000x1xf32> to vector<1000x128xf32>
    %div3A_58 = arith.divf %exp3A, %div3A_57 : vector<1000x128xf32>
    %swap3A = arith.constant 0 : index
    %swap3A_59 = arith.constant 0 : index
    %swap3A_60 = vector.load %arg9[%swap3A, %swap3A_59] : memref<1000x128xf32, #tpu.memory_space<vmem>>, vector<1000x128xf32>
    tpu.vector_store %arg9[%swap3A, %swap3A_59], %div3A_58 {strides = array<i32>} : memref<1000x128xf32, #tpu.memory_space<vmem>>, vector<1000x128xf32>,
    return
  }
  func.func @transform_0(%arg0: i32) -> (i32, i32, i32) {
    %c0_i32 = arith.constant 0 : i32
    %c0_i32_0 = arith.constant 0 : i32
    %c0_i32_1 = arith.constant 0 : i32
    return %c0_i32, %arg0, %c0_i32_0 : i32, i32, i32
  }
  func.func @transform_1(%arg0: i32) -> (i32, i32, i32) {
    %c0_i32 = arith.constant 0 : i32
    %c0_i32_0 = arith.constant 0 : i32
    %c0_i32_1 = arith.constant 0 : i32
    return %c0_i32, %arg0, %c0_i32_0 : i32, i32, i32
  }
  func.func @transform_2(%arg0: i32) -> (i32, i32) {
    %c0_i32 = arith.constant 0 : i32
    %c0_i32_0 = arith.constant 0 : i32
    return %arg0, %c0_i32 : i32, i32
  }
  func.func @transform_3(%arg0: i32) -> (i32, i32) {
    %c0_i32 = arith.constant 0 : i32
    %c0_i32_0 = arith.constant 0 : i32
    %c0_i32_1 = arith.constant 0 : i32
    return %c0_i32, %c0_i32_0 : i32, i32
  }
  func.func @transform_4(%arg0: i32) -> (i32, i32) {
    %c0_i32 = arith.constant 0 : i32
    %c0_i32_0 = arith.constant 0 : i32
    %c0_i32_1 = arith.constant 0 : i32
    return %c0_i32, %c0_i32_0 : i32, i32
  }
  func.func @transform_5(%arg0: i32) -> (i32, i32) {
    %c0_i32 = arith.constant 0 : i32
    %c0_i32_0 = arith.constant 0 : i32
    %c0_i32_1 = arith.constant 0 : i32
    return %c0_i32, %c0_i32_0 : i32, i32
  }
  func.func @transform_6(%arg0: i32) -> (i32, i32) {
    %c0_i32 = arith.constant 0 : i32
    %c0_i32_0 = arith.constant 0 : i32
    %c0_i32_1 = arith.constant 0 : i32
    return %c0_i32, %c0_i32_0 : i32, i32
  }
  func.func @transform_7(%arg0: i32) -> (i32, i32) {
    %c0_i32 = arith.constant 0 : i32
    %c0_i32_0 = arith.constant 0 : i32
    %c0_i32_1 = arith.constant 0 : i32
    return %c0_i32, %c0_i32_0 : i32, i32
  }
  func.func @transform_8(%arg0: i32) -> (i32, i32) {
    %c0_i32 = arith.constant 0 : i32
    %c0_i32_0 = arith.constant 0 : i32
    return %arg0, %c0_i32 : i32, i32
  }
}

module attributes {stable_mosaic.version = 14 : i64} {
  func.func @_tc_layer0_body(%arg0: i32, %arg1: memref<2x1000x128xf32, #tpu.memory_space<vmem>>, %arg2: memref<2x1000x1xf32, #tpu.memory_space<vmem>>, %arg3: memref<1000x128xf32, #tpu.memory_space<vmem>>, %arg4: memref<128x128xf32, #tpu.memory_space<vmem>>, %arg5: memref<1x128xf32, #tpu.memory_space<vmem>>, %arg6: memref<128x128xf32, #tpu.memory_space<vmem>>, %arg7: memref<1000x128xf32, #tpu.memory_space<vmem>>) attributes {dimension_semantics = [#tpu.dimension_semantics<arbitrary>], iteration_bounds = array<i64: 10>, scalar_prefetch = 0 : i64, scratch_operands = 0 : i64, tpu.core_type = #tpu.core_type<tc>, window_params = [{transform_indices = @transform_0, window_bounds = array<i64: 2, 1000, 128>}, {transform_indices = @transform_1, window_bounds = array<i64: 2, 1000, 1>}, {transform_indices = @transform_2, window_bounds = array<i64: 1000, 128>}, {pipeline_mode = #tpu.pipeline_mode<synchronous>, transform_indices = @transform_3, window_bounds = array<i64: 128, 128>}, {pipeline_mode = #tpu.pipeline_mode<synchronous>, transform_indices = @transform_4, window_bounds = array<i64: 1, 128>}, {pipeline_mode = #tpu.pipeline_mode<synchronous>, transform_indices = @transform_5, window_bounds = array<i64: 128, 128>}, {transform_indices = @transform_6, window_bounds = array<i64: 1000, 128>}]} {
    %get3A = arith.constant 0 : index
    %get3A_0 = arith.constant 0 : index
    %get3A_1 = arith.constant 0 : index
    %get3A_2 = vector.load %arg1[%get3A, %get3A_0, %get3A_1] : memref<2x1000x128xf32, #tpu.memory_space<vmem>>, vector<1x1000x128xf32>
    %get3A_3 = vector.shape_cast %get3A_2 : vector<1x1000x128xf32> to vector<1000x128xf32>
    %get3A_4 = arith.constant 1 : index
    %get3A_5 = arith.constant 0 : index
    %get3A_6 = arith.constant 0 : index
    %get3A_7 = vector.load %arg1[%get3A_4, %get3A_5, %get3A_6] : memref<2x1000x128xf32, #tpu.memory_space<vmem>>, vector<1x1000x128xf32>
    %get3A_8 = vector.shape_cast %get3A_7 : vector<1x1000x128xf32> to vector<1000x128xf32>
    %add3A = arith.addf %get3A_3, %get3A_8 : vector<1000x128xf32>
    %get3A_9 = arith.constant 0 : index
    %get3A_10 = arith.constant 0 : index
    %get3A_11 = arith.constant 0 : index
    %get3A_12 = vector.load %arg2[%get3A_9, %get3A_10, %get3A_11] : memref<2x1000x1xf32, #tpu.memory_space<vmem>>, vector<1x1000x1xf32>
    %get3A_13 = vector.shape_cast %get3A_12 : vector<1x1000x1xf32> to vector<1000x1xf32>
    %get3A_14 = arith.constant 1 : index
    %get3A_15 = arith.constant 0 : index
    %get3A_16 = arith.constant 0 : index
    %get3A_17 = vector.load %arg2[%get3A_14, %get3A_15, %get3A_16] : memref<2x1000x1xf32, #tpu.memory_space<vmem>>, vector<1x1000x1xf32>
    %get3A_18 = vector.shape_cast %get3A_17 : vector<1x1000x1xf32> to vector<1000x1xf32>
    %add3A_19 = arith.addf %get3A_13, %get3A_18 : vector<1000x1xf32>
    %max3A = arith.constant 1.000000e+00 : f32
    %max3A_20 = vector.broadcast %max3A : f32 to vector<1000x1xf32>
    %max3A_21 = arith.maximumf %add3A_19, %max3A_20 : vector<1000x1xf32>
    %div3A = arith.constant 1.000000e+00 : f32
    %div3A_22 = vector.broadcast %div3A : f32 to vector<1000x1xf32>
    %div3A_23 = arith.divf %div3A_22, %max3A_21 : vector<1000x1xf32>
    %mul3A = vector.broadcast %div3A_23 : vector<1000x1xf32> to vector<1000x128xf32>
    %mul3A_24 = arith.mulf %add3A, %mul3A : vector<1000x128xf32>
    %get3A_25 = arith.constant 0 : index
    %get3A_26 = arith.constant 0 : index
    %get3A_27 = vector.load %arg4[%get3A_25, %get3A_26] : memref<128x128xf32, #tpu.memory_space<vmem>>, vector<128x128xf32>
    %dot_general3A = arith.constant dense<0.000000e+00> : vector<1000x128xf32>
    %dot_general3A_28 = tpu.matmul %mul3A_24, %get3A_27, %dot_general3A {dimension_numbers = #tpu.dot_dimension_numbers<[1], [0], [0], [1], [0, 0, 1, 1], [], []>, transpose_lhs_hint = false} : vector<1000x128xf32>, vector<128x128xf32>, vector<1000x128xf32> -> vector<1000x128xf32>
    %get3A_29 = arith.constant 0 : index
    %get3A_30 = arith.constant 0 : index
    %get3A_31 = vector.load %arg3[%get3A_29, %get3A_30] : memref<1000x128xf32, #tpu.memory_space<vmem>>, vector<1000x128xf32>
    %get3A_32 = arith.constant 0 : index
    %get3A_33 = arith.constant 0 : index
    %get3A_34 = vector.load %arg6[%get3A_32, %get3A_33] : memref<128x128xf32, #tpu.memory_space<vmem>>, vector<128x128xf32>
    %dot_general3A_35 = arith.constant dense<0.000000e+00> : vector<1000x128xf32>
    %dot_general3A_36 = tpu.matmul %get3A_31, %get3A_34, %dot_general3A_35 {dimension_numbers = #tpu.dot_dimension_numbers<[1], [0], [0], [1], [0, 0, 1, 1], [], []>, transpose_lhs_hint = false} : vector<1000x128xf32>, vector<128x128xf32>, vector<1000x128xf32> -> vector<1000x128xf32>
    %add3A_37 = arith.addf %dot_general3A_28, %dot_general3A_36 : vector<1000x128xf32>
    %get3A_38 = arith.constant 0 : index
    %get3A_39 = arith.constant 0 : index
    %get3A_40 = vector.load %arg5[%get3A_38, %get3A_39] : memref<1x128xf32, #tpu.memory_space<vmem>>, vector<1x128xf32>
    %add3A_41 = vector.broadcast %get3A_40 : vector<1x128xf32> to vector<1000x128xf32>
    %add3A_42 = arith.addf %add3A_37, %add3A_41 : vector<1000x128xf32>
    %max3A_43 = arith.constant 0.000000e+00 : f32
    %max3A_44 = vector.broadcast %max3A_43 : f32 to vector<1000x128xf32>
    %max3A_45 = arith.maximumf %add3A_42, %max3A_44 : vector<1000x128xf32>
    %swap3A = arith.constant 0 : index
    %swap3A_46 = arith.constant 0 : index
    %swap3A_47 = vector.load %arg7[%swap3A, %swap3A_46] : memref<1000x128xf32, #tpu.memory_space<vmem>>, vector<1000x128xf32>
    tpu.vector_store %arg7[%swap3A, %swap3A_46], %max3A_45 {strides = array<i32>} : memref<1000x128xf32, #tpu.memory_space<vmem>>, vector<1000x128xf32>,
    return
  }
  func.func @transform_0(%arg0: i32) -> (i32, i32, i32) {
    %c0_i32 = arith.constant 0 : i32
    %c0_i32_0 = arith.constant 0 : i32
    %c0_i32_1 = arith.constant 0 : i32
    return %c0_i32, %arg0, %c0_i32_0 : i32, i32, i32
  }
  func.func @transform_1(%arg0: i32) -> (i32, i32, i32) {
    %c0_i32 = arith.constant 0 : i32
    %c0_i32_0 = arith.constant 0 : i32
    %c0_i32_1 = arith.constant 0 : i32
    return %c0_i32, %arg0, %c0_i32_0 : i32, i32, i32
  }
  func.func @transform_2(%arg0: i32) -> (i32, i32) {
    %c0_i32 = arith.constant 0 : i32
    %c0_i32_0 = arith.constant 0 : i32
    return %arg0, %c0_i32 : i32, i32
  }
  func.func @transform_3(%arg0: i32) -> (i32, i32) {
    %c0_i32 = arith.constant 0 : i32
    %c0_i32_0 = arith.constant 0 : i32
    %c0_i32_1 = arith.constant 0 : i32
    return %c0_i32, %c0_i32_0 : i32, i32
  }
  func.func @transform_4(%arg0: i32) -> (i32, i32) {
    %c0_i32 = arith.constant 0 : i32
    %c0_i32_0 = arith.constant 0 : i32
    %c0_i32_1 = arith.constant 0 : i32
    return %c0_i32, %c0_i32_0 : i32, i32
  }
  func.func @transform_5(%arg0: i32) -> (i32, i32) {
    %c0_i32 = arith.constant 0 : i32
    %c0_i32_0 = arith.constant 0 : i32
    %c0_i32_1 = arith.constant 0 : i32
    return %c0_i32, %c0_i32_0 : i32, i32
  }
  func.func @transform_6(%arg0: i32) -> (i32, i32) {
    %c0_i32 = arith.constant 0 : i32
    %c0_i32_0 = arith.constant 0 : i32
    return %arg0, %c0_i32 : i32, i32
  }
}

</mosaic_0001>

<sc_bundles>
// kernel: kernel.10.cloned.1.call-start
scs
__scs_entry_jumppad:
0x0: {  	(pc) =	sbr.rel $0x88, $3  }
0x1: {  	(tag) =	ssettag $0x0;
	lr =	simm.s32 $0x1  }
0x2: {  	[smem:$0x3F96] =	sst lr;
	_ =	strace $0xD0000000  }
0x3: {  	_ = 	snop  }
0x4: {  	_ = 	snop  }
0x5: {  	_ = 	snop  }
0x6: {  	_ = 	snop  }
0x7: {  	_ = 	snop  }
__scs_overlays_trampoline_lowered:
0x8: {  	[smem:$0x3FA5] =	sst s0  }
0x9: {  	[smem:$0x3FA6] =	sst s1  }
0xa: {  	[smem:$0x3FA7] =	sst s2  }
0xb: {  	[smem:$0x3FA8] =	sst s3  }
0xc: {  	[smem:$0x3FA9] =	sst s4  }
0xd: {  	[smem:$0x3FAA] =	sst s5  }
0xe: {  	[smem:$0x3FAB] =	sst s6  }
0xf: {  	[smem:$0x3FAC] =	sst s7  }
0x10: {  	[smem:$0x3FAD] =	sst s8  }
0x11: {  	[smem:$0x3FAE] =	sst s9;
	s0 =	simm.s32 @!p0 $0x0  }
0x12: {  	s1 =	sld [smem:$0x3F94];
	s0 =	simm.s32 @p0 $0x1  }
0x13: {  	[smem:$0x3FAF] =	sst s0;
	s0 =	simm.s32 @!p1 $0x0  }
0x14: {  	s2 =	sld [smem:$0x3F93];
	s0 =	simm.s32 @p1 $0x1  }
0x15: {  	[smem:$0x3FB0] =	sst s0;
	s0 =	simm.s32 @!p2 $0x0  }
0x16: {  	s3 =	sld [smem:$0x3FDB];
	s0 =	simm.s32 @p2 $0x1  }
0x17: {  	s4 =	simm.s32 $0x1BF5;
	[smem:$0x3FB2] =	sst s0  }
0x18: {  	s0 =	sld [smem:$0x3F95];
	_ =	swait.ge [sflag:s4], $0x0  }
0x19: {  	s7 =	sld [smem:$0x3F96]  }
0x1a: {  	s8 =	sadd.s32 $0xFFFFE003, lr  }
0x1b: {  	s9 =	sadd.s32 $0xFFFFFEF7, lr;
	s5 =	simm.s32 $0xFFFFFFFF;
	p2 =	slt.u32 s8, $0xFFFFF086  }
0x1c: {  	p1 =	slt.u32 s9, $0xF7A;
	s5 =	simm.s32 @!p2 $0x0  }
0x1d: {  	s5 =	simm.s32 @p1 $0x1;
	p0 =	seq.s32 s7, s2  }
0x1e: {  	s7 =	smul.u32 @!p0 $0xF7A, s2;
	p2 =	seq.s32 @!p0 s5, $0x0  }
0x1f: {  	s9 =	smul.u32 $0xF7A, s1;
	s8 =	simm.s32 @!p0 $0x1BF5;
	p2 =	por !p2, p0  }
0x20: {  	[sflag:s8] =	ssyncset.s32 @!p0 $0xFFFFF086;
	s6 =	sadd.s32 @!p0 s3, s7;
	s7 =	simm.s32 @!p0 $0x108  }
0x21: {  	s3 =	sadd.s32 s3, s9;
	s6 =	sadd.s32 @!p0 $0x88, s6;
	s7 =	simm.s32 @p2 $0x1082  }
0x22: {  	[simem:s7], [sflag:s8] =	dma.local @!p0 [hbm:s6], $0xF7A  }
0x23: {  	s9 =	sor.u32 $0xD0000000, s2;
	s6 =	simm.s32 $0x108;
	_ =	swait.ge @!p0 [sflag:s8], $0x0  }
0x24: {  	s3 =	sadd.s32 $0x88, s3;
	s6 =	simm.s32 @!p1 $0x1082;
	[sflag:s4] =	ssyncset.s32 $0xFFFFF086  }
0x25: {  	[simem:s6], [sflag:s4] =	dma.local [hbm:s3], $0xF7A  }
0x26: {  	[smem:$0x3F96] =	sst s1;
	(tag) =	ssettag s2;
	_ =	strace s9  }
0x27: {  	s1 =	sld [smem:$0x3FA6]  }
0x28: {  	s2 =	sld [smem:$0x3FA7]  }
0x29: {  	s4 =	sld [smem:$0x3FA9]  }
0x2a: {  	p0 =	seq.s32 s5, $0x0;
	s5 =	sld [smem:$0x3FAA]  }
0x2b: {  	s6 =	sld [smem:$0x3FAB]  }
0x2c: {  	s7 =	sld [smem:$0x3FAC]  }
0x2d: {  	s3 =	simm.s32 $0x108;
	s8 =	sld [smem:$0x3FAD]  }
0x2e: {  	s3 =	simm.s32 @!p0 $0x1082;
	s9 =	sld [smem:$0x3FAE]  }
0x2f: {  	lr =	sadd.s32 s0, s3;
	s0 =	sld [smem:$0x3FA5]  }
0x30: {  	s3 =	sld [smem:$0x3FA8]  }
0x31: {  	[smem:$0x3FB1] =	sst s10  }
0x32: {  	s10 =	sld [smem:$0x3FAF];
	_ =	sdelay $0x3  }
0x33: {  	p0 =	seq.s32 s10, $0x1;
	s10 =	sld [smem:$0x3FB1];
	_ =	sdelay $0x3  }
0x34: {  	[smem:$0x3FB1] =	sst s10  }
0x35: {  	s10 =	sld [smem:$0x3FB0];
	_ =	sdelay $0x3  }
0x36: {  	p1 =	seq.s32 s10, $0x1;
	s10 =	sld [smem:$0x3FB1];
	_ =	sdelay $0x3  }
0x37: {  	[smem:$0x3FB1] =	sst s10  }
0x38: {  	s10 =	sld [smem:$0x3FB2]  }
0x39: {  	_ = 	snop;
	(pc) =	sbr.ind lr, $3  }
0x3a: {  	_ = 	snop  }
0x3b: {  	_ = 	snop  }
0x3c: {  	p2 =	seq.s32 s10, $0x1;
	s10 =	sld [smem:$0x3FB1]  }
0x3d: {  	_ =	shalt  }
0x3e: {  	_ =	shalt  }
0x3f: {  	_ =	shalt  }
0x40: {  	_ =	shalt  }
0x41: {  	_ =	shalt  }
0x42: {  	_ =	shalt  }
0x43: {  	_ =	shalt  }
0x44: {  	_ =	shalt  }
0x45: {  	_ =	shalt  }
0x46: {  	_ =	shalt  }
0x47: {  	_ =	shalt  }
0x48: {  	_ =	shalt  }
0x49: {  	_ =	shalt  }
0x4a: {  	_ =	shalt  }
0x4b: {  	_ =	shalt  }
0x4c: {  	_ =	shalt  }
0x4d: {  	_ =	shalt  }
0x4e: {  	_ =	shalt  }
0x4f: {  	_ =	shalt  }
0x50: {  	_ =	shalt  }
0x51: {  	_ =	shalt  }
0x52: {  	_ =	shalt  }
0x53: {  	_ =	shalt  }
0x54: {  	_ =	shalt  }
0x55: {  	_ =	shalt  }
0x56: {  	_ =	shalt  }
0x57: {  	_ =	shalt  }
0x58: {  	_ =	shalt  }
0x59: {  	_ =	shalt  }
0x5a: {  	_ =	shalt  }
0x5b: {  	_ =	shalt  }
0x5c: {  	_ =	shalt  }
0x5d: {  	_ =	shalt  }
0x5e: {  	_ =	shalt  }
0x5f: {  	_ =	shalt  }
0x60: {  	_ =	shalt  }
0x61: {  	_ =	shalt  }
0x62: {  	_ =	shalt  }
0x63: {  	_ =	shalt  }
0x64: {  	_ =	shalt  }
0x65: {  	_ =	shalt  }
0x66: {  	_ =	shalt  }
0x67: {  	_ =	shalt  }
0x68: {  	_ =	shalt  }
0x69: {  	_ =	shalt  }
0x6a: {  	_ =	shalt  }
0x6b: {  	_ =	shalt  }
0x6c: {  	_ =	shalt  }
0x6d: {  	_ =	shalt  }
0x6e: {  	_ =	shalt  }
0x6f: {  	_ =	shalt  }
0x70: {  	_ =	shalt  }
0x71: {  	_ =	shalt  }
0x72: {  	_ =	shalt  }
0x73: {  	_ =	shalt  }
0x74: {  	_ =	shalt  }
0x75: {  	_ =	shalt  }
0x76: {  	_ =	shalt  }
0x77: {  	_ =	shalt  }
0x78: {  	_ =	shalt  }
0x79: {  	_ =	shalt  }
0x7a: {  	_ =	shalt  }
0x7b: {  	_ =	shalt  }
0x7c: {  	_ =	shalt  }
0x7d: {  	_ =	shalt  }
0x7e: {  	_ =	shalt  }
0x7f: {  	_ =	shalt  }
0x80: {  	_ =	shalt  }
0x81: {  	_ =	shalt  }
0x82: {  	_ =	shalt  }
0x83: {  	_ =	shalt  }
0x84: {  	_ =	shalt  }
0x85: {  	_ =	shalt  }
0x86: {  	_ =	shalt  }
0x87: {  	_ =	shalt  }
.Lfunc_end0:
.L_simem_size_0:
called_computation.1_lowered:
.L_overlay_start_0:
0x88: {  	s2 =	sld [smem:$0x3FD9]  }
0x89: {  	s3 =	sld [smem:$0x3FFE];
	_ =	sdelay $0x1  }
0x8a: {  	s1 =	srdreg.scid  }
0x8b: {  	s0 =	sand.u32 $0x1, s1  }
0x8c: {  	s17 =	sshll.u32 s0, $0xA;
	s2 =	sadd.s32 s3, s2  }
0x8d: {  	s2 =	sadd.s32 s2, s17  }
0x8e: {  	[smem:$0x3FBD] =	sst s2  }
0x8f: {  	_ = 	snop  }
0x90: {  	s2 =	sld [smem:$0x3FC9]  }
0x91: {  	s18 =	sld [smem:$0x3FD0];
	(tm) =	ssettm $0x1  }
0x92: {  	s4 =	sld [smem:$0x3FFB];
	_ =	sdelay $0x3  }
0x93: {  	_ =	strace s4  }
0x94: {  	s4 =	sld [smem:$0x3FFC];
	_ =	sdelay $0x3  }
0x95: {  	_ =	strace s4  }
0x96: {  	s4 =	sld [smem:$0x3FFD];
	_ =	sdelay $0x3  }
0x97: {  	_ =	strace s4  }
0x98: {  	_ =	strace $0x8FFFFFFF  }
0x99: {  	s19 =	sld [smem:$0x3FDB];
	_ =	sdelay $0x1  }
0x9a: {  	s5 =	simm.s32 $_scs_section_size  }
0x9b: {  	s6 =	simm.s32 $_size__tile_overlayer_lowered;
	s7 =	simm.s32 $_tile_overlayer_lowered  }
0x9c: {  	s22 =	simm.s32 $0x1BFF;
	s21 =	sshll.u32 s7, $0x1;
	s4 =	sadd.s32 s5, s19  }
0x9d: {  	s8 =	simm.s32 $0x0;
	s20 =	sshll.u32 s6, $0x1;
	s6 =	sadd.s32 s21, s4  }
0x9e: {  	[timem:s8], [sflag:s22] =	dma.local [hbm:s6], s20  }
0x9f: {  	_ =	swait.ge [sflag:s22], s20  }
0xa0: {  	s5 =	ssub.s32 $0x0, s20;
	[sflag:s22] =	ssyncset.done $0x0  }
0xa1: {  	[sflag:s22] =	ssyncadd.s32 s5;
	_ =	sdelay $0x1  }
0xa2: {  	s23 =	simm.s32 $0x1B8B  }
0xa3: {  	_ =	swait.ge [sflag:s23], $0x1  }
0xa4: {  	[sflag:s23] =	ssyncset.done $0x0  }
0xa5: {  	s25 =	simm.s32 $0x1B8E;
	s24 =	sld [smem:$0x3FFE];
	[sflag:s23] =	ssyncadd.s32 $0xFFFFFFFF  }
0xa6: {  	s26 =	simm.s32 $execute0_lowered;
	[smem:$0x3FD2] =	sst s25  }
0xa7: {  	s6 =	sshll.u32 s26, $0x1;
	_ =	strace $0x80000049;
	[dreg:$0x1] =	wrdreg $0xFFFFFFFF  }
0xa8: {  	s28 =	simm.s32 $_size_execute0_lowered;
	s4 =	sadd.s32 s4, s6;
	[dreg:$0x0] =	wrdreg $0x0  }
0xa9: {  	s6 =	sshll.u32 s28, $0x1;
	[dreg:$0x2] =	wrdreg s4  }
0xaa: {  	[dreg:$0x3] =	wrdreg s6  }
0xab: {  	[dreg:$0x4] =	wrdreg $0xC0  }
0xac: {  	_ =	task [dreg:s8], $0x5FFFF  }
0xad: {  	[dreg:$0x1] =	wrdreg $0xFFFFFFFF  }
0xae: {  	[dreg:$0x0] =	wrdreg $0x60  }
0xaf: {  	[dreg:$0x2] =	wrdreg s2  }
0xb0: {  	[dreg:$0x3] =	wrdreg s18  }
0xb1: {  	[dreg:$0x4] =	wrdreg s24  }
0xb2: {  	[dreg:$0x5] =	wrdreg $0x90000  }
0xb3: {  	[dreg:$0x6] =	wrdreg $0x9  }
0xb4: {  	_ =	task.clear_ibuf [dreg:s8], $0x7FFFF;
	_ =	strace $0x90000049  }
0xb5: {  	s29 =	simm.s32 $0x9;
	_ =	strace $0x8000004B  }
0xb6: {  	_ =	swait.ge [sflag:s29], $0x1  }
0xb7: {  	[sflag:s29] =	ssyncadd.s32 $0xFFFFFFFF  }
0xb8: {  	_ =	strace $0x9000004B  }
0xb9: {  	_ =	sfence  }
0xba: {  	s30 =	sld [smem:$0x0];
	_ =	sdelay $0x2  }
0xbb: {  	s31 =	sshll.u32 s1, $0xD;
	s1 =	sshrl.u32 s1, $0x2  }
0xbc: {  	s3 =	sand.u32 $0x4000, s31;
	s1 =	sadd.s32 s1, s30  }
0xbd: {  	s0 =	sor.u32 s3, s0;
	s1 =	sshll.u32 s1, $0x11  }
0xbe: {  	s0 =	sor.u32 s1, s0  }
0xbf: {  	s0 =	sadd.s32 $0x8F2B, s0  }
0xc0: {  	[sflag:s0] =	ssyncadd.remote.s32 $0x1  }
0xc1: {  	_ =	sfence.sel $0xFFFF  }
0xc2: {  	[dreg:$0x0] =	wrdreg $0xFFFFFFFF;
	(pc) =	sbr.abs _section_cstart, $3  }
0xc3: {  	[dreg:$0x1] =	wrdreg $0xFFFFFFFF  }
0xc4: {  	_ =	task.clear_ibuf [dreg:s8], $0x2FFFF;
	_ =	strace $0x9FFFFFFF  }
0xc5: {  	(tm) =	ssettm $0x7FFFFFFF  }
tec
execute0_lowered:
.L_overlay_start_1:
0x0: {  	(tag) =	ssettag $0x1  }
0x1: {  	s0 =	rddreg [dreg:$0x0]  }
0x2: {  	s2 =	rddreg [dreg:$0x1];
	s1 =	srdreg.scid  }
0x3: {  	s7 =	rddreg [dreg:$0x2];
	s26 =	stileid.u32  }
0x4: {  	s4 =	rddreg [dreg:$0x3];
	s5 =	simm.s32 $0x0;
	s20 =	simm.s32 $0x80  }
0x5: {  	s21 =	simm.s32 $0x2;
	s22 =	simm.s32 $0x5000;
	s8 =	smul.u32 $0x13C00, s26  }
0x6: {  	s23 =	simm.s32 $0x3;
	s24 =	simm.s32 $0x4;
	s17 =	smul.u32 $0x4F000, s26  }
0x7: {  	s14 =	sand.u32 $0x1, s1;
	[smem:$0x7FF] =	sst s5;
	s19 =	smul.u32 $0x4C00, s26  }
0x8: {  	s10 =	sshll.u32 s26, $0xE;
	s6 =	smul.u32 $0x13C000, s14;
	_ =	strace $0x8000004A  }
0x9: {  	s28 =	ssub.s32 $0x2, s14;
	s29 =	sshll.u32 s14, $0x4;
	s18 =	smul.u32 $0x4C000, s14  }
0xa: {  	p0 =	seq.s32 s14, $0x0;
	s14 =	simm.s32 $0x13;
	s9 =	sshrl.u32 s28, $0x1  }
0xb: {  	s14 =	simm.s32 @!p0 $0x1;
	s17 =	sshrl.u32 s17, $0x2;
	p0 =	seq.s32 s26, $0xF  }
0xc: {  	s8 =	sadd.s32 s8, s6;
	s6 =	sadd.s32 $0xEC00, s7;
	s16 =	ssub.s32 s28, s9  }
0xd: {  	s18 =	sadd.s32 s19, s18;
	s25 =	sadd.s32 s17, s4;
	s31 =	sshll.u32 s14, $0xA  }
0xe: {  	s17 =	simm.s32 $0x1000;
	s8 =	sshrl.u32 s8, $0x3;
	s30 =	sadd.s32 $0x400, s18  }
0xf: {  	s16 =	smax.u32 s16, $0x1;
	[dreg:$0x6] =	wrdreg s31;
	s18 =	simm.s32 $0x6  }
0x10: {  	s25 =	sshrl.u32 s25, $0x3;
	s15 =	sadd.s32 s8, s7;
	s8 =	sor.u32 s26, s29  }
0x11: {  	s7 =	sadd.s32 s10, s4;
	[dreg:$0x5] =	wrdreg s30;
	s11 =	smul.u32 $0x4C00, s8  }
0x12: {  	s26 =	simm.s32 $0x5;
	s8 =	sadd.s32 $0x40000, s7;
	s9 =	sadd.s32 $0x80000, s7  }
0x13: {  	s10 =	sadd.s32 $0xC0000, s7;
	s15 =	sadd.s32 $0x21C00, s15;
	s13 =	sshrl.u32 s11, $0x3  }
0x14: {  	v0 =	vimm.f32 $0.0e+00;
	s11 =	sadd.s32 $0x100000, s7;
	s12 =	sadd.s32 s2, s13;
	s13 =	sadd.s32 s6, s13  }
.LBB2_1:
0x15: {  	s28 =	simm.s32 $0x0;
	s29 =	simm.s32 $0x200  }
.LBB2_2:
0x16: {  	p1 =	sne.s32 s29, $0xFE00;
	[tilespmem:s28+$0x1070] =	vst v0  }
0x17: {  	[tilespmem:s28+$0x1000] =	vst v0  }
0x18: {  	[tilespmem:s28+$0x1010] =	vst v0  }
.Ltmp0:
0x19: {  	[tilespmem:s28+$0x1020] =	vst v0;
	(pc) =	sbr.rel @p1 .LBB2_2-.Ltmp0, $4  }
0x1a: {  	[tilespmem:s28+$0x1030] =	vst v0  }
0x1b: {  	[tilespmem:s28+$0x1040] =	vst v0  }
0x1c: {  	[tilespmem:s28+$0x1050] =	vst v0  }
0x1d: {  	[tilespmem:s28+$0x1060] =	vst v0;
	s28 =	sshra.s32 s29, $0x2;
	s29 =	sadd.s32 $0x200, s29  }
0x1e: {  	[tilespmem:s28+$0x1070] =	vst v0  }
0x1f: {  	[tilespmem:s28+$0x1000] =	vst v0  }
0x20: {  	[tilespmem:s28+$0x1010] =	vst v0  }
0x21: {  	[tilespmem:s28+$0x1020] =	vst v0  }
0x22: {  	[tilespmem:s28+$0x1030] =	vst v0  }
0x23: {  	[tilespmem:s28+$0x1040] =	vst v0  }
0x24: {  	[tilespmem:s28+$0x1050] =	vst v0  }
0x25: {  	[tilespmem:s28+$0x1060] =	vst v0  }
0x26: {  	[spmem:s7] =	stream.linear.scatter [tilespmem:s17], [sflag:$0x6], $0x4000, $0x38;
	[tilespmem:$0x1CC00] =	vst v63  }
0x27: {  	_ =	swait.ge [sflag:s18], $0x4000  }
0x28: {  	[sflag:s18] =	ssyncset.done $0x0  }
0x29: {  	[sflag:s18] =	ssyncadd.s32 $0xFFFFC000  }
0x2a: {  	[spmem:s8] =	stream.linear.scatter [tilespmem:s17], [sflag:$0x6], $0x4000, $0x38;
	[tilespmem:$0x1CC00] =	vst v63  }
0x2b: {  	_ =	swait.ge [sflag:s18], $0x4000  }
0x2c: {  	[sflag:s18] =	ssyncset.done $0x0  }
0x2d: {  	[sflag:s18] =	ssyncadd.s32 $0xFFFFC000  }
0x2e: {  	[spmem:s9] =	stream.linear.scatter [tilespmem:s17], [sflag:$0x6], $0x4000, $0x38;
	[tilespmem:$0x1CC00] =	vst v63  }
0x2f: {  	_ =	swait.ge [sflag:s18], $0x4000  }
0x30: {  	[sflag:s18] =	ssyncset.done $0x0  }
0x31: {  	[sflag:s18] =	ssyncadd.s32 $0xFFFFC000  }
0x32: {  	[spmem:s10] =	stream.linear.scatter [tilespmem:s17], [sflag:$0x6], $0x4000, $0x38;
	[tilespmem:$0x1CC00] =	vst v63  }
0x33: {  	_ =	swait.ge [sflag:s18], $0x4000  }
0x34: {  	[sflag:s18] =	ssyncset.done $0x0  }
0x35: {  	s28 =	simm.s32 @!p0 $0x1000;
	[sflag:s18] =	ssyncadd.s32 $0xFFFFC000  }
0x36: {  	[spmem:s11] =	stream.linear.scatter @!p0 [tilespmem:s28], [sflag:$0x6], $0x4000, $0x38;
	[tilespmem:$0x1CC00] =	vst v63  }
0x37: {  	s28 =	simm.s32 @!p0 $0x6  }
0x38: {  	_ =	swait.ge @!p0 [sflag:s28], $0x4000  }
0x39: {  	[sflag:s28] =	ssyncset.done @!p0 $0x0  }
0x3a: {  	[sflag:s28] =	ssyncadd.s32 @!p0 $0xFFFFC000;
	s28 =	simm.s32 $0x0  }
0x3b: {  	[tilespmem:s28], [sflag:$0x6] =	stream.linear.gather [hbm4b:s12+s28], $0x400, $0x38;
	[tilespmem:$0x1CC00] =	vst v63  }
0x3c: {  	_ =	swait.ge [sflag:s18], $0x400  }
0x3d: {  	[sflag:s18] =	ssyncset.done $0x0  }
0x3e: {  	s1 =	simm.s32 $0x800;
	[sflag:s18] =	ssyncadd.s32 $0xFFFFFC00  }
0x3f: {  	[tilespmem:s1], [sflag:$0x6] =	stream.linear.gather [hbm4b:s13+s28], $0x400, $0x38;
	[tilespmem:$0x1CC00] =	vst v63  }
0x40: {  	_ =	swait.ge [sflag:s18], $0x400  }
0x41: {  	[sflag:s18] =	ssyncset.done $0x0  }
0x42: {  	[sflag:s18] =	ssyncadd.s32 $0xFFFFFC00  }
0x43: {  	[tilespmem:s17], [sflag:$0x2] =	stream.indirect.gather [hbm4b:s0+s20], $0x80, s28, s20, $0xb8;
	[tilespmem:$0x1CC00] =	vst v63  }
0x44: {  	s29 =	simm.s32 $0x1;
	[bflag:$0x0] =	sbarrier.arrive $0xFFFF  }
.LBB2_4:
0x45: {  	_ =	swait.ge [sflag:s21], $0x4000  }
0x46: {  	s31 =	sand.u32 $0x400, s28;
	[sflag:s21] =	ssyncset.done $0x0  }
0x47: {  	p2 =	seq.s32 s28, $0x0;
	s30 =	sor.u32 $0x800, s31;
	[sflag:s21] =	ssyncadd.s32 $0xFFFFC000  }
0x48: {  	[spmem:s4] =	stream.indirect.scatter.add.f32 [tilespmem:s17], [sflag:$0x4], $0x80, s30, s20, $0xb8;
	[tilespmem:$0x1CC00] =	vst v63  }
0x49: {  	s30 =	simm.s32 @!p2 $0x5  }
0x4a: {  	_ =	swait.ge @!p2 [sflag:s30], $0x4000  }
0x4b: {  	p1 =	sge.u32 s29, s14;
	s3 =	rddreg [dreg:$0x5]  }
0x4c: {  	[sflag:s30] =	ssyncset.done @!p2 $0x0;
	s3 =	sadd.s32 @!p1 s28, s3  }
0x4d: {  	[sflag:s30] =	ssyncadd.s32 @!p2 $0xFFFFC000;
	s30 =	sand.u32 $0x1, s29;
	s3 =	sshrl.u32 @!p1 s3, $0x3  }
0x4e: {  	s19 =	simm.s32 @!p1 $0x0;
	s30 =	sshll.u32 @!p1 s30, $0xA;
	s1 =	sadd.s32 @!p1 s2, s3  }
0x4f: {  	[tilespmem:s30], [sflag:$0x1] =	stream.linear.gather @!p1 [hbm4b:s1+s19], $0x400, $0x38;
	[tilespmem:$0x1CC00] =	vst v63  }
0x50: {  	s3 =	sadd.s32 @!p1 s6, s3;
	s1 =	sor.u32 @!p1 $0x800, s30  }
0x51: {  	[tilespmem:s1], [sflag:$0x1] =	stream.linear.gather @!p1 [hbm4b:s3+s19], $0x400, $0x38;
	[tilespmem:$0x1CC00] =	vst v63  }
0x52: {  	s3 =	sor.u32 $0x80, s31  }
0x53: {  	[tilespmem:s22], [sflag:$0x3] =	stream.indirect.gather [hbm4b:s0+s20], $0x80, s3, s20, $0xb8;
	[tilespmem:$0x1CC00] =	vst v63  }
0x54: {  	_ =	swait.ge [sflag:s23], $0x4000  }
0x55: {  	[sflag:s23] =	ssyncset.done $0x0  }
0x56: {  	s19 =	sor.u32 $0x880, s31;
	[sflag:s23] =	ssyncadd.s32 $0xFFFFC000  }
0x57: {  	[spmem:s4] =	stream.indirect.scatter.add.f32 [tilespmem:s22], [sflag:$0x5], $0x80, s19, s20, $0xb8;
	[tilespmem:$0x1CC00] =	vst v63  }
0x58: {  	_ =	swait.ge [sflag:s24], $0x4000  }
0x59: {  	[sflag:s24] =	ssyncset.done $0x0  }
0x5a: {  	s3 =	sor.u32 $0x100, s31;
	[sflag:s24] =	ssyncadd.s32 $0xFFFFC000  }
0x5b: {  	[tilespmem:s17], [sflag:$0x2] =	stream.indirect.gather [hbm4b:s0+s20], $0x80, s3, s20, $0xb8;
	[tilespmem:$0x1CC00] =	vst v63  }
0x5c: {  	_ =	swait.ge [sflag:s21], $0x4000  }
0x5d: {  	[sflag:s21] =	ssyncset.done $0x0  }
0x5e: {  	s19 =	sor.u32 $0x900, s31;
	[sflag:s21] =	ssyncadd.s32 $0xFFFFC000  }
0x5f: {  	[spmem:s4] =	stream.indirect.scatter.add.f32 [tilespmem:s17], [sflag:$0x4], $0x80, s19, s20, $0xb8;
	[tilespmem:$0x1CC00] =	vst v63  }
0x60: {  	_ =	swait.ge [sflag:s26], $0x4000  }
0x61: {  	[sflag:s26] =	ssyncset.done $0x0  }
0x62: {  	s3 =	sor.u32 $0x180, s31;
	[sflag:s26] =	ssyncadd.s32 $0xFFFFC000  }
0x63: {  	[tilespmem:s22], [sflag:$0x3] =	stream.indirect.gather [hbm4b:s0+s20], $0x80, s3, s20, $0xb8;
	[tilespmem:$0x1CC00] =	vst v63  }
0x64: {  	_ =	swait.ge [sflag:s23], $0x4000  }
0x65: {  	[sflag:s23] =	ssyncset.done $0x0  }
0x66: {  	s19 =	sor.u32 $0x980, s31;
	[sflag:s23] =	ssyncadd.s32 $0xFFFFC000  }
0x67: {  	[spmem:s4] =	stream.indirect.scatter.add.f32 [tilespmem:s22], [sflag:$0x5], $0x80, s19, s20, $0xb8;
	[tilespmem:$0x1CC00] =	vst v63  }
0x68: {  	_ =	swait.ge [sflag:s24], $0x4000  }
0x69: {  	[sflag:s24] =	ssyncset.done $0x0  }
0x6a: {  	s3 =	sor.u32 $0x200, s31;
	[sflag:s24] =	ssyncadd.s32 $0xFFFFC000  }
0x6b: {  	[tilespmem:s17], [sflag:$0x2] =	stream.indirect.gather [hbm4b:s0+s20], $0x80, s3, s20, $0xb8;
	[tilespmem:$0x1CC00] =	vst v63  }
0x6c: {  	_ =	swait.ge [sflag:s21], $0x4000  }
0x6d: {  	[sflag:s21] =	ssyncset.done $0x0  }
0x6e: {  	s19 =	sor.u32 $0xA00, s31;
	[sflag:s21] =	ssyncadd.s32 $0xFFFFC000  }
0x6f: {  	[spmem:s4] =	stream.indirect.scatter.add.f32 [tilespmem:s17], [sflag:$0x4], $0x80, s19, s20, $0xb8;
	[tilespmem:$0x1CC00] =	vst v63  }
0x70: {  	_ =	swait.ge [sflag:s26], $0x4000  }
0x71: {  	[sflag:s26] =	ssyncset.done $0x0  }
0x72: {  	s3 =	sor.u32 $0x280, s31;
	[sflag:s26] =	ssyncadd.s32 $0xFFFFC000  }
0x73: {  	[tilespmem:s22], [sflag:$0x3] =	stream.indirect.gather [hbm4b:s0+s20], $0x80, s3, s20, $0xb8;
	[tilespmem:$0x1CC00] =	vst v63  }
0x74: {  	_ =	swait.ge [sflag:s23], $0x4000  }
0x75: {  	[sflag:s23] =	ssyncset.done $0x0  }
0x76: {  	s19 =	sor.u32 $0xA80, s31;
	[sflag:s23] =	ssyncadd.s32 $0xFFFFC000  }
0x77: {  	[spmem:s4] =	stream.indirect.scatter.add.f32 [tilespmem:s22], [sflag:$0x5], $0x80, s19, s20, $0xb8;
	[tilespmem:$0x1CC00] =	vst v63  }
0x78: {  	_ =	swait.ge [sflag:s24], $0x4000  }
0x79: {  	[sflag:s24] =	ssyncset.done $0x0  }
0x7a: {  	s3 =	sor.u32 $0x300, s31;
	[sflag:s24] =	ssyncadd.s32 $0xFFFFC000  }
0x7b: {  	[tilespmem:s17], [sflag:$0x2] =	stream.indirect.gather [hbm4b:s0+s20], $0x80, s3, s20, $0xb8;
	[tilespmem:$0x1CC00] =	vst v63  }
0x7c: {  	_ =	swait.ge [sflag:s21], $0x4000  }
0x7d: {  	[sflag:s21] =	ssyncset.done $0x0  }
0x7e: {  	s19 =	sor.u32 $0xB00, s31;
	[sflag:s21] =	ssyncadd.s32 $0xFFFFC000  }
0x7f: {  	[spmem:s4] =	stream.indirect.scatter.add.f32 [tilespmem:s17], [sflag:$0x4], $0x80, s19, s20, $0xb8;
	[tilespmem:$0x1CC00] =	vst v63  }
0x80: {  	_ =	swait.ge [sflag:s26], $0x4000  }
0x81: {  	[sflag:s26] =	ssyncset.done $0x0  }
0x82: {  	s3 =	sor.u32 $0x380, s31;
	[sflag:s26] =	ssyncadd.s32 $0xFFFFC000  }
0x83: {  	[tilespmem:s22], [sflag:$0x3] =	stream.indirect.gather [hbm4b:s0+s20], $0x80, s3, s20, $0xb8;
	[tilespmem:$0x1CC00] =	vst v63  }
0x84: {  	_ =	swait.ge [sflag:s23], $0x4000  }
0x85: {  	[sflag:s23] =	ssyncset.done $0x0  }
0x86: {  	s19 =	sor.u32 $0xB80, s31;
	[sflag:s23] =	ssyncadd.s32 $0xFFFFC000  }
0x87: {  	[spmem:s4] =	stream.indirect.scatter.add.f32 [tilespmem:s22], [sflag:$0x5], $0x80, s19, s20, $0xb8;
	[tilespmem:$0x1CC00] =	vst v63  }
0x88: {  	_ =	swait.ge [sflag:s24], $0x4000  }
0x89: {  	[sflag:s24] =	ssyncset.done $0x0  }
0x8a: {  	s1 =	simm.s32 @!p1 $0x1;
	[sflag:s24] =	ssyncadd.s32 $0xFFFFC000  }
0x8b: {  	_ =	swait.ge @!p1 [sflag:s1], $0x400  }
0x8c: {  	[sflag:s1] =	ssyncset.done @!p1 $0x0  }
0x8d: {  	[sflag:s1] =	ssyncadd.s32 @!p1 $0xFFFFFC00  }
0x8e: {  	_ =	swait.ge @!p1 [sflag:s1], $0x400  }
0x8f: {  	s28 =	sadd.s32 $0x400, s28;
	s3 =	simm.s32 @!p1 $0x1000;
	[sflag:s1] =	ssyncset.done @!p1 $0x0  }
0x90: {  	s31 =	rddreg [dreg:$0x6];
	[sflag:s1] =	ssyncadd.s32 @!p1 $0xFFFFFC00;
	s1 =	simm.s32 @!p1 $0x80  }
0x91: {  	[tilespmem:s3], [sflag:$0x2] =	stream.indirect.gather @!p1 [hbm4b:s0+s1], $0x80, s30, s1, $0xb8;
	[tilespmem:$0x1CC00] =	vst v63  }
0x92: {  	p1 =	sne.s32 s31, s28  }
.Ltmp1:
0x93: {  	_ = 	snop;
	(pc) =	sbr.rel @p1 .LBB2_4-.Ltmp1, $2  }
0x94: {  	_ =	sdelay $0x2  }
0x95: {  	s29 =	sadd.s32 $0x1, s29  }
0x96: {  	_ =	swait.ge [sflag:s26], $0x4000  }
0x97: {  	s1 =	stileid.u32;
	s5 =	sadd.s32 $0x1, s5;
	[sflag:s26] =	ssyncset.done $0x0  }
0x98: {  	s1 =	sshll.u32 s1, $0x6;
	p1 =	sne.s32 s5, s16;
	[sflag:s26] =	ssyncadd.s32 $0xFFFFC000  }
.Ltmp2:
0x99: {  	s1 =	sor.u32 $0x1C06, s1;
	[bflag:$0x0] =	sbarrier.arrive $0xFFFF;
	(pc) =	sbr.rel @p1 .LBB2_1-.Ltmp2, $4  }
0x9a: {  	[hbm:s15], [sflag:s1] =	dma.local [spmem:s25], $0x2780  }
0x9b: {  	_ =	swait.ge [sflag:s18], $0x2780  }
0x9c: {  	[sflag:s18] =	ssyncset.done $0x0  }
0x9d: {  	[sflag:s18] =	ssyncadd.s32 $0xFFFFD880  }
0x9e: {  	_ =	sfence.sel $0x180000  }
0x9f: {  	[bflag:$0x0] =	sbarrier.arrive $0xFFFF  }
0xa0: {  	_ =	strace $0x9000004A  }
0xa1: {  	s0 =	stileid.u32;
	[bflag:$0x2] =	sbarrier.arrive $0xFFFF  }
0xa2: {  	p0 =	sne.s32 s0, $0x0;
	s0 =	rddreg [dreg:$0x4]  }
0xa3: {  	s0 =	sadd.s32 @!p0 $0x100000, s0  }
0xa4: {  	[sflag:s0] =	ssyncadd.tile.s32 @!p0 $0x1;
	_ =	shalt  }
.Lfunc_end2:
_tile_overlayer_lowered:
.L_overlay_start_2:
0xa5: {  	(tag) =	ssettag $0x2  }
0xa6: {  	s0 =	rddreg [dreg:$0x0];
	s2 =	stileid.u32  }
0xa7: {  	s1 =	rddreg [dreg:$0x1];
	p0 =	sne.s32 s2, $0x0  }
0xa8: {  	s3 =	rddreg [dreg:$0x2];
	[bflag:$0x3] =	sbarrier.arrive $0xFFFF;
	s2 =	simm.s32 @!p0 $0x1C06  }
0xa9: {  	[timem:s3], [sflag:s2] =	dma.local @!p0 [hbm:s0], s1  }
0xaa: {  	s0 =	simm.s32 @!p0 $0x6  }
0xab: {  	_ =	swait.ge @!p0 [sflag:s0], s1  }
0xac: {  	s1 =	ssub.s32 @!p0 $0x0, s1;
	[sflag:s0] =	ssyncset.done @!p0 $0x0  }
0xad: {  	[sflag:s0] =	ssyncadd.s32 @!p0 s1  }
0xae: {  	[bflag:$0x3] =	sbarrier.arrive $0xFFFF  }
0xaf: {  	_ =	shalt  }

// kernel: kernel.13.cloned.1.call-start
scs
__scs_entry_jumppad:
0x0: {  	(pc) =	sbr.rel $0x88, $3  }
0x1: {  	(tag) =	ssettag $0x0;
	lr =	simm.s32 $0x1  }
0x2: {  	[smem:$0x3F96] =	sst lr;
	_ =	strace $0xD0000000  }
0x3: {  	_ = 	snop  }
0x4: {  	_ = 	snop  }
0x5: {  	_ = 	snop  }
0x6: {  	_ = 	snop  }
0x7: {  	_ = 	snop  }
__scs_overlays_trampoline_lowered:
0x8: {  	[smem:$0x3FA5] =	sst s0  }
0x9: {  	[smem:$0x3FA6] =	sst s1  }
0xa: {  	[smem:$0x3FA7] =	sst s2  }
0xb: {  	[smem:$0x3FA8] =	sst s3  }
0xc: {  	[smem:$0x3FA9] =	sst s4  }
0xd: {  	[smem:$0x3FAA] =	sst s5  }
0xe: {  	[smem:$0x3FAB] =	sst s6  }
0xf: {  	[smem:$0x3FAC] =	sst s7  }
0x10: {  	[smem:$0x3FAD] =	sst s8  }
0x11: {  	[smem:$0x3FAE] =	sst s9;
	s0 =	simm.s32 @!p0 $0x0  }
0x12: {  	s1 =	sld [smem:$0x3F94];
	s0 =	simm.s32 @p0 $0x1  }
0x13: {  	[smem:$0x3FAF] =	sst s0;
	s0 =	simm.s32 @!p1 $0x0  }
0x14: {  	s2 =	sld [smem:$0x3F93];
	s0 =	simm.s32 @p1 $0x1  }
0x15: {  	[smem:$0x3FB0] =	sst s0;
	s0 =	simm.s32 @!p2 $0x0  }
0x16: {  	s3 =	sld [smem:$0x3FDB];
	s0 =	simm.s32 @p2 $0x1  }
0x17: {  	s4 =	simm.s32 $0x1BF5;
	[smem:$0x3FB2] =	sst s0  }
0x18: {  	s0 =	sld [smem:$0x3F95];
	_ =	swait.ge [sflag:s4], $0x0  }
0x19: {  	s7 =	sld [smem:$0x3F96]  }
0x1a: {  	s8 =	sadd.s32 $0xFFFFE003, lr  }
0x1b: {  	s9 =	sadd.s32 $0xFFFFFEF7, lr;
	s5 =	simm.s32 $0xFFFFFFFF;
	p2 =	slt.u32 s8, $0xFFFFF086  }
0x1c: {  	p1 =	slt.u32 s9, $0xF7A;
	s5 =	simm.s32 @!p2 $0x0  }
0x1d: {  	s5 =	simm.s32 @p1 $0x1;
	p0 =	seq.s32 s7, s2  }
0x1e: {  	s7 =	smul.u32 @!p0 $0xF7A, s2;
	p2 =	seq.s32 @!p0 s5, $0x0  }
0x1f: {  	s9 =	smul.u32 $0xF7A, s1;
	s8 =	simm.s32 @!p0 $0x1BF5;
	p2 =	por !p2, p0  }
0x20: {  	[sflag:s8] =	ssyncset.s32 @!p0 $0xFFFFF086;
	s6 =	sadd.s32 @!p0 s3, s7;
	s7 =	simm.s32 @!p0 $0x108  }
0x21: {  	s3 =	sadd.s32 s3, s9;
	s6 =	sadd.s32 @!p0 $0x88, s6;
	s7 =	simm.s32 @p2 $0x1082  }
0x22: {  	[simem:s7], [sflag:s8] =	dma.local @!p0 [hbm:s6], $0xF7A  }
0x23: {  	s9 =	sor.u32 $0xD0000000, s2;
	s6 =	simm.s32 $0x108;
	_ =	swait.ge @!p0 [sflag:s8], $0x0  }
0x24: {  	s3 =	sadd.s32 $0x88, s3;
	s6 =	simm.s32 @!p1 $0x1082;
	[sflag:s4] =	ssyncset.s32 $0xFFFFF086  }
0x25: {  	[simem:s6], [sflag:s4] =	dma.local [hbm:s3], $0xF7A  }
0x26: {  	[smem:$0x3F96] =	sst s1;
	(tag) =	ssettag s2;
	_ =	strace s9  }
0x27: {  	s1 =	sld [smem:$0x3FA6]  }
0x28: {  	s2 =	sld [smem:$0x3FA7]  }
0x29: {  	s4 =	sld [smem:$0x3FA9]  }
0x2a: {  	p0 =	seq.s32 s5, $0x0;
	s5 =	sld [smem:$0x3FAA]  }
0x2b: {  	s6 =	sld [smem:$0x3FAB]  }
0x2c: {  	s7 =	sld [smem:$0x3FAC]  }
0x2d: {  	s3 =	simm.s32 $0x108;
	s8 =	sld [smem:$0x3FAD]  }
0x2e: {  	s3 =	simm.s32 @!p0 $0x1082;
	s9 =	sld [smem:$0x3FAE]  }
0x2f: {  	lr =	sadd.s32 s0, s3;
	s0 =	sld [smem:$0x3FA5]  }
0x30: {  	s3 =	sld [smem:$0x3FA8]  }
0x31: {  	[smem:$0x3FB1] =	sst s10  }
0x32: {  	s10 =	sld [smem:$0x3FAF];
	_ =	sdelay $0x3  }
0x33: {  	p0 =	seq.s32 s10, $0x1;
	s10 =	sld [smem:$0x3FB1];
	_ =	sdelay $0x3  }
0x34: {  	[smem:$0x3FB1] =	sst s10  }
0x35: {  	s10 =	sld [smem:$0x3FB0];
	_ =	sdelay $0x3  }
0x36: {  	p1 =	seq.s32 s10, $0x1;
	s10 =	sld [smem:$0x3FB1];
	_ =	sdelay $0x3  }
0x37: {  	[smem:$0x3FB1] =	sst s10  }
0x38: {  	s10 =	sld [smem:$0x3FB2]  }
0x39: {  	_ = 	snop;
	(pc) =	sbr.ind lr, $3  }
0x3a: {  	_ = 	snop  }
0x3b: {  	_ = 	snop  }
0x3c: {  	p2 =	seq.s32 s10, $0x1;
	s10 =	sld [smem:$0x3FB1]  }
0x3d: {  	_ =	shalt  }
0x3e: {  	_ =	shalt  }
0x3f: {  	_ =	shalt  }
0x40: {  	_ =	shalt  }
0x41: {  	_ =	shalt  }
0x42: {  	_ =	shalt  }
0x43: {  	_ =	shalt  }
0x44: {  	_ =	shalt  }
0x45: {  	_ =	shalt  }
0x46: {  	_ =	shalt  }
0x47: {  	_ =	shalt  }
0x48: {  	_ =	shalt  }
0x49: {  	_ =	shalt  }
0x4a: {  	_ =	shalt  }
0x4b: {  	_ =	shalt  }
0x4c: {  	_ =	shalt  }
0x4d: {  	_ =	shalt  }
0x4e: {  	_ =	shalt  }
0x4f: {  	_ =	shalt  }
0x50: {  	_ =	shalt  }
0x51: {  	_ =	shalt  }
0x52: {  	_ =	shalt  }
0x53: {  	_ =	shalt  }
0x54: {  	_ =	shalt  }
0x55: {  	_ =	shalt  }
0x56: {  	_ =	shalt  }
0x57: {  	_ =	shalt  }
0x58: {  	_ =	shalt  }
0x59: {  	_ =	shalt  }
0x5a: {  	_ =	shalt  }
0x5b: {  	_ =	shalt  }
0x5c: {  	_ =	shalt  }
0x5d: {  	_ =	shalt  }
0x5e: {  	_ =	shalt  }
0x5f: {  	_ =	shalt  }
0x60: {  	_ =	shalt  }
0x61: {  	_ =	shalt  }
0x62: {  	_ =	shalt  }
0x63: {  	_ =	shalt  }
0x64: {  	_ =	shalt  }
0x65: {  	_ =	shalt  }
0x66: {  	_ =	shalt  }
0x67: {  	_ =	shalt  }
0x68: {  	_ =	shalt  }
0x69: {  	_ =	shalt  }
0x6a: {  	_ =	shalt  }
0x6b: {  	_ =	shalt  }
0x6c: {  	_ =	shalt  }
0x6d: {  	_ =	shalt  }
0x6e: {  	_ =	shalt  }
0x6f: {  	_ =	shalt  }
0x70: {  	_ =	shalt  }
0x71: {  	_ =	shalt  }
0x72: {  	_ =	shalt  }
0x73: {  	_ =	shalt  }
0x74: {  	_ =	shalt  }
0x75: {  	_ =	shalt  }
0x76: {  	_ =	shalt  }
0x77: {  	_ =	shalt  }
0x78: {  	_ =	shalt  }
0x79: {  	_ =	shalt  }
0x7a: {  	_ =	shalt  }
0x7b: {  	_ =	shalt  }
0x7c: {  	_ =	shalt  }
0x7d: {  	_ =	shalt  }
0x7e: {  	_ =	shalt  }
0x7f: {  	_ =	shalt  }
0x80: {  	_ =	shalt  }
0x81: {  	_ =	shalt  }
0x82: {  	_ =	shalt  }
0x83: {  	_ =	shalt  }
0x84: {  	_ =	shalt  }
0x85: {  	_ =	shalt  }
0x86: {  	_ =	shalt  }
0x87: {  	_ =	shalt  }
.Lfunc_end0:
.L_simem_size_0:
called_computation.2_lowered:
.L_overlay_start_0:
0x88: {  	s2 =	sld [smem:$0x3FD9]  }
0x89: {  	s3 =	sld [smem:$0x3FFE];
	_ =	sdelay $0x1  }
0x8a: {  	s1 =	srdreg.scid  }
0x8b: {  	s0 =	sand.u32 $0x1, s1  }
0x8c: {  	s17 =	sshll.u32 s0, $0xA;
	s2 =	sadd.s32 s3, s2  }
0x8d: {  	s2 =	sadd.s32 s2, s17  }
0x8e: {  	[smem:$0x3FBD] =	sst s2  }
0x8f: {  	_ = 	snop  }
0x90: {  	s2 =	sld [smem:$0x3FD0];
	(tm) =	ssettm $0x1  }
0x91: {  	s18 =	sld [smem:$0x3FFB];
	_ =	sdelay $0x3  }
0x92: {  	_ =	strace s18  }
0x93: {  	s3 =	sld [smem:$0x3FFC];
	_ =	sdelay $0x3  }
0x94: {  	_ =	strace s3  }
0x95: {  	s3 =	sld [smem:$0x3FFD];
	_ =	sdelay $0x3  }
0x96: {  	_ =	strace s3  }
0x97: {  	_ =	strace $0x8FFFFFFF  }
0x98: {  	s19 =	sld [smem:$0x3FDB];
	_ =	sdelay $0x1  }
0x99: {  	s4 =	simm.s32 $_scs_section_size  }
0x9a: {  	s5 =	simm.s32 $_size__tile_overlayer_lowered;
	s6 =	simm.s32 $_tile_overlayer_lowered  }
0x9b: {  	s22 =	simm.s32 $0x1BFF;
	s21 =	sshll.u32 s6, $0x1;
	s3 =	sadd.s32 s4, s19  }
0x9c: {  	s7 =	simm.s32 $0x0;
	s20 =	sshll.u32 s5, $0x1;
	s5 =	sadd.s32 s21, s3  }
0x9d: {  	[timem:s7], [sflag:s22] =	dma.local [hbm:s5], s20  }
0x9e: {  	_ =	swait.ge [sflag:s22], s20  }
0x9f: {  	s4 =	ssub.s32 $0x0, s20;
	[sflag:s22] =	ssyncset.done $0x0  }
0xa0: {  	[sflag:s22] =	ssyncadd.s32 s4;
	_ =	sdelay $0x1  }
0xa1: {  	s23 =	simm.s32 $0x1B8B  }
0xa2: {  	_ =	swait.ge [sflag:s23], $0x1  }
0xa3: {  	[sflag:s23] =	ssyncset.done $0x0  }
0xa4: {  	s25 =	simm.s32 $0x1B8E;
	s24 =	sld [smem:$0x3FFE];
	[sflag:s23] =	ssyncadd.s32 $0xFFFFFFFF  }
0xa5: {  	s26 =	simm.s32 $execute0_lowered;
	[smem:$0x3FD2] =	sst s25  }
0xa6: {  	s5 =	sshll.u32 s26, $0x1;
	_ =	strace $0x8000004C;
	[dreg:$0x1] =	wrdreg $0xFFFFFFFF  }
0xa7: {  	s28 =	simm.s32 $_size_execute0_lowered;
	s3 =	sadd.s32 s3, s5;
	[dreg:$0x0] =	wrdreg $0x0  }
0xa8: {  	s5 =	sshll.u32 s28, $0x1;
	[dreg:$0x2] =	wrdreg s3  }
0xa9: {  	[dreg:$0x3] =	wrdreg s5  }
0xaa: {  	[dreg:$0x4] =	wrdreg $0xC0  }
0xab: {  	_ =	task [dreg:s7], $0x5FFFF  }
0xac: {  	[dreg:$0x1] =	wrdreg $0xFFFFFFFF  }
0xad: {  	[dreg:$0x0] =	wrdreg $0x60  }
0xae: {  	[dreg:$0x2] =	wrdreg s2  }
0xaf: {  	[dreg:$0x3] =	wrdreg s24  }
0xb0: {  	[dreg:$0x4] =	wrdreg $0x90000  }
0xb1: {  	[dreg:$0x5] =	wrdreg $0x9  }
0xb2: {  	_ =	task.clear_ibuf [dreg:s7], $0x6FFFF;
	_ =	strace $0x9000004C  }
0xb3: {  	s29 =	simm.s32 $0x9;
	_ =	strace $0x8000004E  }
0xb4: {  	_ =	swait.ge [sflag:s29], $0x1  }
0xb5: {  	[sflag:s29] =	ssyncadd.s32 $0xFFFFFFFF  }
0xb6: {  	_ =	strace $0x9000004E  }
0xb7: {  	_ =	sfence  }
0xb8: {  	s30 =	sld [smem:$0x0];
	_ =	sdelay $0x2  }
0xb9: {  	s31 =	sshll.u32 s1, $0xD;
	s1 =	sshrl.u32 s1, $0x2  }
0xba: {  	s3 =	sand.u32 $0x4000, s31;
	s1 =	sadd.s32 s1, s30  }
0xbb: {  	s0 =	sor.u32 s3, s0;
	s1 =	sshll.u32 s1, $0x11  }
0xbc: {  	s0 =	sor.u32 s1, s0  }
0xbd: {  	s0 =	sadd.s32 $0x8F2B, s0  }
0xbe: {  	[sflag:s0] =	ssyncadd.remote.s32 $0x1  }
0xbf: {  	_ =	sfence.sel $0xFFFF  }
0xc0: {  	[dreg:$0x0] =	wrdreg $0xFFFFFFFF;
	(pc) =	sbr.abs _section_cstart, $3  }
0xc1: {  	[dreg:$0x1] =	wrdreg $0xFFFFFFFF  }
0xc2: {  	_ =	task.clear_ibuf [dreg:s7], $0x2FFFF;
	_ =	strace $0x9FFFFFFF  }
0xc3: {  	(tm) =	ssettm $0x7FFFFFFF  }
tec
execute0_lowered:
.L_overlay_start_1:
0x0: {  	(tag) =	ssettag $0x1  }
0x1: {  	s0 =	rddreg [dreg:$0x0]  }
0x2: {  	s7 =	rddreg [dreg:$0x1];
	s1 =	srdreg.scid  }
0x3: {  	s3 =	rddreg [dreg:$0x2];
	s26 =	stileid.u32  }
0x4: {  	s4 =	simm.s32 $0x0;
	s20 =	simm.s32 $0x80;
	s21 =	simm.s32 $0x2  }
0x5: {  	s22 =	simm.s32 $0x5000;
	s23 =	simm.s32 $0x3;
	s6 =	smul.u32 $0x13C00, s26  }
0x6: {  	s24 =	simm.s32 $0x4;
	s14 =	sand.u32 $0x1, s1;
	s17 =	smul.u32 $0x4F000, s26  }
0x7: {  	[smem:$0x7FF] =	sst s4;
	s10 =	sshll.u32 s26, $0xE;
	s19 =	smul.u32 $0x4C00, s26  }
0x8: {  	s5 =	smul.u32 $0x13C000, s14;
	s28 =	ssub.s32 $0x2, s14;
	s29 =	sshll.u32 s14, $0x4  }
0x9: {  	s18 =	smul.u32 $0x4C000, s14;
	p0 =	seq.s32 s14, $0x0;
	s14 =	simm.s32 $0x13  }
0xa: {  	_ =	strace $0x8000004D;
	s9 =	sshrl.u32 s28, $0x1;
	s14 =	simm.s32 @!p0 $0x1  }
0xb: {  	s17 =	sshrl.u32 s17, $0x2;
	p0 =	seq.s32 s26, $0xF;
	s8 =	sadd.s32 s6, s5  }
0xc: {  	s5 =	sadd.s32 $0x83C00, s7;
	s6 =	sadd.s32 $0x70C00, s7;
	s16 =	ssub.s32 s28, s9  }
0xd: {  	s18 =	sadd.s32 s19, s18;
	s25 =	sadd.s32 s17, s3;
	s31 =	sshll.u32 s14, $0xA  }
0xe: {  	s17 =	simm.s32 $0x1000;
	s8 =	sshrl.u32 s8, $0x3;
	s30 =	sadd.s32 $0x400, s18  }
0xf: {  	s16 =	smax.u32 s16, $0x1;
	[dreg:$0x5] =	wrdreg s31;
	s18 =	simm.s32 $0x6  }
0x10: {  	s25 =	sshrl.u32 s25, $0x3;
	s15 =	sadd.s32 s8, s7;
	s8 =	sor.u32 s26, s29  }
0x11: {  	s7 =	sadd.s32 s10, s3;
	[dreg:$0x4] =	wrdreg s30;
	s11 =	smul.u32 $0x4C00, s8  }
0x12: {  	s26 =	simm.s32 $0x5;
	s8 =	sadd.s32 $0x40000, s7;
	s9 =	sadd.s32 $0x80000, s7  }
0x13: {  	s10 =	sadd.s32 $0xC0000, s7;
	s15 =	sadd.s32 $0x3800, s15;
	s13 =	sshrl.u32 s11, $0x3  }
0x14: {  	v0 =	vimm.f32 $0.0e+00;
	s11 =	sadd.s32 $0x100000, s7;
	s12 =	sadd.s32 s5, s13;
	s13 =	sadd.s32 s6, s13  }
.LBB2_1:
0x15: {  	s28 =	simm.s32 $0x0;
	s29 =	simm.s32 $0x200  }
.LBB2_2:
0x16: {  	p1 =	sne.s32 s29, $0xFE00;
	[tilespmem:s28+$0x1070] =	vst v0  }
0x17: {  	[tilespmem:s28+$0x1000] =	vst v0  }
0x18: {  	[tilespmem:s28+$0x1010] =	vst v0  }
.Ltmp0:
0x19: {  	[tilespmem:s28+$0x1020] =	vst v0;
	(pc) =	sbr.rel @p1 .LBB2_2-.Ltmp0, $4  }
0x1a: {  	[tilespmem:s28+$0x1030] =	vst v0  }
0x1b: {  	[tilespmem:s28+$0x1040] =	vst v0  }
0x1c: {  	[tilespmem:s28+$0x1050] =	vst v0  }
0x1d: {  	[tilespmem:s28+$0x1060] =	vst v0;
	s28 =	sshra.s32 s29, $0x2;
	s29 =	sadd.s32 $0x200, s29  }
0x1e: {  	[tilespmem:s28+$0x1070] =	vst v0  }
0x1f: {  	[tilespmem:s28+$0x1000] =	vst v0  }
0x20: {  	[tilespmem:s28+$0x1010] =	vst v0  }
0x21: {  	[tilespmem:s28+$0x1020] =	vst v0  }
0x22: {  	[tilespmem:s28+$0x1030] =	vst v0  }
0x23: {  	[tilespmem:s28+$0x1040] =	vst v0  }
0x24: {  	[tilespmem:s28+$0x1050] =	vst v0  }
0x25: {  	[tilespmem:s28+$0x1060] =	vst v0  }
0x26: {  	[spmem:s7] =	stream.linear.scatter [tilespmem:s17], [sflag:$0x6], $0x4000, $0x38;
	[tilespmem:$0x1CC00] =	vst v63  }
0x27: {  	_ =	swait.ge [sflag:s18], $0x4000  }
0x28: {  	[sflag:s18] =	ssyncset.done $0x0  }
0x29: {  	[sflag:s18] =	ssyncadd.s32 $0xFFFFC000  }
0x2a: {  	[spmem:s8] =	stream.linear.scatter [tilespmem:s17], [sflag:$0x6], $0x4000, $0x38;
	[tilespmem:$0x1CC00] =	vst v63  }
0x2b: {  	_ =	swait.ge [sflag:s18], $0x4000  }
0x2c: {  	[sflag:s18] =	ssyncset.done $0x0  }
0x2d: {  	[sflag:s18] =	ssyncadd.s32 $0xFFFFC000  }
0x2e: {  	[spmem:s9] =	stream.linear.scatter [tilespmem:s17], [sflag:$0x6], $0x4000, $0x38;
	[tilespmem:$0x1CC00] =	vst v63  }
0x2f: {  	_ =	swait.ge [sflag:s18], $0x4000  }
0x30: {  	[sflag:s18] =	ssyncset.done $0x0  }
0x31: {  	[sflag:s18] =	ssyncadd.s32 $0xFFFFC000  }
0x32: {  	[spmem:s10] =	stream.linear.scatter [tilespmem:s17], [sflag:$0x6], $0x4000, $0x38;
	[tilespmem:$0x1CC00] =	vst v63  }
0x33: {  	_ =	swait.ge [sflag:s18], $0x4000  }
0x34: {  	[sflag:s18] =	ssyncset.done $0x0  }
0x35: {  	s28 =	simm.s32 @!p0 $0x1000;
	[sflag:s18] =	ssyncadd.s32 $0xFFFFC000  }
0x36: {  	[spmem:s11] =	stream.linear.scatter @!p0 [tilespmem:s28], [sflag:$0x6], $0x4000, $0x38;
	[tilespmem:$0x1CC00] =	vst v63  }
0x37: {  	s28 =	simm.s32 @!p0 $0x6  }
0x38: {  	_ =	swait.ge @!p0 [sflag:s28], $0x4000  }
0x39: {  	[sflag:s28] =	ssyncset.done @!p0 $0x0  }
0x3a: {  	[sflag:s28] =	ssyncadd.s32 @!p0 $0xFFFFC000;
	s28 =	simm.s32 $0x0  }
0x3b: {  	[tilespmem:s28], [sflag:$0x6] =	stream.linear.gather [hbm4b:s12+s28], $0x400, $0x38;
	[tilespmem:$0x1CC00] =	vst v63  }
0x3c: {  	_ =	swait.ge [sflag:s18], $0x400  }
0x3d: {  	[sflag:s18] =	ssyncset.done $0x0  }
0x3e: {  	s1 =	simm.s32 $0x800;
	[sflag:s18] =	ssyncadd.s32 $0xFFFFFC00  }
0x3f: {  	[tilespmem:s1], [sflag:$0x6] =	stream.linear.gather [hbm4b:s13+s28], $0x400, $0x38;
	[tilespmem:$0x1CC00] =	vst v63  }
0x40: {  	_ =	swait.ge [sflag:s18], $0x400  }
0x41: {  	[sflag:s18] =	ssyncset.done $0x0  }
0x42: {  	[sflag:s18] =	ssyncadd.s32 $0xFFFFFC00  }
0x43: {  	[tilespmem:s17], [sflag:$0x2] =	stream.indirect.gather [hbm4b:s0+s20], $0x80, s28, s20, $0xb8;
	[tilespmem:$0x1CC00] =	vst v63  }
0x44: {  	s29 =	simm.s32 $0x1;
	[bflag:$0x0] =	sbarrier.arrive $0xFFFF  }
.LBB2_4:
0x45: {  	_ =	swait.ge [sflag:s21], $0x4000  }
0x46: {  	s31 =	sand.u32 $0x400, s28;
	[sflag:s21] =	ssyncset.done $0x0  }
0x47: {  	p2 =	seq.s32 s28, $0x0;
	s30 =	sor.u32 $0x800, s31;
	[sflag:s21] =	ssyncadd.s32 $0xFFFFC000  }
0x48: {  	[spmem:s3] =	stream.indirect.scatter.add.f32 [tilespmem:s17], [sflag:$0x4], $0x80, s30, s20, $0xb8;
	[tilespmem:$0x1CC00] =	vst v63  }
0x49: {  	s30 =	simm.s32 @!p2 $0x5  }
0x4a: {  	_ =	swait.ge @!p2 [sflag:s30], $0x4000  }
0x4b: {  	p1 =	sge.u32 s29, s14;
	s1 =	rddreg [dreg:$0x4]  }
0x4c: {  	[sflag:s30] =	ssyncset.done @!p2 $0x0;
	s1 =	sadd.s32 @!p1 s28, s1  }
0x4d: {  	[sflag:s30] =	ssyncadd.s32 @!p2 $0xFFFFC000;
	s30 =	sand.u32 $0x1, s29;
	s1 =	sshrl.u32 @!p1 s1, $0x3  }
0x4e: {  	s19 =	simm.s32 @!p1 $0x0;
	s30 =	sshll.u32 @!p1 s30, $0xA;
	s2 =	sadd.s32 @!p1 s5, s1  }
0x4f: {  	[tilespmem:s30], [sflag:$0x1] =	stream.linear.gather @!p1 [hbm4b:s2+s19], $0x400, $0x38;
	[tilespmem:$0x1CC00] =	vst v63  }
0x50: {  	s1 =	sadd.s32 @!p1 s6, s1;
	s2 =	sor.u32 @!p1 $0x800, s30  }
0x51: {  	[tilespmem:s2], [sflag:$0x1] =	stream.linear.gather @!p1 [hbm4b:s1+s19], $0x400, $0x38;
	[tilespmem:$0x1CC00] =	vst v63  }
0x52: {  	s2 =	sor.u32 $0x80, s31  }
0x53: {  	[tilespmem:s22], [sflag:$0x3] =	stream.indirect.gather [hbm4b:s0+s20], $0x80, s2, s20, $0xb8;
	[tilespmem:$0x1CC00] =	vst v63  }
0x54: {  	_ =	swait.ge [sflag:s23], $0x4000  }
0x55: {  	[sflag:s23] =	ssyncset.done $0x0  }
0x56: {  	s19 =	sor.u32 $0x880, s31;
	[sflag:s23] =	ssyncadd.s32 $0xFFFFC000  }
0x57: {  	[spmem:s3] =	stream.indirect.scatter.add.f32 [tilespmem:s22], [sflag:$0x5], $0x80, s19, s20, $0xb8;
	[tilespmem:$0x1CC00] =	vst v63  }
0x58: {  	_ =	swait.ge [sflag:s24], $0x4000  }
0x59: {  	[sflag:s24] =	ssyncset.done $0x0  }
0x5a: {  	s2 =	sor.u32 $0x100, s31;
	[sflag:s24] =	ssyncadd.s32 $0xFFFFC000  }
0x5b: {  	[tilespmem:s17], [sflag:$0x2] =	stream.indirect.gather [hbm4b:s0+s20], $0x80, s2, s20, $0xb8;
	[tilespmem:$0x1CC00] =	vst v63  }
0x5c: {  	_ =	swait.ge [sflag:s21], $0x4000  }
0x5d: {  	[sflag:s21] =	ssyncset.done $0x0  }
0x5e: {  	s19 =	sor.u32 $0x900, s31;
	[sflag:s21] =	ssyncadd.s32 $0xFFFFC000  }
0x5f: {  	[spmem:s3] =	stream.indirect.scatter.add.f32 [tilespmem:s17], [sflag:$0x4], $0x80, s19, s20, $0xb8;
	[tilespmem:$0x1CC00] =	vst v63  }
0x60: {  	_ =	swait.ge [sflag:s26], $0x4000  }
0x61: {  	[sflag:s26] =	ssyncset.done $0x0  }
0x62: {  	s2 =	sor.u32 $0x180, s31;
	[sflag:s26] =	ssyncadd.s32 $0xFFFFC000  }
0x63: {  	[tilespmem:s22], [sflag:$0x3] =	stream.indirect.gather [hbm4b:s0+s20], $0x80, s2, s20, $0xb8;
	[tilespmem:$0x1CC00] =	vst v63  }
0x64: {  	_ =	swait.ge [sflag:s23], $0x4000  }
0x65: {  	[sflag:s23] =	ssyncset.done $0x0  }
0x66: {  	s19 =	sor.u32 $0x980, s31;
	[sflag:s23] =	ssyncadd.s32 $0xFFFFC000  }
0x67: {  	[spmem:s3] =	stream.indirect.scatter.add.f32 [tilespmem:s22], [sflag:$0x5], $0x80, s19, s20, $0xb8;
	[tilespmem:$0x1CC00] =	vst v63  }
0x68: {  	_ =	swait.ge [sflag:s24], $0x4000  }
0x69: {  	[sflag:s24] =	ssyncset.done $0x0  }
0x6a: {  	s2 =	sor.u32 $0x200, s31;
	[sflag:s24] =	ssyncadd.s32 $0xFFFFC000  }
0x6b: {  	[tilespmem:s17], [sflag:$0x2] =	stream.indirect.gather [hbm4b:s0+s20], $0x80, s2, s20, $0xb8;
	[tilespmem:$0x1CC00] =	vst v63  }
0x6c: {  	_ =	swait.ge [sflag:s21], $0x4000  }
0x6d: {  	[sflag:s21] =	ssyncset.done $0x0  }
0x6e: {  	s19 =	sor.u32 $0xA00, s31;
	[sflag:s21] =	ssyncadd.s32 $0xFFFFC000  }
0x6f: {  	[spmem:s3] =	stream.indirect.scatter.add.f32 [tilespmem:s17], [sflag:$0x4], $0x80, s19, s20, $0xb8;
	[tilespmem:$0x1CC00] =	vst v63  }
0x70: {  	_ =	swait.ge [sflag:s26], $0x4000  }
0x71: {  	[sflag:s26] =	ssyncset.done $0x0  }
0x72: {  	s2 =	sor.u32 $0x280, s31;
	[sflag:s26] =	ssyncadd.s32 $0xFFFFC000  }
0x73: {  	[tilespmem:s22], [sflag:$0x3] =	stream.indirect.gather [hbm4b:s0+s20], $0x80, s2, s20, $0xb8;
	[tilespmem:$0x1CC00] =	vst v63  }
0x74: {  	_ =	swait.ge [sflag:s23], $0x4000  }
0x75: {  	[sflag:s23] =	ssyncset.done $0x0  }
0x76: {  	s19 =	sor.u32 $0xA80, s31;
	[sflag:s23] =	ssyncadd.s32 $0xFFFFC000  }
0x77: {  	[spmem:s3] =	stream.indirect.scatter.add.f32 [tilespmem:s22], [sflag:$0x5], $0x80, s19, s20, $0xb8;
	[tilespmem:$0x1CC00] =	vst v63  }
0x78: {  	_ =	swait.ge [sflag:s24], $0x4000  }
0x79: {  	[sflag:s24] =	ssyncset.done $0x0  }
0x7a: {  	s2 =	sor.u32 $0x300, s31;
	[sflag:s24] =	ssyncadd.s32 $0xFFFFC000  }
0x7b: {  	[tilespmem:s17], [sflag:$0x2] =	stream.indirect.gather [hbm4b:s0+s20], $0x80, s2, s20, $0xb8;
	[tilespmem:$0x1CC00] =	vst v63  }
0x7c: {  	_ =	swait.ge [sflag:s21], $0x4000  }
0x7d: {  	[sflag:s21] =	ssyncset.done $0x0  }
0x7e: {  	s19 =	sor.u32 $0xB00, s31;
	[sflag:s21] =	ssyncadd.s32 $0xFFFFC000  }
0x7f: {  	[spmem:s3] =	stream.indirect.scatter.add.f32 [tilespmem:s17], [sflag:$0x4], $0x80, s19, s20, $0xb8;
	[tilespmem:$0x1CC00] =	vst v63  }
0x80: {  	_ =	swait.ge [sflag:s26], $0x4000  }
0x81: {  	[sflag:s26] =	ssyncset.done $0x0  }
0x82: {  	s2 =	sor.u32 $0x380, s31;
	[sflag:s26] =	ssyncadd.s32 $0xFFFFC000  }
0x83: {  	[tilespmem:s22], [sflag:$0x3] =	stream.indirect.gather [hbm4b:s0+s20], $0x80, s2, s20, $0xb8;
	[tilespmem:$0x1CC00] =	vst v63  }
0x84: {  	_ =	swait.ge [sflag:s23], $0x4000  }
0x85: {  	[sflag:s23] =	ssyncset.done $0x0  }
0x86: {  	s19 =	sor.u32 $0xB80, s31;
	[sflag:s23] =	ssyncadd.s32 $0xFFFFC000  }
0x87: {  	[spmem:s3] =	stream.indirect.scatter.add.f32 [tilespmem:s22], [sflag:$0x5], $0x80, s19, s20, $0xb8;
	[tilespmem:$0x1CC00] =	vst v63  }
0x88: {  	_ =	swait.ge [sflag:s24], $0x4000  }
0x89: {  	[sflag:s24] =	ssyncset.done $0x0  }
0x8a: {  	s1 =	simm.s32 @!p1 $0x1;
	[sflag:s24] =	ssyncadd.s32 $0xFFFFC000  }
0x8b: {  	_ =	swait.ge @!p1 [sflag:s1], $0x400  }
0x8c: {  	[sflag:s1] =	ssyncset.done @!p1 $0x0  }
0x8d: {  	[sflag:s1] =	ssyncadd.s32 @!p1 $0xFFFFFC00  }
0x8e: {  	_ =	swait.ge @!p1 [sflag:s1], $0x400  }
0x8f: {  	s28 =	sadd.s32 $0x400, s28;
	s2 =	simm.s32 @!p1 $0x1000;
	[sflag:s1] =	ssyncset.done @!p1 $0x0  }
0x90: {  	s31 =	rddreg [dreg:$0x5];
	[sflag:s1] =	ssyncadd.s32 @!p1 $0xFFFFFC00;
	s1 =	simm.s32 @!p1 $0x80  }
0x91: {  	[tilespmem:s2], [sflag:$0x2] =	stream.indirect.gather @!p1 [hbm4b:s0+s1], $0x80, s30, s1, $0xb8;
	[tilespmem:$0x1CC00] =	vst v63  }
0x92: {  	p1 =	sne.s32 s31, s28  }
.Ltmp1:
0x93: {  	_ = 	snop;
	(pc) =	sbr.rel @p1 .LBB2_4-.Ltmp1, $2  }
0x94: {  	_ =	sdelay $0x2  }
0x95: {  	s29 =	sadd.s32 $0x1, s29  }
0x96: {  	_ =	swait.ge [sflag:s26], $0x4000  }
0x97: {  	s1 =	stileid.u32;
	s4 =	sadd.s32 $0x1, s4;
	[sflag:s26] =	ssyncset.done $0x0  }
0x98: {  	s1 =	sshll.u32 s1, $0x6;
	p1 =	sne.s32 s4, s16;
	[sflag:s26] =	ssyncadd.s32 $0xFFFFC000  }
.Ltmp2:
0x99: {  	s1 =	sor.u32 $0x1C06, s1;
	[bflag:$0x0] =	sbarrier.arrive $0xFFFF;
	(pc) =	sbr.rel @p1 .LBB2_1-.Ltmp2, $4  }
0x9a: {  	[hbm:s15], [sflag:s1] =	dma.local [spmem:s25], $0x2780  }
0x9b: {  	_ =	swait.ge [sflag:s18], $0x2780  }
0x9c: {  	[sflag:s18] =	ssyncset.done $0x0  }
0x9d: {  	[sflag:s18] =	ssyncadd.s32 $0xFFFFD880  }
0x9e: {  	_ =	sfence.sel $0x180000  }
0x9f: {  	[bflag:$0x0] =	sbarrier.arrive $0xFFFF  }
0xa0: {  	_ =	strace $0x9000004D  }
0xa1: {  	s0 =	stileid.u32;
	[bflag:$0x2] =	sbarrier.arrive $0xFFFF  }
0xa2: {  	p0 =	sne.s32 s0, $0x0;
	s0 =	rddreg [dreg:$0x3]  }
0xa3: {  	s0 =	sadd.s32 @!p0 $0x100000, s0  }
0xa4: {  	[sflag:s0] =	ssyncadd.tile.s32 @!p0 $0x1;
	_ =	shalt  }
.Lfunc_end2:
_tile_overlayer_lowered:
.L_overlay_start_2:
0xa5: {  	(tag) =	ssettag $0x2  }
0xa6: {  	s0 =	rddreg [dreg:$0x0];
	s2 =	stileid.u32  }
0xa7: {  	s1 =	rddreg [dreg:$0x1];
	p0 =	sne.s32 s2, $0x0  }
0xa8: {  	s3 =	rddreg [dreg:$0x2];
	[bflag:$0x3] =	sbarrier.arrive $0xFFFF;
	s2 =	simm.s32 @!p0 $0x1C06  }
0xa9: {  	[timem:s3], [sflag:s2] =	dma.local @!p0 [hbm:s0], s1  }
0xaa: {  	s0 =	simm.s32 @!p0 $0x6  }
0xab: {  	_ =	swait.ge @!p0 [sflag:s0], s1  }
0xac: {  	s1 =	ssub.s32 @!p0 $0x0, s1;
	[sflag:s0] =	ssyncset.done @!p0 $0x0  }
0xad: {  	[sflag:s0] =	ssyncadd.s32 @!p0 s1  }
0xae: {  	[bflag:$0x3] =	sbarrier.arrive $0xFFFF  }
0xaf: {  	_ =	shalt  }

// kernel: kernel.7.cloned.1.call-start
scs
__scs_entry_jumppad:
0x0: {  	(pc) =	sbr.rel $0x88, $3  }
0x1: {  	(tag) =	ssettag $0x0;
	lr =	simm.s32 $0x1  }
0x2: {  	[smem:$0x3F96] =	sst lr;
	_ =	strace $0xD0000000  }
0x3: {  	_ = 	snop  }
0x4: {  	_ = 	snop  }
0x5: {  	_ = 	snop  }
0x6: {  	_ = 	snop  }
0x7: {  	_ = 	snop  }
__scs_overlays_trampoline_lowered:
0x8: {  	[smem:$0x3FA5] =	sst s0  }
0x9: {  	[smem:$0x3FA6] =	sst s1  }
0xa: {  	[smem:$0x3FA7] =	sst s2  }
0xb: {  	[smem:$0x3FA8] =	sst s3  }
0xc: {  	[smem:$0x3FA9] =	sst s4  }
0xd: {  	[smem:$0x3FAA] =	sst s5  }
0xe: {  	[smem:$0x3FAB] =	sst s6  }
0xf: {  	[smem:$0x3FAC] =	sst s7  }
0x10: {  	[smem:$0x3FAD] =	sst s8  }
0x11: {  	[smem:$0x3FAE] =	sst s9;
	s0 =	simm.s32 @!p0 $0x0  }
0x12: {  	s1 =	sld [smem:$0x3F94];
	s0 =	simm.s32 @p0 $0x1  }
0x13: {  	[smem:$0x3FAF] =	sst s0;
	s0 =	simm.s32 @!p1 $0x0  }
0x14: {  	s2 =	sld [smem:$0x3F93];
	s0 =	simm.s32 @p1 $0x1  }
0x15: {  	[smem:$0x3FB0] =	sst s0;
	s0 =	simm.s32 @!p2 $0x0  }
0x16: {  	s3 =	sld [smem:$0x3FDB];
	s0 =	simm.s32 @p2 $0x1  }
0x17: {  	s4 =	simm.s32 $0x1BF5;
	[smem:$0x3FB2] =	sst s0  }
0x18: {  	s0 =	sld [smem:$0x3F95];
	_ =	swait.ge [sflag:s4], $0x0  }
0x19: {  	s7 =	sld [smem:$0x3F96]  }
0x1a: {  	s8 =	sadd.s32 $0xFFFFE003, lr  }
0x1b: {  	s9 =	sadd.s32 $0xFFFFFEF7, lr;
	s5 =	simm.s32 $0xFFFFFFFF;
	p2 =	slt.u32 s8, $0xFFFFF086  }
0x1c: {  	p1 =	slt.u32 s9, $0xF7A;
	s5 =	simm.s32 @!p2 $0x0  }
0x1d: {  	s5 =	simm.s32 @p1 $0x1;
	p0 =	seq.s32 s7, s2  }
0x1e: {  	s7 =	smul.u32 @!p0 $0xF7A, s2;
	p2 =	seq.s32 @!p0 s5, $0x0  }
0x1f: {  	s9 =	smul.u32 $0xF7A, s1;
	s8 =	simm.s32 @!p0 $0x1BF5;
	p2 =	por !p2, p0  }
0x20: {  	[sflag:s8] =	ssyncset.s32 @!p0 $0xFFFFF086;
	s6 =	sadd.s32 @!p0 s3, s7;
	s7 =	simm.s32 @!p0 $0x108  }
0x21: {  	s3 =	sadd.s32 s3, s9;
	s6 =	sadd.s32 @!p0 $0x88, s6;
	s7 =	simm.s32 @p2 $0x1082  }
0x22: {  	[simem:s7], [sflag:s8] =	dma.local @!p0 [hbm:s6], $0xF7A  }
0x23: {  	s9 =	sor.u32 $0xD0000000, s2;
	s6 =	simm.s32 $0x108;
	_ =	swait.ge @!p0 [sflag:s8], $0x0  }
0x24: {  	s3 =	sadd.s32 $0x88, s3;
	s6 =	simm.s32 @!p1 $0x1082;
	[sflag:s4] =	ssyncset.s32 $0xFFFFF086  }
0x25: {  	[simem:s6], [sflag:s4] =	dma.local [hbm:s3], $0xF7A  }
0x26: {  	[smem:$0x3F96] =	sst s1;
	(tag) =	ssettag s2;
	_ =	strace s9  }
0x27: {  	s1 =	sld [smem:$0x3FA6]  }
0x28: {  	s2 =	sld [smem:$0x3FA7]  }
0x29: {  	s4 =	sld [smem:$0x3FA9]  }
0x2a: {  	p0 =	seq.s32 s5, $0x0;
	s5 =	sld [smem:$0x3FAA]  }
0x2b: {  	s6 =	sld [smem:$0x3FAB]  }
0x2c: {  	s7 =	sld [smem:$0x3FAC]  }
0x2d: {  	s3 =	simm.s32 $0x108;
	s8 =	sld [smem:$0x3FAD]  }
0x2e: {  	s3 =	simm.s32 @!p0 $0x1082;
	s9 =	sld [smem:$0x3FAE]  }
0x2f: {  	lr =	sadd.s32 s0, s3;
	s0 =	sld [smem:$0x3FA5]  }
0x30: {  	s3 =	sld [smem:$0x3FA8]  }
0x31: {  	[smem:$0x3FB1] =	sst s10  }
0x32: {  	s10 =	sld [smem:$0x3FAF];
	_ =	sdelay $0x3  }
0x33: {  	p0 =	seq.s32 s10, $0x1;
	s10 =	sld [smem:$0x3FB1];
	_ =	sdelay $0x3  }
0x34: {  	[smem:$0x3FB1] =	sst s10  }
0x35: {  	s10 =	sld [smem:$0x3FB0];
	_ =	sdelay $0x3  }
0x36: {  	p1 =	seq.s32 s10, $0x1;
	s10 =	sld [smem:$0x3FB1];
	_ =	sdelay $0x3  }
0x37: {  	[smem:$0x3FB1] =	sst s10  }
0x38: {  	s10 =	sld [smem:$0x3FB2]  }
0x39: {  	_ = 	snop;
	(pc) =	sbr.ind lr, $3  }
0x3a: {  	_ = 	snop  }
0x3b: {  	_ = 	snop  }
0x3c: {  	p2 =	seq.s32 s10, $0x1;
	s10 =	sld [smem:$0x3FB1]  }
0x3d: {  	_ =	shalt  }
0x3e: {  	_ =	shalt  }
0x3f: {  	_ =	shalt  }
0x40: {  	_ =	shalt  }
0x41: {  	_ =	shalt  }
0x42: {  	_ =	shalt  }
0x43: {  	_ =	shalt  }
0x44: {  	_ =	shalt  }
0x45: {  	_ =	shalt  }
0x46: {  	_ =	shalt  }
0x47: {  	_ =	shalt  }
0x48: {  	_ =	shalt  }
0x49: {  	_ =	shalt  }
0x4a: {  	_ =	shalt  }
0x4b: {  	_ =	shalt  }
0x4c: {  	_ =	shalt  }
0x4d: {  	_ =	shalt  }
0x4e: {  	_ =	shalt  }
0x4f: {  	_ =	shalt  }
0x50: {  	_ =	shalt  }
0x51: {  	_ =	shalt  }
0x52: {  	_ =	shalt  }
0x53: {  	_ =	shalt  }
0x54: {  	_ =	shalt  }
0x55: {  	_ =	shalt  }
0x56: {  	_ =	shalt  }
0x57: {  	_ =	shalt  }
0x58: {  	_ =	shalt  }
0x59: {  	_ =	shalt  }
0x5a: {  	_ =	shalt  }
0x5b: {  	_ =	shalt  }
0x5c: {  	_ =	shalt  }
0x5d: {  	_ =	shalt  }
0x5e: {  	_ =	shalt  }
0x5f: {  	_ =	shalt  }
0x60: {  	_ =	shalt  }
0x61: {  	_ =	shalt  }
0x62: {  	_ =	shalt  }
0x63: {  	_ =	shalt  }
0x64: {  	_ =	shalt  }
0x65: {  	_ =	shalt  }
0x66: {  	_ =	shalt  }
0x67: {  	_ =	shalt  }
0x68: {  	_ =	shalt  }
0x69: {  	_ =	shalt  }
0x6a: {  	_ =	shalt  }
0x6b: {  	_ =	shalt  }
0x6c: {  	_ =	shalt  }
0x6d: {  	_ =	shalt  }
0x6e: {  	_ =	shalt  }
0x6f: {  	_ =	shalt  }
0x70: {  	_ =	shalt  }
0x71: {  	_ =	shalt  }
0x72: {  	_ =	shalt  }
0x73: {  	_ =	shalt  }
0x74: {  	_ =	shalt  }
0x75: {  	_ =	shalt  }
0x76: {  	_ =	shalt  }
0x77: {  	_ =	shalt  }
0x78: {  	_ =	shalt  }
0x79: {  	_ =	shalt  }
0x7a: {  	_ =	shalt  }
0x7b: {  	_ =	shalt  }
0x7c: {  	_ =	shalt  }
0x7d: {  	_ =	shalt  }
0x7e: {  	_ =	shalt  }
0x7f: {  	_ =	shalt  }
0x80: {  	_ =	shalt  }
0x81: {  	_ =	shalt  }
0x82: {  	_ =	shalt  }
0x83: {  	_ =	shalt  }
0x84: {  	_ =	shalt  }
0x85: {  	_ =	shalt  }
0x86: {  	_ =	shalt  }
0x87: {  	_ =	shalt  }
.Lfunc_end0:
.L_simem_size_0:
called_computation_lowered:
.L_overlay_start_0:
0x88: {  	s2 =	sld [smem:$0x3FD9]  }
0x89: {  	s3 =	sld [smem:$0x3FFE];
	_ =	sdelay $0x1  }
0x8a: {  	s1 =	srdreg.scid  }
0x8b: {  	s0 =	sand.u32 $0x1, s1  }
0x8c: {  	s17 =	sshll.u32 s0, $0xA;
	s2 =	sadd.s32 s3, s2  }
0x8d: {  	s2 =	sadd.s32 s2, s17  }
0x8e: {  	[smem:$0x3FBD] =	sst s2  }
0x8f: {  	_ = 	snop  }
0x90: {  	s2 =	sld [smem:$0x3FD0];
	(tm) =	ssettm $0x1  }
0x91: {  	s18 =	sld [smem:$0x3FFB];
	_ =	sdelay $0x3  }
0x92: {  	_ =	strace s18  }
0x93: {  	s3 =	sld [smem:$0x3FFC];
	_ =	sdelay $0x3  }
0x94: {  	_ =	strace s3  }
0x95: {  	s3 =	sld [smem:$0x3FFD];
	_ =	sdelay $0x3  }
0x96: {  	_ =	strace s3  }
0x97: {  	_ =	strace $0x8FFFFFFF  }
0x98: {  	s19 =	sld [smem:$0x3FDB];
	_ =	sdelay $0x1  }
0x99: {  	s4 =	simm.s32 $_scs_section_size  }
0x9a: {  	s5 =	simm.s32 $_size__tile_overlayer_lowered;
	s6 =	simm.s32 $_tile_overlayer_lowered  }
0x9b: {  	s22 =	simm.s32 $0x1BFF;
	s21 =	sshll.u32 s6, $0x1;
	s3 =	sadd.s32 s4, s19  }
0x9c: {  	s7 =	simm.s32 $0x0;
	s20 =	sshll.u32 s5, $0x1;
	s5 =	sadd.s32 s21, s3  }
0x9d: {  	[timem:s7], [sflag:s22] =	dma.local [hbm:s5], s20  }
0x9e: {  	_ =	swait.ge [sflag:s22], s20  }
0x9f: {  	s4 =	ssub.s32 $0x0, s20;
	[sflag:s22] =	ssyncset.done $0x0  }
0xa0: {  	[sflag:s22] =	ssyncadd.s32 s4;
	_ =	sdelay $0x1  }
0xa1: {  	s23 =	simm.s32 $0x1B8B  }
0xa2: {  	_ =	swait.ge [sflag:s23], $0x1  }
0xa3: {  	[sflag:s23] =	ssyncset.done $0x0  }
0xa4: {  	s25 =	simm.s32 $0x1B8E;
	s24 =	sld [smem:$0x3FFE];
	[sflag:s23] =	ssyncadd.s32 $0xFFFFFFFF  }
0xa5: {  	s26 =	simm.s32 $execute0_lowered;
	[smem:$0x3FD2] =	sst s25  }
0xa6: {  	s5 =	sshll.u32 s26, $0x1;
	_ =	strace $0x80000046;
	[dreg:$0x1] =	wrdreg $0xFFFFFFFF  }
0xa7: {  	s28 =	simm.s32 $_size_execute0_lowered;
	s3 =	sadd.s32 s3, s5;
	[dreg:$0x0] =	wrdreg $0x0  }
0xa8: {  	s5 =	sshll.u32 s28, $0x1;
	[dreg:$0x2] =	wrdreg s3  }
0xa9: {  	[dreg:$0x3] =	wrdreg s5  }
0xaa: {  	[dreg:$0x4] =	wrdreg $0xC0  }
0xab: {  	_ =	task [dreg:s7], $0x5FFFF  }
0xac: {  	[dreg:$0x1] =	wrdreg $0xFFFFFFFF  }
0xad: {  	[dreg:$0x0] =	wrdreg $0x60  }
0xae: {  	[dreg:$0x2] =	wrdreg s2  }
0xaf: {  	[dreg:$0x3] =	wrdreg s24  }
0xb0: {  	[dreg:$0x4] =	wrdreg $0x85000  }
0xb1: {  	[dreg:$0x5] =	wrdreg $0x9  }
0xb2: {  	_ =	task.clear_ibuf [dreg:s7], $0x6FFFF;
	_ =	strace $0x90000046  }
0xb3: {  	s29 =	simm.s32 $0x9;
	_ =	strace $0x80000048  }
0xb4: {  	_ =	swait.ge [sflag:s29], $0x1  }
0xb5: {  	[sflag:s29] =	ssyncadd.s32 $0xFFFFFFFF  }
0xb6: {  	_ =	strace $0x90000048  }
0xb7: {  	_ =	sfence  }
0xb8: {  	s30 =	sld [smem:$0x0];
	_ =	sdelay $0x2  }
0xb9: {  	s31 =	sshll.u32 s1, $0xD;
	s1 =	sshrl.u32 s1, $0x2  }
0xba: {  	s3 =	sand.u32 $0x4000, s31;
	s1 =	sadd.s32 s1, s30  }
0xbb: {  	s0 =	sor.u32 s3, s0;
	s1 =	sshll.u32 s1, $0x11  }
0xbc: {  	s0 =	sor.u32 s1, s0  }
0xbd: {  	s0 =	sadd.s32 $0x8F2B, s0  }
0xbe: {  	[sflag:s0] =	ssyncadd.remote.s32 $0x1  }
0xbf: {  	_ =	sfence.sel $0xFFFF  }
0xc0: {  	[dreg:$0x0] =	wrdreg $0xFFFFFFFF;
	(pc) =	sbr.abs _section_cstart, $3  }
0xc1: {  	[dreg:$0x1] =	wrdreg $0xFFFFFFFF  }
0xc2: {  	_ =	task.clear_ibuf [dreg:s7], $0x2FFFF;
	_ =	strace $0x9FFFFFFF  }
0xc3: {  	(tm) =	ssettm $0x7FFFFFFF  }
tec
execute0_lowered:
.L_overlay_start_1:
0x0: {  	(tag) =	ssettag $0x1  }
0x1: {  	s6 =	rddreg [dreg:$0x0]  }
0x2: {  	s3 =	rddreg [dreg:$0x1]  }
0x3: {  	s0 =	srdreg.scid;
	s1 =	rddreg [dreg:$0x2]  }
0x4: {  	s2 =	simm.s32 $0x0;
	s7 =	stileid.u32;
	s12 =	simm.s32 $0x4400  }
0x5: {  	s4 =	sand.u32 $0x1, s0;
	s0 =	rddreg [dreg:$0x3];
	s10 =	smul.u32 $0x9800, s7  }
0x6: {  	s14 =	simm.s32 $0x0;
	[smem:$0x7FF] =	sst s2;
	s5 =	smul.u32 $0xA00, s4  }
0x7: {  	s8 =	smul.u32 $0x98000, s4;
	s9 =	ssub.s32 $0x2, s4;
	_ =	strace $0x80000047  }
0x8: {  	v0 =	vlaneseq.u32;
	v1 =	vimm.f32 $0.0e+00;
	v17 =	vimm.f32 $1.000000000e+00;
	p0 =	seq.s32 s4, $0x0;
	s11 =	sshrl.u32 s9, $0x1;
	s5 =	sadd.s32 s5, s3  }
0x9: {  	v2 =	vor.u32 $0x10, v0;
	v3 =	vor.u32 $0x20, v0;
	v4 =	vor.u32 $0x30, v0;
	s3 =	simm.s32 $0x26;
	s29 =	sadd.s32 s10, s8;
	s30 =	ssub.s32 s9, s11  }
0xa: {  	v5 =	vor.u32 $0x40, v0;
	v6 =	vor.u32 $0x50, v0;
	v7 =	vor.u32 $0x60, v0;
	s8 =	simm.s32 $0x400;
	s9 =	simm.s32 $0x80;
	s10 =	simm.s32 $0x8400  }
0xb: {  	v8 =	vor.u32 $0x70, v0;
	v9 =	vor.u32 $0x80, v0;
	v10 =	vor.u32 $0x90, v0;
	s11 =	simm.s32 $0x8480;
	s3 =	simm.s32 @!p0 $0x2;
	s31 =	sshrl.u32 s29, $0x3  }
0xc: {  	v11 =	vor.u32 $0xA0, v0;
	v12 =	vor.u32 $0xB0, v0;
	v13 =	vor.u32 $0xC0, v0;
	s4 =	sadd.s32 $0x3800, s5;
	s5 =	smax.u32 s30, $0x1;
	p0 =	sne.s32 s7, $0x0  }
0xd: {  	v14 =	vor.u32 $0xD0, v0;
	v15 =	vor.u32 $0xE0, v0;
	v16 =	vor.u32 $0xF0, v0;
	s7 =	simm.s32 $0x1;
	s6 =	sadd.s32 s31, s6;
	s13 =	sshrl.u32 @!p0 s1, $0x3  }
.LBB2_1:
0xe: {  	s15 =	simm.s32 $0x0;
	s16 =	simm.s32 $0x200  }
.LBB2_2:
0xf: {  	p1 =	sne.s32 s16, $0x1FE00;
	[tilespmem:s15+$0x470] =	vst v1  }
0x10: {  	[tilespmem:s15+$0x400] =	vst v1  }
0x11: {  	[tilespmem:s15+$0x410] =	vst v1  }
.Ltmp0:
0x12: {  	[tilespmem:s15+$0x420] =	vst v1;
	(pc) =	sbr.rel @p1 .LBB2_2-.Ltmp0, $4  }
0x13: {  	[tilespmem:s15+$0x430] =	vst v1  }
0x14: {  	[tilespmem:s15+$0x440] =	vst v1  }
0x15: {  	[tilespmem:s15+$0x450] =	vst v1  }
0x16: {  	[tilespmem:s15+$0x460] =	vst v1;
	s15 =	sshra.s32 s16, $0x2;
	s16 =	sadd.s32 $0x200, s16  }
0x17: {  	[tilespmem:s15+$0x470] =	vst v1  }
0x18: {  	[tilespmem:s15+$0x400] =	vst v1  }
0x19: {  	[tilespmem:s15+$0x410] =	vst v1  }
0x1a: {  	[tilespmem:s15+$0x420] =	vst v1  }
0x1b: {  	[tilespmem:s15+$0x430] =	vst v1  }
0x1c: {  	[tilespmem:s15+$0x440] =	vst v1  }
0x1d: {  	[tilespmem:s15+$0x450] =	vst v1  }
0x1e: {  	[tilespmem:s15+$0x460] =	vst v1  }
0x1f: {  	[tilespmem:$0x8400] =	vst v0  }
0x20: {  	[tilespmem:$0x8410] =	vst v2  }
0x21: {  	[tilespmem:$0x8420] =	vst v3  }
0x22: {  	[tilespmem:$0x8430] =	vst v4  }
0x23: {  	[tilespmem:$0x8440] =	vst v5  }
0x24: {  	[tilespmem:$0x8450] =	vst v6  }
0x25: {  	[tilespmem:$0x8460] =	vst v7  }
0x26: {  	[tilespmem:$0x8470] =	vst v8  }
0x27: {  	[tilespmem:$0x8480] =	vst v9  }
0x28: {  	[tilespmem:$0x8490] =	vst v10  }
0x29: {  	[tilespmem:$0x84A0] =	vst v11  }
0x2a: {  	[tilespmem:$0x84B0] =	vst v12  }
0x2b: {  	[tilespmem:$0x84C0] =	vst v13  }
0x2c: {  	[tilespmem:$0x84D0] =	vst v14  }
0x2d: {  	[tilespmem:$0x84E0] =	vst v15  }
0x2e: {  	s15 =	simm.s32 @!p0 $0x400;
	[tilespmem:$0x84F0] =	vst v16  }
0x2f: {  	[spmem:s1] =	stream.linear.scatter @!p0 [tilespmem:s15], [sflag:$0x1], $0x8000, $0x38;
	[tilespmem:$0x8D00] =	vst v63  }
0x30: {  	s15 =	simm.s32 @!p0 $0x1  }
0x31: {  	_ =	swait.ge @!p0 [sflag:s15], $0x8000  }
0x32: {  	[sflag:s15] =	ssyncset.done @!p0 $0x0  }
0x33: {  	[sflag:s15] =	ssyncadd.s32 @!p0 $0xFFFF8000  }
0x34: {  	s16 =	smov.u32 s6;
	s15 =	smov.u32 s3;
	[bflag:$0x0] =	sbarrier.arrive $0xFFFF  }
.LBB2_4:
0x35: {  	[tilespmem:s2], [sflag:$0x1] =	stream.linear.gather [hbm4b:s16+s2], $0x400, $0x38;
	[tilespmem:$0x8D00] =	vst v63  }
0x36: {  	_ =	swait.ge [sflag:s7], $0x400  }
0x37: {  	[sflag:s7] =	ssyncset.done $0x0  }
0x38: {  	[sflag:s7] =	ssyncadd.s32 $0xFFFFFC00  }
0x39: {  	v18 =	vld [tilespmem:$0x0];
	_ =	sdelay $0x7  }
0x3a: {  	[tilespmem:v18+s8+$0x0] =	vst.idx.add.f32.msk $0xffff, v17  }
0x3b: {  	v18 =	vld [tilespmem:$0x10];
	_ =	sdelay $0x7  }
0x3c: {  	[tilespmem:v18+s8+$0x0] =	vst.idx.add.f32.msk $0xffff, v17  }
0x3d: {  	v18 =	vld [tilespmem:$0x20];
	_ =	sdelay $0x7  }
0x3e: {  	[tilespmem:v18+s8+$0x0] =	vst.idx.add.f32.msk $0xffff, v17  }
0x3f: {  	v18 =	vld [tilespmem:$0x30];
	_ =	sdelay $0x7  }
0x40: {  	[tilespmem:v18+s8+$0x0] =	vst.idx.add.f32.msk $0xffff, v17  }
0x41: {  	v18 =	vld [tilespmem:$0x40];
	_ =	sdelay $0x7  }
0x42: {  	[tilespmem:v18+s8+$0x0] =	vst.idx.add.f32.msk $0xffff, v17  }
0x43: {  	v18 =	vld [tilespmem:$0x50];
	_ =	sdelay $0x7  }
0x44: {  	[tilespmem:v18+s8+$0x0] =	vst.idx.add.f32.msk $0xffff, v17  }
0x45: {  	v18 =	vld [tilespmem:$0x60];
	_ =	sdelay $0x7  }
0x46: {  	[tilespmem:v18+s8+$0x0] =	vst.idx.add.f32.msk $0xffff, v17  }
0x47: {  	v18 =	vld [tilespmem:$0x70];
	_ =	sdelay $0x7  }
0x48: {  	[tilespmem:v18+s8+$0x0] =	vst.idx.add.f32.msk $0xffff, v17  }
0x49: {  	v18 =	vld [tilespmem:$0x80];
	_ =	sdelay $0x7  }
0x4a: {  	[tilespmem:v18+s8+$0x0] =	vst.idx.add.f32.msk $0xffff, v17  }
0x4b: {  	v18 =	vld [tilespmem:$0x90];
	_ =	sdelay $0x7  }
0x4c: {  	[tilespmem:v18+s8+$0x0] =	vst.idx.add.f32.msk $0xffff, v17  }
0x4d: {  	v18 =	vld [tilespmem:$0xA0];
	_ =	sdelay $0x7  }
0x4e: {  	[tilespmem:v18+s8+$0x0] =	vst.idx.add.f32.msk $0xffff, v17  }
0x4f: {  	v18 =	vld [tilespmem:$0xB0];
	_ =	sdelay $0x7  }
0x50: {  	[tilespmem:v18+s8+$0x0] =	vst.idx.add.f32.msk $0xffff, v17  }
0x51: {  	v18 =	vld [tilespmem:$0xC0];
	_ =	sdelay $0x7  }
0x52: {  	[tilespmem:v18+s8+$0x0] =	vst.idx.add.f32.msk $0xffff, v17  }
0x53: {  	v18 =	vld [tilespmem:$0xD0];
	_ =	sdelay $0x7  }
0x54: {  	[tilespmem:v18+s8+$0x0] =	vst.idx.add.f32.msk $0xffff, v17  }
0x55: {  	v18 =	vld [tilespmem:$0xE0];
	_ =	sdelay $0x7  }
0x56: {  	[tilespmem:v18+s8+$0x0] =	vst.idx.add.f32.msk $0xffff, v17  }
0x57: {  	v18 =	vld [tilespmem:$0xF0];
	_ =	sdelay $0x7  }
0x58: {  	[tilespmem:v18+s8+$0x0] =	vst.idx.add.f32.msk $0xffff, v17  }
0x59: {  	v18 =	vld [tilespmem:$0x100];
	_ =	sdelay $0x7  }
0x5a: {  	[tilespmem:v18+s8+$0x0] =	vst.idx.add.f32.msk $0xffff, v17  }
0x5b: {  	v18 =	vld [tilespmem:$0x110];
	_ =	sdelay $0x7  }
0x5c: {  	[tilespmem:v18+s8+$0x0] =	vst.idx.add.f32.msk $0xffff, v17  }
0x5d: {  	v18 =	vld [tilespmem:$0x120];
	_ =	sdelay $0x7  }
0x5e: {  	[tilespmem:v18+s8+$0x0] =	vst.idx.add.f32.msk $0xffff, v17  }
0x5f: {  	v18 =	vld [tilespmem:$0x130];
	_ =	sdelay $0x7  }
0x60: {  	[tilespmem:v18+s8+$0x0] =	vst.idx.add.f32.msk $0xffff, v17  }
0x61: {  	v18 =	vld [tilespmem:$0x140];
	_ =	sdelay $0x7  }
0x62: {  	[tilespmem:v18+s8+$0x0] =	vst.idx.add.f32.msk $0xffff, v17  }
0x63: {  	v18 =	vld [tilespmem:$0x150];
	_ =	sdelay $0x7  }
0x64: {  	[tilespmem:v18+s8+$0x0] =	vst.idx.add.f32.msk $0xffff, v17  }
0x65: {  	v18 =	vld [tilespmem:$0x160];
	_ =	sdelay $0x7  }
0x66: {  	[tilespmem:v18+s8+$0x0] =	vst.idx.add.f32.msk $0xffff, v17  }
0x67: {  	v18 =	vld [tilespmem:$0x170];
	_ =	sdelay $0x7  }
0x68: {  	[tilespmem:v18+s8+$0x0] =	vst.idx.add.f32.msk $0xffff, v17  }
0x69: {  	v18 =	vld [tilespmem:$0x180];
	_ =	sdelay $0x7  }
0x6a: {  	[tilespmem:v18+s8+$0x0] =	vst.idx.add.f32.msk $0xffff, v17  }
0x6b: {  	v18 =	vld [tilespmem:$0x190];
	_ =	sdelay $0x7  }
0x6c: {  	[tilespmem:v18+s8+$0x0] =	vst.idx.add.f32.msk $0xffff, v17  }
0x6d: {  	v18 =	vld [tilespmem:$0x1A0];
	_ =	sdelay $0x7  }
0x6e: {  	[tilespmem:v18+s8+$0x0] =	vst.idx.add.f32.msk $0xffff, v17  }
0x6f: {  	v18 =	vld [tilespmem:$0x1B0];
	_ =	sdelay $0x7  }
0x70: {  	[tilespmem:v18+s8+$0x0] =	vst.idx.add.f32.msk $0xffff, v17  }
0x71: {  	v18 =	vld [tilespmem:$0x1C0];
	_ =	sdelay $0x7  }
0x72: {  	[tilespmem:v18+s8+$0x0] =	vst.idx.add.f32.msk $0xffff, v17  }
0x73: {  	v18 =	vld [tilespmem:$0x1D0];
	_ =	sdelay $0x7  }
0x74: {  	[tilespmem:v18+s8+$0x0] =	vst.idx.add.f32.msk $0xffff, v17  }
0x75: {  	v18 =	vld [tilespmem:$0x1E0];
	_ =	sdelay $0x7  }
0x76: {  	[tilespmem:v18+s8+$0x0] =	vst.idx.add.f32.msk $0xffff, v17  }
0x77: {  	v18 =	vld [tilespmem:$0x1F0];
	_ =	sdelay $0x7  }
0x78: {  	[tilespmem:v18+s8+$0x0] =	vst.idx.add.f32.msk $0xffff, v17  }
0x79: {  	v18 =	vld [tilespmem:$0x200];
	_ =	sdelay $0x7  }
0x7a: {  	[tilespmem:v18+s8+$0x0] =	vst.idx.add.f32.msk $0xffff, v17  }
0x7b: {  	v18 =	vld [tilespmem:$0x210];
	_ =	sdelay $0x7  }
0x7c: {  	[tilespmem:v18+s8+$0x0] =	vst.idx.add.f32.msk $0xffff, v17  }
0x7d: {  	v18 =	vld [tilespmem:$0x220];
	_ =	sdelay $0x7  }
0x7e: {  	[tilespmem:v18+s8+$0x0] =	vst.idx.add.f32.msk $0xffff, v17  }
0x7f: {  	v18 =	vld [tilespmem:$0x230];
	_ =	sdelay $0x7  }
0x80: {  	[tilespmem:v18+s8+$0x0] =	vst.idx.add.f32.msk $0xffff, v17  }
0x81: {  	v18 =	vld [tilespmem:$0x240];
	_ =	sdelay $0x7  }
0x82: {  	[tilespmem:v18+s8+$0x0] =	vst.idx.add.f32.msk $0xffff, v17  }
0x83: {  	v18 =	vld [tilespmem:$0x250];
	_ =	sdelay $0x7  }
0x84: {  	[tilespmem:v18+s8+$0x0] =	vst.idx.add.f32.msk $0xffff, v17  }
0x85: {  	v18 =	vld [tilespmem:$0x260];
	_ =	sdelay $0x7  }
0x86: {  	[tilespmem:v18+s8+$0x0] =	vst.idx.add.f32.msk $0xffff, v17  }
0x87: {  	v18 =	vld [tilespmem:$0x270];
	_ =	sdelay $0x7  }
0x88: {  	[tilespmem:v18+s8+$0x0] =	vst.idx.add.f32.msk $0xffff, v17  }
0x89: {  	v18 =	vld [tilespmem:$0x280];
	_ =	sdelay $0x7  }
0x8a: {  	[tilespmem:v18+s8+$0x0] =	vst.idx.add.f32.msk $0xffff, v17  }
0x8b: {  	v18 =	vld [tilespmem:$0x290];
	_ =	sdelay $0x7  }
0x8c: {  	[tilespmem:v18+s8+$0x0] =	vst.idx.add.f32.msk $0xffff, v17  }
0x8d: {  	v18 =	vld [tilespmem:$0x2A0];
	_ =	sdelay $0x7  }
0x8e: {  	[tilespmem:v18+s8+$0x0] =	vst.idx.add.f32.msk $0xffff, v17  }
0x8f: {  	v18 =	vld [tilespmem:$0x2B0];
	_ =	sdelay $0x7  }
0x90: {  	[tilespmem:v18+s8+$0x0] =	vst.idx.add.f32.msk $0xffff, v17  }
0x91: {  	v18 =	vld [tilespmem:$0x2C0];
	_ =	sdelay $0x7  }
0x92: {  	[tilespmem:v18+s8+$0x0] =	vst.idx.add.f32.msk $0xffff, v17  }
0x93: {  	v18 =	vld [tilespmem:$0x2D0];
	_ =	sdelay $0x7  }
0x94: {  	[tilespmem:v18+s8+$0x0] =	vst.idx.add.f32.msk $0xffff, v17  }
0x95: {  	v18 =	vld [tilespmem:$0x2E0];
	_ =	sdelay $0x7  }
0x96: {  	[tilespmem:v18+s8+$0x0] =	vst.idx.add.f32.msk $0xffff, v17  }
0x97: {  	v18 =	vld [tilespmem:$0x2F0];
	_ =	sdelay $0x7  }
0x98: {  	[tilespmem:v18+s8+$0x0] =	vst.idx.add.f32.msk $0xffff, v17  }
0x99: {  	v18 =	vld [tilespmem:$0x300];
	_ =	sdelay $0x7  }
0x9a: {  	[tilespmem:v18+s8+$0x0] =	vst.idx.add.f32.msk $0xffff, v17  }
0x9b: {  	v18 =	vld [tilespmem:$0x310];
	_ =	sdelay $0x7  }
0x9c: {  	[tilespmem:v18+s8+$0x0] =	vst.idx.add.f32.msk $0xffff, v17  }
0x9d: {  	v18 =	vld [tilespmem:$0x320];
	_ =	sdelay $0x7  }
0x9e: {  	[tilespmem:v18+s8+$0x0] =	vst.idx.add.f32.msk $0xffff, v17  }
0x9f: {  	v18 =	vld [tilespmem:$0x330];
	_ =	sdelay $0x7  }
0xa0: {  	[tilespmem:v18+s8+$0x0] =	vst.idx.add.f32.msk $0xffff, v17  }
0xa1: {  	v18 =	vld [tilespmem:$0x340];
	_ =	sdelay $0x7  }
0xa2: {  	[tilespmem:v18+s8+$0x0] =	vst.idx.add.f32.msk $0xffff, v17  }
0xa3: {  	v18 =	vld [tilespmem:$0x350];
	_ =	sdelay $0x7  }
0xa4: {  	[tilespmem:v18+s8+$0x0] =	vst.idx.add.f32.msk $0xffff, v17  }
0xa5: {  	v18 =	vld [tilespmem:$0x360];
	_ =	sdelay $0x7  }
0xa6: {  	[tilespmem:v18+s8+$0x0] =	vst.idx.add.f32.msk $0xffff, v17  }
0xa7: {  	v18 =	vld [tilespmem:$0x370];
	_ =	sdelay $0x7  }
0xa8: {  	[tilespmem:v18+s8+$0x0] =	vst.idx.add.f32.msk $0xffff, v17  }
0xa9: {  	v18 =	vld [tilespmem:$0x380];
	_ =	sdelay $0x7  }
0xaa: {  	[tilespmem:v18+s8+$0x0] =	vst.idx.add.f32.msk $0xffff, v17  }
0xab: {  	v18 =	vld [tilespmem:$0x390];
	_ =	sdelay $0x7  }
0xac: {  	[tilespmem:v18+s8+$0x0] =	vst.idx.add.f32.msk $0xffff, v17  }
0xad: {  	v18 =	vld [tilespmem:$0x3A0];
	_ =	sdelay $0x7  }
0xae: {  	[tilespmem:v18+s8+$0x0] =	vst.idx.add.f32.msk $0xffff, v17  }
0xaf: {  	v18 =	vld [tilespmem:$0x3B0];
	_ =	sdelay $0x7  }
0xb0: {  	[tilespmem:v18+s8+$0x0] =	vst.idx.add.f32.msk $0xffff, v17  }
0xb1: {  	v18 =	vld [tilespmem:$0x3C0];
	_ =	sdelay $0x7  }
0xb2: {  	[tilespmem:v18+s8+$0x0] =	vst.idx.add.f32.msk $0xffff, v17  }
0xb3: {  	v18 =	vld [tilespmem:$0x3D0];
	_ =	sdelay $0x7  }
0xb4: {  	[tilespmem:v18+s8+$0x0] =	vst.idx.add.f32.msk $0xffff, v17  }
0xb5: {  	v18 =	vld [tilespmem:$0x3E0];
	_ =	sdelay $0x7  }
0xb6: {  	[tilespmem:v18+s8+$0x0] =	vst.idx.add.f32.msk $0xffff, v17  }
0xb7: {  	v18 =	vld [tilespmem:$0x3F0];
	_ =	sdelay $0x2  }
0xb8: {  	p1 =	sne.s32 s15, $0x1  }
.Ltmp1:
0xb9: {  	_ = 	snop;
	(pc) =	sbr.rel @p1 .LBB2_4-.Ltmp1, $2  }
0xba: {  	_ =	sdelay $0x2  }
0xbb: {  	s16 =	sadd.s32 $0x80, s16;
	s15 =	sadd.s32 $0xFFFFFFFF, s15;
	[tilespmem:v18+s8+$0x0] =	vst.idx.add.f32.msk $0xffff, v17  }
0xbc: {  	[spmem:s1] =	stream.indirect.scatter.add.f32 [tilespmem:s8], [sflag:$0x1], $0x80, s10, s9, $0xb8;
	[tilespmem:$0x8D00] =	vst v63  }
0xbd: {  	_ =	swait.ge [sflag:s7], $0x4000  }
0xbe: {  	[sflag:s7] =	ssyncset.done $0x0  }
0xbf: {  	[sflag:s7] =	ssyncadd.s32 $0xFFFFC000  }
0xc0: {  	[spmem:s1] =	stream.indirect.scatter.add.f32 [tilespmem:s12], [sflag:$0x1], $0x80, s11, s9, $0xb8;
	[tilespmem:$0x8D00] =	vst v63  }
0xc1: {  	_ =	swait.ge [sflag:s7], $0x4000  }
0xc2: {  	[sflag:s7] =	ssyncset.done $0x0  }
0xc3: {  	s14 =	sadd.s32 $0x1, s14;
	[sflag:s7] =	ssyncadd.s32 $0xFFFFC000  }
0xc4: {  	s15 =	simm.s32 @!p0 $0x1C01;
	p1 =	sne.s32 s14, s5;
	[bflag:$0x0] =	sbarrier.arrive $0xFFFF  }
0xc5: {  	[hbm:s4], [sflag:s15] =	dma.local @!p0 [spmem:s13], $0xA00  }
.Ltmp2:
0xc6: {  	_ = 	snop;
	(pc) =	sbr.rel @p1 .LBB2_1-.Ltmp2, $4  }
0xc7: {  	s15 =	simm.s32 @!p0 $0x1  }
0xc8: {  	_ =	swait.ge @!p0 [sflag:s15], $0xA00  }
0xc9: {  	[sflag:s15] =	ssyncset.done @!p0 $0x0  }
0xca: {  	[sflag:s15] =	ssyncadd.s32 @!p0 $0xFFFFF600  }
0xcb: {  	_ =	sfence.sel $0x180000  }
0xcc: {  	[bflag:$0x0] =	sbarrier.arrive $0xFFFF  }
0xcd: {  	_ =	strace $0x90000047  }
0xce: {  	s0 =	sadd.s32 @!p0 $0x100000, s0;
	[bflag:$0x2] =	sbarrier.arrive $0xFFFF  }
0xcf: {  	[sflag:s0] =	ssyncadd.tile.s32 @!p0 $0x1;
	_ =	shalt  }
.Lfunc_end2:
_tile_overlayer_lowered:
.L_overlay_start_2:
0xd0: {  	(tag) =	ssettag $0x2  }
0xd1: {  	s0 =	rddreg [dreg:$0x0];
	s2 =	stileid.u32  }
0xd2: {  	s1 =	rddreg [dreg:$0x1];
	p0 =	sne.s32 s2, $0x0  }
0xd3: {  	s3 =	rddreg [dreg:$0x2];
	[bflag:$0x3] =	sbarrier.arrive $0xFFFF;
	s2 =	simm.s32 @!p0 $0x1C01  }
0xd4: {  	[timem:s3], [sflag:s2] =	dma.local @!p0 [hbm:s0], s1  }
0xd5: {  	s0 =	simm.s32 @!p0 $0x1  }
0xd6: {  	_ =	swait.ge @!p0 [sflag:s0], s1  }
0xd7: {  	s1 =	ssub.s32 @!p0 $0x0, s1;
	[sflag:s0] =	ssyncset.done @!p0 $0x0  }
0xd8: {  	[sflag:s0] =	ssyncadd.s32 @!p0 s1  }
0xd9: {  	[bflag:$0x3] =	sbarrier.arrive $0xFFFF  }
0xda: {  	_ =	shalt  }

</sc_bundles>
